<compile_context>
chip_gen: v7x
topology: tpu7x:2x2x1
jax: 0.10.2.dev20260603
libtpu: 0.0.44.dev20260713+nightly
codegen_flags: <defaults>
</compile_context>

<pallas_src>
import functools

import jax
import jax.numpy as jnp
from jax import lax
from jax.experimental import pallas as pl
from jax.experimental.pallas import tpu as pltpu
from jax.experimental.pallas import tpu_sc as plsc

N = 10000
E = 320000
D = 128

NC = 2
NS = 16
NW = NC * NS
EPW = E // NW
CHUNK = 40
SUP = 5
SEDGES = SUP * CHUNK
NSUP = EPW // SEDGES
UNROLL = 4
NT_IO = 10
RPT = N // NT_IO
VPR = D // 16


def _mm_body(x_ref, w_ref, o_ref):
    o_ref[...] = jnp.dot(x_ref[...], w_ref[...],
                         preferred_element_type=jnp.float32)


def _matmul(x, W):
    return pl.pallas_call(
        _mm_body,
        grid=(10,),
        in_specs=[
            pl.BlockSpec((N // 10, D), lambda i: (i, 0)),
            pl.BlockSpec((D, D), lambda i: (0, 0)),
        ],
        out_specs=pl.BlockSpec((N // 10, D), lambda i: (i, 0)),
        out_shape=jax.ShapeDtypeStruct((N, D), jnp.float32),
    )(x, W)


def _spmm_body(support_hbm, src_hbm, dst_hbm, ew_hbm, out_hbm,
               acc, src0, src1, dst0, dst1, w0, w1,
               rows0, rows1, rows2, rows3, rows4,
               gsem, ssem, isem):
    rows = (rows0, rows1, rows2, rows3, rows4)
    srcs = (src0, src1)
    dsts = (dst0, dst1)
    ws = (w0, w1)
    cid = lax.axis_index("c")
    sid = lax.axis_index("s")
    wid = sid * NC + cid

    @pl.when(sid < NT_IO)
    def _():
        def zfill(i, _):
            for j in range(VPR):
                rows0[i, pl.ds(j * 16, 16)] = jnp.zeros((16,), jnp.float32)
            return _
        lax.fori_loop(0, CHUNK, zfill, None)

        def zcopy(r, _):
            pltpu.async_copy(rows0, acc.at[pl.ds(sid * RPT + r * CHUNK,
                                                 CHUNK)], isem.at[0])
            return _
        lax.fori_loop(0, RPT // CHUNK, zcopy, None)

        def zwait(r, _):
            pltpu.make_async_copy(rows0,
                                  acc.at[pl.ds(sid * RPT + r * CHUNK,
                                               CHUNK)], isem.at[0]).wait()
            return _
        lax.fori_loop(0, RPT // CHUNK, zwait, None)
    plsc.subcore_barrier()

    base0 = wid * EPW

    def id_copies(p, base):
        yield pltpu.make_async_copy(src_hbm.at[pl.ds(base, SEDGES)],
                                    srcs[p], isem.at[p])
        yield pltpu.make_async_copy(ew_hbm.at[pl.ds(base, SEDGES)],
                                    ws[p].at[pl.ds(0, SEDGES)], isem.at[p])
        yield pltpu.make_async_copy(dst_hbm.at[pl.ds(base, SEDGES)],
                                    dsts[p], isem.at[p])

    def process(s, p):
        base = base0 + s * SEDGES

        @pl.when(s > 0)
        def _():
            for b in range(SUP):
                pltpu.make_async_copy(rows[b], acc.at[dsts[1 - p].at[pl.ds(b * CHUNK, CHUNK)]],
                                      ssem.at[b]).wait()

        @pl.when(s + 1 < NSUP)
        def _():
            for c in id_copies(1 - p, base + SEDGES):
                c.start()

        for c in id_copies(p, base):
            c.wait()

        for b in range(SUP):
            pltpu.async_copy(
                support_hbm.at[srcs[p].at[pl.ds(b * CHUNK, CHUNK)]],
                rows[b], gsem.at[b])

        for b in range(SUP):
            pltpu.make_async_copy(
                support_hbm.at[srcs[p].at[pl.ds(b * CHUNK, CHUNK)]],
                rows[b], gsem.at[b]).wait()

            def scale(g, _, _b=b):
                for u in range(UNROLL):
                    k = g * UNROLL + u
                    wb = plsc.load_gather(
                        ws[p], [jnp.full((16,), _b * CHUNK + k, jnp.int32)])
                    for j in range(VPR):
                        sl = pl.ds(j * 16, 16)
                        rows[_b][k, sl] = rows[_b][k, sl] * wb
                return _
            lax.fori_loop(0, CHUNK // UNROLL, scale, None)

            pltpu.async_copy(rows[b], acc.at[dsts[p].at[pl.ds(b * CHUNK, CHUNK)]], ssem.at[b],
                             add=True)

    for c in id_copies(0, base0):
        c.start()

    def pair_body(t, _):
        process(2 * t, 0)
        process(2 * t + 1, 1)
        return _
    lax.fori_loop(0, NSUP // 2, pair_body, None)

    for b in range(SUP):
        pltpu.make_async_copy(rows[b], acc.at[dsts[1].at[pl.ds(b * CHUNK, CHUNK)]],
                              ssem.at[b]).wait()

    plsc.subcore_barrier()

    @pl.when(sid < NT_IO)
    def _():
        pltpu.sync_copy(acc.at[pl.ds(sid * RPT, RPT)],
                        out_hbm.at[cid, pl.ds(sid * RPT, RPT)])


@functools.cache
def _spmm():
    return pl.kernel(
        _spmm_body,
        out_type=jax.ShapeDtypeStruct((NC, N, D), jnp.float32),
        mesh=plsc.VectorSubcoreMesh(core_axis_name="c", subcore_axis_name="s",
                                    num_cores=NC, num_subcores=NS),
        compiler_params=pltpu.CompilerParams(needs_layout_passes=False),
        scratch_types=[
            pltpu.VMEM_SHARED((N, D), jnp.float32),
            pltpu.VMEM((SEDGES,), jnp.int32),
            pltpu.VMEM((SEDGES,), jnp.int32),
            pltpu.VMEM((SEDGES,), jnp.int32),
            pltpu.VMEM((SEDGES,), jnp.int32),
            pltpu.VMEM((SEDGES + 8,), jnp.float32),
            pltpu.VMEM((SEDGES + 8,), jnp.float32),
        ] + [pltpu.VMEM((CHUNK, D), jnp.float32) for _ in range(SUP)] + [
            pltpu.SemaphoreType.DMA((SUP,)),
            pltpu.SemaphoreType.DMA((SUP,)),
            pltpu.SemaphoreType.DMA((2,)),
        ],
    )


def _comb_body(p_ref, b_ref, o_ref):
    o_ref[...] = p_ref[0] + p_ref[1] + b_ref[...]


def _combine(partials, b):
    return pl.pallas_call(
        _comb_body,
        grid=(10,),
        in_specs=[
            pl.BlockSpec((2, N // 10, D), lambda i: (0, i, 0)),
            pl.BlockSpec((D,), lambda i: (0,)),
        ],
        out_specs=pl.BlockSpec((N // 10, D), lambda i: (i, 0)),
        out_shape=jax.ShapeDtypeStruct((N, D), jnp.float32),
    )(partials, b)


def kernel(x, edge_index, edge_weight, W, b):
    support = _matmul(x, W)
    partials = _spmm()(support, edge_index[1], edge_index[0], edge_weight)
    return _combine(partials, b)

# --- scband reference (transcript-rebuilt; emitter-appended) ---
"""Pipeline reference for scband-graph-convolution-layer-10325101380157 (READ-ONLY COPY).

The authoritative reference and input builder live on the scoring server;
editing this copy changes nothing except your own understanding.
"""

import jax, jax.numpy as jnp
import numpy as np
import math

N = 10000
E = 320000
D_IN = 128
D_OUT = 128


def setup_inputs(seed: int = 0) -> dict:
    key = jax.random.key(seed)
    k1, k2, k3, k4, k5 = jax.random.split(key, 5)
    x = jax.random.normal(k1, (N, D_IN), dtype=jnp.float32)
    edge_index = jax.random.randint(k2, (2, E), 0, N, dtype=jnp.int32)
    edge_weight = jax.random.uniform(k3, (E,), dtype=jnp.float32)
    stdv = 1.0 / math.sqrt(D_OUT)
    W = jax.random.uniform(k4, (D_IN, D_OUT), dtype=jnp.float32, minval=-stdv, maxval=stdv)
    b = jax.random.uniform(k5, (D_OUT,), dtype=jnp.float32, minval=-stdv, maxval=stdv)
    return {"x": x, "edge_index": edge_index, "edge_weight": edge_weight, "W": W, "b": b}


def reference(x, edge_index, edge_weight, W, b):
    # support = input @ weight
    support = x @ W
    # output = spmm(adj, support): adj given in COO form (dst=edge_index[0], src=edge_index[1], val=edge_weight)
    src = edge_index[1]
    dst = edge_index[0]
    msg = jnp.take(support, src, axis=0) * edge_weight[:, None]
    out = jax.ops.segment_sum(msg, dst, num_segments=N)
    return out + b

if __name__ == "__main__":
    import jax
    _d = setup_inputs()
    print(jax.jit(kernel)(*tuple(_d.values())))

</pallas_src>

<mosaic_0001>
#map = affine_map<(d0, d1) -> (0, 0)>
#map1 = affine_map<(d0, d1) -> (0)>
#map2 = affine_map<(d0, d1) -> (0, 0, 0)>
module attributes {stable_mosaic.version = 14 : i64} {
  func.func @_spmm_body(%arg0: i32, %arg1: i32, %arg2: memref<10000x128xf32, #tpu.memory_space<hbm>>, %arg3: memref<320000xi32, #tpu.memory_space<hbm>>, %arg4: memref<320000xi32, #tpu.memory_space<hbm>>, %arg5: memref<320000xf32, #tpu.memory_space<hbm>>, %arg6: memref<2x10000x128xf32, #tpu.memory_space<hbm>>, %arg7: memref<10000x128xf32, #tpu.memory_space<vmem_shared>>, %arg8: memref<200xi32, #tpu.memory_space<vmem>>, %arg9: memref<200xi32, #tpu.memory_space<vmem>>, %arg10: memref<200xi32, #tpu.memory_space<vmem>>, %arg11: memref<200xi32, #tpu.memory_space<vmem>>, %arg12: memref<208xf32, #tpu.memory_space<vmem>>, %arg13: memref<208xf32, #tpu.memory_space<vmem>>, %arg14: memref<40x128xf32, #tpu.memory_space<vmem>>, %arg15: memref<40x128xf32, #tpu.memory_space<vmem>>, %arg16: memref<40x128xf32, #tpu.memory_space<vmem>>, %arg17: memref<40x128xf32, #tpu.memory_space<vmem>>, %arg18: memref<40x128xf32, #tpu.memory_space<vmem>>, %arg19: memref<5x!tpu.dma_semaphore, #tpu.memory_space<semaphore_mem>>, %arg20: memref<5x!tpu.dma_semaphore, #tpu.memory_space<semaphore_mem>>, %arg21: memref<2x!tpu.dma_semaphore, #tpu.memory_space<semaphore_mem>>) attributes {dimension_semantics = [#tpu.dimension_semantics<core_parallel>, #tpu.dimension_semantics<subcore_parallel>], iteration_bounds = array<i64: 2, 16>, scalar_prefetch = 0 : i64, scratch_operands = 15 : i64, tpu.core_type = #tpu.core_type<sc_vector_subcore>, window_params = [{transform_indices = #map}, {transform_indices = #map1}, {transform_indices = #map1}, {transform_indices = #map1}, {transform_indices = #map2}]} {
    %mul3A = arith.constant 2 : i32
    %mul3A_0 = arith.muli %arg1, %mul3A : i32
    %add3A = arith.addi %mul3A_0, %arg0 : i32
    %lt3A = arith.constant 10 : i32
    %lt3A_1 = arith.cmpi slt, %arg1, %lt3A : i32
    %convert_element_type3A = arith.extui %lt3A_1 : i1 to i32
    %cond3A = arith.constant 0 : i32
    %cond3A_2 = arith.cmpi ne, %convert_element_type3A, %cond3A : i32
    scf.if %cond3A_2 {
      %scan3A_72 = arith.constant 0 : i32
      %scan3A_73 = arith.constant 40 : i32
      %scan3A_74 = arith.addi %scan3A_72, %scan3A_73 : i32
      %scan3A_75 = arith.constant 1 : i32
      scf.for %scan3A_87 = %scan3A_72 to %scan3A_74 step %scan3A_75  : i32 {
        %broadcast_in_dim3A = arith.constant 0.000000e+00 : f32
        %broadcast_in_dim3A_88 = vector.broadcast %broadcast_in_dim3A : f32 to vector<16xf32>
        %swap3A = arith.index_cast %scan3A_87 : i32 to index
        %swap3A_89 = arith.constant 0 : index
        %swap3A_90 = tpu.vector_load %arg14[%swap3A, %swap3A_89] {strides = array<i32>} : memref<40x128xf32, #tpu.memory_space<vmem>>, vector<16xf32>,
        tpu.vector_store %arg14[%swap3A, %swap3A_89], %broadcast_in_dim3A_88 {strides = array<i32>} : memref<40x128xf32, #tpu.memory_space<vmem>>, vector<16xf32>,
        %broadcast_in_dim3A_91 = arith.constant 0.000000e+00 : f32
        %broadcast_in_dim3A_92 = vector.broadcast %broadcast_in_dim3A_91 : f32 to vector<16xf32>
        %swap3A_93 = arith.index_cast %scan3A_87 : i32 to index
        %swap3A_94 = arith.constant 16 : index
        %swap3A_95 = tpu.vector_load %arg14[%swap3A_93, %swap3A_94] {strides = array<i32>} : memref<40x128xf32, #tpu.memory_space<vmem>>, vector<16xf32>,
        tpu.vector_store %arg14[%swap3A_93, %swap3A_94], %broadcast_in_dim3A_92 {strides = array<i32>} : memref<40x128xf32, #tpu.memory_space<vmem>>, vector<16xf32>,
        %broadcast_in_dim3A_96 = arith.constant 0.000000e+00 : f32
        %broadcast_in_dim3A_97 = vector.broadcast %broadcast_in_dim3A_96 : f32 to vector<16xf32>
        %swap3A_98 = arith.index_cast %scan3A_87 : i32 to index
        %swap3A_99 = arith.constant 32 : index
        %swap3A_100 = tpu.vector_load %arg14[%swap3A_98, %swap3A_99] {strides = array<i32>} : memref<40x128xf32, #tpu.memory_space<vmem>>, vector<16xf32>,
        tpu.vector_store %arg14[%swap3A_98, %swap3A_99], %broadcast_in_dim3A_97 {strides = array<i32>} : memref<40x128xf32, #tpu.memory_space<vmem>>, vector<16xf32>,
        %broadcast_in_dim3A_101 = arith.constant 0.000000e+00 : f32
        %broadcast_in_dim3A_102 = vector.broadcast %broadcast_in_dim3A_101 : f32 to vector<16xf32>
        %swap3A_103 = arith.index_cast %scan3A_87 : i32 to index
        %swap3A_104 = arith.constant 48 : index
        %swap3A_105 = tpu.vector_load %arg14[%swap3A_103, %swap3A_104] {strides = array<i32>} : memref<40x128xf32, #tpu.memory_space<vmem>>, vector<16xf32>,
        tpu.vector_store %arg14[%swap3A_103, %swap3A_104], %broadcast_in_dim3A_102 {strides = array<i32>} : memref<40x128xf32, #tpu.memory_space<vmem>>, vector<16xf32>,
        %broadcast_in_dim3A_106 = arith.constant 0.000000e+00 : f32
        %broadcast_in_dim3A_107 = vector.broadcast %broadcast_in_dim3A_106 : f32 to vector<16xf32>
        %swap3A_108 = arith.index_cast %scan3A_87 : i32 to index
        %swap3A_109 = arith.constant 64 : index
        %swap3A_110 = tpu.vector_load %arg14[%swap3A_108, %swap3A_109] {strides = array<i32>} : memref<40x128xf32, #tpu.memory_space<vmem>>, vector<16xf32>,
        tpu.vector_store %arg14[%swap3A_108, %swap3A_109], %broadcast_in_dim3A_107 {strides = array<i32>} : memref<40x128xf32, #tpu.memory_space<vmem>>, vector<16xf32>,
        %broadcast_in_dim3A_111 = arith.constant 0.000000e+00 : f32
        %broadcast_in_dim3A_112 = vector.broadcast %broadcast_in_dim3A_111 : f32 to vector<16xf32>
        %swap3A_113 = arith.index_cast %scan3A_87 : i32 to index
        %swap3A_114 = arith.constant 80 : index
        %swap3A_115 = tpu.vector_load %arg14[%swap3A_113, %swap3A_114] {strides = array<i32>} : memref<40x128xf32, #tpu.memory_space<vmem>>, vector<16xf32>,
        tpu.vector_store %arg14[%swap3A_113, %swap3A_114], %broadcast_in_dim3A_112 {strides = array<i32>} : memref<40x128xf32, #tpu.memory_space<vmem>>, vector<16xf32>,
        %broadcast_in_dim3A_116 = arith.constant 0.000000e+00 : f32
        %broadcast_in_dim3A_117 = vector.broadcast %broadcast_in_dim3A_116 : f32 to vector<16xf32>
        %swap3A_118 = arith.index_cast %scan3A_87 : i32 to index
        %swap3A_119 = arith.constant 96 : index
        %swap3A_120 = tpu.vector_load %arg14[%swap3A_118, %swap3A_119] {strides = array<i32>} : memref<40x128xf32, #tpu.memory_space<vmem>>, vector<16xf32>,
        tpu.vector_store %arg14[%swap3A_118, %swap3A_119], %broadcast_in_dim3A_117 {strides = array<i32>} : memref<40x128xf32, #tpu.memory_space<vmem>>, vector<16xf32>,
        %broadcast_in_dim3A_121 = arith.constant 0.000000e+00 : f32
        %broadcast_in_dim3A_122 = vector.broadcast %broadcast_in_dim3A_121 : f32 to vector<16xf32>
        %swap3A_123 = arith.index_cast %scan3A_87 : i32 to index
        %swap3A_124 = arith.constant 112 : index
        %swap3A_125 = tpu.vector_load %arg14[%swap3A_123, %swap3A_124] {strides = array<i32>} : memref<40x128xf32, #tpu.memory_space<vmem>>, vector<16xf32>,
        tpu.vector_store %arg14[%swap3A_123, %swap3A_124], %broadcast_in_dim3A_122 {strides = array<i32>} : memref<40x128xf32, #tpu.memory_space<vmem>>, vector<16xf32>,
      }
      %scan3A_76 = arith.constant 40 : i32
      %scan3A_77 = arith.constant 0 : i32
      %scan3A_78 = arith.constant 25 : i32
      %scan3A_79 = arith.addi %scan3A_77, %scan3A_78 : i32
      %scan3A_80 = arith.constant 1 : i32
      scf.for %scan3A_87 = %scan3A_77 to %scan3A_79 step %scan3A_80  : i32 {
        %mul3A_88 = arith.constant 1000 : i32
        %mul3A_89 = arith.muli %arg1, %mul3A_88 : i32
        %mul3A_90 = arith.constant 40 : i32
        %mul3A_91 = arith.muli %scan3A_87, %mul3A_90 : i32
        %add3A_92 = arith.addi %mul3A_89, %mul3A_91 : i32
        %dma_start3A_93 = arith.constant 0 : i32
        %dma_start3A_94 = arith.constant 0 : i32
        %dma_start3A_95 = tpu.memref_slice %arg7[%add3A_92, %dma_start3A_94] : memref<10000x128xf32, #tpu.memory_space<vmem_shared>> -> memref<40x128xf32, #tpu.memory_space<vmem_shared>>
        %dma_start3A_96 = tpu.memref_slice %arg21[%dma_start3A_93] : memref<2x!tpu.dma_semaphore, #tpu.memory_space<semaphore_mem>> -> memref<1x!tpu.dma_semaphore, #tpu.memory_space<semaphore_mem>>
        %dma_start3A_97 = tpu.memref_squeeze %dma_start3A_96 : memref<1x!tpu.dma_semaphore, #tpu.memory_space<semaphore_mem>> -> memref<!tpu.dma_semaphore, #tpu.memory_space<semaphore_mem>>
        %dma_start3A_98 = arith.constant 0 : i32
        %dma_start3A_99 = tpu.memref_slice %arg7[%add3A_92, %dma_start3A_98] : memref<10000x128xf32, #tpu.memory_space<vmem_shared>> -> memref<40x128xf32, #tpu.memory_space<vmem_shared>>
        tpu.enqueue_dma source(%arg14 : memref<40x128xf32, #tpu.memory_space<vmem>>) target(%dma_start3A_99 : memref<40x128xf32, #tpu.memory_space<vmem_shared>>) target_semaphore(%dma_start3A_97 : memref<!tpu.dma_semaphore, #tpu.memory_space<semaphore_mem>>)
      }
      %scan3A_81 = arith.constant 25 : i32
      %scan3A_82 = arith.constant 0 : i32
      %scan3A_83 = arith.constant 25 : i32
      %scan3A_84 = arith.addi %scan3A_82, %scan3A_83 : i32
      %scan3A_85 = arith.constant 1 : i32
      scf.for %scan3A_87 = %scan3A_82 to %scan3A_84 step %scan3A_85  : i32 {
        %mul3A_88 = arith.constant 1000 : i32
        %mul3A_89 = arith.muli %arg1, %mul3A_88 : i32
        %mul3A_90 = arith.constant 40 : i32
        %mul3A_91 = arith.muli %scan3A_87, %mul3A_90 : i32
        %add3A_92 = arith.addi %mul3A_89, %mul3A_91 : i32
        %dma_wait3A_93 = arith.constant 0 : i32
        %dma_wait3A_94 = arith.constant 0 : i32
        %dma_wait3A_95 = tpu.memref_slice %arg7[%add3A_92, %dma_wait3A_94] : memref<10000x128xf32, #tpu.memory_space<vmem_shared>> -> memref<40x128xf32, #tpu.memory_space<vmem_shared>>
        %dma_wait3A_96 = tpu.memref_slice %arg21[%dma_wait3A_93] : memref<2x!tpu.dma_semaphore, #tpu.memory_space<semaphore_mem>> -> memref<1x!tpu.dma_semaphore, #tpu.memory_space<semaphore_mem>>
        %dma_wait3A_97 = tpu.memref_squeeze %dma_wait3A_96 : memref<1x!tpu.dma_semaphore, #tpu.memory_space<semaphore_mem>> -> memref<!tpu.dma_semaphore, #tpu.memory_space<semaphore_mem>>
        %dma_wait3A_98 = arith.constant 0 : i32
        %dma_wait3A_99 = tpu.memref_slice %arg7[%add3A_92, %dma_wait3A_98] : memref<10000x128xf32, #tpu.memory_space<vmem_shared>> -> memref<40x128xf32, #tpu.memory_space<vmem_shared>>
        tpu.wait_dma2 semaphore(%dma_wait3A_97 : memref<!tpu.dma_semaphore, #tpu.memory_space<semaphore_mem>>) src(%arg14 : memref<40x128xf32, #tpu.memory_space<vmem>>) dst(%dma_wait3A_99 : memref<40x128xf32, #tpu.memory_space<vmem_shared>>)
      }
      %scan3A_86 = arith.constant 25 : i32
    } else {
    }
    %barrier3A = arith.constant 0 : index
    tpu.barrier barrier_id(%barrier3A)
    %mul3A_3 = arith.constant 10000 : i32
    %mul3A_4 = arith.muli %add3A, %mul3A_3 : i32
    %dma_start3A = arith.constant 0 : i32
    %dma_start3A_5 = tpu.memref_slice %arg3[%mul3A_4] : memref<320000xi32, #tpu.memory_space<hbm>> -> memref<200xi32, #tpu.memory_space<hbm>>
    %dma_start3A_6 = tpu.memref_slice %arg21[%dma_start3A] : memref<2x!tpu.dma_semaphore, #tpu.memory_space<semaphore_mem>> -> memref<1x!tpu.dma_semaphore, #tpu.memory_space<semaphore_mem>>
    %dma_start3A_7 = tpu.memref_squeeze %dma_start3A_6 : memref<1x!tpu.dma_semaphore, #tpu.memory_space<semaphore_mem>> -> memref<!tpu.dma_semaphore, #tpu.memory_space<semaphore_mem>>
    %dma_start3A_8 = tpu.memref_slice %arg3[%mul3A_4] : memref<320000xi32, #tpu.memory_space<hbm>> -> memref<200xi32, #tpu.memory_space<hbm>>
    tpu.enqueue_dma source(%dma_start3A_8 : memref<200xi32, #tpu.memory_space<hbm>>) target(%arg8 : memref<200xi32, #tpu.memory_space<vmem>>) target_semaphore(%dma_start3A_7 : memref<!tpu.dma_semaphore, #tpu.memory_space<semaphore_mem>>)
    %dma_start3A_9 = arith.constant 0 : i32
    %dma_start3A_10 = arith.constant 0 : i32
    %dma_start3A_11 = tpu.memref_slice %arg12[%dma_start3A_10] : memref<208xf32, #tpu.memory_space<vmem>> -> memref<200xf32, #tpu.memory_space<vmem>>
    %dma_start3A_12 = tpu.memref_slice %arg5[%mul3A_4] : memref<320000xf32, #tpu.memory_space<hbm>> -> memref<200xf32, #tpu.memory_space<hbm>>
    %dma_start3A_13 = tpu.memref_slice %arg21[%dma_start3A_9] : memref<2x!tpu.dma_semaphore, #tpu.memory_space<semaphore_mem>> -> memref<1x!tpu.dma_semaphore, #tpu.memory_space<semaphore_mem>>
    %dma_start3A_14 = tpu.memref_squeeze %dma_start3A_13 : memref<1x!tpu.dma_semaphore, #tpu.memory_space<semaphore_mem>> -> memref<!tpu.dma_semaphore, #tpu.memory_space<semaphore_mem>>
    %dma_start3A_15 = arith.constant 0 : i32
    %dma_start3A_16 = tpu.memref_slice %arg12[%dma_start3A_15] : memref<208xf32, #tpu.memory_space<vmem>> -> memref<200xf32, #tpu.memory_space<vmem>>
    %dma_start3A_17 = tpu.memref_slice %arg5[%mul3A_4] : memref<320000xf32, #tpu.memory_space<hbm>> -> memref<200xf32, #tpu.memory_space<hbm>>
    tpu.enqueue_dma source(%dma_start3A_17 : memref<200xf32, #tpu.memory_space<hbm>>) target(%dma_start3A_16 : memref<200xf32, #tpu.memory_space<vmem>>) target_semaphore(%dma_start3A_14 : memref<!tpu.dma_semaphore, #tpu.memory_space<semaphore_mem>>)
    %dma_start3A_18 = arith.constant 0 : i32
    %dma_start3A_19 = tpu.memref_slice %arg4[%mul3A_4] : memref<320000xi32, #tpu.memory_space<hbm>> -> memref<200xi32, #tpu.memory_space<hbm>>
    %dma_start3A_20 = tpu.memref_slice %arg21[%dma_start3A_18] : memref<2x!tpu.dma_semaphore, #tpu.memory_space<semaphore_mem>> -> memref<1x!tpu.dma_semaphore, #tpu.memory_space<semaphore_mem>>
    %dma_start3A_21 = tpu.memref_squeeze %dma_start3A_20 : memref<1x!tpu.dma_semaphore, #tpu.memory_space<semaphore_mem>> -> memref<!tpu.dma_semaphore, #tpu.memory_space<semaphore_mem>>
    %dma_start3A_22 = tpu.memref_slice %arg4[%mul3A_4] : memref<320000xi32, #tpu.memory_space<hbm>> -> memref<200xi32, #tpu.memory_space<hbm>>
    tpu.enqueue_dma source(%dma_start3A_22 : memref<200xi32, #tpu.memory_space<hbm>>) target(%arg10 : memref<200xi32, #tpu.memory_space<vmem>>) target_semaphore(%dma_start3A_21 : memref<!tpu.dma_semaphore, #tpu.memory_space<semaphore_mem>>)
    %scan3A = arith.constant 0 : i32
    %scan3A_23 = arith.constant 25 : i32
    %scan3A_24 = arith.addi %scan3A, %scan3A_23 : i32
    %scan3A_25 = arith.constant 1 : i32
    scf.for %scan3A_72 = %scan3A to %scan3A_24 step %scan3A_25  : i32 {
      %mul3A_73 = arith.constant 2 : i32
      %mul3A_74 = arith.muli %mul3A_73, %scan3A_72 : i32
      %mul3A_75 = arith.constant 200 : i32
      %mul3A_76 = arith.muli %mul3A_74, %mul3A_75 : i32
      %add3A_77 = arith.addi %mul3A_4, %mul3A_76 : i32
      %gt3A = arith.constant 0 : i32
      %gt3A_78 = arith.cmpi sgt, %mul3A_74, %gt3A : i32
      %convert_element_type3A_79 = arith.extui %gt3A_78 : i1 to i32
      %cond3A_80 = arith.constant 0 : i32
      %cond3A_81 = arith.cmpi ne, %convert_element_type3A_79, %cond3A_80 : i32
      scf.if %cond3A_81 {
        %dma_wait3A_436 = arith.constant 0 : i32
        %dma_wait3A_437 = arith.constant 0 : i32
        %dma_wait3A_438 = tpu.memref_slice %arg11[%dma_wait3A_437] : memref<200xi32, #tpu.memory_space<vmem>> -> memref<40xi32, #tpu.memory_space<vmem>>
        %dma_wait3A_439 = arith.constant 0 : i32
        %dma_wait3A_440 = arith.constant 0 : i32
        %dma_wait3A_441 = tpu.memref_slice %arg7[%dma_wait3A_439, %dma_wait3A_440] : memref<10000x128xf32, #tpu.memory_space<vmem_shared>> -> memref<10000x128xf32, #tpu.memory_space<vmem_shared>>
        %dma_wait3A_442 = tpu.memref_slice %arg20[%dma_wait3A_436] : memref<5x!tpu.dma_semaphore, #tpu.memory_space<semaphore_mem>> -> memref<1x!tpu.dma_semaphore, #tpu.memory_space<semaphore_mem>>
        %dma_wait3A_443 = tpu.memref_squeeze %dma_wait3A_442 : memref<1x!tpu.dma_semaphore, #tpu.memory_space<semaphore_mem>> -> memref<!tpu.dma_semaphore, #tpu.memory_space<semaphore_mem>>
        tpu.wait_indirect_dma semaphore(%dma_wait3A_443 : memref<!tpu.dma_semaphore, #tpu.memory_space<semaphore_mem>>) src(%arg14 : memref<40x128xf32, #tpu.memory_space<vmem>>) dst(%dma_wait3A_441 : memref<10000x128xf32, #tpu.memory_space<vmem_shared>>)
        %dma_wait3A_444 = arith.constant 1 : i32
        %dma_wait3A_445 = arith.constant 40 : i32
        %dma_wait3A_446 = tpu.memref_slice %arg11[%dma_wait3A_445] : memref<200xi32, #tpu.memory_space<vmem>> -> memref<40xi32, #tpu.memory_space<vmem>>
        %dma_wait3A_447 = arith.constant 0 : i32
        %dma_wait3A_448 = arith.constant 0 : i32
        %dma_wait3A_449 = tpu.memref_slice %arg7[%dma_wait3A_447, %dma_wait3A_448] : memref<10000x128xf32, #tpu.memory_space<vmem_shared>> -> memref<10000x128xf32, #tpu.memory_space<vmem_shared>>
        %dma_wait3A_450 = tpu.memref_slice %arg20[%dma_wait3A_444] : memref<5x!tpu.dma_semaphore, #tpu.memory_space<semaphore_mem>> -> memref<1x!tpu.dma_semaphore, #tpu.memory_space<semaphore_mem>>
        %dma_wait3A_451 = tpu.memref_squeeze %dma_wait3A_450 : memref<1x!tpu.dma_semaphore, #tpu.memory_space<semaphore_mem>> -> memref<!tpu.dma_semaphore, #tpu.memory_space<semaphore_mem>>
        tpu.wait_indirect_dma semaphore(%dma_wait3A_451 : memref<!tpu.dma_semaphore, #tpu.memory_space<semaphore_mem>>) src(%arg15 : memref<40x128xf32, #tpu.memory_space<vmem>>) dst(%dma_wait3A_449 : memref<10000x128xf32, #tpu.memory_space<vmem_shared>>)
        %dma_wait3A_452 = arith.constant 2 : i32
        %dma_wait3A_453 = arith.constant 80 : i32
        %dma_wait3A_454 = tpu.memref_slice %arg11[%dma_wait3A_453] : memref<200xi32, #tpu.memory_space<vmem>> -> memref<40xi32, #tpu.memory_space<vmem>>
        %dma_wait3A_455 = arith.constant 0 : i32
        %dma_wait3A_456 = arith.constant 0 : i32
        %dma_wait3A_457 = tpu.memref_slice %arg7[%dma_wait3A_455, %dma_wait3A_456] : memref<10000x128xf32, #tpu.memory_space<vmem_shared>> -> memref<10000x128xf32, #tpu.memory_space<vmem_shared>>
        %dma_wait3A_458 = tpu.memref_slice %arg20[%dma_wait3A_452] : memref<5x!tpu.dma_semaphore, #tpu.memory_space<semaphore_mem>> -> memref<1x!tpu.dma_semaphore, #tpu.memory_space<semaphore_mem>>
        %dma_wait3A_459 = tpu.memref_squeeze %dma_wait3A_458 : memref<1x!tpu.dma_semaphore, #tpu.memory_space<semaphore_mem>> -> memref<!tpu.dma_semaphore, #tpu.memory_space<semaphore_mem>>
        tpu.wait_indirect_dma semaphore(%dma_wait3A_459 : memref<!tpu.dma_semaphore, #tpu.memory_space<semaphore_mem>>) src(%arg16 : memref<40x128xf32, #tpu.memory_space<vmem>>) dst(%dma_wait3A_457 : memref<10000x128xf32, #tpu.memory_space<vmem_shared>>)
        %dma_wait3A_460 = arith.constant 3 : i32
        %dma_wait3A_461 = arith.constant 120 : i32
        %dma_wait3A_462 = tpu.memref_slice %arg11[%dma_wait3A_461] : memref<200xi32, #tpu.memory_space<vmem>> -> memref<40xi32, #tpu.memory_space<vmem>>
        %dma_wait3A_463 = arith.constant 0 : i32
        %dma_wait3A_464 = arith.constant 0 : i32
        %dma_wait3A_465 = tpu.memref_slice %arg7[%dma_wait3A_463, %dma_wait3A_464] : memref<10000x128xf32, #tpu.memory_space<vmem_shared>> -> memref<10000x128xf32, #tpu.memory_space<vmem_shared>>
        %dma_wait3A_466 = tpu.memref_slice %arg20[%dma_wait3A_460] : memref<5x!tpu.dma_semaphore, #tpu.memory_space<semaphore_mem>> -> memref<1x!tpu.dma_semaphore, #tpu.memory_space<semaphore_mem>>
        %dma_wait3A_467 = tpu.memref_squeeze %dma_wait3A_466 : memref<1x!tpu.dma_semaphore, #tpu.memory_space<semaphore_mem>> -> memref<!tpu.dma_semaphore, #tpu.memory_space<semaphore_mem>>
        tpu.wait_indirect_dma semaphore(%dma_wait3A_467 : memref<!tpu.dma_semaphore, #tpu.memory_space<semaphore_mem>>) src(%arg17 : memref<40x128xf32, #tpu.memory_space<vmem>>) dst(%dma_wait3A_465 : memref<10000x128xf32, #tpu.memory_space<vmem_shared>>)
        %dma_wait3A_468 = arith.constant 4 : i32
        %dma_wait3A_469 = arith.constant 160 : i32
        %dma_wait3A_470 = tpu.memref_slice %arg11[%dma_wait3A_469] : memref<200xi32, #tpu.memory_space<vmem>> -> memref<40xi32, #tpu.memory_space<vmem>>
        %dma_wait3A_471 = arith.constant 0 : i32
        %dma_wait3A_472 = arith.constant 0 : i32
        %dma_wait3A_473 = tpu.memref_slice %arg7[%dma_wait3A_471, %dma_wait3A_472] : memref<10000x128xf32, #tpu.memory_space<vmem_shared>> -> memref<10000x128xf32, #tpu.memory_space<vmem_shared>>
        %dma_wait3A_474 = tpu.memref_slice %arg20[%dma_wait3A_468] : memref<5x!tpu.dma_semaphore, #tpu.memory_space<semaphore_mem>> -> memref<1x!tpu.dma_semaphore, #tpu.memory_space<semaphore_mem>>
        %dma_wait3A_475 = tpu.memref_squeeze %dma_wait3A_474 : memref<1x!tpu.dma_semaphore, #tpu.memory_space<semaphore_mem>> -> memref<!tpu.dma_semaphore, #tpu.memory_space<semaphore_mem>>
        tpu.wait_indirect_dma semaphore(%dma_wait3A_475 : memref<!tpu.dma_semaphore, #tpu.memory_space<semaphore_mem>>) src(%arg18 : memref<40x128xf32, #tpu.memory_space<vmem>>) dst(%dma_wait3A_473 : memref<10000x128xf32, #tpu.memory_space<vmem_shared>>)
      } else {
      }
      %add3A_82 = arith.constant 1 : i32
      %add3A_83 = arith.addi %mul3A_74, %add3A_82 : i32
      %lt3A_84 = arith.constant 50 : i32
      %lt3A_85 = arith.cmpi slt, %add3A_83, %lt3A_84 : i32
      %convert_element_type3A_86 = arith.extui %lt3A_85 : i1 to i32
      %cond3A_87 = arith.constant 0 : i32
      %cond3A_88 = arith.cmpi ne, %convert_element_type3A_86, %cond3A_87 : i32
      scf.if %cond3A_88 {
        %add3A_436 = arith.constant 200 : i32
        %add3A_437 = arith.addi %add3A_77, %add3A_436 : i32
        %dma_start3A_438 = arith.constant 1 : i32
        %dma_start3A_439 = tpu.memref_slice %arg3[%add3A_437] : memref<320000xi32, #tpu.memory_space<hbm>> -> memref<200xi32, #tpu.memory_space<hbm>>
        %dma_start3A_440 = tpu.memref_slice %arg21[%dma_start3A_438] : memref<2x!tpu.dma_semaphore, #tpu.memory_space<semaphore_mem>> -> memref<1x!tpu.dma_semaphore, #tpu.memory_space<semaphore_mem>>
        %dma_start3A_441 = tpu.memref_squeeze %dma_start3A_440 : memref<1x!tpu.dma_semaphore, #tpu.memory_space<semaphore_mem>> -> memref<!tpu.dma_semaphore, #tpu.memory_space<semaphore_mem>>
        %dma_start3A_442 = tpu.memref_slice %arg3[%add3A_437] : memref<320000xi32, #tpu.memory_space<hbm>> -> memref<200xi32, #tpu.memory_space<hbm>>
        tpu.enqueue_dma source(%dma_start3A_442 : memref<200xi32, #tpu.memory_space<hbm>>) target(%arg9 : memref<200xi32, #tpu.memory_space<vmem>>) target_semaphore(%dma_start3A_441 : memref<!tpu.dma_semaphore, #tpu.memory_space<semaphore_mem>>)
        %dma_start3A_443 = arith.constant 1 : i32
        %dma_start3A_444 = arith.constant 0 : i32
        %dma_start3A_445 = tpu.memref_slice %arg13[%dma_start3A_444] : memref<208xf32, #tpu.memory_space<vmem>> -> memref<200xf32, #tpu.memory_space<vmem>>
        %dma_start3A_446 = tpu.memref_slice %arg5[%add3A_437] : memref<320000xf32, #tpu.memory_space<hbm>> -> memref<200xf32, #tpu.memory_space<hbm>>
        %dma_start3A_447 = tpu.memref_slice %arg21[%dma_start3A_443] : memref<2x!tpu.dma_semaphore, #tpu.memory_space<semaphore_mem>> -> memref<1x!tpu.dma_semaphore, #tpu.memory_space<semaphore_mem>>
        %dma_start3A_448 = tpu.memref_squeeze %dma_start3A_447 : memref<1x!tpu.dma_semaphore, #tpu.memory_space<semaphore_mem>> -> memref<!tpu.dma_semaphore, #tpu.memory_space<semaphore_mem>>
        %dma_start3A_449 = arith.constant 0 : i32
        %dma_start3A_450 = tpu.memref_slice %arg13[%dma_start3A_449] : memref<208xf32, #tpu.memory_space<vmem>> -> memref<200xf32, #tpu.memory_space<vmem>>
        %dma_start3A_451 = tpu.memref_slice %arg5[%add3A_437] : memref<320000xf32, #tpu.memory_space<hbm>> -> memref<200xf32, #tpu.memory_space<hbm>>
        tpu.enqueue_dma source(%dma_start3A_451 : memref<200xf32, #tpu.memory_space<hbm>>) target(%dma_start3A_450 : memref<200xf32, #tpu.memory_space<vmem>>) target_semaphore(%dma_start3A_448 : memref<!tpu.dma_semaphore, #tpu.memory_space<semaphore_mem>>)
        %dma_start3A_452 = arith.constant 1 : i32
        %dma_start3A_453 = tpu.memref_slice %arg4[%add3A_437] : memref<320000xi32, #tpu.memory_space<hbm>> -> memref<200xi32, #tpu.memory_space<hbm>>
        %dma_start3A_454 = tpu.memref_slice %arg21[%dma_start3A_452] : memref<2x!tpu.dma_semaphore, #tpu.memory_space<semaphore_mem>> -> memref<1x!tpu.dma_semaphore, #tpu.memory_space<semaphore_mem>>
        %dma_start3A_455 = tpu.memref_squeeze %dma_start3A_454 : memref<1x!tpu.dma_semaphore, #tpu.memory_space<semaphore_mem>> -> memref<!tpu.dma_semaphore, #tpu.memory_space<semaphore_mem>>
        %dma_start3A_456 = tpu.memref_slice %arg4[%add3A_437] : memref<320000xi32, #tpu.memory_space<hbm>> -> memref<200xi32, #tpu.memory_space<hbm>>
        tpu.enqueue_dma source(%dma_start3A_456 : memref<200xi32, #tpu.memory_space<hbm>>) target(%arg11 : memref<200xi32, #tpu.memory_space<vmem>>) target_semaphore(%dma_start3A_455 : memref<!tpu.dma_semaphore, #tpu.memory_space<semaphore_mem>>)
      } else {
      }
      %dma_wait3A_89 = arith.constant 0 : i32
      %dma_wait3A_90 = tpu.memref_slice %arg3[%add3A_77] : memref<320000xi32, #tpu.memory_space<hbm>> -> memref<200xi32, #tpu.memory_space<hbm>>
      %dma_wait3A_91 = tpu.memref_slice %arg21[%dma_wait3A_89] : memref<2x!tpu.dma_semaphore, #tpu.memory_space<semaphore_mem>> -> memref<1x!tpu.dma_semaphore, #tpu.memory_space<semaphore_mem>>
      %dma_wait3A_92 = tpu.memref_squeeze %dma_wait3A_91 : memref<1x!tpu.dma_semaphore, #tpu.memory_space<semaphore_mem>> -> memref<!tpu.dma_semaphore, #tpu.memory_space<semaphore_mem>>
      %dma_wait3A_93 = tpu.memref_slice %arg3[%add3A_77] : memref<320000xi32, #tpu.memory_space<hbm>> -> memref<200xi32, #tpu.memory_space<hbm>>
      tpu.wait_dma2 semaphore(%dma_wait3A_92 : memref<!tpu.dma_semaphore, #tpu.memory_space<semaphore_mem>>) src(%dma_wait3A_93 : memref<200xi32, #tpu.memory_space<hbm>>) dst(%arg8 : memref<200xi32, #tpu.memory_space<vmem>>)
      %dma_wait3A_94 = arith.constant 0 : i32
      %dma_wait3A_95 = arith.constant 0 : i32
      %dma_wait3A_96 = tpu.memref_slice %arg12[%dma_wait3A_95] : memref<208xf32, #tpu.memory_space<vmem>> -> memref<200xf32, #tpu.memory_space<vmem>>
      %dma_wait3A_97 = tpu.memref_slice %arg5[%add3A_77] : memref<320000xf32, #tpu.memory_space<hbm>> -> memref<200xf32, #tpu.memory_space<hbm>>
      %dma_wait3A_98 = tpu.memref_slice %arg21[%dma_wait3A_94] : memref<2x!tpu.dma_semaphore, #tpu.memory_space<semaphore_mem>> -> memref<1x!tpu.dma_semaphore, #tpu.memory_space<semaphore_mem>>
      %dma_wait3A_99 = tpu.memref_squeeze %dma_wait3A_98 : memref<1x!tpu.dma_semaphore, #tpu.memory_space<semaphore_mem>> -> memref<!tpu.dma_semaphore, #tpu.memory_space<semaphore_mem>>
      %dma_wait3A_100 = arith.constant 0 : i32
      %dma_wait3A_101 = tpu.memref_slice %arg12[%dma_wait3A_100] : memref<208xf32, #tpu.memory_space<vmem>> -> memref<200xf32, #tpu.memory_space<vmem>>
      %dma_wait3A_102 = tpu.memref_slice %arg5[%add3A_77] : memref<320000xf32, #tpu.memory_space<hbm>> -> memref<200xf32, #tpu.memory_space<hbm>>
      tpu.wait_dma2 semaphore(%dma_wait3A_99 : memref<!tpu.dma_semaphore, #tpu.memory_space<semaphore_mem>>) src(%dma_wait3A_102 : memref<200xf32, #tpu.memory_space<hbm>>) dst(%dma_wait3A_101 : memref<200xf32, #tpu.memory_space<vmem>>)
      %dma_wait3A_103 = arith.constant 0 : i32
      %dma_wait3A_104 = tpu.memref_slice %arg4[%add3A_77] : memref<320000xi32, #tpu.memory_space<hbm>> -> memref<200xi32, #tpu.memory_space<hbm>>
      %dma_wait3A_105 = tpu.memref_slice %arg21[%dma_wait3A_103] : memref<2x!tpu.dma_semaphore, #tpu.memory_space<semaphore_mem>> -> memref<1x!tpu.dma_semaphore, #tpu.memory_space<semaphore_mem>>
      %dma_wait3A_106 = tpu.memref_squeeze %dma_wait3A_105 : memref<1x!tpu.dma_semaphore, #tpu.memory_space<semaphore_mem>> -> memref<!tpu.dma_semaphore, #tpu.memory_space<semaphore_mem>>
      %dma_wait3A_107 = tpu.memref_slice %arg4[%add3A_77] : memref<320000xi32, #tpu.memory_space<hbm>> -> memref<200xi32, #tpu.memory_space<hbm>>
      tpu.wait_dma2 semaphore(%dma_wait3A_106 : memref<!tpu.dma_semaphore, #tpu.memory_space<semaphore_mem>>) src(%dma_wait3A_107 : memref<200xi32, #tpu.memory_space<hbm>>) dst(%arg10 : memref<200xi32, #tpu.memory_space<vmem>>)
      %dma_start3A_108 = arith.constant 0 : i32
      %dma_start3A_109 = arith.constant 0 : i32
      %dma_start3A_110 = tpu.memref_slice %arg8[%dma_start3A_109] : memref<200xi32, #tpu.memory_space<vmem>> -> memref<40xi32, #tpu.memory_space<vmem>>
      %dma_start3A_111 = arith.constant 0 : i32
      %dma_start3A_112 = arith.constant 0 : i32
      %dma_start3A_113 = tpu.memref_slice %arg2[%dma_start3A_111, %dma_start3A_112] : memref<10000x128xf32, #tpu.memory_space<hbm>> -> memref<10000x128xf32, #tpu.memory_space<hbm>>
      %dma_start3A_114 = tpu.memref_slice %arg19[%dma_start3A_108] : memref<5x!tpu.dma_semaphore, #tpu.memory_space<semaphore_mem>> -> memref<1x!tpu.dma_semaphore, #tpu.memory_space<semaphore_mem>>
      %dma_start3A_115 = tpu.memref_squeeze %dma_start3A_114 : memref<1x!tpu.dma_semaphore, #tpu.memory_space<semaphore_mem>> -> memref<!tpu.dma_semaphore, #tpu.memory_space<semaphore_mem>>
      tpu.enqueue_indirect_dma source(%dma_start3A_113 : memref<10000x128xf32, #tpu.memory_space<hbm>>) target(%arg14 : memref<40x128xf32, #tpu.memory_space<vmem>>) offsets(%dma_start3A_110 : memref<40xi32, #tpu.memory_space<vmem>>) semaphore(%dma_start3A_115 : memref<!tpu.dma_semaphore, #tpu.memory_space<semaphore_mem>>)
      %dma_start3A_116 = arith.constant 1 : i32
      %dma_start3A_117 = arith.constant 40 : i32
      %dma_start3A_118 = tpu.memref_slice %arg8[%dma_start3A_117] : memref<200xi32, #tpu.memory_space<vmem>> -> memref<40xi32, #tpu.memory_space<vmem>>
      %dma_start3A_119 = arith.constant 0 : i32
      %dma_start3A_120 = arith.constant 0 : i32
      %dma_start3A_121 = tpu.memref_slice %arg2[%dma_start3A_119, %dma_start3A_120] : memref<10000x128xf32, #tpu.memory_space<hbm>> -> memref<10000x128xf32, #tpu.memory_space<hbm>>
      %dma_start3A_122 = tpu.memref_slice %arg19[%dma_start3A_116] : memref<5x!tpu.dma_semaphore, #tpu.memory_space<semaphore_mem>> -> memref<1x!tpu.dma_semaphore, #tpu.memory_space<semaphore_mem>>
      %dma_start3A_123 = tpu.memref_squeeze %dma_start3A_122 : memref<1x!tpu.dma_semaphore, #tpu.memory_space<semaphore_mem>> -> memref<!tpu.dma_semaphore, #tpu.memory_space<semaphore_mem>>
      tpu.enqueue_indirect_dma source(%dma_start3A_121 : memref<10000x128xf32, #tpu.memory_space<hbm>>) target(%arg15 : memref<40x128xf32, #tpu.memory_space<vmem>>) offsets(%dma_start3A_118 : memref<40xi32, #tpu.memory_space<vmem>>) semaphore(%dma_start3A_123 : memref<!tpu.dma_semaphore, #tpu.memory_space<semaphore_mem>>)
      %dma_start3A_124 = arith.constant 2 : i32
      %dma_start3A_125 = arith.constant 80 : i32
      %dma_start3A_126 = tpu.memref_slice %arg8[%dma_start3A_125] : memref<200xi32, #tpu.memory_space<vmem>> -> memref<40xi32, #tpu.memory_space<vmem>>
      %dma_start3A_127 = arith.constant 0 : i32
      %dma_start3A_128 = arith.constant 0 : i32
      %dma_start3A_129 = tpu.memref_slice %arg2[%dma_start3A_127, %dma_start3A_128] : memref<10000x128xf32, #tpu.memory_space<hbm>> -> memref<10000x128xf32, #tpu.memory_space<hbm>>
      %dma_start3A_130 = tpu.memref_slice %arg19[%dma_start3A_124] : memref<5x!tpu.dma_semaphore, #tpu.memory_space<semaphore_mem>> -> memref<1x!tpu.dma_semaphore, #tpu.memory_space<semaphore_mem>>
      %dma_start3A_131 = tpu.memref_squeeze %dma_start3A_130 : memref<1x!tpu.dma_semaphore, #tpu.memory_space<semaphore_mem>> -> memref<!tpu.dma_semaphore, #tpu.memory_space<semaphore_mem>>
      tpu.enqueue_indirect_dma source(%dma_start3A_129 : memref<10000x128xf32, #tpu.memory_space<hbm>>) target(%arg16 : memref<40x128xf32, #tpu.memory_space<vmem>>) offsets(%dma_start3A_126 : memref<40xi32, #tpu.memory_space<vmem>>) semaphore(%dma_start3A_131 : memref<!tpu.dma_semaphore, #tpu.memory_space<semaphore_mem>>)
      %dma_start3A_132 = arith.constant 3 : i32
      %dma_start3A_133 = arith.constant 120 : i32
      %dma_start3A_134 = tpu.memref_slice %arg8[%dma_start3A_133] : memref<200xi32, #tpu.memory_space<vmem>> -> memref<40xi32, #tpu.memory_space<vmem>>
      %dma_start3A_135 = arith.constant 0 : i32
      %dma_start3A_136 = arith.constant 0 : i32
      %dma_start3A_137 = tpu.memref_slice %arg2[%dma_start3A_135, %dma_start3A_136] : memref<10000x128xf32, #tpu.memory_space<hbm>> -> memref<10000x128xf32, #tpu.memory_space<hbm>>
      %dma_start3A_138 = tpu.memref_slice %arg19[%dma_start3A_132] : memref<5x!tpu.dma_semaphore, #tpu.memory_space<semaphore_mem>> -> memref<1x!tpu.dma_semaphore, #tpu.memory_space<semaphore_mem>>
      %dma_start3A_139 = tpu.memref_squeeze %dma_start3A_138 : memref<1x!tpu.dma_semaphore, #tpu.memory_space<semaphore_mem>> -> memref<!tpu.dma_semaphore, #tpu.memory_space<semaphore_mem>>
      tpu.enqueue_indirect_dma source(%dma_start3A_137 : memref<10000x128xf32, #tpu.memory_space<hbm>>) target(%arg17 : memref<40x128xf32, #tpu.memory_space<vmem>>) offsets(%dma_start3A_134 : memref<40xi32, #tpu.memory_space<vmem>>) semaphore(%dma_start3A_139 : memref<!tpu.dma_semaphore, #tpu.memory_space<semaphore_mem>>)
      %dma_start3A_140 = arith.constant 4 : i32
      %dma_start3A_141 = arith.constant 160 : i32
      %dma_start3A_142 = tpu.memref_slice %arg8[%dma_start3A_141] : memref<200xi32, #tpu.memory_space<vmem>> -> memref<40xi32, #tpu.memory_space<vmem>>
      %dma_start3A_143 = arith.constant 0 : i32
      %dma_start3A_144 = arith.constant 0 : i32
      %dma_start3A_145 = tpu.memref_slice %arg2[%dma_start3A_143, %dma_start3A_144] : memref<10000x128xf32, #tpu.memory_space<hbm>> -> memref<10000x128xf32, #tpu.memory_space<hbm>>
      %dma_start3A_146 = tpu.memref_slice %arg19[%dma_start3A_140] : memref<5x!tpu.dma_semaphore, #tpu.memory_space<semaphore_mem>> -> memref<1x!tpu.dma_semaphore, #tpu.memory_space<semaphore_mem>>
      %dma_start3A_147 = tpu.memref_squeeze %dma_start3A_146 : memref<1x!tpu.dma_semaphore, #tpu.memory_space<semaphore_mem>> -> memref<!tpu.dma_semaphore, #tpu.memory_space<semaphore_mem>>
      tpu.enqueue_indirect_dma source(%dma_start3A_145 : memref<10000x128xf32, #tpu.memory_space<hbm>>) target(%arg18 : memref<40x128xf32, #tpu.memory_space<vmem>>) offsets(%dma_start3A_142 : memref<40xi32, #tpu.memory_space<vmem>>) semaphore(%dma_start3A_147 : memref<!tpu.dma_semaphore, #tpu.memory_space<semaphore_mem>>)
      %dma_wait3A_148 = arith.constant 0 : i32
      %dma_wait3A_149 = arith.constant 0 : i32
      %dma_wait3A_150 = tpu.memref_slice %arg8[%dma_wait3A_149] : memref<200xi32, #tpu.memory_space<vmem>> -> memref<40xi32, #tpu.memory_space<vmem>>
      %dma_wait3A_151 = arith.constant 0 : i32
      %dma_wait3A_152 = arith.constant 0 : i32
      %dma_wait3A_153 = tpu.memref_slice %arg2[%dma_wait3A_151, %dma_wait3A_152] : memref<10000x128xf32, #tpu.memory_space<hbm>> -> memref<10000x128xf32, #tpu.memory_space<hbm>>
      %dma_wait3A_154 = tpu.memref_slice %arg19[%dma_wait3A_148] : memref<5x!tpu.dma_semaphore, #tpu.memory_space<semaphore_mem>> -> memref<1x!tpu.dma_semaphore, #tpu.memory_space<semaphore_mem>>
      %dma_wait3A_155 = tpu.memref_squeeze %dma_wait3A_154 : memref<1x!tpu.dma_semaphore, #tpu.memory_space<semaphore_mem>> -> memref<!tpu.dma_semaphore, #tpu.memory_space<semaphore_mem>>
      tpu.wait_indirect_dma semaphore(%dma_wait3A_155 : memref<!tpu.dma_semaphore, #tpu.memory_space<semaphore_mem>>) src(%dma_wait3A_153 : memref<10000x128xf32, #tpu.memory_space<hbm>>) dst(%arg14 : memref<40x128xf32, #tpu.memory_space<vmem>>)
      %scan3A_156 = arith.constant 0 : i32
      %scan3A_157 = arith.constant 10 : i32
      %scan3A_158 = arith.addi %scan3A_156, %scan3A_157 : i32
      %scan3A_159 = arith.constant 1 : i32
      scf.for %scan3A_436 = %scan3A_156 to %scan3A_158 step %scan3A_159  : i32 {
        %mul3A_437 = arith.constant 4 : i32
        %mul3A_438 = arith.muli %scan3A_436, %mul3A_437 : i32
        %add3A_439 = arith.constant 0 : i32
        %add3A_440 = arith.addi %mul3A_438, %add3A_439 : i32
        %add3A_441 = arith.constant 0 : i32
        %add3A_442 = arith.addi %add3A_441, %add3A_440 : i32
        %broadcast_in_dim3A = vector.broadcast %add3A_442 : i32 to vector<16xi32>
        %gather3A = tpu.vector_load_idx %arg12[%broadcast_in_dim3A] : memref<208xf32, #tpu.memory_space<vmem>>[vector<16xi32>], vector<16xf32>,
        %get3A = arith.index_cast %add3A_440 : i32 to index
        %get3A_443 = arith.constant 0 : index
        %get3A_444 = tpu.vector_load %arg14[%get3A, %get3A_443] {strides = array<i32>} : memref<40x128xf32, #tpu.memory_space<vmem>>, vector<16xf32>,
        %mul3A_445 = arith.mulf %get3A_444, %gather3A : vector<16xf32>
        %swap3A = arith.index_cast %add3A_440 : i32 to index
        %swap3A_446 = arith.constant 0 : index
        %swap3A_447 = tpu.vector_load %arg14[%swap3A, %swap3A_446] {strides = array<i32>} : memref<40x128xf32, #tpu.memory_space<vmem>>, vector<16xf32>,
        tpu.vector_store %arg14[%swap3A, %swap3A_446], %mul3A_445 {strides = array<i32>} : memref<40x128xf32, #tpu.memory_space<vmem>>, vector<16xf32>,
        %get3A_448 = arith.index_cast %add3A_440 : i32 to index
        %get3A_449 = arith.constant 16 : index
        %get3A_450 = tpu.vector_load %arg14[%get3A_448, %get3A_449] {strides = array<i32>} : memref<40x128xf32, #tpu.memory_space<vmem>>, vector<16xf32>,
        %mul3A_451 = arith.mulf %get3A_450, %gather3A : vector<16xf32>
        %swap3A_452 = arith.index_cast %add3A_440 : i32 to index
        %swap3A_453 = arith.constant 16 : index
        %swap3A_454 = tpu.vector_load %arg14[%swap3A_452, %swap3A_453] {strides = array<i32>} : memref<40x128xf32, #tpu.memory_space<vmem>>, vector<16xf32>,
        tpu.vector_store %arg14[%swap3A_452, %swap3A_453], %mul3A_451 {strides = array<i32>} : memref<40x128xf32, #tpu.memory_space<vmem>>, vector<16xf32>,
        %get3A_455 = arith.index_cast %add3A_440 : i32 to index
        %get3A_456 = arith.constant 32 : index
        %get3A_457 = tpu.vector_load %arg14[%get3A_455, %get3A_456] {strides = array<i32>} : memref<40x128xf32, #tpu.memory_space<vmem>>, vector<16xf32>,
        %mul3A_458 = arith.mulf %get3A_457, %gather3A : vector<16xf32>
        %swap3A_459 = arith.index_cast %add3A_440 : i32 to index
        %swap3A_460 = arith.constant 32 : index
        %swap3A_461 = tpu.vector_load %arg14[%swap3A_459, %swap3A_460] {strides = array<i32>} : memref<40x128xf32, #tpu.memory_space<vmem>>, vector<16xf32>,
        tpu.vector_store %arg14[%swap3A_459, %swap3A_460], %mul3A_458 {strides = array<i32>} : memref<40x128xf32, #tpu.memory_space<vmem>>, vector<16xf32>,
        %get3A_462 = arith.index_cast %add3A_440 : i32 to index
        %get3A_463 = arith.constant 48 : index
        %get3A_464 = tpu.vector_load %arg14[%get3A_462, %get3A_463] {strides = array<i32>} : memref<40x128xf32, #tpu.memory_space<vmem>>, vector<16xf32>,
        %mul3A_465 = arith.mulf %get3A_464, %gather3A : vector<16xf32>
        %swap3A_466 = arith.index_cast %add3A_440 : i32 to index
        %swap3A_467 = arith.constant 48 : index
        %swap3A_468 = tpu.vector_load %arg14[%swap3A_466, %swap3A_467] {strides = array<i32>} : memref<40x128xf32, #tpu.memory_space<vmem>>, vector<16xf32>,
        tpu.vector_store %arg14[%swap3A_466, %swap3A_467], %mul3A_465 {strides = array<i32>} : memref<40x128xf32, #tpu.memory_space<vmem>>, vector<16xf32>,
        %get3A_469 = arith.index_cast %add3A_440 : i32 to index
        %get3A_470 = arith.constant 64 : index
        %get3A_471 = tpu.vector_load %arg14[%get3A_469, %get3A_470] {strides = array<i32>} : memref<40x128xf32, #tpu.memory_space<vmem>>, vector<16xf32>,
        %mul3A_472 = arith.mulf %get3A_471, %gather3A : vector<16xf32>
        %swap3A_473 = arith.index_cast %add3A_440 : i32 to index
        %swap3A_474 = arith.constant 64 : index
        %swap3A_475 = tpu.vector_load %arg14[%swap3A_473, %swap3A_474] {strides = array<i32>} : memref<40x128xf32, #tpu.memory_space<vmem>>, vector<16xf32>,
        tpu.vector_store %arg14[%swap3A_473, %swap3A_474], %mul3A_472 {strides = array<i32>} : memref<40x128xf32, #tpu.memory_space<vmem>>, vector<16xf32>,
        %get3A_476 = arith.index_cast %add3A_440 : i32 to index
        %get3A_477 = arith.constant 80 : index
        %get3A_478 = tpu.vector_load %arg14[%get3A_476, %get3A_477] {strides = array<i32>} : memref<40x128xf32, #tpu.memory_space<vmem>>, vector<16xf32>,
        %mul3A_479 = arith.mulf %get3A_478, %gather3A : vector<16xf32>
        %swap3A_480 = arith.index_cast %add3A_440 : i32 to index
        %swap3A_481 = arith.constant 80 : index
        %swap3A_482 = tpu.vector_load %arg14[%swap3A_480, %swap3A_481] {strides = array<i32>} : memref<40x128xf32, #tpu.memory_space<vmem>>, vector<16xf32>,
        tpu.vector_store %arg14[%swap3A_480, %swap3A_481], %mul3A_479 {strides = array<i32>} : memref<40x128xf32, #tpu.memory_space<vmem>>, vector<16xf32>,
        %get3A_483 = arith.index_cast %add3A_440 : i32 to index
        %get3A_484 = arith.constant 96 : index
        %get3A_485 = tpu.vector_load %arg14[%get3A_483, %get3A_484] {strides = array<i32>} : memref<40x128xf32, #tpu.memory_space<vmem>>, vector<16xf32>,
        %mul3A_486 = arith.mulf %get3A_485, %gather3A : vector<16xf32>
        %swap3A_487 = arith.index_cast %add3A_440 : i32 to index
        %swap3A_488 = arith.constant 96 : index
        %swap3A_489 = tpu.vector_load %arg14[%swap3A_487, %swap3A_488] {strides = array<i32>} : memref<40x128xf32, #tpu.memory_space<vmem>>, vector<16xf32>,
        tpu.vector_store %arg14[%swap3A_487, %swap3A_488], %mul3A_486 {strides = array<i32>} : memref<40x128xf32, #tpu.memory_space<vmem>>, vector<16xf32>,
        %get3A_490 = arith.index_cast %add3A_440 : i32 to index
        %get3A_491 = arith.constant 112 : index
        %get3A_492 = tpu.vector_load %arg14[%get3A_490, %get3A_491] {strides = array<i32>} : memref<40x128xf32, #tpu.memory_space<vmem>>, vector<16xf32>,
        %mul3A_493 = arith.mulf %get3A_492, %gather3A : vector<16xf32>
        %swap3A_494 = arith.index_cast %add3A_440 : i32 to index
        %swap3A_495 = arith.constant 112 : index
        %swap3A_496 = tpu.vector_load %arg14[%swap3A_494, %swap3A_495] {strides = array<i32>} : memref<40x128xf32, #tpu.memory_space<vmem>>, vector<16xf32>,
        tpu.vector_store %arg14[%swap3A_494, %swap3A_495], %mul3A_493 {strides = array<i32>} : memref<40x128xf32, #tpu.memory_space<vmem>>, vector<16xf32>,
        %mul3A_497 = arith.constant 4 : i32
        %mul3A_498 = arith.muli %scan3A_436, %mul3A_497 : i32
        %add3A_499 = arith.constant 1 : i32
        %add3A_500 = arith.addi %mul3A_498, %add3A_499 : i32
        %add3A_501 = arith.constant 0 : i32
        %add3A_502 = arith.addi %add3A_501, %add3A_500 : i32
        %broadcast_in_dim3A_503 = vector.broadcast %add3A_502 : i32 to vector<16xi32>
        %gather3A_504 = tpu.vector_load_idx %arg12[%broadcast_in_dim3A_503] : memref<208xf32, #tpu.memory_space<vmem>>[vector<16xi32>], vector<16xf32>,
        %get3A_505 = arith.index_cast %add3A_500 : i32 to index
        %get3A_506 = arith.constant 0 : index
        %get3A_507 = tpu.vector_load %arg14[%get3A_505, %get3A_506] {strides = array<i32>} : memref<40x128xf32, #tpu.memory_space<vmem>>, vector<16xf32>,
        %mul3A_508 = arith.mulf %get3A_507, %gather3A_504 : vector<16xf32>
        %swap3A_509 = arith.index_cast %add3A_500 : i32 to index
        %swap3A_510 = arith.constant 0 : index
        %swap3A_511 = tpu.vector_load %arg14[%swap3A_509, %swap3A_510] {strides = array<i32>} : memref<40x128xf32, #tpu.memory_space<vmem>>, vector<16xf32>,
        tpu.vector_store %arg14[%swap3A_509, %swap3A_510], %mul3A_508 {strides = array<i32>} : memref<40x128xf32, #tpu.memory_space<vmem>>, vector<16xf32>,
        %get3A_512 = arith.index_cast %add3A_500 : i32 to index
        %get3A_513 = arith.constant 16 : index
        %get3A_514 = tpu.vector_load %arg14[%get3A_512, %get3A_513] {strides = array<i32>} : memref<40x128xf32, #tpu.memory_space<vmem>>, vector<16xf32>,
        %mul3A_515 = arith.mulf %get3A_514, %gather3A_504 : vector<16xf32>
        %swap3A_516 = arith.index_cast %add3A_500 : i32 to index
        %swap3A_517 = arith.constant 16 : index
        %swap3A_518 = tpu.vector_load %arg14[%swap3A_516, %swap3A_517] {strides = array<i32>} : memref<40x128xf32, #tpu.memory_space<vmem>>, vector<16xf32>,
        tpu.vector_store %arg14[%swap3A_516, %swap3A_517], %mul3A_515 {strides = array<i32>} : memref<40x128xf32, #tpu.memory_space<vmem>>, vector<16xf32>,
        %get3A_519 = arith.index_cast %add3A_500 : i32 to index
        %get3A_520 = arith.constant 32 : index
        %get3A_521 = tpu.vector_load %arg14[%get3A_519, %get3A_520] {strides = array<i32>} : memref<40x128xf32, #tpu.memory_space<vmem>>, vector<16xf32>,
        %mul3A_522 = arith.mulf %get3A_521, %gather3A_504 : vector<16xf32>
        %swap3A_523 = arith.index_cast %add3A_500 : i32 to index
        %swap3A_524 = arith.constant 32 : index
        %swap3A_525 = tpu.vector_load %arg14[%swap3A_523, %swap3A_524] {strides = array<i32>} : memref<40x128xf32, #tpu.memory_space<vmem>>, vector<16xf32>,
        tpu.vector_store %arg14[%swap3A_523, %swap3A_524], %mul3A_522 {strides = array<i32>} : memref<40x128xf32, #tpu.memory_space<vmem>>, vector<16xf32>,
        %get3A_526 = arith.index_cast %add3A_500 : i32 to index
        %get3A_527 = arith.constant 48 : index
        %get3A_528 = tpu.vector_load %arg14[%get3A_526, %get3A_527] {strides = array<i32>} : memref<40x128xf32, #tpu.memory_space<vmem>>, vector<16xf32>,
        %mul3A_529 = arith.mulf %get3A_528, %gather3A_504 : vector<16xf32>
        %swap3A_530 = arith.index_cast %add3A_500 : i32 to index
        %swap3A_531 = arith.constant 48 : index
        %swap3A_532 = tpu.vector_load %arg14[%swap3A_530, %swap3A_531] {strides = array<i32>} : memref<40x128xf32, #tpu.memory_space<vmem>>, vector<16xf32>,
        tpu.vector_store %arg14[%swap3A_530, %swap3A_531], %mul3A_529 {strides = array<i32>} : memref<40x128xf32, #tpu.memory_space<vmem>>, vector<16xf32>,
        %get3A_533 = arith.index_cast %add3A_500 : i32 to index
        %get3A_534 = arith.constant 64 : index
        %get3A_535 = tpu.vector_load %arg14[%get3A_533, %get3A_534] {strides = array<i32>} : memref<40x128xf32, #tpu.memory_space<vmem>>, vector<16xf32>,
        %mul3A_536 = arith.mulf %get3A_535, %gather3A_504 : vector<16xf32>
        %swap3A_537 = arith.index_cast %add3A_500 : i32 to index
        %swap3A_538 = arith.constant 64 : index
        %swap3A_539 = tpu.vector_load %arg14[%swap3A_537, %swap3A_538] {strides = array<i32>} : memref<40x128xf32, #tpu.memory_space<vmem>>, vector<16xf32>,
        tpu.vector_store %arg14[%swap3A_537, %swap3A_538], %mul3A_536 {strides = array<i32>} : memref<40x128xf32, #tpu.memory_space<vmem>>, vector<16xf32>,
        %get3A_540 = arith.index_cast %add3A_500 : i32 to index
        %get3A_541 = arith.constant 80 : index
        %get3A_542 = tpu.vector_load %arg14[%get3A_540, %get3A_541] {strides = array<i32>} : memref<40x128xf32, #tpu.memory_space<vmem>>, vector<16xf32>,
        %mul3A_543 = arith.mulf %get3A_542, %gather3A_504 : vector<16xf32>
        %swap3A_544 = arith.index_cast %add3A_500 : i32 to index
        %swap3A_545 = arith.constant 80 : index
        %swap3A_546 = tpu.vector_load %arg14[%swap3A_544, %swap3A_545] {strides = array<i32>} : memref<40x128xf32, #tpu.memory_space<vmem>>, vector<16xf32>,
        tpu.vector_store %arg14[%swap3A_544, %swap3A_545], %mul3A_543 {strides = array<i32>} : memref<40x128xf32, #tpu.memory_space<vmem>>, vector<16xf32>,
        %get3A_547 = arith.index_cast %add3A_500 : i32 to index
        %get3A_548 = arith.constant 96 : index
        %get3A_549 = tpu.vector_load %arg14[%get3A_547, %get3A_548] {strides = array<i32>} : memref<40x128xf32, #tpu.memory_space<vmem>>, vector<16xf32>,
        %mul3A_550 = arith.mulf %get3A_549, %gather3A_504 : vector<16xf32>
        %swap3A_551 = arith.index_cast %add3A_500 : i32 to index
        %swap3A_552 = arith.constant 96 : index
        %swap3A_553 = tpu.vector_load %arg14[%swap3A_551, %swap3A_552] {strides = array<i32>} : memref<40x128xf32, #tpu.memory_space<vmem>>, vector<16xf32>,
        tpu.vector_store %arg14[%swap3A_551, %swap3A_552], %mul3A_550 {strides = array<i32>} : memref<40x128xf32, #tpu.memory_space<vmem>>, vector<16xf32>,
        %get3A_554 = arith.index_cast %add3A_500 : i32 to index
        %get3A_555 = arith.constant 112 : index
        %get3A_556 = tpu.vector_load %arg14[%get3A_554, %get3A_555] {strides = array<i32>} : memref<40x128xf32, #tpu.memory_space<vmem>>, vector<16xf32>,
        %mul3A_557 = arith.mulf %get3A_556, %gather3A_504 : vector<16xf32>
        %swap3A_558 = arith.index_cast %add3A_500 : i32 to index
        %swap3A_559 = arith.constant 112 : index
        %swap3A_560 = tpu.vector_load %arg14[%swap3A_558, %swap3A_559] {strides = array<i32>} : memref<40x128xf32, #tpu.memory_space<vmem>>, vector<16xf32>,
        tpu.vector_store %arg14[%swap3A_558, %swap3A_559], %mul3A_557 {strides = array<i32>} : memref<40x128xf32, #tpu.memory_space<vmem>>, vector<16xf32>,
        %mul3A_561 = arith.constant 4 : i32
        %mul3A_562 = arith.muli %scan3A_436, %mul3A_561 : i32
        %add3A_563 = arith.constant 2 : i32
        %add3A_564 = arith.addi %mul3A_562, %add3A_563 : i32
        %add3A_565 = arith.constant 0 : i32
        %add3A_566 = arith.addi %add3A_565, %add3A_564 : i32
        %broadcast_in_dim3A_567 = vector.broadcast %add3A_566 : i32 to vector<16xi32>
        %gather3A_568 = tpu.vector_load_idx %arg12[%broadcast_in_dim3A_567] : memref<208xf32, #tpu.memory_space<vmem>>[vector<16xi32>], vector<16xf32>,
        %get3A_569 = arith.index_cast %add3A_564 : i32 to index
        %get3A_570 = arith.constant 0 : index
        %get3A_571 = tpu.vector_load %arg14[%get3A_569, %get3A_570] {strides = array<i32>} : memref<40x128xf32, #tpu.memory_space<vmem>>, vector<16xf32>,
        %mul3A_572 = arith.mulf %get3A_571, %gather3A_568 : vector<16xf32>
        %swap3A_573 = arith.index_cast %add3A_564 : i32 to index
        %swap3A_574 = arith.constant 0 : index
        %swap3A_575 = tpu.vector_load %arg14[%swap3A_573, %swap3A_574] {strides = array<i32>} : memref<40x128xf32, #tpu.memory_space<vmem>>, vector<16xf32>,
        tpu.vector_store %arg14[%swap3A_573, %swap3A_574], %mul3A_572 {strides = array<i32>} : memref<40x128xf32, #tpu.memory_space<vmem>>, vector<16xf32>,
        %get3A_576 = arith.index_cast %add3A_564 : i32 to index
        %get3A_577 = arith.constant 16 : index
        %get3A_578 = tpu.vector_load %arg14[%get3A_576, %get3A_577] {strides = array<i32>} : memref<40x128xf32, #tpu.memory_space<vmem>>, vector<16xf32>,
        %mul3A_579 = arith.mulf %get3A_578, %gather3A_568 : vector<16xf32>
        %swap3A_580 = arith.index_cast %add3A_564 : i32 to index
        %swap3A_581 = arith.constant 16 : index
        %swap3A_582 = tpu.vector_load %arg14[%swap3A_580, %swap3A_581] {strides = array<i32>} : memref<40x128xf32, #tpu.memory_space<vmem>>, vector<16xf32>,
        tpu.vector_store %arg14[%swap3A_580, %swap3A_581], %mul3A_579 {strides = array<i32>} : memref<40x128xf32, #tpu.memory_space<vmem>>, vector<16xf32>,
        %get3A_583 = arith.index_cast %add3A_564 : i32 to index
        %get3A_584 = arith.constant 32 : index
        %get3A_585 = tpu.vector_load %arg14[%get3A_583, %get3A_584] {strides = array<i32>} : memref<40x128xf32, #tpu.memory_space<vmem>>, vector<16xf32>,
        %mul3A_586 = arith.mulf %get3A_585, %gather3A_568 : vector<16xf32>
        %swap3A_587 = arith.index_cast %add3A_564 : i32 to index
        %swap3A_588 = arith.constant 32 : index
        %swap3A_589 = tpu.vector_load %arg14[%swap3A_587, %swap3A_588] {strides = array<i32>} : memref<40x128xf32, #tpu.memory_space<vmem>>, vector<16xf32>,
        tpu.vector_store %arg14[%swap3A_587, %swap3A_588], %mul3A_586 {strides = array<i32>} : memref<40x128xf32, #tpu.memory_space<vmem>>, vector<16xf32>,
        %get3A_590 = arith.index_cast %add3A_564 : i32 to index
        %get3A_591 = arith.constant 48 : index
        %get3A_592 = tpu.vector_load %arg14[%get3A_590, %get3A_591] {strides = array<i32>} : memref<40x128xf32, #tpu.memory_space<vmem>>, vector<16xf32>,
        %mul3A_593 = arith.mulf %get3A_592, %gather3A_568 : vector<16xf32>
        %swap3A_594 = arith.index_cast %add3A_564 : i32 to index
        %swap3A_595 = arith.constant 48 : index
        %swap3A_596 = tpu.vector_load %arg14[%swap3A_594, %swap3A_595] {strides = array<i32>} : memref<40x128xf32, #tpu.memory_space<vmem>>, vector<16xf32>,
        tpu.vector_store %arg14[%swap3A_594, %swap3A_595], %mul3A_593 {strides = array<i32>} : memref<40x128xf32, #tpu.memory_space<vmem>>, vector<16xf32>,
        %get3A_597 = arith.index_cast %add3A_564 : i32 to index
        %get3A_598 = arith.constant 64 : index
        %get3A_599 = tpu.vector_load %arg14[%get3A_597, %get3A_598] {strides = array<i32>} : memref<40x128xf32, #tpu.memory_space<vmem>>, vector<16xf32>,
        %mul3A_600 = arith.mulf %get3A_599, %gather3A_568 : vector<16xf32>
        %swap3A_601 = arith.index_cast %add3A_564 : i32 to index
        %swap3A_602 = arith.constant 64 : index
        %swap3A_603 = tpu.vector_load %arg14[%swap3A_601, %swap3A_602] {strides = array<i32>} : memref<40x128xf32, #tpu.memory_space<vmem>>, vector<16xf32>,
        tpu.vector_store %arg14[%swap3A_601, %swap3A_602], %mul3A_600 {strides = array<i32>} : memref<40x128xf32, #tpu.memory_space<vmem>>, vector<16xf32>,
        %get3A_604 = arith.index_cast %add3A_564 : i32 to index
        %get3A_605 = arith.constant 80 : index
        %get3A_606 = tpu.vector_load %arg14[%get3A_604, %get3A_605] {strides = array<i32>} : memref<40x128xf32, #tpu.memory_space<vmem>>, vector<16xf32>,
        %mul3A_607 = arith.mulf %get3A_606, %gather3A_568 : vector<16xf32>
        %swap3A_608 = arith.index_cast %add3A_564 : i32 to index
        %swap3A_609 = arith.constant 80 : index
        %swap3A_610 = tpu.vector_load %arg14[%swap3A_608, %swap3A_609] {strides = array<i32>} : memref<40x128xf32, #tpu.memory_space<vmem>>, vector<16xf32>,
        tpu.vector_store %arg14[%swap3A_608, %swap3A_609], %mul3A_607 {strides = array<i32>} : memref<40x128xf32, #tpu.memory_space<vmem>>, vector<16xf32>,
        %get3A_611 = arith.index_cast %add3A_564 : i32 to index
        %get3A_612 = arith.constant 96 : index
        %get3A_613 = tpu.vector_load %arg14[%get3A_611, %get3A_612] {strides = array<i32>} : memref<40x128xf32, #tpu.memory_space<vmem>>, vector<16xf32>,
        %mul3A_614 = arith.mulf %get3A_613, %gather3A_568 : vector<16xf32>
        %swap3A_615 = arith.index_cast %add3A_564 : i32 to index
        %swap3A_616 = arith.constant 96 : index
        %swap3A_617 = tpu.vector_load %arg14[%swap3A_615, %swap3A_616] {strides = array<i32>} : memref<40x128xf32, #tpu.memory_space<vmem>>, vector<16xf32>,
        tpu.vector_store %arg14[%swap3A_615, %swap3A_616], %mul3A_614 {strides = array<i32>} : memref<40x128xf32, #tpu.memory_space<vmem>>, vector<16xf32>,
        %get3A_618 = arith.index_cast %add3A_564 : i32 to index
        %get3A_619 = arith.constant 112 : index
        %get3A_620 = tpu.vector_load %arg14[%get3A_618, %get3A_619] {strides = array<i32>} : memref<40x128xf32, #tpu.memory_space<vmem>>, vector<16xf32>,
        %mul3A_621 = arith.mulf %get3A_620, %gather3A_568 : vector<16xf32>
        %swap3A_622 = arith.index_cast %add3A_564 : i32 to index
        %swap3A_623 = arith.constant 112 : index
        %swap3A_624 = tpu.vector_load %arg14[%swap3A_622, %swap3A_623] {strides = array<i32>} : memref<40x128xf32, #tpu.memory_space<vmem>>, vector<16xf32>,
        tpu.vector_store %arg14[%swap3A_622, %swap3A_623], %mul3A_621 {strides = array<i32>} : memref<40x128xf32, #tpu.memory_space<vmem>>, vector<16xf32>,
        %mul3A_625 = arith.constant 4 : i32
        %mul3A_626 = arith.muli %scan3A_436, %mul3A_625 : i32
        %add3A_627 = arith.constant 3 : i32
        %add3A_628 = arith.addi %mul3A_626, %add3A_627 : i32
        %add3A_629 = arith.constant 0 : i32
        %add3A_630 = arith.addi %add3A_629, %add3A_628 : i32
        %broadcast_in_dim3A_631 = vector.broadcast %add3A_630 : i32 to vector<16xi32>
        %gather3A_632 = tpu.vector_load_idx %arg12[%broadcast_in_dim3A_631] : memref<208xf32, #tpu.memory_space<vmem>>[vector<16xi32>], vector<16xf32>,
        %get3A_633 = arith.index_cast %add3A_628 : i32 to index
        %get3A_634 = arith.constant 0 : index
        %get3A_635 = tpu.vector_load %arg14[%get3A_633, %get3A_634] {strides = array<i32>} : memref<40x128xf32, #tpu.memory_space<vmem>>, vector<16xf32>,
        %mul3A_636 = arith.mulf %get3A_635, %gather3A_632 : vector<16xf32>
        %swap3A_637 = arith.index_cast %add3A_628 : i32 to index
        %swap3A_638 = arith.constant 0 : index
        %swap3A_639 = tpu.vector_load %arg14[%swap3A_637, %swap3A_638] {strides = array<i32>} : memref<40x128xf32, #tpu.memory_space<vmem>>, vector<16xf32>,
        tpu.vector_store %arg14[%swap3A_637, %swap3A_638], %mul3A_636 {strides = array<i32>} : memref<40x128xf32, #tpu.memory_space<vmem>>, vector<16xf32>,
        %get3A_640 = arith.index_cast %add3A_628 : i32 to index
        %get3A_641 = arith.constant 16 : index
        %get3A_642 = tpu.vector_load %arg14[%get3A_640, %get3A_641] {strides = array<i32>} : memref<40x128xf32, #tpu.memory_space<vmem>>, vector<16xf32>,
        %mul3A_643 = arith.mulf %get3A_642, %gather3A_632 : vector<16xf32>
        %swap3A_644 = arith.index_cast %add3A_628 : i32 to index
        %swap3A_645 = arith.constant 16 : index
        %swap3A_646 = tpu.vector_load %arg14[%swap3A_644, %swap3A_645] {strides = array<i32>} : memref<40x128xf32, #tpu.memory_space<vmem>>, vector<16xf32>,
        tpu.vector_store %arg14[%swap3A_644, %swap3A_645], %mul3A_643 {strides = array<i32>} : memref<40x128xf32, #tpu.memory_space<vmem>>, vector<16xf32>,
        %get3A_647 = arith.index_cast %add3A_628 : i32 to index
        %get3A_648 = arith.constant 32 : index
        %get3A_649 = tpu.vector_load %arg14[%get3A_647, %get3A_648] {strides = array<i32>} : memref<40x128xf32, #tpu.memory_space<vmem>>, vector<16xf32>,
        %mul3A_650 = arith.mulf %get3A_649, %gather3A_632 : vector<16xf32>
        %swap3A_651 = arith.index_cast %add3A_628 : i32 to index
        %swap3A_652 = arith.constant 32 : index
        %swap3A_653 = tpu.vector_load %arg14[%swap3A_651, %swap3A_652] {strides = array<i32>} : memref<40x128xf32, #tpu.memory_space<vmem>>, vector<16xf32>,
        tpu.vector_store %arg14[%swap3A_651, %swap3A_652], %mul3A_650 {strides = array<i32>} : memref<40x128xf32, #tpu.memory_space<vmem>>, vector<16xf32>,
        %get3A_654 = arith.index_cast %add3A_628 : i32 to index
        %get3A_655 = arith.constant 48 : index
        %get3A_656 = tpu.vector_load %arg14[%get3A_654, %get3A_655] {strides = array<i32>} : memref<40x128xf32, #tpu.memory_space<vmem>>, vector<16xf32>,
        %mul3A_657 = arith.mulf %get3A_656, %gather3A_632 : vector<16xf32>
        %swap3A_658 = arith.index_cast %add3A_628 : i32 to index
        %swap3A_659 = arith.constant 48 : index
        %swap3A_660 = tpu.vector_load %arg14[%swap3A_658, %swap3A_659] {strides = array<i32>} : memref<40x128xf32, #tpu.memory_space<vmem>>, vector<16xf32>,
        tpu.vector_store %arg14[%swap3A_658, %swap3A_659], %mul3A_657 {strides = array<i32>} : memref<40x128xf32, #tpu.memory_space<vmem>>, vector<16xf32>,
        %get3A_661 = arith.index_cast %add3A_628 : i32 to index
        %get3A_662 = arith.constant 64 : index
        %get3A_663 = tpu.vector_load %arg14[%get3A_661, %get3A_662] {strides = array<i32>} : memref<40x128xf32, #tpu.memory_space<vmem>>, vector<16xf32>,
        %mul3A_664 = arith.mulf %get3A_663, %gather3A_632 : vector<16xf32>
        %swap3A_665 = arith.index_cast %add3A_628 : i32 to index
        %swap3A_666 = arith.constant 64 : index
        %swap3A_667 = tpu.vector_load %arg14[%swap3A_665, %swap3A_666] {strides = array<i32>} : memref<40x128xf32, #tpu.memory_space<vmem>>, vector<16xf32>,
        tpu.vector_store %arg14[%swap3A_665, %swap3A_666], %mul3A_664 {strides = array<i32>} : memref<40x128xf32, #tpu.memory_space<vmem>>, vector<16xf32>,
        %get3A_668 = arith.index_cast %add3A_628 : i32 to index
        %get3A_669 = arith.constant 80 : index
        %get3A_670 = tpu.vector_load %arg14[%get3A_668, %get3A_669] {strides = array<i32>} : memref<40x128xf32, #tpu.memory_space<vmem>>, vector<16xf32>,
        %mul3A_671 = arith.mulf %get3A_670, %gather3A_632 : vector<16xf32>
        %swap3A_672 = arith.index_cast %add3A_628 : i32 to index
        %swap3A_673 = arith.constant 80 : index
        %swap3A_674 = tpu.vector_load %arg14[%swap3A_672, %swap3A_673] {strides = array<i32>} : memref<40x128xf32, #tpu.memory_space<vmem>>, vector<16xf32>,
        tpu.vector_store %arg14[%swap3A_672, %swap3A_673], %mul3A_671 {strides = array<i32>} : memref<40x128xf32, #tpu.memory_space<vmem>>, vector<16xf32>,
        %get3A_675 = arith.index_cast %add3A_628 : i32 to index
        %get3A_676 = arith.constant 96 : index
        %get3A_677 = tpu.vector_load %arg14[%get3A_675, %get3A_676] {strides = array<i32>} : memref<40x128xf32, #tpu.memory_space<vmem>>, vector<16xf32>,
        %mul3A_678 = arith.mulf %get3A_677, %gather3A_632 : vector<16xf32>
        %swap3A_679 = arith.index_cast %add3A_628 : i32 to index
        %swap3A_680 = arith.constant 96 : index
        %swap3A_681 = tpu.vector_load %arg14[%swap3A_679, %swap3A_680] {strides = array<i32>} : memref<40x128xf32, #tpu.memory_space<vmem>>, vector<16xf32>,
        tpu.vector_store %arg14[%swap3A_679, %swap3A_680], %mul3A_678 {strides = array<i32>} : memref<40x128xf32, #tpu.memory_space<vmem>>, vector<16xf32>,
        %get3A_682 = arith.index_cast %add3A_628 : i32 to index
        %get3A_683 = arith.constant 112 : index
        %get3A_684 = tpu.vector_load %arg14[%get3A_682, %get3A_683] {strides = array<i32>} : memref<40x128xf32, #tpu.memory_space<vmem>>, vector<16xf32>,
        %mul3A_685 = arith.mulf %get3A_684, %gather3A_632 : vector<16xf32>
        %swap3A_686 = arith.index_cast %add3A_628 : i32 to index
        %swap3A_687 = arith.constant 112 : index
        %swap3A_688 = tpu.vector_load %arg14[%swap3A_686, %swap3A_687] {strides = array<i32>} : memref<40x128xf32, #tpu.memory_space<vmem>>, vector<16xf32>,
        tpu.vector_store %arg14[%swap3A_686, %swap3A_687], %mul3A_685 {strides = array<i32>} : memref<40x128xf32, #tpu.memory_space<vmem>>, vector<16xf32>,
      }
      %scan3A_160 = arith.constant 10 : i32
      %dma_start3A_161 = arith.constant 0 : i32
      %dma_start3A_162 = arith.constant 0 : i32
      %dma_start3A_163 = tpu.memref_slice %arg10[%dma_start3A_162] : memref<200xi32, #tpu.memory_space<vmem>> -> memref<40xi32, #tpu.memory_space<vmem>>
      %dma_start3A_164 = arith.constant 0 : i32
      %dma_start3A_165 = arith.constant 0 : i32
      %dma_start3A_166 = tpu.memref_slice %arg7[%dma_start3A_164, %dma_start3A_165] : memref<10000x128xf32, #tpu.memory_space<vmem_shared>> -> memref<10000x128xf32, #tpu.memory_space<vmem_shared>>
      %dma_start3A_167 = tpu.memref_slice %arg20[%dma_start3A_161] : memref<5x!tpu.dma_semaphore, #tpu.memory_space<semaphore_mem>> -> memref<1x!tpu.dma_semaphore, #tpu.memory_space<semaphore_mem>>
      %dma_start3A_168 = tpu.memref_squeeze %dma_start3A_167 : memref<1x!tpu.dma_semaphore, #tpu.memory_space<semaphore_mem>> -> memref<!tpu.dma_semaphore, #tpu.memory_space<semaphore_mem>>
      tpu.enqueue_indirect_dma source(%arg14 : memref<40x128xf32, #tpu.memory_space<vmem>>) target(%dma_start3A_166 : memref<10000x128xf32, #tpu.memory_space<vmem_shared>>) offsets(%dma_start3A_163 : memref<40xi32, #tpu.memory_space<vmem>>) semaphore(%dma_start3A_168 : memref<!tpu.dma_semaphore, #tpu.memory_space<semaphore_mem>>) {add = true}
      %dma_wait3A_169 = arith.constant 1 : i32
      %dma_wait3A_170 = arith.constant 40 : i32
      %dma_wait3A_171 = tpu.memref_slice %arg8[%dma_wait3A_170] : memref<200xi32, #tpu.memory_space<vmem>> -> memref<40xi32, #tpu.memory_space<vmem>>
      %dma_wait3A_172 = arith.constant 0 : i32
      %dma_wait3A_173 = arith.constant 0 : i32
      %dma_wait3A_174 = tpu.memref_slice %arg2[%dma_wait3A_172, %dma_wait3A_173] : memref<10000x128xf32, #tpu.memory_space<hbm>> -> memref<10000x128xf32, #tpu.memory_space<hbm>>
      %dma_wait3A_175 = tpu.memref_slice %arg19[%dma_wait3A_169] : memref<5x!tpu.dma_semaphore, #tpu.memory_space<semaphore_mem>> -> memref<1x!tpu.dma_semaphore, #tpu.memory_space<semaphore_mem>>
      %dma_wait3A_176 = tpu.memref_squeeze %dma_wait3A_175 : memref<1x!tpu.dma_semaphore, #tpu.memory_space<semaphore_mem>> -> memref<!tpu.dma_semaphore, #tpu.memory_space<semaphore_mem>>
      tpu.wait_indirect_dma semaphore(%dma_wait3A_176 : memref<!tpu.dma_semaphore, #tpu.memory_space<semaphore_mem>>) src(%dma_wait3A_174 : memref<10000x128xf32, #tpu.memory_space<hbm>>) dst(%arg15 : memref<40x128xf32, #tpu.memory_space<vmem>>)
      %scan3A_177 = arith.constant 0 : i32
      %scan3A_178 = arith.constant 10 : i32
      %scan3A_179 = arith.addi %scan3A_177, %scan3A_178 : i32
      %scan3A_180 = arith.constant 1 : i32
      scf.for %scan3A_436 = %scan3A_177 to %scan3A_179 step %scan3A_180  : i32 {
        %mul3A_437 = arith.constant 4 : i32
        %mul3A_438 = arith.muli %scan3A_436, %mul3A_437 : i32
        %add3A_439 = arith.constant 0 : i32
        %add3A_440 = arith.addi %mul3A_438, %add3A_439 : i32
        %add3A_441 = arith.constant 40 : i32
        %add3A_442 = arith.addi %add3A_441, %add3A_440 : i32
        %broadcast_in_dim3A = vector.broadcast %add3A_442 : i32 to vector<16xi32>
        %gather3A = tpu.vector_load_idx %arg12[%broadcast_in_dim3A] : memref<208xf32, #tpu.memory_space<vmem>>[vector<16xi32>], vector<16xf32>,
        %get3A = arith.index_cast %add3A_440 : i32 to index
        %get3A_443 = arith.constant 0 : index
        %get3A_444 = tpu.vector_load %arg15[%get3A, %get3A_443] {strides = array<i32>} : memref<40x128xf32, #tpu.memory_space<vmem>>, vector<16xf32>,
        %mul3A_445 = arith.mulf %get3A_444, %gather3A : vector<16xf32>
        %swap3A = arith.index_cast %add3A_440 : i32 to index
        %swap3A_446 = arith.constant 0 : index
        %swap3A_447 = tpu.vector_load %arg15[%swap3A, %swap3A_446] {strides = array<i32>} : memref<40x128xf32, #tpu.memory_space<vmem>>, vector<16xf32>,
        tpu.vector_store %arg15[%swap3A, %swap3A_446], %mul3A_445 {strides = array<i32>} : memref<40x128xf32, #tpu.memory_space<vmem>>, vector<16xf32>,
        %get3A_448 = arith.index_cast %add3A_440 : i32 to index
        %get3A_449 = arith.constant 16 : index
        %get3A_450 = tpu.vector_load %arg15[%get3A_448, %get3A_449] {strides = array<i32>} : memref<40x128xf32, #tpu.memory_space<vmem>>, vector<16xf32>,
        %mul3A_451 = arith.mulf %get3A_450, %gather3A : vector<16xf32>
        %swap3A_452 = arith.index_cast %add3A_440 : i32 to index
        %swap3A_453 = arith.constant 16 : index
        %swap3A_454 = tpu.vector_load %arg15[%swap3A_452, %swap3A_453] {strides = array<i32>} : memref<40x128xf32, #tpu.memory_space<vmem>>, vector<16xf32>,
        tpu.vector_store %arg15[%swap3A_452, %swap3A_453], %mul3A_451 {strides = array<i32>} : memref<40x128xf32, #tpu.memory_space<vmem>>, vector<16xf32>,
        %get3A_455 = arith.index_cast %add3A_440 : i32 to index
        %get3A_456 = arith.constant 32 : index
        %get3A_457 = tpu.vector_load %arg15[%get3A_455, %get3A_456] {strides = array<i32>} : memref<40x128xf32, #tpu.memory_space<vmem>>, vector<16xf32>,
        %mul3A_458 = arith.mulf %get3A_457, %gather3A : vector<16xf32>
        %swap3A_459 = arith.index_cast %add3A_440 : i32 to index
        %swap3A_460 = arith.constant 32 : index
        %swap3A_461 = tpu.vector_load %arg15[%swap3A_459, %swap3A_460] {strides = array<i32>} : memref<40x128xf32, #tpu.memory_space<vmem>>, vector<16xf32>,
        tpu.vector_store %arg15[%swap3A_459, %swap3A_460], %mul3A_458 {strides = array<i32>} : memref<40x128xf32, #tpu.memory_space<vmem>>, vector<16xf32>,
        %get3A_462 = arith.index_cast %add3A_440 : i32 to index
        %get3A_463 = arith.constant 48 : index
        %get3A_464 = tpu.vector_load %arg15[%get3A_462, %get3A_463] {strides = array<i32>} : memref<40x128xf32, #tpu.memory_space<vmem>>, vector<16xf32>,
        %mul3A_465 = arith.mulf %get3A_464, %gather3A : vector<16xf32>
        %swap3A_466 = arith.index_cast %add3A_440 : i32 to index
        %swap3A_467 = arith.constant 48 : index
        %swap3A_468 = tpu.vector_load %arg15[%swap3A_466, %swap3A_467] {strides = array<i32>} : memref<40x128xf32, #tpu.memory_space<vmem>>, vector<16xf32>,
        tpu.vector_store %arg15[%swap3A_466, %swap3A_467], %mul3A_465 {strides = array<i32>} : memref<40x128xf32, #tpu.memory_space<vmem>>, vector<16xf32>,
        %get3A_469 = arith.index_cast %add3A_440 : i32 to index
        %get3A_470 = arith.constant 64 : index
        %get3A_471 = tpu.vector_load %arg15[%get3A_469, %get3A_470] {strides = array<i32>} : memref<40x128xf32, #tpu.memory_space<vmem>>, vector<16xf32>,
        %mul3A_472 = arith.mulf %get3A_471, %gather3A : vector<16xf32>
        %swap3A_473 = arith.index_cast %add3A_440 : i32 to index
        %swap3A_474 = arith.constant 64 : index
        %swap3A_475 = tpu.vector_load %arg15[%swap3A_473, %swap3A_474] {strides = array<i32>} : memref<40x128xf32, #tpu.memory_space<vmem>>, vector<16xf32>,
        tpu.vector_store %arg15[%swap3A_473, %swap3A_474], %mul3A_472 {strides = array<i32>} : memref<40x128xf32, #tpu.memory_space<vmem>>, vector<16xf32>,
        %get3A_476 = arith.index_cast %add3A_440 : i32 to index
        %get3A_477 = arith.constant 80 : index
        %get3A_478 = tpu.vector_load %arg15[%get3A_476, %get3A_477] {strides = array<i32>} : memref<40x128xf32, #tpu.memory_space<vmem>>, vector<16xf32>,
        %mul3A_479 = arith.mulf %get3A_478, %gather3A : vector<16xf32>
        %swap3A_480 = arith.index_cast %add3A_440 : i32 to index
        %swap3A_481 = arith.constant 80 : index
        %swap3A_482 = tpu.vector_load %arg15[%swap3A_480, %swap3A_481] {strides = array<i32>} : memref<40x128xf32, #tpu.memory_space<vmem>>, vector<16xf32>,
        tpu.vector_store %arg15[%swap3A_480, %swap3A_481], %mul3A_479 {strides = array<i32>} : memref<40x128xf32, #tpu.memory_space<vmem>>, vector<16xf32>,
        %get3A_483 = arith.index_cast %add3A_440 : i32 to index
        %get3A_484 = arith.constant 96 : index
        %get3A_485 = tpu.vector_load %arg15[%get3A_483, %get3A_484] {strides = array<i32>} : memref<40x128xf32, #tpu.memory_space<vmem>>, vector<16xf32>,
        %mul3A_486 = arith.mulf %get3A_485, %gather3A : vector<16xf32>
        %swap3A_487 = arith.index_cast %add3A_440 : i32 to index
        %swap3A_488 = arith.constant 96 : index
        %swap3A_489 = tpu.vector_load %arg15[%swap3A_487, %swap3A_488] {strides = array<i32>} : memref<40x128xf32, #tpu.memory_space<vmem>>, vector<16xf32>,
        tpu.vector_store %arg15[%swap3A_487, %swap3A_488], %mul3A_486 {strides = array<i32>} : memref<40x128xf32, #tpu.memory_space<vmem>>, vector<16xf32>,
        %get3A_490 = arith.index_cast %add3A_440 : i32 to index
        %get3A_491 = arith.constant 112 : index
        %get3A_492 = tpu.vector_load %arg15[%get3A_490, %get3A_491] {strides = array<i32>} : memref<40x128xf32, #tpu.memory_space<vmem>>, vector<16xf32>,
        %mul3A_493 = arith.mulf %get3A_492, %gather3A : vector<16xf32>
        %swap3A_494 = arith.index_cast %add3A_440 : i32 to index
        %swap3A_495 = arith.constant 112 : index
        %swap3A_496 = tpu.vector_load %arg15[%swap3A_494, %swap3A_495] {strides = array<i32>} : memref<40x128xf32, #tpu.memory_space<vmem>>, vector<16xf32>,
        tpu.vector_store %arg15[%swap3A_494, %swap3A_495], %mul3A_493 {strides = array<i32>} : memref<40x128xf32, #tpu.memory_space<vmem>>, vector<16xf32>,
        %mul3A_497 = arith.constant 4 : i32
        %mul3A_498 = arith.muli %scan3A_436, %mul3A_497 : i32
        %add3A_499 = arith.constant 1 : i32
        %add3A_500 = arith.addi %mul3A_498, %add3A_499 : i32
        %add3A_501 = arith.constant 40 : i32
        %add3A_502 = arith.addi %add3A_501, %add3A_500 : i32
        %broadcast_in_dim3A_503 = vector.broadcast %add3A_502 : i32 to vector<16xi32>
        %gather3A_504 = tpu.vector_load_idx %arg12[%broadcast_in_dim3A_503] : memref<208xf32, #tpu.memory_space<vmem>>[vector<16xi32>], vector<16xf32>,
        %get3A_505 = arith.index_cast %add3A_500 : i32 to index
        %get3A_506 = arith.constant 0 : index
        %get3A_507 = tpu.vector_load %arg15[%get3A_505, %get3A_506] {strides = array<i32>} : memref<40x128xf32, #tpu.memory_space<vmem>>, vector<16xf32>,
        %mul3A_508 = arith.mulf %get3A_507, %gather3A_504 : vector<16xf32>
        %swap3A_509 = arith.index_cast %add3A_500 : i32 to index
        %swap3A_510 = arith.constant 0 : index
        %swap3A_511 = tpu.vector_load %arg15[%swap3A_509, %swap3A_510] {strides = array<i32>} : memref<40x128xf32, #tpu.memory_space<vmem>>, vector<16xf32>,
        tpu.vector_store %arg15[%swap3A_509, %swap3A_510], %mul3A_508 {strides = array<i32>} : memref<40x128xf32, #tpu.memory_space<vmem>>, vector<16xf32>,
        %get3A_512 = arith.index_cast %add3A_500 : i32 to index
        %get3A_513 = arith.constant 16 : index
        %get3A_514 = tpu.vector_load %arg15[%get3A_512, %get3A_513] {strides = array<i32>} : memref<40x128xf32, #tpu.memory_space<vmem>>, vector<16xf32>,
        %mul3A_515 = arith.mulf %get3A_514, %gather3A_504 : vector<16xf32>
        %swap3A_516 = arith.index_cast %add3A_500 : i32 to index
        %swap3A_517 = arith.constant 16 : index
        %swap3A_518 = tpu.vector_load %arg15[%swap3A_516, %swap3A_517] {strides = array<i32>} : memref<40x128xf32, #tpu.memory_space<vmem>>, vector<16xf32>,
        tpu.vector_store %arg15[%swap3A_516, %swap3A_517], %mul3A_515 {strides = array<i32>} : memref<40x128xf32, #tpu.memory_space<vmem>>, vector<16xf32>,
        %get3A_519 = arith.index_cast %add3A_500 : i32 to index
        %get3A_520 = arith.constant 32 : index
        %get3A_521 = tpu.vector_load %arg15[%get3A_519, %get3A_520] {strides = array<i32>} : memref<40x128xf32, #tpu.memory_space<vmem>>, vector<16xf32>,
        %mul3A_522 = arith.mulf %get3A_521, %gather3A_504 : vector<16xf32>
        %swap3A_523 = arith.index_cast %add3A_500 : i32 to index
        %swap3A_524 = arith.constant 32 : index
        %swap3A_525 = tpu.vector_load %arg15[%swap3A_523, %swap3A_524] {strides = array<i32>} : memref<40x128xf32, #tpu.memory_space<vmem>>, vector<16xf32>,
        tpu.vector_store %arg15[%swap3A_523, %swap3A_524], %mul3A_522 {strides = array<i32>} : memref<40x128xf32, #tpu.memory_space<vmem>>, vector<16xf32>,
        %get3A_526 = arith.index_cast %add3A_500 : i32 to index
        %get3A_527 = arith.constant 48 : index
        %get3A_528 = tpu.vector_load %arg15[%get3A_526, %get3A_527] {strides = array<i32>} : memref<40x128xf32, #tpu.memory_space<vmem>>, vector<16xf32>,
        %mul3A_529 = arith.mulf %get3A_528, %gather3A_504 : vector<16xf32>
        %swap3A_530 = arith.index_cast %add3A_500 : i32 to index
        %swap3A_531 = arith.constant 48 : index
        %swap3A_532 = tpu.vector_load %arg15[%swap3A_530, %swap3A_531] {strides = array<i32>} : memref<40x128xf32, #tpu.memory_space<vmem>>, vector<16xf32>,
        tpu.vector_store %arg15[%swap3A_530, %swap3A_531], %mul3A_529 {strides = array<i32>} : memref<40x128xf32, #tpu.memory_space<vmem>>, vector<16xf32>,
        %get3A_533 = arith.index_cast %add3A_500 : i32 to index
        %get3A_534 = arith.constant 64 : index
        %get3A_535 = tpu.vector_load %arg15[%get3A_533, %get3A_534] {strides = array<i32>} : memref<40x128xf32, #tpu.memory_space<vmem>>, vector<16xf32>,
        %mul3A_536 = arith.mulf %get3A_535, %gather3A_504 : vector<16xf32>
        %swap3A_537 = arith.index_cast %add3A_500 : i32 to index
        %swap3A_538 = arith.constant 64 : index
        %swap3A_539 = tpu.vector_load %arg15[%swap3A_537, %swap3A_538] {strides = array<i32>} : memref<40x128xf32, #tpu.memory_space<vmem>>, vector<16xf32>,
        tpu.vector_store %arg15[%swap3A_537, %swap3A_538], %mul3A_536 {strides = array<i32>} : memref<40x128xf32, #tpu.memory_space<vmem>>, vector<16xf32>,
        %get3A_540 = arith.index_cast %add3A_500 : i32 to index
        %get3A_541 = arith.constant 80 : index
        %get3A_542 = tpu.vector_load %arg15[%get3A_540, %get3A_541] {strides = array<i32>} : memref<40x128xf32, #tpu.memory_space<vmem>>, vector<16xf32>,
        %mul3A_543 = arith.mulf %get3A_542, %gather3A_504 : vector<16xf32>
        %swap3A_544 = arith.index_cast %add3A_500 : i32 to index
        %swap3A_545 = arith.constant 80 : index
        %swap3A_546 = tpu.vector_load %arg15[%swap3A_544, %swap3A_545] {strides = array<i32>} : memref<40x128xf32, #tpu.memory_space<vmem>>, vector<16xf32>,
        tpu.vector_store %arg15[%swap3A_544, %swap3A_545], %mul3A_543 {strides = array<i32>} : memref<40x128xf32, #tpu.memory_space<vmem>>, vector<16xf32>,
        %get3A_547 = arith.index_cast %add3A_500 : i32 to index
        %get3A_548 = arith.constant 96 : index
        %get3A_549 = tpu.vector_load %arg15[%get3A_547, %get3A_548] {strides = array<i32>} : memref<40x128xf32, #tpu.memory_space<vmem>>, vector<16xf32>,
        %mul3A_550 = arith.mulf %get3A_549, %gather3A_504 : vector<16xf32>
        %swap3A_551 = arith.index_cast %add3A_500 : i32 to index
        %swap3A_552 = arith.constant 96 : index
        %swap3A_553 = tpu.vector_load %arg15[%swap3A_551, %swap3A_552] {strides = array<i32>} : memref<40x128xf32, #tpu.memory_space<vmem>>, vector<16xf32>,
        tpu.vector_store %arg15[%swap3A_551, %swap3A_552], %mul3A_550 {strides = array<i32>} : memref<40x128xf32, #tpu.memory_space<vmem>>, vector<16xf32>,
        %get3A_554 = arith.index_cast %add3A_500 : i32 to index
        %get3A_555 = arith.constant 112 : index
        %get3A_556 = tpu.vector_load %arg15[%get3A_554, %get3A_555] {strides = array<i32>} : memref<40x128xf32, #tpu.memory_space<vmem>>, vector<16xf32>,
        %mul3A_557 = arith.mulf %get3A_556, %gather3A_504 : vector<16xf32>
        %swap3A_558 = arith.index_cast %add3A_500 : i32 to index
        %swap3A_559 = arith.constant 112 : index
        %swap3A_560 = tpu.vector_load %arg15[%swap3A_558, %swap3A_559] {strides = array<i32>} : memref<40x128xf32, #tpu.memory_space<vmem>>, vector<16xf32>,
        tpu.vector_store %arg15[%swap3A_558, %swap3A_559], %mul3A_557 {strides = array<i32>} : memref<40x128xf32, #tpu.memory_space<vmem>>, vector<16xf32>,
        %mul3A_561 = arith.constant 4 : i32
        %mul3A_562 = arith.muli %scan3A_436, %mul3A_561 : i32
        %add3A_563 = arith.constant 2 : i32
        %add3A_564 = arith.addi %mul3A_562, %add3A_563 : i32
        %add3A_565 = arith.constant 40 : i32
        %add3A_566 = arith.addi %add3A_565, %add3A_564 : i32
        %broadcast_in_dim3A_567 = vector.broadcast %add3A_566 : i32 to vector<16xi32>
        %gather3A_568 = tpu.vector_load_idx %arg12[%broadcast_in_dim3A_567] : memref<208xf32, #tpu.memory_space<vmem>>[vector<16xi32>], vector<16xf32>,
        %get3A_569 = arith.index_cast %add3A_564 : i32 to index
        %get3A_570 = arith.constant 0 : index
        %get3A_571 = tpu.vector_load %arg15[%get3A_569, %get3A_570] {strides = array<i32>} : memref<40x128xf32, #tpu.memory_space<vmem>>, vector<16xf32>,
        %mul3A_572 = arith.mulf %get3A_571, %gather3A_568 : vector<16xf32>
        %swap3A_573 = arith.index_cast %add3A_564 : i32 to index
        %swap3A_574 = arith.constant 0 : index
        %swap3A_575 = tpu.vector_load %arg15[%swap3A_573, %swap3A_574] {strides = array<i32>} : memref<40x128xf32, #tpu.memory_space<vmem>>, vector<16xf32>,
        tpu.vector_store %arg15[%swap3A_573, %swap3A_574], %mul3A_572 {strides = array<i32>} : memref<40x128xf32, #tpu.memory_space<vmem>>, vector<16xf32>,
        %get3A_576 = arith.index_cast %add3A_564 : i32 to index
        %get3A_577 = arith.constant 16 : index
        %get3A_578 = tpu.vector_load %arg15[%get3A_576, %get3A_577] {strides = array<i32>} : memref<40x128xf32, #tpu.memory_space<vmem>>, vector<16xf32>,
        %mul3A_579 = arith.mulf %get3A_578, %gather3A_568 : vector<16xf32>
        %swap3A_580 = arith.index_cast %add3A_564 : i32 to index
        %swap3A_581 = arith.constant 16 : index
        %swap3A_582 = tpu.vector_load %arg15[%swap3A_580, %swap3A_581] {strides = array<i32>} : memref<40x128xf32, #tpu.memory_space<vmem>>, vector<16xf32>,
        tpu.vector_store %arg15[%swap3A_580, %swap3A_581], %mul3A_579 {strides = array<i32>} : memref<40x128xf32, #tpu.memory_space<vmem>>, vector<16xf32>,
        %get3A_583 = arith.index_cast %add3A_564 : i32 to index
        %get3A_584 = arith.constant 32 : index
        %get3A_585 = tpu.vector_load %arg15[%get3A_583, %get3A_584] {strides = array<i32>} : memref<40x128xf32, #tpu.memory_space<vmem>>, vector<16xf32>,
        %mul3A_586 = arith.mulf %get3A_585, %gather3A_568 : vector<16xf32>
        %swap3A_587 = arith.index_cast %add3A_564 : i32 to index
        %swap3A_588 = arith.constant 32 : index
        %swap3A_589 = tpu.vector_load %arg15[%swap3A_587, %swap3A_588] {strides = array<i32>} : memref<40x128xf32, #tpu.memory_space<vmem>>, vector<16xf32>,
        tpu.vector_store %arg15[%swap3A_587, %swap3A_588], %mul3A_586 {strides = array<i32>} : memref<40x128xf32, #tpu.memory_space<vmem>>, vector<16xf32>,
        %get3A_590 = arith.index_cast %add3A_564 : i32 to index
        %get3A_591 = arith.constant 48 : index
        %get3A_592 = tpu.vector_load %arg15[%get3A_590, %get3A_591] {strides = array<i32>} : memref<40x128xf32, #tpu.memory_space<vmem>>, vector<16xf32>,
        %mul3A_593 = arith.mulf %get3A_592, %gather3A_568 : vector<16xf32>
        %swap3A_594 = arith.index_cast %add3A_564 : i32 to index
        %swap3A_595 = arith.constant 48 : index
        %swap3A_596 = tpu.vector_load %arg15[%swap3A_594, %swap3A_595] {strides = array<i32>} : memref<40x128xf32, #tpu.memory_space<vmem>>, vector<16xf32>,
        tpu.vector_store %arg15[%swap3A_594, %swap3A_595], %mul3A_593 {strides = array<i32>} : memref<40x128xf32, #tpu.memory_space<vmem>>, vector<16xf32>,
        %get3A_597 = arith.index_cast %add3A_564 : i32 to index
        %get3A_598 = arith.constant 64 : index
        %get3A_599 = tpu.vector_load %arg15[%get3A_597, %get3A_598] {strides = array<i32>} : memref<40x128xf32, #tpu.memory_space<vmem>>, vector<16xf32>,
        %mul3A_600 = arith.mulf %get3A_599, %gather3A_568 : vector<16xf32>
        %swap3A_601 = arith.index_cast %add3A_564 : i32 to index
        %swap3A_602 = arith.constant 64 : index
        %swap3A_603 = tpu.vector_load %arg15[%swap3A_601, %swap3A_602] {strides = array<i32>} : memref<40x128xf32, #tpu.memory_space<vmem>>, vector<16xf32>,
        tpu.vector_store %arg15[%swap3A_601, %swap3A_602], %mul3A_600 {strides = array<i32>} : memref<40x128xf32, #tpu.memory_space<vmem>>, vector<16xf32>,
        %get3A_604 = arith.index_cast %add3A_564 : i32 to index
        %get3A_605 = arith.constant 80 : index
        %get3A_606 = tpu.vector_load %arg15[%get3A_604, %get3A_605] {strides = array<i32>} : memref<40x128xf32, #tpu.memory_space<vmem>>, vector<16xf32>,
        %mul3A_607 = arith.mulf %get3A_606, %gather3A_568 : vector<16xf32>
        %swap3A_608 = arith.index_cast %add3A_564 : i32 to index
        %swap3A_609 = arith.constant 80 : index
        %swap3A_610 = tpu.vector_load %arg15[%swap3A_608, %swap3A_609] {strides = array<i32>} : memref<40x128xf32, #tpu.memory_space<vmem>>, vector<16xf32>,
        tpu.vector_store %arg15[%swap3A_608, %swap3A_609], %mul3A_607 {strides = array<i32>} : memref<40x128xf32, #tpu.memory_space<vmem>>, vector<16xf32>,
        %get3A_611 = arith.index_cast %add3A_564 : i32 to index
        %get3A_612 = arith.constant 96 : index
        %get3A_613 = tpu.vector_load %arg15[%get3A_611, %get3A_612] {strides = array<i32>} : memref<40x128xf32, #tpu.memory_space<vmem>>, vector<16xf32>,
        %mul3A_614 = arith.mulf %get3A_613, %gather3A_568 : vector<16xf32>
        %swap3A_615 = arith.index_cast %add3A_564 : i32 to index
        %swap3A_616 = arith.constant 96 : index
        %swap3A_617 = tpu.vector_load %arg15[%swap3A_615, %swap3A_616] {strides = array<i32>} : memref<40x128xf32, #tpu.memory_space<vmem>>, vector<16xf32>,
        tpu.vector_store %arg15[%swap3A_615, %swap3A_616], %mul3A_614 {strides = array<i32>} : memref<40x128xf32, #tpu.memory_space<vmem>>, vector<16xf32>,
        %get3A_618 = arith.index_cast %add3A_564 : i32 to index
        %get3A_619 = arith.constant 112 : index
        %get3A_620 = tpu.vector_load %arg15[%get3A_618, %get3A_619] {strides = array<i32>} : memref<40x128xf32, #tpu.memory_space<vmem>>, vector<16xf32>,
        %mul3A_621 = arith.mulf %get3A_620, %gather3A_568 : vector<16xf32>
        %swap3A_622 = arith.index_cast %add3A_564 : i32 to index
        %swap3A_623 = arith.constant 112 : index
        %swap3A_624 = tpu.vector_load %arg15[%swap3A_622, %swap3A_623] {strides = array<i32>} : memref<40x128xf32, #tpu.memory_space<vmem>>, vector<16xf32>,
        tpu.vector_store %arg15[%swap3A_622, %swap3A_623], %mul3A_621 {strides = array<i32>} : memref<40x128xf32, #tpu.memory_space<vmem>>, vector<16xf32>,
        %mul3A_625 = arith.constant 4 : i32
        %mul3A_626 = arith.muli %scan3A_436, %mul3A_625 : i32
        %add3A_627 = arith.constant 3 : i32
        %add3A_628 = arith.addi %mul3A_626, %add3A_627 : i32
        %add3A_629 = arith.constant 40 : i32
        %add3A_630 = arith.addi %add3A_629, %add3A_628 : i32
        %broadcast_in_dim3A_631 = vector.broadcast %add3A_630 : i32 to vector<16xi32>
        %gather3A_632 = tpu.vector_load_idx %arg12[%broadcast_in_dim3A_631] : memref<208xf32, #tpu.memory_space<vmem>>[vector<16xi32>], vector<16xf32>,
        %get3A_633 = arith.index_cast %add3A_628 : i32 to index
        %get3A_634 = arith.constant 0 : index
        %get3A_635 = tpu.vector_load %arg15[%get3A_633, %get3A_634] {strides = array<i32>} : memref<40x128xf32, #tpu.memory_space<vmem>>, vector<16xf32>,
        %mul3A_636 = arith.mulf %get3A_635, %gather3A_632 : vector<16xf32>
        %swap3A_637 = arith.index_cast %add3A_628 : i32 to index
        %swap3A_638 = arith.constant 0 : index
        %swap3A_639 = tpu.vector_load %arg15[%swap3A_637, %swap3A_638] {strides = array<i32>} : memref<40x128xf32, #tpu.memory_space<vmem>>, vector<16xf32>,
        tpu.vector_store %arg15[%swap3A_637, %swap3A_638], %mul3A_636 {strides = array<i32>} : memref<40x128xf32, #tpu.memory_space<vmem>>, vector<16xf32>,
        %get3A_640 = arith.index_cast %add3A_628 : i32 to index
        %get3A_641 = arith.constant 16 : index
        %get3A_642 = tpu.vector_load %arg15[%get3A_640, %get3A_641] {strides = array<i32>} : memref<40x128xf32, #tpu.memory_space<vmem>>, vector<16xf32>,
        %mul3A_643 = arith.mulf %get3A_642, %gather3A_632 : vector<16xf32>
        %swap3A_644 = arith.index_cast %add3A_628 : i32 to index
        %swap3A_645 = arith.constant 16 : index
        %swap3A_646 = tpu.vector_load %arg15[%swap3A_644, %swap3A_645] {strides = array<i32>} : memref<40x128xf32, #tpu.memory_space<vmem>>, vector<16xf32>,
        tpu.vector_store %arg15[%swap3A_644, %swap3A_645], %mul3A_643 {strides = array<i32>} : memref<40x128xf32, #tpu.memory_space<vmem>>, vector<16xf32>,
        %get3A_647 = arith.index_cast %add3A_628 : i32 to index
        %get3A_648 = arith.constant 32 : index
        %get3A_649 = tpu.vector_load %arg15[%get3A_647, %get3A_648] {strides = array<i32>} : memref<40x128xf32, #tpu.memory_space<vmem>>, vector<16xf32>,
        %mul3A_650 = arith.mulf %get3A_649, %gather3A_632 : vector<16xf32>
        %swap3A_651 = arith.index_cast %add3A_628 : i32 to index
        %swap3A_652 = arith.constant 32 : index
        %swap3A_653 = tpu.vector_load %arg15[%swap3A_651, %swap3A_652] {strides = array<i32>} : memref<40x128xf32, #tpu.memory_space<vmem>>, vector<16xf32>,
        tpu.vector_store %arg15[%swap3A_651, %swap3A_652], %mul3A_650 {strides = array<i32>} : memref<40x128xf32, #tpu.memory_space<vmem>>, vector<16xf32>,
        %get3A_654 = arith.index_cast %add3A_628 : i32 to index
        %get3A_655 = arith.constant 48 : index
        %get3A_656 = tpu.vector_load %arg15[%get3A_654, %get3A_655] {strides = array<i32>} : memref<40x128xf32, #tpu.memory_space<vmem>>, vector<16xf32>,
        %mul3A_657 = arith.mulf %get3A_656, %gather3A_632 : vector<16xf32>
        %swap3A_658 = arith.index_cast %add3A_628 : i32 to index
        %swap3A_659 = arith.constant 48 : index
        %swap3A_660 = tpu.vector_load %arg15[%swap3A_658, %swap3A_659] {strides = array<i32>} : memref<40x128xf32, #tpu.memory_space<vmem>>, vector<16xf32>,
        tpu.vector_store %arg15[%swap3A_658, %swap3A_659], %mul3A_657 {strides = array<i32>} : memref<40x128xf32, #tpu.memory_space<vmem>>, vector<16xf32>,
        %get3A_661 = arith.index_cast %add3A_628 : i32 to index
        %get3A_662 = arith.constant 64 : index
        %get3A_663 = tpu.vector_load %arg15[%get3A_661, %get3A_662] {strides = array<i32>} : memref<40x128xf32, #tpu.memory_space<vmem>>, vector<16xf32>,
        %mul3A_664 = arith.mulf %get3A_663, %gather3A_632 : vector<16xf32>
        %swap3A_665 = arith.index_cast %add3A_628 : i32 to index
        %swap3A_666 = arith.constant 64 : index
        %swap3A_667 = tpu.vector_load %arg15[%swap3A_665, %swap3A_666] {strides = array<i32>} : memref<40x128xf32, #tpu.memory_space<vmem>>, vector<16xf32>,
        tpu.vector_store %arg15[%swap3A_665, %swap3A_666], %mul3A_664 {strides = array<i32>} : memref<40x128xf32, #tpu.memory_space<vmem>>, vector<16xf32>,
        %get3A_668 = arith.index_cast %add3A_628 : i32 to index
        %get3A_669 = arith.constant 80 : index
        %get3A_670 = tpu.vector_load %arg15[%get3A_668, %get3A_669] {strides = array<i32>} : memref<40x128xf32, #tpu.memory_space<vmem>>, vector<16xf32>,
        %mul3A_671 = arith.mulf %get3A_670, %gather3A_632 : vector<16xf32>
        %swap3A_672 = arith.index_cast %add3A_628 : i32 to index
        %swap3A_673 = arith.constant 80 : index
        %swap3A_674 = tpu.vector_load %arg15[%swap3A_672, %swap3A_673] {strides = array<i32>} : memref<40x128xf32, #tpu.memory_space<vmem>>, vector<16xf32>,
        tpu.vector_store %arg15[%swap3A_672, %swap3A_673], %mul3A_671 {strides = array<i32>} : memref<40x128xf32, #tpu.memory_space<vmem>>, vector<16xf32>,
        %get3A_675 = arith.index_cast %add3A_628 : i32 to index
        %get3A_676 = arith.constant 96 : index
        %get3A_677 = tpu.vector_load %arg15[%get3A_675, %get3A_676] {strides = array<i32>} : memref<40x128xf32, #tpu.memory_space<vmem>>, vector<16xf32>,
        %mul3A_678 = arith.mulf %get3A_677, %gather3A_632 : vector<16xf32>
        %swap3A_679 = arith.index_cast %add3A_628 : i32 to index
        %swap3A_680 = arith.constant 96 : index
        %swap3A_681 = tpu.vector_load %arg15[%swap3A_679, %swap3A_680] {strides = array<i32>} : memref<40x128xf32, #tpu.memory_space<vmem>>, vector<16xf32>,
        tpu.vector_store %arg15[%swap3A_679, %swap3A_680], %mul3A_678 {strides = array<i32>} : memref<40x128xf32, #tpu.memory_space<vmem>>, vector<16xf32>,
        %get3A_682 = arith.index_cast %add3A_628 : i32 to index
        %get3A_683 = arith.constant 112 : index
        %get3A_684 = tpu.vector_load %arg15[%get3A_682, %get3A_683] {strides = array<i32>} : memref<40x128xf32, #tpu.memory_space<vmem>>, vector<16xf32>,
        %mul3A_685 = arith.mulf %get3A_684, %gather3A_632 : vector<16xf32>
        %swap3A_686 = arith.index_cast %add3A_628 : i32 to index
        %swap3A_687 = arith.constant 112 : index
        %swap3A_688 = tpu.vector_load %arg15[%swap3A_686, %swap3A_687] {strides = array<i32>} : memref<40x128xf32, #tpu.memory_space<vmem>>, vector<16xf32>,
        tpu.vector_store %arg15[%swap3A_686, %swap3A_687], %mul3A_685 {strides = array<i32>} : memref<40x128xf32, #tpu.memory_space<vmem>>, vector<16xf32>,
      }
      %scan3A_181 = arith.constant 10 : i32
      %dma_start3A_182 = arith.constant 1 : i32
      %dma_start3A_183 = arith.constant 40 : i32
      %dma_start3A_184 = tpu.memref_slice %arg10[%dma_start3A_183] : memref<200xi32, #tpu.memory_space<vmem>> -> memref<40xi32, #tpu.memory_space<vmem>>
      %dma_start3A_185 = arith.constant 0 : i32
      %dma_start3A_186 = arith.constant 0 : i32
      %dma_start3A_187 = tpu.memref_slice %arg7[%dma_start3A_185, %dma_start3A_186] : memref<10000x128xf32, #tpu.memory_space<vmem_shared>> -> memref<10000x128xf32, #tpu.memory_space<vmem_shared>>
      %dma_start3A_188 = tpu.memref_slice %arg20[%dma_start3A_182] : memref<5x!tpu.dma_semaphore, #tpu.memory_space<semaphore_mem>> -> memref<1x!tpu.dma_semaphore, #tpu.memory_space<semaphore_mem>>
      %dma_start3A_189 = tpu.memref_squeeze %dma_start3A_188 : memref<1x!tpu.dma_semaphore, #tpu.memory_space<semaphore_mem>> -> memref<!tpu.dma_semaphore, #tpu.memory_space<semaphore_mem>>
      tpu.enqueue_indirect_dma source(%arg15 : memref<40x128xf32, #tpu.memory_space<vmem>>) target(%dma_start3A_187 : memref<10000x128xf32, #tpu.memory_space<vmem_shared>>) offsets(%dma_start3A_184 : memref<40xi32, #tpu.memory_space<vmem>>) semaphore(%dma_start3A_189 : memref<!tpu.dma_semaphore, #tpu.memory_space<semaphore_mem>>) {add = true}
      %dma_wait3A_190 = arith.constant 2 : i32
      %dma_wait3A_191 = arith.constant 80 : i32
      %dma_wait3A_192 = tpu.memref_slice %arg8[%dma_wait3A_191] : memref<200xi32, #tpu.memory_space<vmem>> -> memref<40xi32, #tpu.memory_space<vmem>>
      %dma_wait3A_193 = arith.constant 0 : i32
      %dma_wait3A_194 = arith.constant 0 : i32
      %dma_wait3A_195 = tpu.memref_slice %arg2[%dma_wait3A_193, %dma_wait3A_194] : memref<10000x128xf32, #tpu.memory_space<hbm>> -> memref<10000x128xf32, #tpu.memory_space<hbm>>
      %dma_wait3A_196 = tpu.memref_slice %arg19[%dma_wait3A_190] : memref<5x!tpu.dma_semaphore, #tpu.memory_space<semaphore_mem>> -> memref<1x!tpu.dma_semaphore, #tpu.memory_space<semaphore_mem>>
      %dma_wait3A_197 = tpu.memref_squeeze %dma_wait3A_196 : memref<1x!tpu.dma_semaphore, #tpu.memory_space<semaphore_mem>> -> memref<!tpu.dma_semaphore, #tpu.memory_space<semaphore_mem>>
      tpu.wait_indirect_dma semaphore(%dma_wait3A_197 : memref<!tpu.dma_semaphore, #tpu.memory_space<semaphore_mem>>) src(%dma_wait3A_195 : memref<10000x128xf32, #tpu.memory_space<hbm>>) dst(%arg16 : memref<40x128xf32, #tpu.memory_space<vmem>>)
      %scan3A_198 = arith.constant 0 : i32
      %scan3A_199 = arith.constant 10 : i32
      %scan3A_200 = arith.addi %scan3A_198, %scan3A_199 : i32
      %scan3A_201 = arith.constant 1 : i32
      scf.for %scan3A_436 = %scan3A_198 to %scan3A_200 step %scan3A_201  : i32 {
        %mul3A_437 = arith.constant 4 : i32
        %mul3A_438 = arith.muli %scan3A_436, %mul3A_437 : i32
        %add3A_439 = arith.constant 0 : i32
        %add3A_440 = arith.addi %mul3A_438, %add3A_439 : i32
        %add3A_441 = arith.constant 80 : i32
        %add3A_442 = arith.addi %add3A_441, %add3A_440 : i32
        %broadcast_in_dim3A = vector.broadcast %add3A_442 : i32 to vector<16xi32>
        %gather3A = tpu.vector_load_idx %arg12[%broadcast_in_dim3A] : memref<208xf32, #tpu.memory_space<vmem>>[vector<16xi32>], vector<16xf32>,
        %get3A = arith.index_cast %add3A_440 : i32 to index
        %get3A_443 = arith.constant 0 : index
        %get3A_444 = tpu.vector_load %arg16[%get3A, %get3A_443] {strides = array<i32>} : memref<40x128xf32, #tpu.memory_space<vmem>>, vector<16xf32>,
        %mul3A_445 = arith.mulf %get3A_444, %gather3A : vector<16xf32>
        %swap3A = arith.index_cast %add3A_440 : i32 to index
        %swap3A_446 = arith.constant 0 : index
        %swap3A_447 = tpu.vector_load %arg16[%swap3A, %swap3A_446] {strides = array<i32>} : memref<40x128xf32, #tpu.memory_space<vmem>>, vector<16xf32>,
        tpu.vector_store %arg16[%swap3A, %swap3A_446], %mul3A_445 {strides = array<i32>} : memref<40x128xf32, #tpu.memory_space<vmem>>, vector<16xf32>,
        %get3A_448 = arith.index_cast %add3A_440 : i32 to index
        %get3A_449 = arith.constant 16 : index
        %get3A_450 = tpu.vector_load %arg16[%get3A_448, %get3A_449] {strides = array<i32>} : memref<40x128xf32, #tpu.memory_space<vmem>>, vector<16xf32>,
        %mul3A_451 = arith.mulf %get3A_450, %gather3A : vector<16xf32>
        %swap3A_452 = arith.index_cast %add3A_440 : i32 to index
        %swap3A_453 = arith.constant 16 : index
        %swap3A_454 = tpu.vector_load %arg16[%swap3A_452, %swap3A_453] {strides = array<i32>} : memref<40x128xf32, #tpu.memory_space<vmem>>, vector<16xf32>,
        tpu.vector_store %arg16[%swap3A_452, %swap3A_453], %mul3A_451 {strides = array<i32>} : memref<40x128xf32, #tpu.memory_space<vmem>>, vector<16xf32>,
        %get3A_455 = arith.index_cast %add3A_440 : i32 to index
        %get3A_456 = arith.constant 32 : index
        %get3A_457 = tpu.vector_load %arg16[%get3A_455, %get3A_456] {strides = array<i32>} : memref<40x128xf32, #tpu.memory_space<vmem>>, vector<16xf32>,
        %mul3A_458 = arith.mulf %get3A_457, %gather3A : vector<16xf32>
        %swap3A_459 = arith.index_cast %add3A_440 : i32 to index
        %swap3A_460 = arith.constant 32 : index
        %swap3A_461 = tpu.vector_load %arg16[%swap3A_459, %swap3A_460] {strides = array<i32>} : memref<40x128xf32, #tpu.memory_space<vmem>>, vector<16xf32>,
        tpu.vector_store %arg16[%swap3A_459, %swap3A_460], %mul3A_458 {strides = array<i32>} : memref<40x128xf32, #tpu.memory_space<vmem>>, vector<16xf32>,
        %get3A_462 = arith.index_cast %add3A_440 : i32 to index
        %get3A_463 = arith.constant 48 : index
        %get3A_464 = tpu.vector_load %arg16[%get3A_462, %get3A_463] {strides = array<i32>} : memref<40x128xf32, #tpu.memory_space<vmem>>, vector<16xf32>,
        %mul3A_465 = arith.mulf %get3A_464, %gather3A : vector<16xf32>
        %swap3A_466 = arith.index_cast %add3A_440 : i32 to index
        %swap3A_467 = arith.constant 48 : index
        %swap3A_468 = tpu.vector_load %arg16[%swap3A_466, %swap3A_467] {strides = array<i32>} : memref<40x128xf32, #tpu.memory_space<vmem>>, vector<16xf32>,
        tpu.vector_store %arg16[%swap3A_466, %swap3A_467], %mul3A_465 {strides = array<i32>} : memref<40x128xf32, #tpu.memory_space<vmem>>, vector<16xf32>,
        %get3A_469 = arith.index_cast %add3A_440 : i32 to index
        %get3A_470 = arith.constant 64 : index
        %get3A_471 = tpu.vector_load %arg16[%get3A_469, %get3A_470] {strides = array<i32>} : memref<40x128xf32, #tpu.memory_space<vmem>>, vector<16xf32>,
        %mul3A_472 = arith.mulf %get3A_471, %gather3A : vector<16xf32>
        %swap3A_473 = arith.index_cast %add3A_440 : i32 to index
        %swap3A_474 = arith.constant 64 : index
        %swap3A_475 = tpu.vector_load %arg16[%swap3A_473, %swap3A_474] {strides = array<i32>} : memref<40x128xf32, #tpu.memory_space<vmem>>, vector<16xf32>,
        tpu.vector_store %arg16[%swap3A_473, %swap3A_474], %mul3A_472 {strides = array<i32>} : memref<40x128xf32, #tpu.memory_space<vmem>>, vector<16xf32>,
        %get3A_476 = arith.index_cast %add3A_440 : i32 to index
        %get3A_477 = arith.constant 80 : index
        %get3A_478 = tpu.vector_load %arg16[%get3A_476, %get3A_477] {strides = array<i32>} : memref<40x128xf32, #tpu.memory_space<vmem>>, vector<16xf32>,
        %mul3A_479 = arith.mulf %get3A_478, %gather3A : vector<16xf32>
        %swap3A_480 = arith.index_cast %add3A_440 : i32 to index
        %swap3A_481 = arith.constant 80 : index
        %swap3A_482 = tpu.vector_load %arg16[%swap3A_480, %swap3A_481] {strides = array<i32>} : memref<40x128xf32, #tpu.memory_space<vmem>>, vector<16xf32>,
        tpu.vector_store %arg16[%swap3A_480, %swap3A_481], %mul3A_479 {strides = array<i32>} : memref<40x128xf32, #tpu.memory_space<vmem>>, vector<16xf32>,
        %get3A_483 = arith.index_cast %add3A_440 : i32 to index
        %get3A_484 = arith.constant 96 : index
        %get3A_485 = tpu.vector_load %arg16[%get3A_483, %get3A_484] {strides = array<i32>} : memref<40x128xf32, #tpu.memory_space<vmem>>, vector<16xf32>,
        %mul3A_486 = arith.mulf %get3A_485, %gather3A : vector<16xf32>
        %swap3A_487 = arith.index_cast %add3A_440 : i32 to index
        %swap3A_488 = arith.constant 96 : index
        %swap3A_489 = tpu.vector_load %arg16[%swap3A_487, %swap3A_488] {strides = array<i32>} : memref<40x128xf32, #tpu.memory_space<vmem>>, vector<16xf32>,
        tpu.vector_store %arg16[%swap3A_487, %swap3A_488], %mul3A_486 {strides = array<i32>} : memref<40x128xf32, #tpu.memory_space<vmem>>, vector<16xf32>,
        %get3A_490 = arith.index_cast %add3A_440 : i32 to index
        %get3A_491 = arith.constant 112 : index
        %get3A_492 = tpu.vector_load %arg16[%get3A_490, %get3A_491] {strides = array<i32>} : memref<40x128xf32, #tpu.memory_space<vmem>>, vector<16xf32>,
        %mul3A_493 = arith.mulf %get3A_492, %gather3A : vector<16xf32>
        %swap3A_494 = arith.index_cast %add3A_440 : i32 to index
        %swap3A_495 = arith.constant 112 : index
        %swap3A_496 = tpu.vector_load %arg16[%swap3A_494, %swap3A_495] {strides = array<i32>} : memref<40x128xf32, #tpu.memory_space<vmem>>, vector<16xf32>,
        tpu.vector_store %arg16[%swap3A_494, %swap3A_495], %mul3A_493 {strides = array<i32>} : memref<40x128xf32, #tpu.memory_space<vmem>>, vector<16xf32>,
        %mul3A_497 = arith.constant 4 : i32
        %mul3A_498 = arith.muli %scan3A_436, %mul3A_497 : i32
        %add3A_499 = arith.constant 1 : i32
        %add3A_500 = arith.addi %mul3A_498, %add3A_499 : i32
        %add3A_501 = arith.constant 80 : i32
        %add3A_502 = arith.addi %add3A_501, %add3A_500 : i32
        %broadcast_in_dim3A_503 = vector.broadcast %add3A_502 : i32 to vector<16xi32>
        %gather3A_504 = tpu.vector_load_idx %arg12[%broadcast_in_dim3A_503] : memref<208xf32, #tpu.memory_space<vmem>>[vector<16xi32>], vector<16xf32>,
        %get3A_505 = arith.index_cast %add3A_500 : i32 to index
        %get3A_506 = arith.constant 0 : index
        %get3A_507 = tpu.vector_load %arg16[%get3A_505, %get3A_506] {strides = array<i32>} : memref<40x128xf32, #tpu.memory_space<vmem>>, vector<16xf32>,
        %mul3A_508 = arith.mulf %get3A_507, %gather3A_504 : vector<16xf32>
        %swap3A_509 = arith.index_cast %add3A_500 : i32 to index
        %swap3A_510 = arith.constant 0 : index
        %swap3A_511 = tpu.vector_load %arg16[%swap3A_509, %swap3A_510] {strides = array<i32>} : memref<40x128xf32, #tpu.memory_space<vmem>>, vector<16xf32>,
        tpu.vector_store %arg16[%swap3A_509, %swap3A_510], %mul3A_508 {strides = array<i32>} : memref<40x128xf32, #tpu.memory_space<vmem>>, vector<16xf32>,
        %get3A_512 = arith.index_cast %add3A_500 : i32 to index
        %get3A_513 = arith.constant 16 : index
        %get3A_514 = tpu.vector_load %arg16[%get3A_512, %get3A_513] {strides = array<i32>} : memref<40x128xf32, #tpu.memory_space<vmem>>, vector<16xf32>,
        %mul3A_515 = arith.mulf %get3A_514, %gather3A_504 : vector<16xf32>
        %swap3A_516 = arith.index_cast %add3A_500 : i32 to index
        %swap3A_517 = arith.constant 16 : index
        %swap3A_518 = tpu.vector_load %arg16[%swap3A_516, %swap3A_517] {strides = array<i32>} : memref<40x128xf32, #tpu.memory_space<vmem>>, vector<16xf32>,
        tpu.vector_store %arg16[%swap3A_516, %swap3A_517], %mul3A_515 {strides = array<i32>} : memref<40x128xf32, #tpu.memory_space<vmem>>, vector<16xf32>,
        %get3A_519 = arith.index_cast %add3A_500 : i32 to index
        %get3A_520 = arith.constant 32 : index
        %get3A_521 = tpu.vector_load %arg16[%get3A_519, %get3A_520] {strides = array<i32>} : memref<40x128xf32, #tpu.memory_space<vmem>>, vector<16xf32>,
        %mul3A_522 = arith.mulf %get3A_521, %gather3A_504 : vector<16xf32>
        %swap3A_523 = arith.index_cast %add3A_500 : i32 to index
        %swap3A_524 = arith.constant 32 : index
        %swap3A_525 = tpu.vector_load %arg16[%swap3A_523, %swap3A_524] {strides = array<i32>} : memref<40x128xf32, #tpu.memory_space<vmem>>, vector<16xf32>,
        tpu.vector_store %arg16[%swap3A_523, %swap3A_524], %mul3A_522 {strides = array<i32>} : memref<40x128xf32, #tpu.memory_space<vmem>>, vector<16xf32>,
        %get3A_526 = arith.index_cast %add3A_500 : i32 to index
        %get3A_527 = arith.constant 48 : index
        %get3A_528 = tpu.vector_load %arg16[%get3A_526, %get3A_527] {strides = array<i32>} : memref<40x128xf32, #tpu.memory_space<vmem>>, vector<16xf32>,
        %mul3A_529 = arith.mulf %get3A_528, %gather3A_504 : vector<16xf32>
        %swap3A_530 = arith.index_cast %add3A_500 : i32 to index
        %swap3A_531 = arith.constant 48 : index
        %swap3A_532 = tpu.vector_load %arg16[%swap3A_530, %swap3A_531] {strides = array<i32>} : memref<40x128xf32, #tpu.memory_space<vmem>>, vector<16xf32>,
        tpu.vector_store %arg16[%swap3A_530, %swap3A_531], %mul3A_529 {strides = array<i32>} : memref<40x128xf32, #tpu.memory_space<vmem>>, vector<16xf32>,
        %get3A_533 = arith.index_cast %add3A_500 : i32 to index
        %get3A_534 = arith.constant 64 : index
        %get3A_535 = tpu.vector_load %arg16[%get3A_533, %get3A_534] {strides = array<i32>} : memref<40x128xf32, #tpu.memory_space<vmem>>, vector<16xf32>,
        %mul3A_536 = arith.mulf %get3A_535, %gather3A_504 : vector<16xf32>
        %swap3A_537 = arith.index_cast %add3A_500 : i32 to index
        %swap3A_538 = arith.constant 64 : index
        %swap3A_539 = tpu.vector_load %arg16[%swap3A_537, %swap3A_538] {strides = array<i32>} : memref<40x128xf32, #tpu.memory_space<vmem>>, vector<16xf32>,
        tpu.vector_store %arg16[%swap3A_537, %swap3A_538], %mul3A_536 {strides = array<i32>} : memref<40x128xf32, #tpu.memory_space<vmem>>, vector<16xf32>,
        %get3A_540 = arith.index_cast %add3A_500 : i32 to index
        %get3A_541 = arith.constant 80 : index
        %get3A_542 = tpu.vector_load %arg16[%get3A_540, %get3A_541] {strides = array<i32>} : memref<40x128xf32, #tpu.memory_space<vmem>>, vector<16xf32>,
        %mul3A_543 = arith.mulf %get3A_542, %gather3A_504 : vector<16xf32>
        %swap3A_544 = arith.index_cast %add3A_500 : i32 to index
        %swap3A_545 = arith.constant 80 : index
        %swap3A_546 = tpu.vector_load %arg16[%swap3A_544, %swap3A_545] {strides = array<i32>} : memref<40x128xf32, #tpu.memory_space<vmem>>, vector<16xf32>,
        tpu.vector_store %arg16[%swap3A_544, %swap3A_545], %mul3A_543 {strides = array<i32>} : memref<40x128xf32, #tpu.memory_space<vmem>>, vector<16xf32>,
        %get3A_547 = arith.index_cast %add3A_500 : i32 to index
        %get3A_548 = arith.constant 96 : index
        %get3A_549 = tpu.vector_load %arg16[%get3A_547, %get3A_548] {strides = array<i32>} : memref<40x128xf32, #tpu.memory_space<vmem>>, vector<16xf32>,
        %mul3A_550 = arith.mulf %get3A_549, %gather3A_504 : vector<16xf32>
        %swap3A_551 = arith.index_cast %add3A_500 : i32 to index
        %swap3A_552 = arith.constant 96 : index
        %swap3A_553 = tpu.vector_load %arg16[%swap3A_551, %swap3A_552] {strides = array<i32>} : memref<40x128xf32, #tpu.memory_space<vmem>>, vector<16xf32>,
        tpu.vector_store %arg16[%swap3A_551, %swap3A_552], %mul3A_550 {strides = array<i32>} : memref<40x128xf32, #tpu.memory_space<vmem>>, vector<16xf32>,
        %get3A_554 = arith.index_cast %add3A_500 : i32 to index
        %get3A_555 = arith.constant 112 : index
        %get3A_556 = tpu.vector_load %arg16[%get3A_554, %get3A_555] {strides = array<i32>} : memref<40x128xf32, #tpu.memory_space<vmem>>, vector<16xf32>,
        %mul3A_557 = arith.mulf %get3A_556, %gather3A_504 : vector<16xf32>
        %swap3A_558 = arith.index_cast %add3A_500 : i32 to index
        %swap3A_559 = arith.constant 112 : index
        %swap3A_560 = tpu.vector_load %arg16[%swap3A_558, %swap3A_559] {strides = array<i32>} : memref<40x128xf32, #tpu.memory_space<vmem>>, vector<16xf32>,
        tpu.vector_store %arg16[%swap3A_558, %swap3A_559], %mul3A_557 {strides = array<i32>} : memref<40x128xf32, #tpu.memory_space<vmem>>, vector<16xf32>,
        %mul3A_561 = arith.constant 4 : i32
        %mul3A_562 = arith.muli %scan3A_436, %mul3A_561 : i32
        %add3A_563 = arith.constant 2 : i32
        %add3A_564 = arith.addi %mul3A_562, %add3A_563 : i32
        %add3A_565 = arith.constant 80 : i32
        %add3A_566 = arith.addi %add3A_565, %add3A_564 : i32
        %broadcast_in_dim3A_567 = vector.broadcast %add3A_566 : i32 to vector<16xi32>
        %gather3A_568 = tpu.vector_load_idx %arg12[%broadcast_in_dim3A_567] : memref<208xf32, #tpu.memory_space<vmem>>[vector<16xi32>], vector<16xf32>,
        %get3A_569 = arith.index_cast %add3A_564 : i32 to index
        %get3A_570 = arith.constant 0 : index
        %get3A_571 = tpu.vector_load %arg16[%get3A_569, %get3A_570] {strides = array<i32>} : memref<40x128xf32, #tpu.memory_space<vmem>>, vector<16xf32>,
        %mul3A_572 = arith.mulf %get3A_571, %gather3A_568 : vector<16xf32>
        %swap3A_573 = arith.index_cast %add3A_564 : i32 to index
        %swap3A_574 = arith.constant 0 : index
        %swap3A_575 = tpu.vector_load %arg16[%swap3A_573, %swap3A_574] {strides = array<i32>} : memref<40x128xf32, #tpu.memory_space<vmem>>, vector<16xf32>,
        tpu.vector_store %arg16[%swap3A_573, %swap3A_574], %mul3A_572 {strides = array<i32>} : memref<40x128xf32, #tpu.memory_space<vmem>>, vector<16xf32>,
        %get3A_576 = arith.index_cast %add3A_564 : i32 to index
        %get3A_577 = arith.constant 16 : index
        %get3A_578 = tpu.vector_load %arg16[%get3A_576, %get3A_577] {strides = array<i32>} : memref<40x128xf32, #tpu.memory_space<vmem>>, vector<16xf32>,
        %mul3A_579 = arith.mulf %get3A_578, %gather3A_568 : vector<16xf32>
        %swap3A_580 = arith.index_cast %add3A_564 : i32 to index
        %swap3A_581 = arith.constant 16 : index
        %swap3A_582 = tpu.vector_load %arg16[%swap3A_580, %swap3A_581] {strides = array<i32>} : memref<40x128xf32, #tpu.memory_space<vmem>>, vector<16xf32>,
        tpu.vector_store %arg16[%swap3A_580, %swap3A_581], %mul3A_579 {strides = array<i32>} : memref<40x128xf32, #tpu.memory_space<vmem>>, vector<16xf32>,
        %get3A_583 = arith.index_cast %add3A_564 : i32 to index
        %get3A_584 = arith.constant 32 : index
        %get3A_585 = tpu.vector_load %arg16[%get3A_583, %get3A_584] {strides = array<i32>} : memref<40x128xf32, #tpu.memory_space<vmem>>, vector<16xf32>,
        %mul3A_586 = arith.mulf %get3A_585, %gather3A_568 : vector<16xf32>
        %swap3A_587 = arith.index_cast %add3A_564 : i32 to index
        %swap3A_588 = arith.constant 32 : index
        %swap3A_589 = tpu.vector_load %arg16[%swap3A_587, %swap3A_588] {strides = array<i32>} : memref<40x128xf32, #tpu.memory_space<vmem>>, vector<16xf32>,
        tpu.vector_store %arg16[%swap3A_587, %swap3A_588], %mul3A_586 {strides = array<i32>} : memref<40x128xf32, #tpu.memory_space<vmem>>, vector<16xf32>,
        %get3A_590 = arith.index_cast %add3A_564 : i32 to index
        %get3A_591 = arith.constant 48 : index
        %get3A_592 = tpu.vector_load %arg16[%get3A_590, %get3A_591] {strides = array<i32>} : memref<40x128xf32, #tpu.memory_space<vmem>>, vector<16xf32>,
        %mul3A_593 = arith.mulf %get3A_592, %gather3A_568 : vector<16xf32>
        %swap3A_594 = arith.index_cast %add3A_564 : i32 to index
        %swap3A_595 = arith.constant 48 : index
        %swap3A_596 = tpu.vector_load %arg16[%swap3A_594, %swap3A_595] {strides = array<i32>} : memref<40x128xf32, #tpu.memory_space<vmem>>, vector<16xf32>,
        tpu.vector_store %arg16[%swap3A_594, %swap3A_595], %mul3A_593 {strides = array<i32>} : memref<40x128xf32, #tpu.memory_space<vmem>>, vector<16xf32>,
        %get3A_597 = arith.index_cast %add3A_564 : i32 to index
        %get3A_598 = arith.constant 64 : index
        %get3A_599 = tpu.vector_load %arg16[%get3A_597, %get3A_598] {strides = array<i32>} : memref<40x128xf32, #tpu.memory_space<vmem>>, vector<16xf32>,
        %mul3A_600 = arith.mulf %get3A_599, %gather3A_568 : vector<16xf32>
        %swap3A_601 = arith.index_cast %add3A_564 : i32 to index
        %swap3A_602 = arith.constant 64 : index
        %swap3A_603 = tpu.vector_load %arg16[%swap3A_601, %swap3A_602] {strides = array<i32>} : memref<40x128xf32, #tpu.memory_space<vmem>>, vector<16xf32>,
        tpu.vector_store %arg16[%swap3A_601, %swap3A_602], %mul3A_600 {strides = array<i32>} : memref<40x128xf32, #tpu.memory_space<vmem>>, vector<16xf32>,
        %get3A_604 = arith.index_cast %add3A_564 : i32 to index
        %get3A_605 = arith.constant 80 : index
        %get3A_606 = tpu.vector_load %arg16[%get3A_604, %get3A_605] {strides = array<i32>} : memref<40x128xf32, #tpu.memory_space<vmem>>, vector<16xf32>,
        %mul3A_607 = arith.mulf %get3A_606, %gather3A_568 : vector<16xf32>
        %swap3A_608 = arith.index_cast %add3A_564 : i32 to index
        %swap3A_609 = arith.constant 80 : index
        %swap3A_610 = tpu.vector_load %arg16[%swap3A_608, %swap3A_609] {strides = array<i32>} : memref<40x128xf32, #tpu.memory_space<vmem>>, vector<16xf32>,
        tpu.vector_store %arg16[%swap3A_608, %swap3A_609], %mul3A_607 {strides = array<i32>} : memref<40x128xf32, #tpu.memory_space<vmem>>, vector<16xf32>,
        %get3A_611 = arith.index_cast %add3A_564 : i32 to index
        %get3A_612 = arith.constant 96 : index
        %get3A_613 = tpu.vector_load %arg16[%get3A_611, %get3A_612] {strides = array<i32>} : memref<40x128xf32, #tpu.memory_space<vmem>>, vector<16xf32>,
        %mul3A_614 = arith.mulf %get3A_613, %gather3A_568 : vector<16xf32>
        %swap3A_615 = arith.index_cast %add3A_564 : i32 to index
        %swap3A_616 = arith.constant 96 : index
        %swap3A_617 = tpu.vector_load %arg16[%swap3A_615, %swap3A_616] {strides = array<i32>} : memref<40x128xf32, #tpu.memory_space<vmem>>, vector<16xf32>,
        tpu.vector_store %arg16[%swap3A_615, %swap3A_616], %mul3A_614 {strides = array<i32>} : memref<40x128xf32, #tpu.memory_space<vmem>>, vector<16xf32>,
        %get3A_618 = arith.index_cast %add3A_564 : i32 to index
        %get3A_619 = arith.constant 112 : index
        %get3A_620 = tpu.vector_load %arg16[%get3A_618, %get3A_619] {strides = array<i32>} : memref<40x128xf32, #tpu.memory_space<vmem>>, vector<16xf32>,
        %mul3A_621 = arith.mulf %get3A_620, %gather3A_568 : vector<16xf32>
        %swap3A_622 = arith.index_cast %add3A_564 : i32 to index
        %swap3A_623 = arith.constant 112 : index
        %swap3A_624 = tpu.vector_load %arg16[%swap3A_622, %swap3A_623] {strides = array<i32>} : memref<40x128xf32, #tpu.memory_space<vmem>>, vector<16xf32>,
        tpu.vector_store %arg16[%swap3A_622, %swap3A_623], %mul3A_621 {strides = array<i32>} : memref<40x128xf32, #tpu.memory_space<vmem>>, vector<16xf32>,
        %mul3A_625 = arith.constant 4 : i32
        %mul3A_626 = arith.muli %scan3A_436, %mul3A_625 : i32
        %add3A_627 = arith.constant 3 : i32
        %add3A_628 = arith.addi %mul3A_626, %add3A_627 : i32
        %add3A_629 = arith.constant 80 : i32
        %add3A_630 = arith.addi %add3A_629, %add3A_628 : i32
        %broadcast_in_dim3A_631 = vector.broadcast %add3A_630 : i32 to vector<16xi32>
        %gather3A_632 = tpu.vector_load_idx %arg12[%broadcast_in_dim3A_631] : memref<208xf32, #tpu.memory_space<vmem>>[vector<16xi32>], vector<16xf32>,
        %get3A_633 = arith.index_cast %add3A_628 : i32 to index
        %get3A_634 = arith.constant 0 : index
        %get3A_635 = tpu.vector_load %arg16[%get3A_633, %get3A_634] {strides = array<i32>} : memref<40x128xf32, #tpu.memory_space<vmem>>, vector<16xf32>,
        %mul3A_636 = arith.mulf %get3A_635, %gather3A_632 : vector<16xf32>
        %swap3A_637 = arith.index_cast %add3A_628 : i32 to index
        %swap3A_638 = arith.constant 0 : index
        %swap3A_639 = tpu.vector_load %arg16[%swap3A_637, %swap3A_638] {strides = array<i32>} : memref<40x128xf32, #tpu.memory_space<vmem>>, vector<16xf32>,
        tpu.vector_store %arg16[%swap3A_637, %swap3A_638], %mul3A_636 {strides = array<i32>} : memref<40x128xf32, #tpu.memory_space<vmem>>, vector<16xf32>,
        %get3A_640 = arith.index_cast %add3A_628 : i32 to index
        %get3A_641 = arith.constant 16 : index
        %get3A_642 = tpu.vector_load %arg16[%get3A_640, %get3A_641] {strides = array<i32>} : memref<40x128xf32, #tpu.memory_space<vmem>>, vector<16xf32>,
        %mul3A_643 = arith.mulf %get3A_642, %gather3A_632 : vector<16xf32>
        %swap3A_644 = arith.index_cast %add3A_628 : i32 to index
        %swap3A_645 = arith.constant 16 : index
        %swap3A_646 = tpu.vector_load %arg16[%swap3A_644, %swap3A_645] {strides = array<i32>} : memref<40x128xf32, #tpu.memory_space<vmem>>, vector<16xf32>,
        tpu.vector_store %arg16[%swap3A_644, %swap3A_645], %mul3A_643 {strides = array<i32>} : memref<40x128xf32, #tpu.memory_space<vmem>>, vector<16xf32>,
        %get3A_647 = arith.index_cast %add3A_628 : i32 to index
        %get3A_648 = arith.constant 32 : index
        %get3A_649 = tpu.vector_load %arg16[%get3A_647, %get3A_648] {strides = array<i32>} : memref<40x128xf32, #tpu.memory_space<vmem>>, vector<16xf32>,
        %mul3A_650 = arith.mulf %get3A_649, %gather3A_632 : vector<16xf32>
        %swap3A_651 = arith.index_cast %add3A_628 : i32 to index
        %swap3A_652 = arith.constant 32 : index
        %swap3A_653 = tpu.vector_load %arg16[%swap3A_651, %swap3A_652] {strides = array<i32>} : memref<40x128xf32, #tpu.memory_space<vmem>>, vector<16xf32>,
        tpu.vector_store %arg16[%swap3A_651, %swap3A_652], %mul3A_650 {strides = array<i32>} : memref<40x128xf32, #tpu.memory_space<vmem>>, vector<16xf32>,
        %get3A_654 = arith.index_cast %add3A_628 : i32 to index
        %get3A_655 = arith.constant 48 : index
        %get3A_656 = tpu.vector_load %arg16[%get3A_654, %get3A_655] {strides = array<i32>} : memref<40x128xf32, #tpu.memory_space<vmem>>, vector<16xf32>,
        %mul3A_657 = arith.mulf %get3A_656, %gather3A_632 : vector<16xf32>
        %swap3A_658 = arith.index_cast %add3A_628 : i32 to index
        %swap3A_659 = arith.constant 48 : index
        %swap3A_660 = tpu.vector_load %arg16[%swap3A_658, %swap3A_659] {strides = array<i32>} : memref<40x128xf32, #tpu.memory_space<vmem>>, vector<16xf32>,
        tpu.vector_store %arg16[%swap3A_658, %swap3A_659], %mul3A_657 {strides = array<i32>} : memref<40x128xf32, #tpu.memory_space<vmem>>, vector<16xf32>,
        %get3A_661 = arith.index_cast %add3A_628 : i32 to index
        %get3A_662 = arith.constant 64 : index
        %get3A_663 = tpu.vector_load %arg16[%get3A_661, %get3A_662] {strides = array<i32>} : memref<40x128xf32, #tpu.memory_space<vmem>>, vector<16xf32>,
        %mul3A_664 = arith.mulf %get3A_663, %gather3A_632 : vector<16xf32>
        %swap3A_665 = arith.index_cast %add3A_628 : i32 to index
        %swap3A_666 = arith.constant 64 : index
        %swap3A_667 = tpu.vector_load %arg16[%swap3A_665, %swap3A_666] {strides = array<i32>} : memref<40x128xf32, #tpu.memory_space<vmem>>, vector<16xf32>,
        tpu.vector_store %arg16[%swap3A_665, %swap3A_666], %mul3A_664 {strides = array<i32>} : memref<40x128xf32, #tpu.memory_space<vmem>>, vector<16xf32>,
        %get3A_668 = arith.index_cast %add3A_628 : i32 to index
        %get3A_669 = arith.constant 80 : index
        %get3A_670 = tpu.vector_load %arg16[%get3A_668, %get3A_669] {strides = array<i32>} : memref<40x128xf32, #tpu.memory_space<vmem>>, vector<16xf32>,
        %mul3A_671 = arith.mulf %get3A_670, %gather3A_632 : vector<16xf32>
        %swap3A_672 = arith.index_cast %add3A_628 : i32 to index
        %swap3A_673 = arith.constant 80 : index
        %swap3A_674 = tpu.vector_load %arg16[%swap3A_672, %swap3A_673] {strides = array<i32>} : memref<40x128xf32, #tpu.memory_space<vmem>>, vector<16xf32>,
        tpu.vector_store %arg16[%swap3A_672, %swap3A_673], %mul3A_671 {strides = array<i32>} : memref<40x128xf32, #tpu.memory_space<vmem>>, vector<16xf32>,
        %get3A_675 = arith.index_cast %add3A_628 : i32 to index
        %get3A_676 = arith.constant 96 : index
        %get3A_677 = tpu.vector_load %arg16[%get3A_675, %get3A_676] {strides = array<i32>} : memref<40x128xf32, #tpu.memory_space<vmem>>, vector<16xf32>,
        %mul3A_678 = arith.mulf %get3A_677, %gather3A_632 : vector<16xf32>
        %swap3A_679 = arith.index_cast %add3A_628 : i32 to index
        %swap3A_680 = arith.constant 96 : index
        %swap3A_681 = tpu.vector_load %arg16[%swap3A_679, %swap3A_680] {strides = array<i32>} : memref<40x128xf32, #tpu.memory_space<vmem>>, vector<16xf32>,
        tpu.vector_store %arg16[%swap3A_679, %swap3A_680], %mul3A_678 {strides = array<i32>} : memref<40x128xf32, #tpu.memory_space<vmem>>, vector<16xf32>,
        %get3A_682 = arith.index_cast %add3A_628 : i32 to index
        %get3A_683 = arith.constant 112 : index
        %get3A_684 = tpu.vector_load %arg16[%get3A_682, %get3A_683] {strides = array<i32>} : memref<40x128xf32, #tpu.memory_space<vmem>>, vector<16xf32>,
        %mul3A_685 = arith.mulf %get3A_684, %gather3A_632 : vector<16xf32>
        %swap3A_686 = arith.index_cast %add3A_628 : i32 to index
        %swap3A_687 = arith.constant 112 : index
        %swap3A_688 = tpu.vector_load %arg16[%swap3A_686, %swap3A_687] {strides = array<i32>} : memref<40x128xf32, #tpu.memory_space<vmem>>, vector<16xf32>,
        tpu.vector_store %arg16[%swap3A_686, %swap3A_687], %mul3A_685 {strides = array<i32>} : memref<40x128xf32, #tpu.memory_space<vmem>>, vector<16xf32>,
      }
      %scan3A_202 = arith.constant 10 : i32
      %dma_start3A_203 = arith.constant 2 : i32
      %dma_start3A_204 = arith.constant 80 : i32
      %dma_start3A_205 = tpu.memref_slice %arg10[%dma_start3A_204] : memref<200xi32, #tpu.memory_space<vmem>> -> memref<40xi32, #tpu.memory_space<vmem>>
      %dma_start3A_206 = arith.constant 0 : i32
      %dma_start3A_207 = arith.constant 0 : i32
      %dma_start3A_208 = tpu.memref_slice %arg7[%dma_start3A_206, %dma_start3A_207] : memref<10000x128xf32, #tpu.memory_space<vmem_shared>> -> memref<10000x128xf32, #tpu.memory_space<vmem_shared>>
      %dma_start3A_209 = tpu.memref_slice %arg20[%dma_start3A_203] : memref<5x!tpu.dma_semaphore, #tpu.memory_space<semaphore_mem>> -> memref<1x!tpu.dma_semaphore, #tpu.memory_space<semaphore_mem>>
      %dma_start3A_210 = tpu.memref_squeeze %dma_start3A_209 : memref<1x!tpu.dma_semaphore, #tpu.memory_space<semaphore_mem>> -> memref<!tpu.dma_semaphore, #tpu.memory_space<semaphore_mem>>
      tpu.enqueue_indirect_dma source(%arg16 : memref<40x128xf32, #tpu.memory_space<vmem>>) target(%dma_start3A_208 : memref<10000x128xf32, #tpu.memory_space<vmem_shared>>) offsets(%dma_start3A_205 : memref<40xi32, #tpu.memory_space<vmem>>) semaphore(%dma_start3A_210 : memref<!tpu.dma_semaphore, #tpu.memory_space<semaphore_mem>>) {add = true}
      %dma_wait3A_211 = arith.constant 3 : i32
      %dma_wait3A_212 = arith.constant 120 : i32
      %dma_wait3A_213 = tpu.memref_slice %arg8[%dma_wait3A_212] : memref<200xi32, #tpu.memory_space<vmem>> -> memref<40xi32, #tpu.memory_space<vmem>>
      %dma_wait3A_214 = arith.constant 0 : i32
      %dma_wait3A_215 = arith.constant 0 : i32
      %dma_wait3A_216 = tpu.memref_slice %arg2[%dma_wait3A_214, %dma_wait3A_215] : memref<10000x128xf32, #tpu.memory_space<hbm>> -> memref<10000x128xf32, #tpu.memory_space<hbm>>
      %dma_wait3A_217 = tpu.memref_slice %arg19[%dma_wait3A_211] : memref<5x!tpu.dma_semaphore, #tpu.memory_space<semaphore_mem>> -> memref<1x!tpu.dma_semaphore, #tpu.memory_space<semaphore_mem>>
      %dma_wait3A_218 = tpu.memref_squeeze %dma_wait3A_217 : memref<1x!tpu.dma_semaphore, #tpu.memory_space<semaphore_mem>> -> memref<!tpu.dma_semaphore, #tpu.memory_space<semaphore_mem>>
      tpu.wait_indirect_dma semaphore(%dma_wait3A_218 : memref<!tpu.dma_semaphore, #tpu.memory_space<semaphore_mem>>) src(%dma_wait3A_216 : memref<10000x128xf32, #tpu.memory_space<hbm>>) dst(%arg17 : memref<40x128xf32, #tpu.memory_space<vmem>>)
      %scan3A_219 = arith.constant 0 : i32
      %scan3A_220 = arith.constant 10 : i32
      %scan3A_221 = arith.addi %scan3A_219, %scan3A_220 : i32
      %scan3A_222 = arith.constant 1 : i32
      scf.for %scan3A_436 = %scan3A_219 to %scan3A_221 step %scan3A_222  : i32 {
        %mul3A_437 = arith.constant 4 : i32
        %mul3A_438 = arith.muli %scan3A_436, %mul3A_437 : i32
        %add3A_439 = arith.constant 0 : i32
        %add3A_440 = arith.addi %mul3A_438, %add3A_439 : i32
        %add3A_441 = arith.constant 120 : i32
        %add3A_442 = arith.addi %add3A_441, %add3A_440 : i32
        %broadcast_in_dim3A = vector.broadcast %add3A_442 : i32 to vector<16xi32>
        %gather3A = tpu.vector_load_idx %arg12[%broadcast_in_dim3A] : memref<208xf32, #tpu.memory_space<vmem>>[vector<16xi32>], vector<16xf32>,
        %get3A = arith.index_cast %add3A_440 : i32 to index
        %get3A_443 = arith.constant 0 : index
        %get3A_444 = tpu.vector_load %arg17[%get3A, %get3A_443] {strides = array<i32>} : memref<40x128xf32, #tpu.memory_space<vmem>>, vector<16xf32>,
        %mul3A_445 = arith.mulf %get3A_444, %gather3A : vector<16xf32>
        %swap3A = arith.index_cast %add3A_440 : i32 to index
        %swap3A_446 = arith.constant 0 : index
        %swap3A_447 = tpu.vector_load %arg17[%swap3A, %swap3A_446] {strides = array<i32>} : memref<40x128xf32, #tpu.memory_space<vmem>>, vector<16xf32>,
        tpu.vector_store %arg17[%swap3A, %swap3A_446], %mul3A_445 {strides = array<i32>} : memref<40x128xf32, #tpu.memory_space<vmem>>, vector<16xf32>,
        %get3A_448 = arith.index_cast %add3A_440 : i32 to index
        %get3A_449 = arith.constant 16 : index
        %get3A_450 = tpu.vector_load %arg17[%get3A_448, %get3A_449] {strides = array<i32>} : memref<40x128xf32, #tpu.memory_space<vmem>>, vector<16xf32>,
        %mul3A_451 = arith.mulf %get3A_450, %gather3A : vector<16xf32>
        %swap3A_452 = arith.index_cast %add3A_440 : i32 to index
        %swap3A_453 = arith.constant 16 : index
        %swap3A_454 = tpu.vector_load %arg17[%swap3A_452, %swap3A_453] {strides = array<i32>} : memref<40x128xf32, #tpu.memory_space<vmem>>, vector<16xf32>,
        tpu.vector_store %arg17[%swap3A_452, %swap3A_453], %mul3A_451 {strides = array<i32>} : memref<40x128xf32, #tpu.memory_space<vmem>>, vector<16xf32>,
        %get3A_455 = arith.index_cast %add3A_440 : i32 to index
        %get3A_456 = arith.constant 32 : index
        %get3A_457 = tpu.vector_load %arg17[%get3A_455, %get3A_456] {strides = array<i32>} : memref<40x128xf32, #tpu.memory_space<vmem>>, vector<16xf32>,
        %mul3A_458 = arith.mulf %get3A_457, %gather3A : vector<16xf32>
        %swap3A_459 = arith.index_cast %add3A_440 : i32 to index
        %swap3A_460 = arith.constant 32 : index
        %swap3A_461 = tpu.vector_load %arg17[%swap3A_459, %swap3A_460] {strides = array<i32>} : memref<40x128xf32, #tpu.memory_space<vmem>>, vector<16xf32>,
        tpu.vector_store %arg17[%swap3A_459, %swap3A_460], %mul3A_458 {strides = array<i32>} : memref<40x128xf32, #tpu.memory_space<vmem>>, vector<16xf32>,
        %get3A_462 = arith.index_cast %add3A_440 : i32 to index
        %get3A_463 = arith.constant 48 : index
        %get3A_464 = tpu.vector_load %arg17[%get3A_462, %get3A_463] {strides = array<i32>} : memref<40x128xf32, #tpu.memory_space<vmem>>, vector<16xf32>,
        %mul3A_465 = arith.mulf %get3A_464, %gather3A : vector<16xf32>
        %swap3A_466 = arith.index_cast %add3A_440 : i32 to index
        %swap3A_467 = arith.constant 48 : index
        %swap3A_468 = tpu.vector_load %arg17[%swap3A_466, %swap3A_467] {strides = array<i32>} : memref<40x128xf32, #tpu.memory_space<vmem>>, vector<16xf32>,
        tpu.vector_store %arg17[%swap3A_466, %swap3A_467], %mul3A_465 {strides = array<i32>} : memref<40x128xf32, #tpu.memory_space<vmem>>, vector<16xf32>,
        %get3A_469 = arith.index_cast %add3A_440 : i32 to index
        %get3A_470 = arith.constant 64 : index
        %get3A_471 = tpu.vector_load %arg17[%get3A_469, %get3A_470] {strides = array<i32>} : memref<40x128xf32, #tpu.memory_space<vmem>>, vector<16xf32>,
        %mul3A_472 = arith.mulf %get3A_471, %gather3A : vector<16xf32>
        %swap3A_473 = arith.index_cast %add3A_440 : i32 to index
        %swap3A_474 = arith.constant 64 : index
        %swap3A_475 = tpu.vector_load %arg17[%swap3A_473, %swap3A_474] {strides = array<i32>} : memref<40x128xf32, #tpu.memory_space<vmem>>, vector<16xf32>,
        tpu.vector_store %arg17[%swap3A_473, %swap3A_474], %mul3A_472 {strides = array<i32>} : memref<40x128xf32, #tpu.memory_space<vmem>>, vector<16xf32>,
        %get3A_476 = arith.index_cast %add3A_440 : i32 to index
        %get3A_477 = arith.constant 80 : index
        %get3A_478 = tpu.vector_load %arg17[%get3A_476, %get3A_477] {strides = array<i32>} : memref<40x128xf32, #tpu.memory_space<vmem>>, vector<16xf32>,
        %mul3A_479 = arith.mulf %get3A_478, %gather3A : vector<16xf32>
        %swap3A_480 = arith.index_cast %add3A_440 : i32 to index
        %swap3A_481 = arith.constant 80 : index
        %swap3A_482 = tpu.vector_load %arg17[%swap3A_480, %swap3A_481] {strides = array<i32>} : memref<40x128xf32, #tpu.memory_space<vmem>>, vector<16xf32>,
        tpu.vector_store %arg17[%swap3A_480, %swap3A_481], %mul3A_479 {strides = array<i32>} : memref<40x128xf32, #tpu.memory_space<vmem>>, vector<16xf32>,
        %get3A_483 = arith.index_cast %add3A_440 : i32 to index
        %get3A_484 = arith.constant 96 : index
        %get3A_485 = tpu.vector_load %arg17[%get3A_483, %get3A_484] {strides = array<i32>} : memref<40x128xf32, #tpu.memory_space<vmem>>, vector<16xf32>,
        %mul3A_486 = arith.mulf %get3A_485, %gather3A : vector<16xf32>
        %swap3A_487 = arith.index_cast %add3A_440 : i32 to index
        %swap3A_488 = arith.constant 96 : index
        %swap3A_489 = tpu.vector_load %arg17[%swap3A_487, %swap3A_488] {strides = array<i32>} : memref<40x128xf32, #tpu.memory_space<vmem>>, vector<16xf32>,
        tpu.vector_store %arg17[%swap3A_487, %swap3A_488], %mul3A_486 {strides = array<i32>} : memref<40x128xf32, #tpu.memory_space<vmem>>, vector<16xf32>,
        %get3A_490 = arith.index_cast %add3A_440 : i32 to index
        %get3A_491 = arith.constant 112 : index
        %get3A_492 = tpu.vector_load %arg17[%get3A_490, %get3A_491] {strides = array<i32>} : memref<40x128xf32, #tpu.memory_space<vmem>>, vector<16xf32>,
        %mul3A_493 = arith.mulf %get3A_492, %gather3A : vector<16xf32>
        %swap3A_494 = arith.index_cast %add3A_440 : i32 to index
        %swap3A_495 = arith.constant 112 : index
        %swap3A_496 = tpu.vector_load %arg17[%swap3A_494, %swap3A_495] {strides = array<i32>} : memref<40x128xf32, #tpu.memory_space<vmem>>, vector<16xf32>,
        tpu.vector_store %arg17[%swap3A_494, %swap3A_495], %mul3A_493 {strides = array<i32>} : memref<40x128xf32, #tpu.memory_space<vmem>>, vector<16xf32>,
        %mul3A_497 = arith.constant 4 : i32
        %mul3A_498 = arith.muli %scan3A_436, %mul3A_497 : i32
        %add3A_499 = arith.constant 1 : i32
        %add3A_500 = arith.addi %mul3A_498, %add3A_499 : i32
        %add3A_501 = arith.constant 120 : i32
        %add3A_502 = arith.addi %add3A_501, %add3A_500 : i32
        %broadcast_in_dim3A_503 = vector.broadcast %add3A_502 : i32 to vector<16xi32>
        %gather3A_504 = tpu.vector_load_idx %arg12[%broadcast_in_dim3A_503] : memref<208xf32, #tpu.memory_space<vmem>>[vector<16xi32>], vector<16xf32>,
        %get3A_505 = arith.index_cast %add3A_500 : i32 to index
        %get3A_506 = arith.constant 0 : index
        %get3A_507 = tpu.vector_load %arg17[%get3A_505, %get3A_506] {strides = array<i32>} : memref<40x128xf32, #tpu.memory_space<vmem>>, vector<16xf32>,
        %mul3A_508 = arith.mulf %get3A_507, %gather3A_504 : vector<16xf32>
        %swap3A_509 = arith.index_cast %add3A_500 : i32 to index
        %swap3A_510 = arith.constant 0 : index
        %swap3A_511 = tpu.vector_load %arg17[%swap3A_509, %swap3A_510] {strides = array<i32>} : memref<40x128xf32, #tpu.memory_space<vmem>>, vector<16xf32>,
        tpu.vector_store %arg17[%swap3A_509, %swap3A_510], %mul3A_508 {strides = array<i32>} : memref<40x128xf32, #tpu.memory_space<vmem>>, vector<16xf32>,
        %get3A_512 = arith.index_cast %add3A_500 : i32 to index
        %get3A_513 = arith.constant 16 : index
        %get3A_514 = tpu.vector_load %arg17[%get3A_512, %get3A_513] {strides = array<i32>} : memref<40x128xf32, #tpu.memory_space<vmem>>, vector<16xf32>,
        %mul3A_515 = arith.mulf %get3A_514, %gather3A_504 : vector<16xf32>
        %swap3A_516 = arith.index_cast %add3A_500 : i32 to index
        %swap3A_517 = arith.constant 16 : index
        %swap3A_518 = tpu.vector_load %arg17[%swap3A_516, %swap3A_517] {strides = array<i32>} : memref<40x128xf32, #tpu.memory_space<vmem>>, vector<16xf32>,
        tpu.vector_store %arg17[%swap3A_516, %swap3A_517], %mul3A_515 {strides = array<i32>} : memref<40x128xf32, #tpu.memory_space<vmem>>, vector<16xf32>,
        %get3A_519 = arith.index_cast %add3A_500 : i32 to index
        %get3A_520 = arith.constant 32 : index
        %get3A_521 = tpu.vector_load %arg17[%get3A_519, %get3A_520] {strides = array<i32>} : memref<40x128xf32, #tpu.memory_space<vmem>>, vector<16xf32>,
        %mul3A_522 = arith.mulf %get3A_521, %gather3A_504 : vector<16xf32>
        %swap3A_523 = arith.index_cast %add3A_500 : i32 to index
        %swap3A_524 = arith.constant 32 : index
        %swap3A_525 = tpu.vector_load %arg17[%swap3A_523, %swap3A_524] {strides = array<i32>} : memref<40x128xf32, #tpu.memory_space<vmem>>, vector<16xf32>,
        tpu.vector_store %arg17[%swap3A_523, %swap3A_524], %mul3A_522 {strides = array<i32>} : memref<40x128xf32, #tpu.memory_space<vmem>>, vector<16xf32>,
        %get3A_526 = arith.index_cast %add3A_500 : i32 to index
        %get3A_527 = arith.constant 48 : index
        %get3A_528 = tpu.vector_load %arg17[%get3A_526, %get3A_527] {strides = array<i32>} : memref<40x128xf32, #tpu.memory_space<vmem>>, vector<16xf32>,
        %mul3A_529 = arith.mulf %get3A_528, %gather3A_504 : vector<16xf32>
        %swap3A_530 = arith.index_cast %add3A_500 : i32 to index
        %swap3A_531 = arith.constant 48 : index
        %swap3A_532 = tpu.vector_load %arg17[%swap3A_530, %swap3A_531] {strides = array<i32>} : memref<40x128xf32, #tpu.memory_space<vmem>>, vector<16xf32>,
        tpu.vector_store %arg17[%swap3A_530, %swap3A_531], %mul3A_529 {strides = array<i32>} : memref<40x128xf32, #tpu.memory_space<vmem>>, vector<16xf32>,
        %get3A_533 = arith.index_cast %add3A_500 : i32 to index
        %get3A_534 = arith.constant 64 : index
        %get3A_535 = tpu.vector_load %arg17[%get3A_533, %get3A_534] {strides = array<i32>} : memref<40x128xf32, #tpu.memory_space<vmem>>, vector<16xf32>,
        %mul3A_536 = arith.mulf %get3A_535, %gather3A_504 : vector<16xf32>
        %swap3A_537 = arith.index_cast %add3A_500 : i32 to index
        %swap3A_538 = arith.constant 64 : index
        %swap3A_539 = tpu.vector_load %arg17[%swap3A_537, %swap3A_538] {strides = array<i32>} : memref<40x128xf32, #tpu.memory_space<vmem>>, vector<16xf32>,
        tpu.vector_store %arg17[%swap3A_537, %swap3A_538], %mul3A_536 {strides = array<i32>} : memref<40x128xf32, #tpu.memory_space<vmem>>, vector<16xf32>,
        %get3A_540 = arith.index_cast %add3A_500 : i32 to index
        %get3A_541 = arith.constant 80 : index
        %get3A_542 = tpu.vector_load %arg17[%get3A_540, %get3A_541] {strides = array<i32>} : memref<40x128xf32, #tpu.memory_space<vmem>>, vector<16xf32>,
        %mul3A_543 = arith.mulf %get3A_542, %gather3A_504 : vector<16xf32>
        %swap3A_544 = arith.index_cast %add3A_500 : i32 to index
        %swap3A_545 = arith.constant 80 : index
        %swap3A_546 = tpu.vector_load %arg17[%swap3A_544, %swap3A_545] {strides = array<i32>} : memref<40x128xf32, #tpu.memory_space<vmem>>, vector<16xf32>,
        tpu.vector_store %arg17[%swap3A_544, %swap3A_545], %mul3A_543 {strides = array<i32>} : memref<40x128xf32, #tpu.memory_space<vmem>>, vector<16xf32>,
        %get3A_547 = arith.index_cast %add3A_500 : i32 to index
        %get3A_548 = arith.constant 96 : index
        %get3A_549 = tpu.vector_load %arg17[%get3A_547, %get3A_548] {strides = array<i32>} : memref<40x128xf32, #tpu.memory_space<vmem>>, vector<16xf32>,
        %mul3A_550 = arith.mulf %get3A_549, %gather3A_504 : vector<16xf32>
        %swap3A_551 = arith.index_cast %add3A_500 : i32 to index
        %swap3A_552 = arith.constant 96 : index
        %swap3A_553 = tpu.vector_load %arg17[%swap3A_551, %swap3A_552] {strides = array<i32>} : memref<40x128xf32, #tpu.memory_space<vmem>>, vector<16xf32>,
        tpu.vector_store %arg17[%swap3A_551, %swap3A_552], %mul3A_550 {strides = array<i32>} : memref<40x128xf32, #tpu.memory_space<vmem>>, vector<16xf32>,
        %get3A_554 = arith.index_cast %add3A_500 : i32 to index
        %get3A_555 = arith.constant 112 : index
        %get3A_556 = tpu.vector_load %arg17[%get3A_554, %get3A_555] {strides = array<i32>} : memref<40x128xf32, #tpu.memory_space<vmem>>, vector<16xf32>,
        %mul3A_557 = arith.mulf %get3A_556, %gather3A_504 : vector<16xf32>
        %swap3A_558 = arith.index_cast %add3A_500 : i32 to index
        %swap3A_559 = arith.constant 112 : index
        %swap3A_560 = tpu.vector_load %arg17[%swap3A_558, %swap3A_559] {strides = array<i32>} : memref<40x128xf32, #tpu.memory_space<vmem>>, vector<16xf32>,
        tpu.vector_store %arg17[%swap3A_558, %swap3A_559], %mul3A_557 {strides = array<i32>} : memref<40x128xf32, #tpu.memory_space<vmem>>, vector<16xf32>,
        %mul3A_561 = arith.constant 4 : i32
        %mul3A_562 = arith.muli %scan3A_436, %mul3A_561 : i32
        %add3A_563 = arith.constant 2 : i32
        %add3A_564 = arith.addi %mul3A_562, %add3A_563 : i32
        %add3A_565 = arith.constant 120 : i32
        %add3A_566 = arith.addi %add3A_565, %add3A_564 : i32
        %broadcast_in_dim3A_567 = vector.broadcast %add3A_566 : i32 to vector<16xi32>
        %gather3A_568 = tpu.vector_load_idx %arg12[%broadcast_in_dim3A_567] : memref<208xf32, #tpu.memory_space<vmem>>[vector<16xi32>], vector<16xf32>,
        %get3A_569 = arith.index_cast %add3A_564 : i32 to index
        %get3A_570 = arith.constant 0 : index
        %get3A_571 = tpu.vector_load %arg17[%get3A_569, %get3A_570] {strides = array<i32>} : memref<40x128xf32, #tpu.memory_space<vmem>>, vector<16xf32>,
        %mul3A_572 = arith.mulf %get3A_571, %gather3A_568 : vector<16xf32>
        %swap3A_573 = arith.index_cast %add3A_564 : i32 to index
        %swap3A_574 = arith.constant 0 : index
        %swap3A_575 = tpu.vector_load %arg17[%swap3A_573, %swap3A_574] {strides = array<i32>} : memref<40x128xf32, #tpu.memory_space<vmem>>, vector<16xf32>,
        tpu.vector_store %arg17[%swap3A_573, %swap3A_574], %mul3A_572 {strides = array<i32>} : memref<40x128xf32, #tpu.memory_space<vmem>>, vector<16xf32>,
        %get3A_576 = arith.index_cast %add3A_564 : i32 to index
        %get3A_577 = arith.constant 16 : index
        %get3A_578 = tpu.vector_load %arg17[%get3A_576, %get3A_577] {strides = array<i32>} : memref<40x128xf32, #tpu.memory_space<vmem>>, vector<16xf32>,
        %mul3A_579 = arith.mulf %get3A_578, %gather3A_568 : vector<16xf32>
        %swap3A_580 = arith.index_cast %add3A_564 : i32 to index
        %swap3A_581 = arith.constant 16 : index
        %swap3A_582 = tpu.vector_load %arg17[%swap3A_580, %swap3A_581] {strides = array<i32>} : memref<40x128xf32, #tpu.memory_space<vmem>>, vector<16xf32>,
        tpu.vector_store %arg17[%swap3A_580, %swap3A_581], %mul3A_579 {strides = array<i32>} : memref<40x128xf32, #tpu.memory_space<vmem>>, vector<16xf32>,
        %get3A_583 = arith.index_cast %add3A_564 : i32 to index
        %get3A_584 = arith.constant 32 : index
        %get3A_585 = tpu.vector_load %arg17[%get3A_583, %get3A_584] {strides = array<i32>} : memref<40x128xf32, #tpu.memory_space<vmem>>, vector<16xf32>,
        %mul3A_586 = arith.mulf %get3A_585, %gather3A_568 : vector<16xf32>
        %swap3A_587 = arith.index_cast %add3A_564 : i32 to index
        %swap3A_588 = arith.constant 32 : index
        %swap3A_589 = tpu.vector_load %arg17[%swap3A_587, %swap3A_588] {strides = array<i32>} : memref<40x128xf32, #tpu.memory_space<vmem>>, vector<16xf32>,
        tpu.vector_store %arg17[%swap3A_587, %swap3A_588], %mul3A_586 {strides = array<i32>} : memref<40x128xf32, #tpu.memory_space<vmem>>, vector<16xf32>,
        %get3A_590 = arith.index_cast %add3A_564 : i32 to index
        %get3A_591 = arith.constant 48 : index
        %get3A_592 = tpu.vector_load %arg17[%get3A_590, %get3A_591] {strides = array<i32>} : memref<40x128xf32, #tpu.memory_space<vmem>>, vector<16xf32>,
        %mul3A_593 = arith.mulf %get3A_592, %gather3A_568 : vector<16xf32>
        %swap3A_594 = arith.index_cast %add3A_564 : i32 to index
        %swap3A_595 = arith.constant 48 : index
        %swap3A_596 = tpu.vector_load %arg17[%swap3A_594, %swap3A_595] {strides = array<i32>} : memref<40x128xf32, #tpu.memory_space<vmem>>, vector<16xf32>,
        tpu.vector_store %arg17[%swap3A_594, %swap3A_595], %mul3A_593 {strides = array<i32>} : memref<40x128xf32, #tpu.memory_space<vmem>>, vector<16xf32>,
        %get3A_597 = arith.index_cast %add3A_564 : i32 to index
        %get3A_598 = arith.constant 64 : index
        %get3A_599 = tpu.vector_load %arg17[%get3A_597, %get3A_598] {strides = array<i32>} : memref<40x128xf32, #tpu.memory_space<vmem>>, vector<16xf32>,
        %mul3A_600 = arith.mulf %get3A_599, %gather3A_568 : vector<16xf32>
        %swap3A_601 = arith.index_cast %add3A_564 : i32 to index
        %swap3A_602 = arith.constant 64 : index
        %swap3A_603 = tpu.vector_load %arg17[%swap3A_601, %swap3A_602] {strides = array<i32>} : memref<40x128xf32, #tpu.memory_space<vmem>>, vector<16xf32>,
        tpu.vector_store %arg17[%swap3A_601, %swap3A_602], %mul3A_600 {strides = array<i32>} : memref<40x128xf32, #tpu.memory_space<vmem>>, vector<16xf32>,
        %get3A_604 = arith.index_cast %add3A_564 : i32 to index
        %get3A_605 = arith.constant 80 : index
        %get3A_606 = tpu.vector_load %arg17[%get3A_604, %get3A_605] {strides = array<i32>} : memref<40x128xf32, #tpu.memory_space<vmem>>, vector<16xf32>,
        %mul3A_607 = arith.mulf %get3A_606, %gather3A_568 : vector<16xf32>
        %swap3A_608 = arith.index_cast %add3A_564 : i32 to index
        %swap3A_609 = arith.constant 80 : index
        %swap3A_610 = tpu.vector_load %arg17[%swap3A_608, %swap3A_609] {strides = array<i32>} : memref<40x128xf32, #tpu.memory_space<vmem>>, vector<16xf32>,
        tpu.vector_store %arg17[%swap3A_608, %swap3A_609], %mul3A_607 {strides = array<i32>} : memref<40x128xf32, #tpu.memory_space<vmem>>, vector<16xf32>,
        %get3A_611 = arith.index_cast %add3A_564 : i32 to index
        %get3A_612 = arith.constant 96 : index
        %get3A_613 = tpu.vector_load %arg17[%get3A_611, %get3A_612] {strides = array<i32>} : memref<40x128xf32, #tpu.memory_space<vmem>>, vector<16xf32>,
        %mul3A_614 = arith.mulf %get3A_613, %gather3A_568 : vector<16xf32>
        %swap3A_615 = arith.index_cast %add3A_564 : i32 to index
        %swap3A_616 = arith.constant 96 : index
        %swap3A_617 = tpu.vector_load %arg17[%swap3A_615, %swap3A_616] {strides = array<i32>} : memref<40x128xf32, #tpu.memory_space<vmem>>, vector<16xf32>,
        tpu.vector_store %arg17[%swap3A_615, %swap3A_616], %mul3A_614 {strides = array<i32>} : memref<40x128xf32, #tpu.memory_space<vmem>>, vector<16xf32>,
        %get3A_618 = arith.index_cast %add3A_564 : i32 to index
        %get3A_619 = arith.constant 112 : index
        %get3A_620 = tpu.vector_load %arg17[%get3A_618, %get3A_619] {strides = array<i32>} : memref<40x128xf32, #tpu.memory_space<vmem>>, vector<16xf32>,
        %mul3A_621 = arith.mulf %get3A_620, %gather3A_568 : vector<16xf32>
        %swap3A_622 = arith.index_cast %add3A_564 : i32 to index
        %swap3A_623 = arith.constant 112 : index
        %swap3A_624 = tpu.vector_load %arg17[%swap3A_622, %swap3A_623] {strides = array<i32>} : memref<40x128xf32, #tpu.memory_space<vmem>>, vector<16xf32>,
        tpu.vector_store %arg17[%swap3A_622, %swap3A_623], %mul3A_621 {strides = array<i32>} : memref<40x128xf32, #tpu.memory_space<vmem>>, vector<16xf32>,
        %mul3A_625 = arith.constant 4 : i32
        %mul3A_626 = arith.muli %scan3A_436, %mul3A_625 : i32
        %add3A_627 = arith.constant 3 : i32
        %add3A_628 = arith.addi %mul3A_626, %add3A_627 : i32
        %add3A_629 = arith.constant 120 : i32
        %add3A_630 = arith.addi %add3A_629, %add3A_628 : i32
        %broadcast_in_dim3A_631 = vector.broadcast %add3A_630 : i32 to vector<16xi32>
        %gather3A_632 = tpu.vector_load_idx %arg12[%broadcast_in_dim3A_631] : memref<208xf32, #tpu.memory_space<vmem>>[vector<16xi32>], vector<16xf32>,
        %get3A_633 = arith.index_cast %add3A_628 : i32 to index
        %get3A_634 = arith.constant 0 : index
        %get3A_635 = tpu.vector_load %arg17[%get3A_633, %get3A_634] {strides = array<i32>} : memref<40x128xf32, #tpu.memory_space<vmem>>, vector<16xf32>,
        %mul3A_636 = arith.mulf %get3A_635, %gather3A_632 : vector<16xf32>
        %swap3A_637 = arith.index_cast %add3A_628 : i32 to index
        %swap3A_638 = arith.constant 0 : index
        %swap3A_639 = tpu.vector_load %arg17[%swap3A_637, %swap3A_638] {strides = array<i32>} : memref<40x128xf32, #tpu.memory_space<vmem>>, vector<16xf32>,
        tpu.vector_store %arg17[%swap3A_637, %swap3A_638], %mul3A_636 {strides = array<i32>} : memref<40x128xf32, #tpu.memory_space<vmem>>, vector<16xf32>,
        %get3A_640 = arith.index_cast %add3A_628 : i32 to index
        %get3A_641 = arith.constant 16 : index
        %get3A_642 = tpu.vector_load %arg17[%get3A_640, %get3A_641] {strides = array<i32>} : memref<40x128xf32, #tpu.memory_space<vmem>>, vector<16xf32>,
        %mul3A_643 = arith.mulf %get3A_642, %gather3A_632 : vector<16xf32>
        %swap3A_644 = arith.index_cast %add3A_628 : i32 to index
        %swap3A_645 = arith.constant 16 : index
        %swap3A_646 = tpu.vector_load %arg17[%swap3A_644, %swap3A_645] {strides = array<i32>} : memref<40x128xf32, #tpu.memory_space<vmem>>, vector<16xf32>,
        tpu.vector_store %arg17[%swap3A_644, %swap3A_645], %mul3A_643 {strides = array<i32>} : memref<40x128xf32, #tpu.memory_space<vmem>>, vector<16xf32>,
        %get3A_647 = arith.index_cast %add3A_628 : i32 to index
        %get3A_648 = arith.constant 32 : index
        %get3A_649 = tpu.vector_load %arg17[%get3A_647, %get3A_648] {strides = array<i32>} : memref<40x128xf32, #tpu.memory_space<vmem>>, vector<16xf32>,
        %mul3A_650 = arith.mulf %get3A_649, %gather3A_632 : vector<16xf32>
        %swap3A_651 = arith.index_cast %add3A_628 : i32 to index
        %swap3A_652 = arith.constant 32 : index
        %swap3A_653 = tpu.vector_load %arg17[%swap3A_651, %swap3A_652] {strides = array<i32>} : memref<40x128xf32, #tpu.memory_space<vmem>>, vector<16xf32>,
        tpu.vector_store %arg17[%swap3A_651, %swap3A_652], %mul3A_650 {strides = array<i32>} : memref<40x128xf32, #tpu.memory_space<vmem>>, vector<16xf32>,
        %get3A_654 = arith.index_cast %add3A_628 : i32 to index
        %get3A_655 = arith.constant 48 : index
        %get3A_656 = tpu.vector_load %arg17[%get3A_654, %get3A_655] {strides = array<i32>} : memref<40x128xf32, #tpu.memory_space<vmem>>, vector<16xf32>,
        %mul3A_657 = arith.mulf %get3A_656, %gather3A_632 : vector<16xf32>
        %swap3A_658 = arith.index_cast %add3A_628 : i32 to index
        %swap3A_659 = arith.constant 48 : index
        %swap3A_660 = tpu.vector_load %arg17[%swap3A_658, %swap3A_659] {strides = array<i32>} : memref<40x128xf32, #tpu.memory_space<vmem>>, vector<16xf32>,
        tpu.vector_store %arg17[%swap3A_658, %swap3A_659], %mul3A_657 {strides = array<i32>} : memref<40x128xf32, #tpu.memory_space<vmem>>, vector<16xf32>,
        %get3A_661 = arith.index_cast %add3A_628 : i32 to index
        %get3A_662 = arith.constant 64 : index
        %get3A_663 = tpu.vector_load %arg17[%get3A_661, %get3A_662] {strides = array<i32>} : memref<40x128xf32, #tpu.memory_space<vmem>>, vector<16xf32>,
        %mul3A_664 = arith.mulf %get3A_663, %gather3A_632 : vector<16xf32>
        %swap3A_665 = arith.index_cast %add3A_628 : i32 to index
        %swap3A_666 = arith.constant 64 : index
        %swap3A_667 = tpu.vector_load %arg17[%swap3A_665, %swap3A_666] {strides = array<i32>} : memref<40x128xf32, #tpu.memory_space<vmem>>, vector<16xf32>,
        tpu.vector_store %arg17[%swap3A_665, %swap3A_666], %mul3A_664 {strides = array<i32>} : memref<40x128xf32, #tpu.memory_space<vmem>>, vector<16xf32>,
        %get3A_668 = arith.index_cast %add3A_628 : i32 to index
        %get3A_669 = arith.constant 80 : index
        %get3A_670 = tpu.vector_load %arg17[%get3A_668, %get3A_669] {strides = array<i32>} : memref<40x128xf32, #tpu.memory_space<vmem>>, vector<16xf32>,
        %mul3A_671 = arith.mulf %get3A_670, %gather3A_632 : vector<16xf32>
        %swap3A_672 = arith.index_cast %add3A_628 : i32 to index
        %swap3A_673 = arith.constant 80 : index
        %swap3A_674 = tpu.vector_load %arg17[%swap3A_672, %swap3A_673] {strides = array<i32>} : memref<40x128xf32, #tpu.memory_space<vmem>>, vector<16xf32>,
        tpu.vector_store %arg17[%swap3A_672, %swap3A_673], %mul3A_671 {strides = array<i32>} : memref<40x128xf32, #tpu.memory_space<vmem>>, vector<16xf32>,
        %get3A_675 = arith.index_cast %add3A_628 : i32 to index
        %get3A_676 = arith.constant 96 : index
        %get3A_677 = tpu.vector_load %arg17[%get3A_675, %get3A_676] {strides = array<i32>} : memref<40x128xf32, #tpu.memory_space<vmem>>, vector<16xf32>,
        %mul3A_678 = arith.mulf %get3A_677, %gather3A_632 : vector<16xf32>
        %swap3A_679 = arith.index_cast %add3A_628 : i32 to index
        %swap3A_680 = arith.constant 96 : index
        %swap3A_681 = tpu.vector_load %arg17[%swap3A_679, %swap3A_680] {strides = array<i32>} : memref<40x128xf32, #tpu.memory_space<vmem>>, vector<16xf32>,
        tpu.vector_store %arg17[%swap3A_679, %swap3A_680], %mul3A_678 {strides = array<i32>} : memref<40x128xf32, #tpu.memory_space<vmem>>, vector<16xf32>,
        %get3A_682 = arith.index_cast %add3A_628 : i32 to index
        %get3A_683 = arith.constant 112 : index
        %get3A_684 = tpu.vector_load %arg17[%get3A_682, %get3A_683] {strides = array<i32>} : memref<40x128xf32, #tpu.memory_space<vmem>>, vector<16xf32>,
        %mul3A_685 = arith.mulf %get3A_684, %gather3A_632 : vector<16xf32>
        %swap3A_686 = arith.index_cast %add3A_628 : i32 to index
        %swap3A_687 = arith.constant 112 : index
        %swap3A_688 = tpu.vector_load %arg17[%swap3A_686, %swap3A_687] {strides = array<i32>} : memref<40x128xf32, #tpu.memory_space<vmem>>, vector<16xf32>,
        tpu.vector_store %arg17[%swap3A_686, %swap3A_687], %mul3A_685 {strides = array<i32>} : memref<40x128xf32, #tpu.memory_space<vmem>>, vector<16xf32>,
      }
      %scan3A_223 = arith.constant 10 : i32
      %dma_start3A_224 = arith.constant 3 : i32
      %dma_start3A_225 = arith.constant 120 : i32
      %dma_start3A_226 = tpu.memref_slice %arg10[%dma_start3A_225] : memref<200xi32, #tpu.memory_space<vmem>> -> memref<40xi32, #tpu.memory_space<vmem>>
      %dma_start3A_227 = arith.constant 0 : i32
      %dma_start3A_228 = arith.constant 0 : i32
      %dma_start3A_229 = tpu.memref_slice %arg7[%dma_start3A_227, %dma_start3A_228] : memref<10000x128xf32, #tpu.memory_space<vmem_shared>> -> memref<10000x128xf32, #tpu.memory_space<vmem_shared>>
      %dma_start3A_230 = tpu.memref_slice %arg20[%dma_start3A_224] : memref<5x!tpu.dma_semaphore, #tpu.memory_space<semaphore_mem>> -> memref<1x!tpu.dma_semaphore, #tpu.memory_space<semaphore_mem>>
      %dma_start3A_231 = tpu.memref_squeeze %dma_start3A_230 : memref<1x!tpu.dma_semaphore, #tpu.memory_space<semaphore_mem>> -> memref<!tpu.dma_semaphore, #tpu.memory_space<semaphore_mem>>
      tpu.enqueue_indirect_dma source(%arg17 : memref<40x128xf32, #tpu.memory_space<vmem>>) target(%dma_start3A_229 : memref<10000x128xf32, #tpu.memory_space<vmem_shared>>) offsets(%dma_start3A_226 : memref<40xi32, #tpu.memory_space<vmem>>) semaphore(%dma_start3A_231 : memref<!tpu.dma_semaphore, #tpu.memory_space<semaphore_mem>>) {add = true}
      %dma_wait3A_232 = arith.constant 4 : i32
      %dma_wait3A_233 = arith.constant 160 : i32
      %dma_wait3A_234 = tpu.memref_slice %arg8[%dma_wait3A_233] : memref<200xi32, #tpu.memory_space<vmem>> -> memref<40xi32, #tpu.memory_space<vmem>>
      %dma_wait3A_235 = arith.constant 0 : i32
      %dma_wait3A_236 = arith.constant 0 : i32
      %dma_wait3A_237 = tpu.memref_slice %arg2[%dma_wait3A_235, %dma_wait3A_236] : memref<10000x128xf32, #tpu.memory_space<hbm>> -> memref<10000x128xf32, #tpu.memory_space<hbm>>
      %dma_wait3A_238 = tpu.memref_slice %arg19[%dma_wait3A_232] : memref<5x!tpu.dma_semaphore, #tpu.memory_space<semaphore_mem>> -> memref<1x!tpu.dma_semaphore, #tpu.memory_space<semaphore_mem>>
      %dma_wait3A_239 = tpu.memref_squeeze %dma_wait3A_238 : memref<1x!tpu.dma_semaphore, #tpu.memory_space<semaphore_mem>> -> memref<!tpu.dma_semaphore, #tpu.memory_space<semaphore_mem>>
      tpu.wait_indirect_dma semaphore(%dma_wait3A_239 : memref<!tpu.dma_semaphore, #tpu.memory_space<semaphore_mem>>) src(%dma_wait3A_237 : memref<10000x128xf32, #tpu.memory_space<hbm>>) dst(%arg18 : memref<40x128xf32, #tpu.memory_space<vmem>>)
      %scan3A_240 = arith.constant 0 : i32
      %scan3A_241 = arith.constant 10 : i32
      %scan3A_242 = arith.addi %scan3A_240, %scan3A_241 : i32
      %scan3A_243 = arith.constant 1 : i32
      scf.for %scan3A_436 = %scan3A_240 to %scan3A_242 step %scan3A_243  : i32 {
        %mul3A_437 = arith.constant 4 : i32
        %mul3A_438 = arith.muli %scan3A_436, %mul3A_437 : i32
        %add3A_439 = arith.constant 0 : i32
        %add3A_440 = arith.addi %mul3A_438, %add3A_439 : i32
        %add3A_441 = arith.constant 160 : i32
        %add3A_442 = arith.addi %add3A_441, %add3A_440 : i32
        %broadcast_in_dim3A = vector.broadcast %add3A_442 : i32 to vector<16xi32>
        %gather3A = tpu.vector_load_idx %arg12[%broadcast_in_dim3A] : memref<208xf32, #tpu.memory_space<vmem>>[vector<16xi32>], vector<16xf32>,
        %get3A = arith.index_cast %add3A_440 : i32 to index
        %get3A_443 = arith.constant 0 : index
        %get3A_444 = tpu.vector_load %arg18[%get3A, %get3A_443] {strides = array<i32>} : memref<40x128xf32, #tpu.memory_space<vmem>>, vector<16xf32>,
        %mul3A_445 = arith.mulf %get3A_444, %gather3A : vector<16xf32>
        %swap3A = arith.index_cast %add3A_440 : i32 to index
        %swap3A_446 = arith.constant 0 : index
        %swap3A_447 = tpu.vector_load %arg18[%swap3A, %swap3A_446] {strides = array<i32>} : memref<40x128xf32, #tpu.memory_space<vmem>>, vector<16xf32>,
        tpu.vector_store %arg18[%swap3A, %swap3A_446], %mul3A_445 {strides = array<i32>} : memref<40x128xf32, #tpu.memory_space<vmem>>, vector<16xf32>,
        %get3A_448 = arith.index_cast %add3A_440 : i32 to index
        %get3A_449 = arith.constant 16 : index
        %get3A_450 = tpu.vector_load %arg18[%get3A_448, %get3A_449] {strides = array<i32>} : memref<40x128xf32, #tpu.memory_space<vmem>>, vector<16xf32>,
        %mul3A_451 = arith.mulf %get3A_450, %gather3A : vector<16xf32>
        %swap3A_452 = arith.index_cast %add3A_440 : i32 to index
        %swap3A_453 = arith.constant 16 : index
        %swap3A_454 = tpu.vector_load %arg18[%swap3A_452, %swap3A_453] {strides = array<i32>} : memref<40x128xf32, #tpu.memory_space<vmem>>, vector<16xf32>,
        tpu.vector_store %arg18[%swap3A_452, %swap3A_453], %mul3A_451 {strides = array<i32>} : memref<40x128xf32, #tpu.memory_space<vmem>>, vector<16xf32>,
        %get3A_455 = arith.index_cast %add3A_440 : i32 to index
        %get3A_456 = arith.constant 32 : index
        %get3A_457 = tpu.vector_load %arg18[%get3A_455, %get3A_456] {strides = array<i32>} : memref<40x128xf32, #tpu.memory_space<vmem>>, vector<16xf32>,
        %mul3A_458 = arith.mulf %get3A_457, %gather3A : vector<16xf32>
        %swap3A_459 = arith.index_cast %add3A_440 : i32 to index
        %swap3A_460 = arith.constant 32 : index
        %swap3A_461 = tpu.vector_load %arg18[%swap3A_459, %swap3A_460] {strides = array<i32>} : memref<40x128xf32, #tpu.memory_space<vmem>>, vector<16xf32>,
        tpu.vector_store %arg18[%swap3A_459, %swap3A_460], %mul3A_458 {strides = array<i32>} : memref<40x128xf32, #tpu.memory_space<vmem>>, vector<16xf32>,
        %get3A_462 = arith.index_cast %add3A_440 : i32 to index
        %get3A_463 = arith.constant 48 : index
        %get3A_464 = tpu.vector_load %arg18[%get3A_462, %get3A_463] {strides = array<i32>} : memref<40x128xf32, #tpu.memory_space<vmem>>, vector<16xf32>,
        %mul3A_465 = arith.mulf %get3A_464, %gather3A : vector<16xf32>
        %swap3A_466 = arith.index_cast %add3A_440 : i32 to index
        %swap3A_467 = arith.constant 48 : index
        %swap3A_468 = tpu.vector_load %arg18[%swap3A_466, %swap3A_467] {strides = array<i32>} : memref<40x128xf32, #tpu.memory_space<vmem>>, vector<16xf32>,
        tpu.vector_store %arg18[%swap3A_466, %swap3A_467], %mul3A_465 {strides = array<i32>} : memref<40x128xf32, #tpu.memory_space<vmem>>, vector<16xf32>,
        %get3A_469 = arith.index_cast %add3A_440 : i32 to index
        %get3A_470 = arith.constant 64 : index
        %get3A_471 = tpu.vector_load %arg18[%get3A_469, %get3A_470] {strides = array<i32>} : memref<40x128xf32, #tpu.memory_space<vmem>>, vector<16xf32>,
        %mul3A_472 = arith.mulf %get3A_471, %gather3A : vector<16xf32>
        %swap3A_473 = arith.index_cast %add3A_440 : i32 to index
        %swap3A_474 = arith.constant 64 : index
        %swap3A_475 = tpu.vector_load %arg18[%swap3A_473, %swap3A_474] {strides = array<i32>} : memref<40x128xf32, #tpu.memory_space<vmem>>, vector<16xf32>,
        tpu.vector_store %arg18[%swap3A_473, %swap3A_474], %mul3A_472 {strides = array<i32>} : memref<40x128xf32, #tpu.memory_space<vmem>>, vector<16xf32>,
        %get3A_476 = arith.index_cast %add3A_440 : i32 to index
        %get3A_477 = arith.constant 80 : index
        %get3A_478 = tpu.vector_load %arg18[%get3A_476, %get3A_477] {strides = array<i32>} : memref<40x128xf32, #tpu.memory_space<vmem>>, vector<16xf32>,
        %mul3A_479 = arith.mulf %get3A_478, %gather3A : vector<16xf32>
        %swap3A_480 = arith.index_cast %add3A_440 : i32 to index
        %swap3A_481 = arith.constant 80 : index
        %swap3A_482 = tpu.vector_load %arg18[%swap3A_480, %swap3A_481] {strides = array<i32>} : memref<40x128xf32, #tpu.memory_space<vmem>>, vector<16xf32>,
        tpu.vector_store %arg18[%swap3A_480, %swap3A_481], %mul3A_479 {strides = array<i32>} : memref<40x128xf32, #tpu.memory_space<vmem>>, vector<16xf32>,
        %get3A_483 = arith.index_cast %add3A_440 : i32 to index
        %get3A_484 = arith.constant 96 : index
        %get3A_485 = tpu.vector_load %arg18[%get3A_483, %get3A_484] {strides = array<i32>} : memref<40x128xf32, #tpu.memory_space<vmem>>, vector<16xf32>,
        %mul3A_486 = arith.mulf %get3A_485, %gather3A : vector<16xf32>
        %swap3A_487 = arith.index_cast %add3A_440 : i32 to index
        %swap3A_488 = arith.constant 96 : index
        %swap3A_489 = tpu.vector_load %arg18[%swap3A_487, %swap3A_488] {strides = array<i32>} : memref<40x128xf32, #tpu.memory_space<vmem>>, vector<16xf32>,
        tpu.vector_store %arg18[%swap3A_487, %swap3A_488], %mul3A_486 {strides = array<i32>} : memref<40x128xf32, #tpu.memory_space<vmem>>, vector<16xf32>,
        %get3A_490 = arith.index_cast %add3A_440 : i32 to index
        %get3A_491 = arith.constant 112 : index
        %get3A_492 = tpu.vector_load %arg18[%get3A_490, %get3A_491] {strides = array<i32>} : memref<40x128xf32, #tpu.memory_space<vmem>>, vector<16xf32>,
        %mul3A_493 = arith.mulf %get3A_492, %gather3A : vector<16xf32>
        %swap3A_494 = arith.index_cast %add3A_440 : i32 to index
        %swap3A_495 = arith.constant 112 : index
        %swap3A_496 = tpu.vector_load %arg18[%swap3A_494, %swap3A_495] {strides = array<i32>} : memref<40x128xf32, #tpu.memory_space<vmem>>, vector<16xf32>,
        tpu.vector_store %arg18[%swap3A_494, %swap3A_495], %mul3A_493 {strides = array<i32>} : memref<40x128xf32, #tpu.memory_space<vmem>>, vector<16xf32>,
        %mul3A_497 = arith.constant 4 : i32
        %mul3A_498 = arith.muli %scan3A_436, %mul3A_497 : i32
        %add3A_499 = arith.constant 1 : i32
        %add3A_500 = arith.addi %mul3A_498, %add3A_499 : i32
        %add3A_501 = arith.constant 160 : i32
        %add3A_502 = arith.addi %add3A_501, %add3A_500 : i32
        %broadcast_in_dim3A_503 = vector.broadcast %add3A_502 : i32 to vector<16xi32>
        %gather3A_504 = tpu.vector_load_idx %arg12[%broadcast_in_dim3A_503] : memref<208xf32, #tpu.memory_space<vmem>>[vector<16xi32>], vector<16xf32>,
        %get3A_505 = arith.index_cast %add3A_500 : i32 to index
        %get3A_506 = arith.constant 0 : index
        %get3A_507 = tpu.vector_load %arg18[%get3A_505, %get3A_506] {strides = array<i32>} : memref<40x128xf32, #tpu.memory_space<vmem>>, vector<16xf32>,
        %mul3A_508 = arith.mulf %get3A_507, %gather3A_504 : vector<16xf32>
        %swap3A_509 = arith.index_cast %add3A_500 : i32 to index
        %swap3A_510 = arith.constant 0 : index
        %swap3A_511 = tpu.vector_load %arg18[%swap3A_509, %swap3A_510] {strides = array<i32>} : memref<40x128xf32, #tpu.memory_space<vmem>>, vector<16xf32>,
        tpu.vector_store %arg18[%swap3A_509, %swap3A_510], %mul3A_508 {strides = array<i32>} : memref<40x128xf32, #tpu.memory_space<vmem>>, vector<16xf32>,
        %get3A_512 = arith.index_cast %add3A_500 : i32 to index
        %get3A_513 = arith.constant 16 : index
        %get3A_514 = tpu.vector_load %arg18[%get3A_512, %get3A_513] {strides = array<i32>} : memref<40x128xf32, #tpu.memory_space<vmem>>, vector<16xf32>,
        %mul3A_515 = arith.mulf %get3A_514, %gather3A_504 : vector<16xf32>
        %swap3A_516 = arith.index_cast %add3A_500 : i32 to index
        %swap3A_517 = arith.constant 16 : index
        %swap3A_518 = tpu.vector_load %arg18[%swap3A_516, %swap3A_517] {strides = array<i32>} : memref<40x128xf32, #tpu.memory_space<vmem>>, vector<16xf32>,
        tpu.vector_store %arg18[%swap3A_516, %swap3A_517], %mul3A_515 {strides = array<i32>} : memref<40x128xf32, #tpu.memory_space<vmem>>, vector<16xf32>,
        %get3A_519 = arith.index_cast %add3A_500 : i32 to index
        %get3A_520 = arith.constant 32 : index
        %get3A_521 = tpu.vector_load %arg18[%get3A_519, %get3A_520] {strides = array<i32>} : memref<40x128xf32, #tpu.memory_space<vmem>>, vector<16xf32>,
        %mul3A_522 = arith.mulf %get3A_521, %gather3A_504 : vector<16xf32>
        %swap3A_523 = arith.index_cast %add3A_500 : i32 to index
        %swap3A_524 = arith.constant 32 : index
        %swap3A_525 = tpu.vector_load %arg18[%swap3A_523, %swap3A_524] {strides = array<i32>} : memref<40x128xf32, #tpu.memory_space<vmem>>, vector<16xf32>,
        tpu.vector_store %arg18[%swap3A_523, %swap3A_524], %mul3A_522 {strides = array<i32>} : memref<40x128xf32, #tpu.memory_space<vmem>>, vector<16xf32>,
        %get3A_526 = arith.index_cast %add3A_500 : i32 to index
        %get3A_527 = arith.constant 48 : index
        %get3A_528 = tpu.vector_load %arg18[%get3A_526, %get3A_527] {strides = array<i32>} : memref<40x128xf32, #tpu.memory_space<vmem>>, vector<16xf32>,
        %mul3A_529 = arith.mulf %get3A_528, %gather3A_504 : vector<16xf32>
        %swap3A_530 = arith.index_cast %add3A_500 : i32 to index
        %swap3A_531 = arith.constant 48 : index
        %swap3A_532 = tpu.vector_load %arg18[%swap3A_530, %swap3A_531] {strides = array<i32>} : memref<40x128xf32, #tpu.memory_space<vmem>>, vector<16xf32>,
        tpu.vector_store %arg18[%swap3A_530, %swap3A_531], %mul3A_529 {strides = array<i32>} : memref<40x128xf32, #tpu.memory_space<vmem>>, vector<16xf32>,
        %get3A_533 = arith.index_cast %add3A_500 : i32 to index
        %get3A_534 = arith.constant 64 : index
        %get3A_535 = tpu.vector_load %arg18[%get3A_533, %get3A_534] {strides = array<i32>} : memref<40x128xf32, #tpu.memory_space<vmem>>, vector<16xf32>,
        %mul3A_536 = arith.mulf %get3A_535, %gather3A_504 : vector<16xf32>
        %swap3A_537 = arith.index_cast %add3A_500 : i32 to index
        %swap3A_538 = arith.constant 64 : index
        %swap3A_539 = tpu.vector_load %arg18[%swap3A_537, %swap3A_538] {strides = array<i32>} : memref<40x128xf32, #tpu.memory_space<vmem>>, vector<16xf32>,
        tpu.vector_store %arg18[%swap3A_537, %swap3A_538], %mul3A_536 {strides = array<i32>} : memref<40x128xf32, #tpu.memory_space<vmem>>, vector<16xf32>,
        %get3A_540 = arith.index_cast %add3A_500 : i32 to index
        %get3A_541 = arith.constant 80 : index
        %get3A_542 = tpu.vector_load %arg18[%get3A_540, %get3A_541] {strides = array<i32>} : memref<40x128xf32, #tpu.memory_space<vmem>>, vector<16xf32>,
        %mul3A_543 = arith.mulf %get3A_542, %gather3A_504 : vector<16xf32>
        %swap3A_544 = arith.index_cast %add3A_500 : i32 to index
        %swap3A_545 = arith.constant 80 : index
        %swap3A_546 = tpu.vector_load %arg18[%swap3A_544, %swap3A_545] {strides = array<i32>} : memref<40x128xf32, #tpu.memory_space<vmem>>, vector<16xf32>,
        tpu.vector_store %arg18[%swap3A_544, %swap3A_545], %mul3A_543 {strides = array<i32>} : memref<40x128xf32, #tpu.memory_space<vmem>>, vector<16xf32>,
        %get3A_547 = arith.index_cast %add3A_500 : i32 to index
        %get3A_548 = arith.constant 96 : index
        %get3A_549 = tpu.vector_load %arg18[%get3A_547, %get3A_548] {strides = array<i32>} : memref<40x128xf32, #tpu.memory_space<vmem>>, vector<16xf32>,
        %mul3A_550 = arith.mulf %get3A_549, %gather3A_504 : vector<16xf32>
        %swap3A_551 = arith.index_cast %add3A_500 : i32 to index
        %swap3A_552 = arith.constant 96 : index
        %swap3A_553 = tpu.vector_load %arg18[%swap3A_551, %swap3A_552] {strides = array<i32>} : memref<40x128xf32, #tpu.memory_space<vmem>>, vector<16xf32>,
        tpu.vector_store %arg18[%swap3A_551, %swap3A_552], %mul3A_550 {strides = array<i32>} : memref<40x128xf32, #tpu.memory_space<vmem>>, vector<16xf32>,
        %get3A_554 = arith.index_cast %add3A_500 : i32 to index
        %get3A_555 = arith.constant 112 : index
        %get3A_556 = tpu.vector_load %arg18[%get3A_554, %get3A_555] {strides = array<i32>} : memref<40x128xf32, #tpu.memory_space<vmem>>, vector<16xf32>,
        %mul3A_557 = arith.mulf %get3A_556, %gather3A_504 : vector<16xf32>
        %swap3A_558 = arith.index_cast %add3A_500 : i32 to index
        %swap3A_559 = arith.constant 112 : index
        %swap3A_560 = tpu.vector_load %arg18[%swap3A_558, %swap3A_559] {strides = array<i32>} : memref<40x128xf32, #tpu.memory_space<vmem>>, vector<16xf32>,
        tpu.vector_store %arg18[%swap3A_558, %swap3A_559], %mul3A_557 {strides = array<i32>} : memref<40x128xf32, #tpu.memory_space<vmem>>, vector<16xf32>,
        %mul3A_561 = arith.constant 4 : i32
        %mul3A_562 = arith.muli %scan3A_436, %mul3A_561 : i32
        %add3A_563 = arith.constant 2 : i32
        %add3A_564 = arith.addi %mul3A_562, %add3A_563 : i32
        %add3A_565 = arith.constant 160 : i32
        %add3A_566 = arith.addi %add3A_565, %add3A_564 : i32
        %broadcast_in_dim3A_567 = vector.broadcast %add3A_566 : i32 to vector<16xi32>
        %gather3A_568 = tpu.vector_load_idx %arg12[%broadcast_in_dim3A_567] : memref<208xf32, #tpu.memory_space<vmem>>[vector<16xi32>], vector<16xf32>,
        %get3A_569 = arith.index_cast %add3A_564 : i32 to index
        %get3A_570 = arith.constant 0 : index
        %get3A_571 = tpu.vector_load %arg18[%get3A_569, %get3A_570] {strides = array<i32>} : memref<40x128xf32, #tpu.memory_space<vmem>>, vector<16xf32>,
        %mul3A_572 = arith.mulf %get3A_571, %gather3A_568 : vector<16xf32>
        %swap3A_573 = arith.index_cast %add3A_564 : i32 to index
        %swap3A_574 = arith.constant 0 : index
        %swap3A_575 = tpu.vector_load %arg18[%swap3A_573, %swap3A_574] {strides = array<i32>} : memref<40x128xf32, #tpu.memory_space<vmem>>, vector<16xf32>,
        tpu.vector_store %arg18[%swap3A_573, %swap3A_574], %mul3A_572 {strides = array<i32>} : memref<40x128xf32, #tpu.memory_space<vmem>>, vector<16xf32>,
        %get3A_576 = arith.index_cast %add3A_564 : i32 to index
        %get3A_577 = arith.constant 16 : index
        %get3A_578 = tpu.vector_load %arg18[%get3A_576, %get3A_577] {strides = array<i32>} : memref<40x128xf32, #tpu.memory_space<vmem>>, vector<16xf32>,
        %mul3A_579 = arith.mulf %get3A_578, %gather3A_568 : vector<16xf32>
        %swap3A_580 = arith.index_cast %add3A_564 : i32 to index
        %swap3A_581 = arith.constant 16 : index
        %swap3A_582 = tpu.vector_load %arg18[%swap3A_580, %swap3A_581] {strides = array<i32>} : memref<40x128xf32, #tpu.memory_space<vmem>>, vector<16xf32>,
        tpu.vector_store %arg18[%swap3A_580, %swap3A_581], %mul3A_579 {strides = array<i32>} : memref<40x128xf32, #tpu.memory_space<vmem>>, vector<16xf32>,
        %get3A_583 = arith.index_cast %add3A_564 : i32 to index
        %get3A_584 = arith.constant 32 : index
        %get3A_585 = tpu.vector_load %arg18[%get3A_583, %get3A_584] {strides = array<i32>} : memref<40x128xf32, #tpu.memory_space<vmem>>, vector<16xf32>,
        %mul3A_586 = arith.mulf %get3A_585, %gather3A_568 : vector<16xf32>
        %swap3A_587 = arith.index_cast %add3A_564 : i32 to index
        %swap3A_588 = arith.constant 32 : index
        %swap3A_589 = tpu.vector_load %arg18[%swap3A_587, %swap3A_588] {strides = array<i32>} : memref<40x128xf32, #tpu.memory_space<vmem>>, vector<16xf32>,
        tpu.vector_store %arg18[%swap3A_587, %swap3A_588], %mul3A_586 {strides = array<i32>} : memref<40x128xf32, #tpu.memory_space<vmem>>, vector<16xf32>,
        %get3A_590 = arith.index_cast %add3A_564 : i32 to index
        %get3A_591 = arith.constant 48 : index
        %get3A_592 = tpu.vector_load %arg18[%get3A_590, %get3A_591] {strides = array<i32>} : memref<40x128xf32, #tpu.memory_space<vmem>>, vector<16xf32>,
        %mul3A_593 = arith.mulf %get3A_592, %gather3A_568 : vector<16xf32>
        %swap3A_594 = arith.index_cast %add3A_564 : i32 to index
        %swap3A_595 = arith.constant 48 : index
        %swap3A_596 = tpu.vector_load %arg18[%swap3A_594, %swap3A_595] {strides = array<i32>} : memref<40x128xf32, #tpu.memory_space<vmem>>, vector<16xf32>,
        tpu.vector_store %arg18[%swap3A_594, %swap3A_595], %mul3A_593 {strides = array<i32>} : memref<40x128xf32, #tpu.memory_space<vmem>>, vector<16xf32>,
        %get3A_597 = arith.index_cast %add3A_564 : i32 to index
        %get3A_598 = arith.constant 64 : index
        %get3A_599 = tpu.vector_load %arg18[%get3A_597, %get3A_598] {strides = array<i32>} : memref<40x128xf32, #tpu.memory_space<vmem>>, vector<16xf32>,
        %mul3A_600 = arith.mulf %get3A_599, %gather3A_568 : vector<16xf32>
        %swap3A_601 = arith.index_cast %add3A_564 : i32 to index
        %swap3A_602 = arith.constant 64 : index
        %swap3A_603 = tpu.vector_load %arg18[%swap3A_601, %swap3A_602] {strides = array<i32>} : memref<40x128xf32, #tpu.memory_space<vmem>>, vector<16xf32>,
        tpu.vector_store %arg18[%swap3A_601, %swap3A_602], %mul3A_600 {strides = array<i32>} : memref<40x128xf32, #tpu.memory_space<vmem>>, vector<16xf32>,
        %get3A_604 = arith.index_cast %add3A_564 : i32 to index
        %get3A_605 = arith.constant 80 : index
        %get3A_606 = tpu.vector_load %arg18[%get3A_604, %get3A_605] {strides = array<i32>} : memref<40x128xf32, #tpu.memory_space<vmem>>, vector<16xf32>,
        %mul3A_607 = arith.mulf %get3A_606, %gather3A_568 : vector<16xf32>
        %swap3A_608 = arith.index_cast %add3A_564 : i32 to index
        %swap3A_609 = arith.constant 80 : index
        %swap3A_610 = tpu.vector_load %arg18[%swap3A_608, %swap3A_609] {strides = array<i32>} : memref<40x128xf32, #tpu.memory_space<vmem>>, vector<16xf32>,
        tpu.vector_store %arg18[%swap3A_608, %swap3A_609], %mul3A_607 {strides = array<i32>} : memref<40x128xf32, #tpu.memory_space<vmem>>, vector<16xf32>,
        %get3A_611 = arith.index_cast %add3A_564 : i32 to index
        %get3A_612 = arith.constant 96 : index
        %get3A_613 = tpu.vector_load %arg18[%get3A_611, %get3A_612] {strides = array<i32>} : memref<40x128xf32, #tpu.memory_space<vmem>>, vector<16xf32>,
        %mul3A_614 = arith.mulf %get3A_613, %gather3A_568 : vector<16xf32>
        %swap3A_615 = arith.index_cast %add3A_564 : i32 to index
        %swap3A_616 = arith.constant 96 : index
        %swap3A_617 = tpu.vector_load %arg18[%swap3A_615, %swap3A_616] {strides = array<i32>} : memref<40x128xf32, #tpu.memory_space<vmem>>, vector<16xf32>,
        tpu.vector_store %arg18[%swap3A_615, %swap3A_616], %mul3A_614 {strides = array<i32>} : memref<40x128xf32, #tpu.memory_space<vmem>>, vector<16xf32>,
        %get3A_618 = arith.index_cast %add3A_564 : i32 to index
        %get3A_619 = arith.constant 112 : index
        %get3A_620 = tpu.vector_load %arg18[%get3A_618, %get3A_619] {strides = array<i32>} : memref<40x128xf32, #tpu.memory_space<vmem>>, vector<16xf32>,
        %mul3A_621 = arith.mulf %get3A_620, %gather3A_568 : vector<16xf32>
        %swap3A_622 = arith.index_cast %add3A_564 : i32 to index
        %swap3A_623 = arith.constant 112 : index
        %swap3A_624 = tpu.vector_load %arg18[%swap3A_622, %swap3A_623] {strides = array<i32>} : memref<40x128xf32, #tpu.memory_space<vmem>>, vector<16xf32>,
        tpu.vector_store %arg18[%swap3A_622, %swap3A_623], %mul3A_621 {strides = array<i32>} : memref<40x128xf32, #tpu.memory_space<vmem>>, vector<16xf32>,
        %mul3A_625 = arith.constant 4 : i32
        %mul3A_626 = arith.muli %scan3A_436, %mul3A_625 : i32
        %add3A_627 = arith.constant 3 : i32
        %add3A_628 = arith.addi %mul3A_626, %add3A_627 : i32
        %add3A_629 = arith.constant 160 : i32
        %add3A_630 = arith.addi %add3A_629, %add3A_628 : i32
        %broadcast_in_dim3A_631 = vector.broadcast %add3A_630 : i32 to vector<16xi32>
        %gather3A_632 = tpu.vector_load_idx %arg12[%broadcast_in_dim3A_631] : memref<208xf32, #tpu.memory_space<vmem>>[vector<16xi32>], vector<16xf32>,
        %get3A_633 = arith.index_cast %add3A_628 : i32 to index
        %get3A_634 = arith.constant 0 : index
        %get3A_635 = tpu.vector_load %arg18[%get3A_633, %get3A_634] {strides = array<i32>} : memref<40x128xf32, #tpu.memory_space<vmem>>, vector<16xf32>,
        %mul3A_636 = arith.mulf %get3A_635, %gather3A_632 : vector<16xf32>
        %swap3A_637 = arith.index_cast %add3A_628 : i32 to index
        %swap3A_638 = arith.constant 0 : index
        %swap3A_639 = tpu.vector_load %arg18[%swap3A_637, %swap3A_638] {strides = array<i32>} : memref<40x128xf32, #tpu.memory_space<vmem>>, vector<16xf32>,
        tpu.vector_store %arg18[%swap3A_637, %swap3A_638], %mul3A_636 {strides = array<i32>} : memref<40x128xf32, #tpu.memory_space<vmem>>, vector<16xf32>,
        %get3A_640 = arith.index_cast %add3A_628 : i32 to index
        %get3A_641 = arith.constant 16 : index
        %get3A_642 = tpu.vector_load %arg18[%get3A_640, %get3A_641] {strides = array<i32>} : memref<40x128xf32, #tpu.memory_space<vmem>>, vector<16xf32>,
        %mul3A_643 = arith.mulf %get3A_642, %gather3A_632 : vector<16xf32>
        %swap3A_644 = arith.index_cast %add3A_628 : i32 to index
        %swap3A_645 = arith.constant 16 : index
        %swap3A_646 = tpu.vector_load %arg18[%swap3A_644, %swap3A_645] {strides = array<i32>} : memref<40x128xf32, #tpu.memory_space<vmem>>, vector<16xf32>,
        tpu.vector_store %arg18[%swap3A_644, %swap3A_645], %mul3A_643 {strides = array<i32>} : memref<40x128xf32, #tpu.memory_space<vmem>>, vector<16xf32>,
        %get3A_647 = arith.index_cast %add3A_628 : i32 to index
        %get3A_648 = arith.constant 32 : index
        %get3A_649 = tpu.vector_load %arg18[%get3A_647, %get3A_648] {strides = array<i32>} : memref<40x128xf32, #tpu.memory_space<vmem>>, vector<16xf32>,
        %mul3A_650 = arith.mulf %get3A_649, %gather3A_632 : vector<16xf32>
        %swap3A_651 = arith.index_cast %add3A_628 : i32 to index
        %swap3A_652 = arith.constant 32 : index
        %swap3A_653 = tpu.vector_load %arg18[%swap3A_651, %swap3A_652] {strides = array<i32>} : memref<40x128xf32, #tpu.memory_space<vmem>>, vector<16xf32>,
        tpu.vector_store %arg18[%swap3A_651, %swap3A_652], %mul3A_650 {strides = array<i32>} : memref<40x128xf32, #tpu.memory_space<vmem>>, vector<16xf32>,
        %get3A_654 = arith.index_cast %add3A_628 : i32 to index
        %get3A_655 = arith.constant 48 : index
        %get3A_656 = tpu.vector_load %arg18[%get3A_654, %get3A_655] {strides = array<i32>} : memref<40x128xf32, #tpu.memory_space<vmem>>, vector<16xf32>,
        %mul3A_657 = arith.mulf %get3A_656, %gather3A_632 : vector<16xf32>
        %swap3A_658 = arith.index_cast %add3A_628 : i32 to index
        %swap3A_659 = arith.constant 48 : index
        %swap3A_660 = tpu.vector_load %arg18[%swap3A_658, %swap3A_659] {strides = array<i32>} : memref<40x128xf32, #tpu.memory_space<vmem>>, vector<16xf32>,
        tpu.vector_store %arg18[%swap3A_658, %swap3A_659], %mul3A_657 {strides = array<i32>} : memref<40x128xf32, #tpu.memory_space<vmem>>, vector<16xf32>,
        %get3A_661 = arith.index_cast %add3A_628 : i32 to index
        %get3A_662 = arith.constant 64 : index
        %get3A_663 = tpu.vector_load %arg18[%get3A_661, %get3A_662] {strides = array<i32>} : memref<40x128xf32, #tpu.memory_space<vmem>>, vector<16xf32>,
        %mul3A_664 = arith.mulf %get3A_663, %gather3A_632 : vector<16xf32>
        %swap3A_665 = arith.index_cast %add3A_628 : i32 to index
        %swap3A_666 = arith.constant 64 : index
        %swap3A_667 = tpu.vector_load %arg18[%swap3A_665, %swap3A_666] {strides = array<i32>} : memref<40x128xf32, #tpu.memory_space<vmem>>, vector<16xf32>,
        tpu.vector_store %arg18[%swap3A_665, %swap3A_666], %mul3A_664 {strides = array<i32>} : memref<40x128xf32, #tpu.memory_space<vmem>>, vector<16xf32>,
        %get3A_668 = arith.index_cast %add3A_628 : i32 to index
        %get3A_669 = arith.constant 80 : index
        %get3A_670 = tpu.vector_load %arg18[%get3A_668, %get3A_669] {strides = array<i32>} : memref<40x128xf32, #tpu.memory_space<vmem>>, vector<16xf32>,
        %mul3A_671 = arith.mulf %get3A_670, %gather3A_632 : vector<16xf32>
        %swap3A_672 = arith.index_cast %add3A_628 : i32 to index
        %swap3A_673 = arith.constant 80 : index
        %swap3A_674 = tpu.vector_load %arg18[%swap3A_672, %swap3A_673] {strides = array<i32>} : memref<40x128xf32, #tpu.memory_space<vmem>>, vector<16xf32>,
        tpu.vector_store %arg18[%swap3A_672, %swap3A_673], %mul3A_671 {strides = array<i32>} : memref<40x128xf32, #tpu.memory_space<vmem>>, vector<16xf32>,
        %get3A_675 = arith.index_cast %add3A_628 : i32 to index
        %get3A_676 = arith.constant 96 : index
        %get3A_677 = tpu.vector_load %arg18[%get3A_675, %get3A_676] {strides = array<i32>} : memref<40x128xf32, #tpu.memory_space<vmem>>, vector<16xf32>,
        %mul3A_678 = arith.mulf %get3A_677, %gather3A_632 : vector<16xf32>
        %swap3A_679 = arith.index_cast %add3A_628 : i32 to index
        %swap3A_680 = arith.constant 96 : index
        %swap3A_681 = tpu.vector_load %arg18[%swap3A_679, %swap3A_680] {strides = array<i32>} : memref<40x128xf32, #tpu.memory_space<vmem>>, vector<16xf32>,
        tpu.vector_store %arg18[%swap3A_679, %swap3A_680], %mul3A_678 {strides = array<i32>} : memref<40x128xf32, #tpu.memory_space<vmem>>, vector<16xf32>,
        %get3A_682 = arith.index_cast %add3A_628 : i32 to index
        %get3A_683 = arith.constant 112 : index
        %get3A_684 = tpu.vector_load %arg18[%get3A_682, %get3A_683] {strides = array<i32>} : memref<40x128xf32, #tpu.memory_space<vmem>>, vector<16xf32>,
        %mul3A_685 = arith.mulf %get3A_684, %gather3A_632 : vector<16xf32>
        %swap3A_686 = arith.index_cast %add3A_628 : i32 to index
        %swap3A_687 = arith.constant 112 : index
        %swap3A_688 = tpu.vector_load %arg18[%swap3A_686, %swap3A_687] {strides = array<i32>} : memref<40x128xf32, #tpu.memory_space<vmem>>, vector<16xf32>,
        tpu.vector_store %arg18[%swap3A_686, %swap3A_687], %mul3A_685 {strides = array<i32>} : memref<40x128xf32, #tpu.memory_space<vmem>>, vector<16xf32>,
      }
      %scan3A_244 = arith.constant 10 : i32
      %dma_start3A_245 = arith.constant 4 : i32
      %dma_start3A_246 = arith.constant 160 : i32
      %dma_start3A_247 = tpu.memref_slice %arg10[%dma_start3A_246] : memref<200xi32, #tpu.memory_space<vmem>> -> memref<40xi32, #tpu.memory_space<vmem>>
      %dma_start3A_248 = arith.constant 0 : i32
      %dma_start3A_249 = arith.constant 0 : i32
      %dma_start3A_250 = tpu.memref_slice %arg7[%dma_start3A_248, %dma_start3A_249] : memref<10000x128xf32, #tpu.memory_space<vmem_shared>> -> memref<10000x128xf32, #tpu.memory_space<vmem_shared>>
      %dma_start3A_251 = tpu.memref_slice %arg20[%dma_start3A_245] : memref<5x!tpu.dma_semaphore, #tpu.memory_space<semaphore_mem>> -> memref<1x!tpu.dma_semaphore, #tpu.memory_space<semaphore_mem>>
      %dma_start3A_252 = tpu.memref_squeeze %dma_start3A_251 : memref<1x!tpu.dma_semaphore, #tpu.memory_space<semaphore_mem>> -> memref<!tpu.dma_semaphore, #tpu.memory_space<semaphore_mem>>
      tpu.enqueue_indirect_dma source(%arg18 : memref<40x128xf32, #tpu.memory_space<vmem>>) target(%dma_start3A_250 : memref<10000x128xf32, #tpu.memory_space<vmem_shared>>) offsets(%dma_start3A_247 : memref<40xi32, #tpu.memory_space<vmem>>) semaphore(%dma_start3A_252 : memref<!tpu.dma_semaphore, #tpu.memory_space<semaphore_mem>>) {add = true}
      %mul3A_253 = arith.constant 2 : i32
      %mul3A_254 = arith.muli %mul3A_253, %scan3A_72 : i32
      %add3A_255 = arith.constant 1 : i32
      %add3A_256 = arith.addi %mul3A_254, %add3A_255 : i32
      %mul3A_257 = arith.constant 200 : i32
      %mul3A_258 = arith.muli %add3A_256, %mul3A_257 : i32
      %add3A_259 = arith.addi %mul3A_4, %mul3A_258 : i32
      %gt3A_260 = arith.constant 0 : i32
      %gt3A_261 = arith.cmpi sgt, %add3A_256, %gt3A_260 : i32
      %convert_element_type3A_262 = arith.extui %gt3A_261 : i1 to i32
      %cond3A_263 = arith.constant 0 : i32
      %cond3A_264 = arith.cmpi ne, %convert_element_type3A_262, %cond3A_263 : i32
      scf.if %cond3A_264 {
        %dma_wait3A_436 = arith.constant 0 : i32
        %dma_wait3A_437 = arith.constant 0 : i32
        %dma_wait3A_438 = tpu.memref_slice %arg10[%dma_wait3A_437] : memref<200xi32, #tpu.memory_space<vmem>> -> memref<40xi32, #tpu.memory_space<vmem>>
        %dma_wait3A_439 = arith.constant 0 : i32
        %dma_wait3A_440 = arith.constant 0 : i32
        %dma_wait3A_441 = tpu.memref_slice %arg7[%dma_wait3A_439, %dma_wait3A_440] : memref<10000x128xf32, #tpu.memory_space<vmem_shared>> -> memref<10000x128xf32, #tpu.memory_space<vmem_shared>>
        %dma_wait3A_442 = tpu.memref_slice %arg20[%dma_wait3A_436] : memref<5x!tpu.dma_semaphore, #tpu.memory_space<semaphore_mem>> -> memref<1x!tpu.dma_semaphore, #tpu.memory_space<semaphore_mem>>
        %dma_wait3A_443 = tpu.memref_squeeze %dma_wait3A_442 : memref<1x!tpu.dma_semaphore, #tpu.memory_space<semaphore_mem>> -> memref<!tpu.dma_semaphore, #tpu.memory_space<semaphore_mem>>
        tpu.wait_indirect_dma semaphore(%dma_wait3A_443 : memref<!tpu.dma_semaphore, #tpu.memory_space<semaphore_mem>>) src(%arg14 : memref<40x128xf32, #tpu.memory_space<vmem>>) dst(%dma_wait3A_441 : memref<10000x128xf32, #tpu.memory_space<vmem_shared>>)
        %dma_wait3A_444 = arith.constant 1 : i32
        %dma_wait3A_445 = arith.constant 40 : i32
        %dma_wait3A_446 = tpu.memref_slice %arg10[%dma_wait3A_445] : memref<200xi32, #tpu.memory_space<vmem>> -> memref<40xi32, #tpu.memory_space<vmem>>
        %dma_wait3A_447 = arith.constant 0 : i32
        %dma_wait3A_448 = arith.constant 0 : i32
        %dma_wait3A_449 = tpu.memref_slice %arg7[%dma_wait3A_447, %dma_wait3A_448] : memref<10000x128xf32, #tpu.memory_space<vmem_shared>> -> memref<10000x128xf32, #tpu.memory_space<vmem_shared>>
        %dma_wait3A_450 = tpu.memref_slice %arg20[%dma_wait3A_444] : memref<5x!tpu.dma_semaphore, #tpu.memory_space<semaphore_mem>> -> memref<1x!tpu.dma_semaphore, #tpu.memory_space<semaphore_mem>>
        %dma_wait3A_451 = tpu.memref_squeeze %dma_wait3A_450 : memref<1x!tpu.dma_semaphore, #tpu.memory_space<semaphore_mem>> -> memref<!tpu.dma_semaphore, #tpu.memory_space<semaphore_mem>>
        tpu.wait_indirect_dma semaphore(%dma_wait3A_451 : memref<!tpu.dma_semaphore, #tpu.memory_space<semaphore_mem>>) src(%arg15 : memref<40x128xf32, #tpu.memory_space<vmem>>) dst(%dma_wait3A_449 : memref<10000x128xf32, #tpu.memory_space<vmem_shared>>)
        %dma_wait3A_452 = arith.constant 2 : i32
        %dma_wait3A_453 = arith.constant 80 : i32
        %dma_wait3A_454 = tpu.memref_slice %arg10[%dma_wait3A_453] : memref<200xi32, #tpu.memory_space<vmem>> -> memref<40xi32, #tpu.memory_space<vmem>>
        %dma_wait3A_455 = arith.constant 0 : i32
        %dma_wait3A_456 = arith.constant 0 : i32
        %dma_wait3A_457 = tpu.memref_slice %arg7[%dma_wait3A_455, %dma_wait3A_456] : memref<10000x128xf32, #tpu.memory_space<vmem_shared>> -> memref<10000x128xf32, #tpu.memory_space<vmem_shared>>
        %dma_wait3A_458 = tpu.memref_slice %arg20[%dma_wait3A_452] : memref<5x!tpu.dma_semaphore, #tpu.memory_space<semaphore_mem>> -> memref<1x!tpu.dma_semaphore, #tpu.memory_space<semaphore_mem>>
        %dma_wait3A_459 = tpu.memref_squeeze %dma_wait3A_458 : memref<1x!tpu.dma_semaphore, #tpu.memory_space<semaphore_mem>> -> memref<!tpu.dma_semaphore, #tpu.memory_space<semaphore_mem>>
        tpu.wait_indirect_dma semaphore(%dma_wait3A_459 : memref<!tpu.dma_semaphore, #tpu.memory_space<semaphore_mem>>) src(%arg16 : memref<40x128xf32, #tpu.memory_space<vmem>>) dst(%dma_wait3A_457 : memref<10000x128xf32, #tpu.memory_space<vmem_shared>>)
        %dma_wait3A_460 = arith.constant 3 : i32
        %dma_wait3A_461 = arith.constant 120 : i32
        %dma_wait3A_462 = tpu.memref_slice %arg10[%dma_wait3A_461] : memref<200xi32, #tpu.memory_space<vmem>> -> memref<40xi32, #tpu.memory_space<vmem>>
        %dma_wait3A_463 = arith.constant 0 : i32
        %dma_wait3A_464 = arith.constant 0 : i32
        %dma_wait3A_465 = tpu.memref_slice %arg7[%dma_wait3A_463, %dma_wait3A_464] : memref<10000x128xf32, #tpu.memory_space<vmem_shared>> -> memref<10000x128xf32, #tpu.memory_space<vmem_shared>>
        %dma_wait3A_466 = tpu.memref_slice %arg20[%dma_wait3A_460] : memref<5x!tpu.dma_semaphore, #tpu.memory_space<semaphore_mem>> -> memref<1x!tpu.dma_semaphore, #tpu.memory_space<semaphore_mem>>
        %dma_wait3A_467 = tpu.memref_squeeze %dma_wait3A_466 : memref<1x!tpu.dma_semaphore, #tpu.memory_space<semaphore_mem>> -> memref<!tpu.dma_semaphore, #tpu.memory_space<semaphore_mem>>
        tpu.wait_indirect_dma semaphore(%dma_wait3A_467 : memref<!tpu.dma_semaphore, #tpu.memory_space<semaphore_mem>>) src(%arg17 : memref<40x128xf32, #tpu.memory_space<vmem>>) dst(%dma_wait3A_465 : memref<10000x128xf32, #tpu.memory_space<vmem_shared>>)
        %dma_wait3A_468 = arith.constant 4 : i32
        %dma_wait3A_469 = arith.constant 160 : i32
        %dma_wait3A_470 = tpu.memref_slice %arg10[%dma_wait3A_469] : memref<200xi32, #tpu.memory_space<vmem>> -> memref<40xi32, #tpu.memory_space<vmem>>
        %dma_wait3A_471 = arith.constant 0 : i32
        %dma_wait3A_472 = arith.constant 0 : i32
        %dma_wait3A_473 = tpu.memref_slice %arg7[%dma_wait3A_471, %dma_wait3A_472] : memref<10000x128xf32, #tpu.memory_space<vmem_shared>> -> memref<10000x128xf32, #tpu.memory_space<vmem_shared>>
        %dma_wait3A_474 = tpu.memref_slice %arg20[%dma_wait3A_468] : memref<5x!tpu.dma_semaphore, #tpu.memory_space<semaphore_mem>> -> memref<1x!tpu.dma_semaphore, #tpu.memory_space<semaphore_mem>>
        %dma_wait3A_475 = tpu.memref_squeeze %dma_wait3A_474 : memref<1x!tpu.dma_semaphore, #tpu.memory_space<semaphore_mem>> -> memref<!tpu.dma_semaphore, #tpu.memory_space<semaphore_mem>>
        tpu.wait_indirect_dma semaphore(%dma_wait3A_475 : memref<!tpu.dma_semaphore, #tpu.memory_space<semaphore_mem>>) src(%arg18 : memref<40x128xf32, #tpu.memory_space<vmem>>) dst(%dma_wait3A_473 : memref<10000x128xf32, #tpu.memory_space<vmem_shared>>)
      } else {
      }
      %add3A_265 = arith.constant 1 : i32
      %add3A_266 = arith.addi %add3A_256, %add3A_265 : i32
      %lt3A_267 = arith.constant 50 : i32
      %lt3A_268 = arith.cmpi slt, %add3A_266, %lt3A_267 : i32
      %convert_element_type3A_269 = arith.extui %lt3A_268 : i1 to i32
      %cond3A_270 = arith.constant 0 : i32
      %cond3A_271 = arith.cmpi ne, %convert_element_type3A_269, %cond3A_270 : i32
      scf.if %cond3A_271 {
        %add3A_436 = arith.constant 200 : i32
        %add3A_437 = arith.addi %add3A_259, %add3A_436 : i32
        %dma_start3A_438 = arith.constant 0 : i32
        %dma_start3A_439 = tpu.memref_slice %arg3[%add3A_437] : memref<320000xi32, #tpu.memory_space<hbm>> -> memref<200xi32, #tpu.memory_space<hbm>>
        %dma_start3A_440 = tpu.memref_slice %arg21[%dma_start3A_438] : memref<2x!tpu.dma_semaphore, #tpu.memory_space<semaphore_mem>> -> memref<1x!tpu.dma_semaphore, #tpu.memory_space<semaphore_mem>>
        %dma_start3A_441 = tpu.memref_squeeze %dma_start3A_440 : memref<1x!tpu.dma_semaphore, #tpu.memory_space<semaphore_mem>> -> memref<!tpu.dma_semaphore, #tpu.memory_space<semaphore_mem>>
        %dma_start3A_442 = tpu.memref_slice %arg3[%add3A_437] : memref<320000xi32, #tpu.memory_space<hbm>> -> memref<200xi32, #tpu.memory_space<hbm>>
        tpu.enqueue_dma source(%dma_start3A_442 : memref<200xi32, #tpu.memory_space<hbm>>) target(%arg8 : memref<200xi32, #tpu.memory_space<vmem>>) target_semaphore(%dma_start3A_441 : memref<!tpu.dma_semaphore, #tpu.memory_space<semaphore_mem>>)
        %dma_start3A_443 = arith.constant 0 : i32
        %dma_start3A_444 = arith.constant 0 : i32
        %dma_start3A_445 = tpu.memref_slice %arg12[%dma_start3A_444] : memref<208xf32, #tpu.memory_space<vmem>> -> memref<200xf32, #tpu.memory_space<vmem>>
        %dma_start3A_446 = tpu.memref_slice %arg5[%add3A_437] : memref<320000xf32, #tpu.memory_space<hbm>> -> memref<200xf32, #tpu.memory_space<hbm>>
        %dma_start3A_447 = tpu.memref_slice %arg21[%dma_start3A_443] : memref<2x!tpu.dma_semaphore, #tpu.memory_space<semaphore_mem>> -> memref<1x!tpu.dma_semaphore, #tpu.memory_space<semaphore_mem>>
        %dma_start3A_448 = tpu.memref_squeeze %dma_start3A_447 : memref<1x!tpu.dma_semaphore, #tpu.memory_space<semaphore_mem>> -> memref<!tpu.dma_semaphore, #tpu.memory_space<semaphore_mem>>
        %dma_start3A_449 = arith.constant 0 : i32
        %dma_start3A_450 = tpu.memref_slice %arg12[%dma_start3A_449] : memref<208xf32, #tpu.memory_space<vmem>> -> memref<200xf32, #tpu.memory_space<vmem>>
        %dma_start3A_451 = tpu.memref_slice %arg5[%add3A_437] : memref<320000xf32, #tpu.memory_space<hbm>> -> memref<200xf32, #tpu.memory_space<hbm>>
        tpu.enqueue_dma source(%dma_start3A_451 : memref<200xf32, #tpu.memory_space<hbm>>) target(%dma_start3A_450 : memref<200xf32, #tpu.memory_space<vmem>>) target_semaphore(%dma_start3A_448 : memref<!tpu.dma_semaphore, #tpu.memory_space<semaphore_mem>>)
        %dma_start3A_452 = arith.constant 0 : i32
        %dma_start3A_453 = tpu.memref_slice %arg4[%add3A_437] : memref<320000xi32, #tpu.memory_space<hbm>> -> memref<200xi32, #tpu.memory_space<hbm>>
        %dma_start3A_454 = tpu.memref_slice %arg21[%dma_start3A_452] : memref<2x!tpu.dma_semaphore, #tpu.memory_space<semaphore_mem>> -> memref<1x!tpu.dma_semaphore, #tpu.memory_space<semaphore_mem>>
        %dma_start3A_455 = tpu.memref_squeeze %dma_start3A_454 : memref<1x!tpu.dma_semaphore, #tpu.memory_space<semaphore_mem>> -> memref<!tpu.dma_semaphore, #tpu.memory_space<semaphore_mem>>
        %dma_start3A_456 = tpu.memref_slice %arg4[%add3A_437] : memref<320000xi32, #tpu.memory_space<hbm>> -> memref<200xi32, #tpu.memory_space<hbm>>
        tpu.enqueue_dma source(%dma_start3A_456 : memref<200xi32, #tpu.memory_space<hbm>>) target(%arg10 : memref<200xi32, #tpu.memory_space<vmem>>) target_semaphore(%dma_start3A_455 : memref<!tpu.dma_semaphore, #tpu.memory_space<semaphore_mem>>)
      } else {
      }
      %dma_wait3A_272 = arith.constant 1 : i32
      %dma_wait3A_273 = tpu.memref_slice %arg3[%add3A_259] : memref<320000xi32, #tpu.memory_space<hbm>> -> memref<200xi32, #tpu.memory_space<hbm>>
      %dma_wait3A_274 = tpu.memref_slice %arg21[%dma_wait3A_272] : memref<2x!tpu.dma_semaphore, #tpu.memory_space<semaphore_mem>> -> memref<1x!tpu.dma_semaphore, #tpu.memory_space<semaphore_mem>>
      %dma_wait3A_275 = tpu.memref_squeeze %dma_wait3A_274 : memref<1x!tpu.dma_semaphore, #tpu.memory_space<semaphore_mem>> -> memref<!tpu.dma_semaphore, #tpu.memory_space<semaphore_mem>>
      %dma_wait3A_276 = tpu.memref_slice %arg3[%add3A_259] : memref<320000xi32, #tpu.memory_space<hbm>> -> memref<200xi32, #tpu.memory_space<hbm>>
      tpu.wait_dma2 semaphore(%dma_wait3A_275 : memref<!tpu.dma_semaphore, #tpu.memory_space<semaphore_mem>>) src(%dma_wait3A_276 : memref<200xi32, #tpu.memory_space<hbm>>) dst(%arg9 : memref<200xi32, #tpu.memory_space<vmem>>)
      %dma_wait3A_277 = arith.constant 1 : i32
      %dma_wait3A_278 = arith.constant 0 : i32
      %dma_wait3A_279 = tpu.memref_slice %arg13[%dma_wait3A_278] : memref<208xf32, #tpu.memory_space<vmem>> -> memref<200xf32, #tpu.memory_space<vmem>>
      %dma_wait3A_280 = tpu.memref_slice %arg5[%add3A_259] : memref<320000xf32, #tpu.memory_space<hbm>> -> memref<200xf32, #tpu.memory_space<hbm>>
      %dma_wait3A_281 = tpu.memref_slice %arg21[%dma_wait3A_277] : memref<2x!tpu.dma_semaphore, #tpu.memory_space<semaphore_mem>> -> memref<1x!tpu.dma_semaphore, #tpu.memory_space<semaphore_mem>>
      %dma_wait3A_282 = tpu.memref_squeeze %dma_wait3A_281 : memref<1x!tpu.dma_semaphore, #tpu.memory_space<semaphore_mem>> -> memref<!tpu.dma_semaphore, #tpu.memory_space<semaphore_mem>>
      %dma_wait3A_283 = arith.constant 0 : i32
      %dma_wait3A_284 = tpu.memref_slice %arg13[%dma_wait3A_283] : memref<208xf32, #tpu.memory_space<vmem>> -> memref<200xf32, #tpu.memory_space<vmem>>
      %dma_wait3A_285 = tpu.memref_slice %arg5[%add3A_259] : memref<320000xf32, #tpu.memory_space<hbm>> -> memref<200xf32, #tpu.memory_space<hbm>>
      tpu.wait_dma2 semaphore(%dma_wait3A_282 : memref<!tpu.dma_semaphore, #tpu.memory_space<semaphore_mem>>) src(%dma_wait3A_285 : memref<200xf32, #tpu.memory_space<hbm>>) dst(%dma_wait3A_284 : memref<200xf32, #tpu.memory_space<vmem>>)
      %dma_wait3A_286 = arith.constant 1 : i32
      %dma_wait3A_287 = tpu.memref_slice %arg4[%add3A_259] : memref<320000xi32, #tpu.memory_space<hbm>> -> memref<200xi32, #tpu.memory_space<hbm>>
      %dma_wait3A_288 = tpu.memref_slice %arg21[%dma_wait3A_286] : memref<2x!tpu.dma_semaphore, #tpu.memory_space<semaphore_mem>> -> memref<1x!tpu.dma_semaphore, #tpu.memory_space<semaphore_mem>>
      %dma_wait3A_289 = tpu.memref_squeeze %dma_wait3A_288 : memref<1x!tpu.dma_semaphore, #tpu.memory_space<semaphore_mem>> -> memref<!tpu.dma_semaphore, #tpu.memory_space<semaphore_mem>>
      %dma_wait3A_290 = tpu.memref_slice %arg4[%add3A_259] : memref<320000xi32, #tpu.memory_space<hbm>> -> memref<200xi32, #tpu.memory_space<hbm>>
      tpu.wait_dma2 semaphore(%dma_wait3A_289 : memref<!tpu.dma_semaphore, #tpu.memory_space<semaphore_mem>>) src(%dma_wait3A_290 : memref<200xi32, #tpu.memory_space<hbm>>) dst(%arg11 : memref<200xi32, #tpu.memory_space<vmem>>)
      %dma_start3A_291 = arith.constant 0 : i32
      %dma_start3A_292 = arith.constant 0 : i32
      %dma_start3A_293 = tpu.memref_slice %arg9[%dma_start3A_292] : memref<200xi32, #tpu.memory_space<vmem>> -> memref<40xi32, #tpu.memory_space<vmem>>
      %dma_start3A_294 = arith.constant 0 : i32
      %dma_start3A_295 = arith.constant 0 : i32
      %dma_start3A_296 = tpu.memref_slice %arg2[%dma_start3A_294, %dma_start3A_295] : memref<10000x128xf32, #tpu.memory_space<hbm>> -> memref<10000x128xf32, #tpu.memory_space<hbm>>
      %dma_start3A_297 = tpu.memref_slice %arg19[%dma_start3A_291] : memref<5x!tpu.dma_semaphore, #tpu.memory_space<semaphore_mem>> -> memref<1x!tpu.dma_semaphore, #tpu.memory_space<semaphore_mem>>
      %dma_start3A_298 = tpu.memref_squeeze %dma_start3A_297 : memref<1x!tpu.dma_semaphore, #tpu.memory_space<semaphore_mem>> -> memref<!tpu.dma_semaphore, #tpu.memory_space<semaphore_mem>>
      tpu.enqueue_indirect_dma source(%dma_start3A_296 : memref<10000x128xf32, #tpu.memory_space<hbm>>) target(%arg14 : memref<40x128xf32, #tpu.memory_space<vmem>>) offsets(%dma_start3A_293 : memref<40xi32, #tpu.memory_space<vmem>>) semaphore(%dma_start3A_298 : memref<!tpu.dma_semaphore, #tpu.memory_space<semaphore_mem>>)
      %dma_start3A_299 = arith.constant 1 : i32
      %dma_start3A_300 = arith.constant 40 : i32
      %dma_start3A_301 = tpu.memref_slice %arg9[%dma_start3A_300] : memref<200xi32, #tpu.memory_space<vmem>> -> memref<40xi32, #tpu.memory_space<vmem>>
      %dma_start3A_302 = arith.constant 0 : i32
      %dma_start3A_303 = arith.constant 0 : i32
      %dma_start3A_304 = tpu.memref_slice %arg2[%dma_start3A_302, %dma_start3A_303] : memref<10000x128xf32, #tpu.memory_space<hbm>> -> memref<10000x128xf32, #tpu.memory_space<hbm>>
      %dma_start3A_305 = tpu.memref_slice %arg19[%dma_start3A_299] : memref<5x!tpu.dma_semaphore, #tpu.memory_space<semaphore_mem>> -> memref<1x!tpu.dma_semaphore, #tpu.memory_space<semaphore_mem>>
      %dma_start3A_306 = tpu.memref_squeeze %dma_start3A_305 : memref<1x!tpu.dma_semaphore, #tpu.memory_space<semaphore_mem>> -> memref<!tpu.dma_semaphore, #tpu.memory_space<semaphore_mem>>
      tpu.enqueue_indirect_dma source(%dma_start3A_304 : memref<10000x128xf32, #tpu.memory_space<hbm>>) target(%arg15 : memref<40x128xf32, #tpu.memory_space<vmem>>) offsets(%dma_start3A_301 : memref<40xi32, #tpu.memory_space<vmem>>) semaphore(%dma_start3A_306 : memref<!tpu.dma_semaphore, #tpu.memory_space<semaphore_mem>>)
      %dma_start3A_307 = arith.constant 2 : i32
      %dma_start3A_308 = arith.constant 80 : i32
      %dma_start3A_309 = tpu.memref_slice %arg9[%dma_start3A_308] : memref<200xi32, #tpu.memory_space<vmem>> -> memref<40xi32, #tpu.memory_space<vmem>>
      %dma_start3A_310 = arith.constant 0 : i32
      %dma_start3A_311 = arith.constant 0 : i32
      %dma_start3A_312 = tpu.memref_slice %arg2[%dma_start3A_310, %dma_start3A_311] : memref<10000x128xf32, #tpu.memory_space<hbm>> -> memref<10000x128xf32, #tpu.memory_space<hbm>>
      %dma_start3A_313 = tpu.memref_slice %arg19[%dma_start3A_307] : memref<5x!tpu.dma_semaphore, #tpu.memory_space<semaphore_mem>> -> memref<1x!tpu.dma_semaphore, #tpu.memory_space<semaphore_mem>>
      %dma_start3A_314 = tpu.memref_squeeze %dma_start3A_313 : memref<1x!tpu.dma_semaphore, #tpu.memory_space<semaphore_mem>> -> memref<!tpu.dma_semaphore, #tpu.memory_space<semaphore_mem>>
      tpu.enqueue_indirect_dma source(%dma_start3A_312 : memref<10000x128xf32, #tpu.memory_space<hbm>>) target(%arg16 : memref<40x128xf32, #tpu.memory_space<vmem>>) offsets(%dma_start3A_309 : memref<40xi32, #tpu.memory_space<vmem>>) semaphore(%dma_start3A_314 : memref<!tpu.dma_semaphore, #tpu.memory_space<semaphore_mem>>)
      %dma_start3A_315 = arith.constant 3 : i32
      %dma_start3A_316 = arith.constant 120 : i32
      %dma_start3A_317 = tpu.memref_slice %arg9[%dma_start3A_316] : memref<200xi32, #tpu.memory_space<vmem>> -> memref<40xi32, #tpu.memory_space<vmem>>
      %dma_start3A_318 = arith.constant 0 : i32
      %dma_start3A_319 = arith.constant 0 : i32
      %dma_start3A_320 = tpu.memref_slice %arg2[%dma_start3A_318, %dma_start3A_319] : memref<10000x128xf32, #tpu.memory_space<hbm>> -> memref<10000x128xf32, #tpu.memory_space<hbm>>
      %dma_start3A_321 = tpu.memref_slice %arg19[%dma_start3A_315] : memref<5x!tpu.dma_semaphore, #tpu.memory_space<semaphore_mem>> -> memref<1x!tpu.dma_semaphore, #tpu.memory_space<semaphore_mem>>
      %dma_start3A_322 = tpu.memref_squeeze %dma_start3A_321 : memref<1x!tpu.dma_semaphore, #tpu.memory_space<semaphore_mem>> -> memref<!tpu.dma_semaphore, #tpu.memory_space<semaphore_mem>>
      tpu.enqueue_indirect_dma source(%dma_start3A_320 : memref<10000x128xf32, #tpu.memory_space<hbm>>) target(%arg17 : memref<40x128xf32, #tpu.memory_space<vmem>>) offsets(%dma_start3A_317 : memref<40xi32, #tpu.memory_space<vmem>>) semaphore(%dma_start3A_322 : memref<!tpu.dma_semaphore, #tpu.memory_space<semaphore_mem>>)
      %dma_start3A_323 = arith.constant 4 : i32
      %dma_start3A_324 = arith.constant 160 : i32
      %dma_start3A_325 = tpu.memref_slice %arg9[%dma_start3A_324] : memref<200xi32, #tpu.memory_space<vmem>> -> memref<40xi32, #tpu.memory_space<vmem>>
      %dma_start3A_326 = arith.constant 0 : i32
      %dma_start3A_327 = arith.constant 0 : i32
      %dma_start3A_328 = tpu.memref_slice %arg2[%dma_start3A_326, %dma_start3A_327] : memref<10000x128xf32, #tpu.memory_space<hbm>> -> memref<10000x128xf32, #tpu.memory_space<hbm>>
      %dma_start3A_329 = tpu.memref_slice %arg19[%dma_start3A_323] : memref<5x!tpu.dma_semaphore, #tpu.memory_space<semaphore_mem>> -> memref<1x!tpu.dma_semaphore, #tpu.memory_space<semaphore_mem>>
      %dma_start3A_330 = tpu.memref_squeeze %dma_start3A_329 : memref<1x!tpu.dma_semaphore, #tpu.memory_space<semaphore_mem>> -> memref<!tpu.dma_semaphore, #tpu.memory_space<semaphore_mem>>
      tpu.enqueue_indirect_dma source(%dma_start3A_328 : memref<10000x128xf32, #tpu.memory_space<hbm>>) target(%arg18 : memref<40x128xf32, #tpu.memory_space<vmem>>) offsets(%dma_start3A_325 : memref<40xi32, #tpu.memory_space<vmem>>) semaphore(%dma_start3A_330 : memref<!tpu.dma_semaphore, #tpu.memory_space<semaphore_mem>>)
      %dma_wait3A_331 = arith.constant 0 : i32
      %dma_wait3A_332 = arith.constant 0 : i32
      %dma_wait3A_333 = tpu.memref_slice %arg9[%dma_wait3A_332] : memref<200xi32, #tpu.memory_space<vmem>> -> memref<40xi32, #tpu.memory_space<vmem>>
      %dma_wait3A_334 = arith.constant 0 : i32
      %dma_wait3A_335 = arith.constant 0 : i32
      %dma_wait3A_336 = tpu.memref_slice %arg2[%dma_wait3A_334, %dma_wait3A_335] : memref<10000x128xf32, #tpu.memory_space<hbm>> -> memref<10000x128xf32, #tpu.memory_space<hbm>>
      %dma_wait3A_337 = tpu.memref_slice %arg19[%dma_wait3A_331] : memref<5x!tpu.dma_semaphore, #tpu.memory_space<semaphore_mem>> -> memref<1x!tpu.dma_semaphore, #tpu.memory_space<semaphore_mem>>
      %dma_wait3A_338 = tpu.memref_squeeze %dma_wait3A_337 : memref<1x!tpu.dma_semaphore, #tpu.memory_space<semaphore_mem>> -> memref<!tpu.dma_semaphore, #tpu.memory_space<semaphore_mem>>
      tpu.wait_indirect_dma semaphore(%dma_wait3A_338 : memref<!tpu.dma_semaphore, #tpu.memory_space<semaphore_mem>>) src(%dma_wait3A_336 : memref<10000x128xf32, #tpu.memory_space<hbm>>) dst(%arg14 : memref<40x128xf32, #tpu.memory_space<vmem>>)
      %scan3A_339 = arith.constant 0 : i32
      %scan3A_340 = arith.constant 10 : i32
      %scan3A_341 = arith.addi %scan3A_339, %scan3A_340 : i32
      %scan3A_342 = arith.constant 1 : i32
      scf.for %scan3A_436 = %scan3A_339 to %scan3A_341 step %scan3A_342  : i32 {
        %mul3A_437 = arith.constant 4 : i32
        %mul3A_438 = arith.muli %scan3A_436, %mul3A_437 : i32
        %add3A_439 = arith.constant 0 : i32
        %add3A_440 = arith.addi %mul3A_438, %add3A_439 : i32
        %add3A_441 = arith.constant 0 : i32
        %add3A_442 = arith.addi %add3A_441, %add3A_440 : i32
        %broadcast_in_dim3A = vector.broadcast %add3A_442 : i32 to vector<16xi32>
        %gather3A = tpu.vector_load_idx %arg13[%broadcast_in_dim3A] : memref<208xf32, #tpu.memory_space<vmem>>[vector<16xi32>], vector<16xf32>,
        %get3A = arith.index_cast %add3A_440 : i32 to index
        %get3A_443 = arith.constant 0 : index
        %get3A_444 = tpu.vector_load %arg14[%get3A, %get3A_443] {strides = array<i32>} : memref<40x128xf32, #tpu.memory_space<vmem>>, vector<16xf32>,
        %mul3A_445 = arith.mulf %get3A_444, %gather3A : vector<16xf32>
        %swap3A = arith.index_cast %add3A_440 : i32 to index
        %swap3A_446 = arith.constant 0 : index
        %swap3A_447 = tpu.vector_load %arg14[%swap3A, %swap3A_446] {strides = array<i32>} : memref<40x128xf32, #tpu.memory_space<vmem>>, vector<16xf32>,
        tpu.vector_store %arg14[%swap3A, %swap3A_446], %mul3A_445 {strides = array<i32>} : memref<40x128xf32, #tpu.memory_space<vmem>>, vector<16xf32>,
        %get3A_448 = arith.index_cast %add3A_440 : i32 to index
        %get3A_449 = arith.constant 16 : index
        %get3A_450 = tpu.vector_load %arg14[%get3A_448, %get3A_449] {strides = array<i32>} : memref<40x128xf32, #tpu.memory_space<vmem>>, vector<16xf32>,
        %mul3A_451 = arith.mulf %get3A_450, %gather3A : vector<16xf32>
        %swap3A_452 = arith.index_cast %add3A_440 : i32 to index
        %swap3A_453 = arith.constant 16 : index
        %swap3A_454 = tpu.vector_load %arg14[%swap3A_452, %swap3A_453] {strides = array<i32>} : memref<40x128xf32, #tpu.memory_space<vmem>>, vector<16xf32>,
        tpu.vector_store %arg14[%swap3A_452, %swap3A_453], %mul3A_451 {strides = array<i32>} : memref<40x128xf32, #tpu.memory_space<vmem>>, vector<16xf32>,
        %get3A_455 = arith.index_cast %add3A_440 : i32 to index
        %get3A_456 = arith.constant 32 : index
        %get3A_457 = tpu.vector_load %arg14[%get3A_455, %get3A_456] {strides = array<i32>} : memref<40x128xf32, #tpu.memory_space<vmem>>, vector<16xf32>,
        %mul3A_458 = arith.mulf %get3A_457, %gather3A : vector<16xf32>
        %swap3A_459 = arith.index_cast %add3A_440 : i32 to index
        %swap3A_460 = arith.constant 32 : index
        %swap3A_461 = tpu.vector_load %arg14[%swap3A_459, %swap3A_460] {strides = array<i32>} : memref<40x128xf32, #tpu.memory_space<vmem>>, vector<16xf32>,
        tpu.vector_store %arg14[%swap3A_459, %swap3A_460], %mul3A_458 {strides = array<i32>} : memref<40x128xf32, #tpu.memory_space<vmem>>, vector<16xf32>,
        %get3A_462 = arith.index_cast %add3A_440 : i32 to index
        %get3A_463 = arith.constant 48 : index
        %get3A_464 = tpu.vector_load %arg14[%get3A_462, %get3A_463] {strides = array<i32>} : memref<40x128xf32, #tpu.memory_space<vmem>>, vector<16xf32>,
        %mul3A_465 = arith.mulf %get3A_464, %gather3A : vector<16xf32>
        %swap3A_466 = arith.index_cast %add3A_440 : i32 to index
        %swap3A_467 = arith.constant 48 : index
        %swap3A_468 = tpu.vector_load %arg14[%swap3A_466, %swap3A_467] {strides = array<i32>} : memref<40x128xf32, #tpu.memory_space<vmem>>, vector<16xf32>,
        tpu.vector_store %arg14[%swap3A_466, %swap3A_467], %mul3A_465 {strides = array<i32>} : memref<40x128xf32, #tpu.memory_space<vmem>>, vector<16xf32>,
        %get3A_469 = arith.index_cast %add3A_440 : i32 to index
        %get3A_470 = arith.constant 64 : index
        %get3A_471 = tpu.vector_load %arg14[%get3A_469, %get3A_470] {strides = array<i32>} : memref<40x128xf32, #tpu.memory_space<vmem>>, vector<16xf32>,
        %mul3A_472 = arith.mulf %get3A_471, %gather3A : vector<16xf32>
        %swap3A_473 = arith.index_cast %add3A_440 : i32 to index
        %swap3A_474 = arith.constant 64 : index
        %swap3A_475 = tpu.vector_load %arg14[%swap3A_473, %swap3A_474] {strides = array<i32>} : memref<40x128xf32, #tpu.memory_space<vmem>>, vector<16xf32>,
        tpu.vector_store %arg14[%swap3A_473, %swap3A_474], %mul3A_472 {strides = array<i32>} : memref<40x128xf32, #tpu.memory_space<vmem>>, vector<16xf32>,
        %get3A_476 = arith.index_cast %add3A_440 : i32 to index
        %get3A_477 = arith.constant 80 : index
        %get3A_478 = tpu.vector_load %arg14[%get3A_476, %get3A_477] {strides = array<i32>} : memref<40x128xf32, #tpu.memory_space<vmem>>, vector<16xf32>,
        %mul3A_479 = arith.mulf %get3A_478, %gather3A : vector<16xf32>
        %swap3A_480 = arith.index_cast %add3A_440 : i32 to index
        %swap3A_481 = arith.constant 80 : index
        %swap3A_482 = tpu.vector_load %arg14[%swap3A_480, %swap3A_481] {strides = array<i32>} : memref<40x128xf32, #tpu.memory_space<vmem>>, vector<16xf32>,
        tpu.vector_store %arg14[%swap3A_480, %swap3A_481], %mul3A_479 {strides = array<i32>} : memref<40x128xf32, #tpu.memory_space<vmem>>, vector<16xf32>,
        %get3A_483 = arith.index_cast %add3A_440 : i32 to index
        %get3A_484 = arith.constant 96 : index
        %get3A_485 = tpu.vector_load %arg14[%get3A_483, %get3A_484] {strides = array<i32>} : memref<40x128xf32, #tpu.memory_space<vmem>>, vector<16xf32>,
        %mul3A_486 = arith.mulf %get3A_485, %gather3A : vector<16xf32>
        %swap3A_487 = arith.index_cast %add3A_440 : i32 to index
        %swap3A_488 = arith.constant 96 : index
        %swap3A_489 = tpu.vector_load %arg14[%swap3A_487, %swap3A_488] {strides = array<i32>} : memref<40x128xf32, #tpu.memory_space<vmem>>, vector<16xf32>,
        tpu.vector_store %arg14[%swap3A_487, %swap3A_488], %mul3A_486 {strides = array<i32>} : memref<40x128xf32, #tpu.memory_space<vmem>>, vector<16xf32>,
        %get3A_490 = arith.index_cast %add3A_440 : i32 to index
        %get3A_491 = arith.constant 112 : index
        %get3A_492 = tpu.vector_load %arg14[%get3A_490, %get3A_491] {strides = array<i32>} : memref<40x128xf32, #tpu.memory_space<vmem>>, vector<16xf32>,
        %mul3A_493 = arith.mulf %get3A_492, %gather3A : vector<16xf32>
        %swap3A_494 = arith.index_cast %add3A_440 : i32 to index
        %swap3A_495 = arith.constant 112 : index
        %swap3A_496 = tpu.vector_load %arg14[%swap3A_494, %swap3A_495] {strides = array<i32>} : memref<40x128xf32, #tpu.memory_space<vmem>>, vector<16xf32>,
        tpu.vector_store %arg14[%swap3A_494, %swap3A_495], %mul3A_493 {strides = array<i32>} : memref<40x128xf32, #tpu.memory_space<vmem>>, vector<16xf32>,
        %mul3A_497 = arith.constant 4 : i32
        %mul3A_498 = arith.muli %scan3A_436, %mul3A_497 : i32
        %add3A_499 = arith.constant 1 : i32
        %add3A_500 = arith.addi %mul3A_498, %add3A_499 : i32
        %add3A_501 = arith.constant 0 : i32
        %add3A_502 = arith.addi %add3A_501, %add3A_500 : i32
        %broadcast_in_dim3A_503 = vector.broadcast %add3A_502 : i32 to vector<16xi32>
        %gather3A_504 = tpu.vector_load_idx %arg13[%broadcast_in_dim3A_503] : memref<208xf32, #tpu.memory_space<vmem>>[vector<16xi32>], vector<16xf32>,
        %get3A_505 = arith.index_cast %add3A_500 : i32 to index
        %get3A_506 = arith.constant 0 : index
        %get3A_507 = tpu.vector_load %arg14[%get3A_505, %get3A_506] {strides = array<i32>} : memref<40x128xf32, #tpu.memory_space<vmem>>, vector<16xf32>,
        %mul3A_508 = arith.mulf %get3A_507, %gather3A_504 : vector<16xf32>
        %swap3A_509 = arith.index_cast %add3A_500 : i32 to index
        %swap3A_510 = arith.constant 0 : index
        %swap3A_511 = tpu.vector_load %arg14[%swap3A_509, %swap3A_510] {strides = array<i32>} : memref<40x128xf32, #tpu.memory_space<vmem>>, vector<16xf32>,
        tpu.vector_store %arg14[%swap3A_509, %swap3A_510], %mul3A_508 {strides = array<i32>} : memref<40x128xf32, #tpu.memory_space<vmem>>, vector<16xf32>,
        %get3A_512 = arith.index_cast %add3A_500 : i32 to index
        %get3A_513 = arith.constant 16 : index
        %get3A_514 = tpu.vector_load %arg14[%get3A_512, %get3A_513] {strides = array<i32>} : memref<40x128xf32, #tpu.memory_space<vmem>>, vector<16xf32>,
        %mul3A_515 = arith.mulf %get3A_514, %gather3A_504 : vector<16xf32>
        %swap3A_516 = arith.index_cast %add3A_500 : i32 to index
        %swap3A_517 = arith.constant 16 : index
        %swap3A_518 = tpu.vector_load %arg14[%swap3A_516, %swap3A_517] {strides = array<i32>} : memref<40x128xf32, #tpu.memory_space<vmem>>, vector<16xf32>,
        tpu.vector_store %arg14[%swap3A_516, %swap3A_517], %mul3A_515 {strides = array<i32>} : memref<40x128xf32, #tpu.memory_space<vmem>>, vector<16xf32>,
        %get3A_519 = arith.index_cast %add3A_500 : i32 to index
        %get3A_520 = arith.constant 32 : index
        %get3A_521 = tpu.vector_load %arg14[%get3A_519, %get3A_520] {strides = array<i32>} : memref<40x128xf32, #tpu.memory_space<vmem>>, vector<16xf32>,
        %mul3A_522 = arith.mulf %get3A_521, %gather3A_504 : vector<16xf32>
        %swap3A_523 = arith.index_cast %add3A_500 : i32 to index
        %swap3A_524 = arith.constant 32 : index
        %swap3A_525 = tpu.vector_load %arg14[%swap3A_523, %swap3A_524] {strides = array<i32>} : memref<40x128xf32, #tpu.memory_space<vmem>>, vector<16xf32>,
        tpu.vector_store %arg14[%swap3A_523, %swap3A_524], %mul3A_522 {strides = array<i32>} : memref<40x128xf32, #tpu.memory_space<vmem>>, vector<16xf32>,
        %get3A_526 = arith.index_cast %add3A_500 : i32 to index
        %get3A_527 = arith.constant 48 : index
        %get3A_528 = tpu.vector_load %arg14[%get3A_526, %get3A_527] {strides = array<i32>} : memref<40x128xf32, #tpu.memory_space<vmem>>, vector<16xf32>,
        %mul3A_529 = arith.mulf %get3A_528, %gather3A_504 : vector<16xf32>
        %swap3A_530 = arith.index_cast %add3A_500 : i32 to index
        %swap3A_531 = arith.constant 48 : index
        %swap3A_532 = tpu.vector_load %arg14[%swap3A_530, %swap3A_531] {strides = array<i32>} : memref<40x128xf32, #tpu.memory_space<vmem>>, vector<16xf32>,
        tpu.vector_store %arg14[%swap3A_530, %swap3A_531], %mul3A_529 {strides = array<i32>} : memref<40x128xf32, #tpu.memory_space<vmem>>, vector<16xf32>,
        %get3A_533 = arith.index_cast %add3A_500 : i32 to index
        %get3A_534 = arith.constant 64 : index
        %get3A_535 = tpu.vector_load %arg14[%get3A_533, %get3A_534] {strides = array<i32>} : memref<40x128xf32, #tpu.memory_space<vmem>>, vector<16xf32>,
        %mul3A_536 = arith.mulf %get3A_535, %gather3A_504 : vector<16xf32>
        %swap3A_537 = arith.index_cast %add3A_500 : i32 to index
        %swap3A_538 = arith.constant 64 : index
        %swap3A_539 = tpu.vector_load %arg14[%swap3A_537, %swap3A_538] {strides = array<i32>} : memref<40x128xf32, #tpu.memory_space<vmem>>, vector<16xf32>,
        tpu.vector_store %arg14[%swap3A_537, %swap3A_538], %mul3A_536 {strides = array<i32>} : memref<40x128xf32, #tpu.memory_space<vmem>>, vector<16xf32>,
        %get3A_540 = arith.index_cast %add3A_500 : i32 to index
        %get3A_541 = arith.constant 80 : index
        %get3A_542 = tpu.vector_load %arg14[%get3A_540, %get3A_541] {strides = array<i32>} : memref<40x128xf32, #tpu.memory_space<vmem>>, vector<16xf32>,
        %mul3A_543 = arith.mulf %get3A_542, %gather3A_504 : vector<16xf32>
        %swap3A_544 = arith.index_cast %add3A_500 : i32 to index
        %swap3A_545 = arith.constant 80 : index
        %swap3A_546 = tpu.vector_load %arg14[%swap3A_544, %swap3A_545] {strides = array<i32>} : memref<40x128xf32, #tpu.memory_space<vmem>>, vector<16xf32>,
        tpu.vector_store %arg14[%swap3A_544, %swap3A_545], %mul3A_543 {strides = array<i32>} : memref<40x128xf32, #tpu.memory_space<vmem>>, vector<16xf32>,
        %get3A_547 = arith.index_cast %add3A_500 : i32 to index
        %get3A_548 = arith.constant 96 : index
        %get3A_549 = tpu.vector_load %arg14[%get3A_547, %get3A_548] {strides = array<i32>} : memref<40x128xf32, #tpu.memory_space<vmem>>, vector<16xf32>,
        %mul3A_550 = arith.mulf %get3A_549, %gather3A_504 : vector<16xf32>
        %swap3A_551 = arith.index_cast %add3A_500 : i32 to index
        %swap3A_552 = arith.constant 96 : index
        %swap3A_553 = tpu.vector_load %arg14[%swap3A_551, %swap3A_552] {strides = array<i32>} : memref<40x128xf32, #tpu.memory_space<vmem>>, vector<16xf32>,
        tpu.vector_store %arg14[%swap3A_551, %swap3A_552], %mul3A_550 {strides = array<i32>} : memref<40x128xf32, #tpu.memory_space<vmem>>, vector<16xf32>,
        %get3A_554 = arith.index_cast %add3A_500 : i32 to index
        %get3A_555 = arith.constant 112 : index
        %get3A_556 = tpu.vector_load %arg14[%get3A_554, %get3A_555] {strides = array<i32>} : memref<40x128xf32, #tpu.memory_space<vmem>>, vector<16xf32>,
        %mul3A_557 = arith.mulf %get3A_556, %gather3A_504 : vector<16xf32>
        %swap3A_558 = arith.index_cast %add3A_500 : i32 to index
        %swap3A_559 = arith.constant 112 : index
        %swap3A_560 = tpu.vector_load %arg14[%swap3A_558, %swap3A_559] {strides = array<i32>} : memref<40x128xf32, #tpu.memory_space<vmem>>, vector<16xf32>,
        tpu.vector_store %arg14[%swap3A_558, %swap3A_559], %mul3A_557 {strides = array<i32>} : memref<40x128xf32, #tpu.memory_space<vmem>>, vector<16xf32>,
        %mul3A_561 = arith.constant 4 : i32
        %mul3A_562 = arith.muli %scan3A_436, %mul3A_561 : i32
        %add3A_563 = arith.constant 2 : i32
        %add3A_564 = arith.addi %mul3A_562, %add3A_563 : i32
        %add3A_565 = arith.constant 0 : i32
        %add3A_566 = arith.addi %add3A_565, %add3A_564 : i32
        %broadcast_in_dim3A_567 = vector.broadcast %add3A_566 : i32 to vector<16xi32>
        %gather3A_568 = tpu.vector_load_idx %arg13[%broadcast_in_dim3A_567] : memref<208xf32, #tpu.memory_space<vmem>>[vector<16xi32>], vector<16xf32>,
        %get3A_569 = arith.index_cast %add3A_564 : i32 to index
        %get3A_570 = arith.constant 0 : index
        %get3A_571 = tpu.vector_load %arg14[%get3A_569, %get3A_570] {strides = array<i32>} : memref<40x128xf32, #tpu.memory_space<vmem>>, vector<16xf32>,
        %mul3A_572 = arith.mulf %get3A_571, %gather3A_568 : vector<16xf32>
        %swap3A_573 = arith.index_cast %add3A_564 : i32 to index
        %swap3A_574 = arith.constant 0 : index
        %swap3A_575 = tpu.vector_load %arg14[%swap3A_573, %swap3A_574] {strides = array<i32>} : memref<40x128xf32, #tpu.memory_space<vmem>>, vector<16xf32>,
        tpu.vector_store %arg14[%swap3A_573, %swap3A_574], %mul3A_572 {strides = array<i32>} : memref<40x128xf32, #tpu.memory_space<vmem>>, vector<16xf32>,
        %get3A_576 = arith.index_cast %add3A_564 : i32 to index
        %get3A_577 = arith.constant 16 : index
        %get3A_578 = tpu.vector_load %arg14[%get3A_576, %get3A_577] {strides = array<i32>} : memref<40x128xf32, #tpu.memory_space<vmem>>, vector<16xf32>,
        %mul3A_579 = arith.mulf %get3A_578, %gather3A_568 : vector<16xf32>
        %swap3A_580 = arith.index_cast %add3A_564 : i32 to index
        %swap3A_581 = arith.constant 16 : index
        %swap3A_582 = tpu.vector_load %arg14[%swap3A_580, %swap3A_581] {strides = array<i32>} : memref<40x128xf32, #tpu.memory_space<vmem>>, vector<16xf32>,
        tpu.vector_store %arg14[%swap3A_580, %swap3A_581], %mul3A_579 {strides = array<i32>} : memref<40x128xf32, #tpu.memory_space<vmem>>, vector<16xf32>,
        %get3A_583 = arith.index_cast %add3A_564 : i32 to index
        %get3A_584 = arith.constant 32 : index
        %get3A_585 = tpu.vector_load %arg14[%get3A_583, %get3A_584] {strides = array<i32>} : memref<40x128xf32, #tpu.memory_space<vmem>>, vector<16xf32>,
        %mul3A_586 = arith.mulf %get3A_585, %gather3A_568 : vector<16xf32>
        %swap3A_587 = arith.index_cast %add3A_564 : i32 to index
        %swap3A_588 = arith.constant 32 : index
        %swap3A_589 = tpu.vector_load %arg14[%swap3A_587, %swap3A_588] {strides = array<i32>} : memref<40x128xf32, #tpu.memory_space<vmem>>, vector<16xf32>,
        tpu.vector_store %arg14[%swap3A_587, %swap3A_588], %mul3A_586 {strides = array<i32>} : memref<40x128xf32, #tpu.memory_space<vmem>>, vector<16xf32>,
        %get3A_590 = arith.index_cast %add3A_564 : i32 to index
        %get3A_591 = arith.constant 48 : index
        %get3A_592 = tpu.vector_load %arg14[%get3A_590, %get3A_591] {strides = array<i32>} : memref<40x128xf32, #tpu.memory_space<vmem>>, vector<16xf32>,
        %mul3A_593 = arith.mulf %get3A_592, %gather3A_568 : vector<16xf32>
        %swap3A_594 = arith.index_cast %add3A_564 : i32 to index
        %swap3A_595 = arith.constant 48 : index
        %swap3A_596 = tpu.vector_load %arg14[%swap3A_594, %swap3A_595] {strides = array<i32>} : memref<40x128xf32, #tpu.memory_space<vmem>>, vector<16xf32>,
        tpu.vector_store %arg14[%swap3A_594, %swap3A_595], %mul3A_593 {strides = array<i32>} : memref<40x128xf32, #tpu.memory_space<vmem>>, vector<16xf32>,
        %get3A_597 = arith.index_cast %add3A_564 : i32 to index
        %get3A_598 = arith.constant 64 : index
        %get3A_599 = tpu.vector_load %arg14[%get3A_597, %get3A_598] {strides = array<i32>} : memref<40x128xf32, #tpu.memory_space<vmem>>, vector<16xf32>,
        %mul3A_600 = arith.mulf %get3A_599, %gather3A_568 : vector<16xf32>
        %swap3A_601 = arith.index_cast %add3A_564 : i32 to index
        %swap3A_602 = arith.constant 64 : index
        %swap3A_603 = tpu.vector_load %arg14[%swap3A_601, %swap3A_602] {strides = array<i32>} : memref<40x128xf32, #tpu.memory_space<vmem>>, vector<16xf32>,
        tpu.vector_store %arg14[%swap3A_601, %swap3A_602], %mul3A_600 {strides = array<i32>} : memref<40x128xf32, #tpu.memory_space<vmem>>, vector<16xf32>,
        %get3A_604 = arith.index_cast %add3A_564 : i32 to index
        %get3A_605 = arith.constant 80 : index
        %get3A_606 = tpu.vector_load %arg14[%get3A_604, %get3A_605] {strides = array<i32>} : memref<40x128xf32, #tpu.memory_space<vmem>>, vector<16xf32>,
        %mul3A_607 = arith.mulf %get3A_606, %gather3A_568 : vector<16xf32>
        %swap3A_608 = arith.index_cast %add3A_564 : i32 to index
        %swap3A_609 = arith.constant 80 : index
        %swap3A_610 = tpu.vector_load %arg14[%swap3A_608, %swap3A_609] {strides = array<i32>} : memref<40x128xf32, #tpu.memory_space<vmem>>, vector<16xf32>,
        tpu.vector_store %arg14[%swap3A_608, %swap3A_609], %mul3A_607 {strides = array<i32>} : memref<40x128xf32, #tpu.memory_space<vmem>>, vector<16xf32>,
        %get3A_611 = arith.index_cast %add3A_564 : i32 to index
        %get3A_612 = arith.constant 96 : index
        %get3A_613 = tpu.vector_load %arg14[%get3A_611, %get3A_612] {strides = array<i32>} : memref<40x128xf32, #tpu.memory_space<vmem>>, vector<16xf32>,
        %mul3A_614 = arith.mulf %get3A_613, %gather3A_568 : vector<16xf32>
        %swap3A_615 = arith.index_cast %add3A_564 : i32 to index
        %swap3A_616 = arith.constant 96 : index
        %swap3A_617 = tpu.vector_load %arg14[%swap3A_615, %swap3A_616] {strides = array<i32>} : memref<40x128xf32, #tpu.memory_space<vmem>>, vector<16xf32>,
        tpu.vector_store %arg14[%swap3A_615, %swap3A_616], %mul3A_614 {strides = array<i32>} : memref<40x128xf32, #tpu.memory_space<vmem>>, vector<16xf32>,
        %get3A_618 = arith.index_cast %add3A_564 : i32 to index
        %get3A_619 = arith.constant 112 : index
        %get3A_620 = tpu.vector_load %arg14[%get3A_618, %get3A_619] {strides = array<i32>} : memref<40x128xf32, #tpu.memory_space<vmem>>, vector<16xf32>,
        %mul3A_621 = arith.mulf %get3A_620, %gather3A_568 : vector<16xf32>
        %swap3A_622 = arith.index_cast %add3A_564 : i32 to index
        %swap3A_623 = arith.constant 112 : index
        %swap3A_624 = tpu.vector_load %arg14[%swap3A_622, %swap3A_623] {strides = array<i32>} : memref<40x128xf32, #tpu.memory_space<vmem>>, vector<16xf32>,
        tpu.vector_store %arg14[%swap3A_622, %swap3A_623], %mul3A_621 {strides = array<i32>} : memref<40x128xf32, #tpu.memory_space<vmem>>, vector<16xf32>,
        %mul3A_625 = arith.constant 4 : i32
        %mul3A_626 = arith.muli %scan3A_436, %mul3A_625 : i32
        %add3A_627 = arith.constant 3 : i32
        %add3A_628 = arith.addi %mul3A_626, %add3A_627 : i32
        %add3A_629 = arith.constant 0 : i32
        %add3A_630 = arith.addi %add3A_629, %add3A_628 : i32
        %broadcast_in_dim3A_631 = vector.broadcast %add3A_630 : i32 to vector<16xi32>
        %gather3A_632 = tpu.vector_load_idx %arg13[%broadcast_in_dim3A_631] : memref<208xf32, #tpu.memory_space<vmem>>[vector<16xi32>], vector<16xf32>,
        %get3A_633 = arith.index_cast %add3A_628 : i32 to index
        %get3A_634 = arith.constant 0 : index
        %get3A_635 = tpu.vector_load %arg14[%get3A_633, %get3A_634] {strides = array<i32>} : memref<40x128xf32, #tpu.memory_space<vmem>>, vector<16xf32>,
        %mul3A_636 = arith.mulf %get3A_635, %gather3A_632 : vector<16xf32>
        %swap3A_637 = arith.index_cast %add3A_628 : i32 to index
        %swap3A_638 = arith.constant 0 : index
        %swap3A_639 = tpu.vector_load %arg14[%swap3A_637, %swap3A_638] {strides = array<i32>} : memref<40x128xf32, #tpu.memory_space<vmem>>, vector<16xf32>,
        tpu.vector_store %arg14[%swap3A_637, %swap3A_638], %mul3A_636 {strides = array<i32>} : memref<40x128xf32, #tpu.memory_space<vmem>>, vector<16xf32>,
        %get3A_640 = arith.index_cast %add3A_628 : i32 to index
        %get3A_641 = arith.constant 16 : index
        %get3A_642 = tpu.vector_load %arg14[%get3A_640, %get3A_641] {strides = array<i32>} : memref<40x128xf32, #tpu.memory_space<vmem>>, vector<16xf32>,
        %mul3A_643 = arith.mulf %get3A_642, %gather3A_632 : vector<16xf32>
        %swap3A_644 = arith.index_cast %add3A_628 : i32 to index
        %swap3A_645 = arith.constant 16 : index
        %swap3A_646 = tpu.vector_load %arg14[%swap3A_644, %swap3A_645] {strides = array<i32>} : memref<40x128xf32, #tpu.memory_space<vmem>>, vector<16xf32>,
        tpu.vector_store %arg14[%swap3A_644, %swap3A_645], %mul3A_643 {strides = array<i32>} : memref<40x128xf32, #tpu.memory_space<vmem>>, vector<16xf32>,
        %get3A_647 = arith.index_cast %add3A_628 : i32 to index
        %get3A_648 = arith.constant 32 : index
        %get3A_649 = tpu.vector_load %arg14[%get3A_647, %get3A_648] {strides = array<i32>} : memref<40x128xf32, #tpu.memory_space<vmem>>, vector<16xf32>,
        %mul3A_650 = arith.mulf %get3A_649, %gather3A_632 : vector<16xf32>
        %swap3A_651 = arith.index_cast %add3A_628 : i32 to index
        %swap3A_652 = arith.constant 32 : index
        %swap3A_653 = tpu.vector_load %arg14[%swap3A_651, %swap3A_652] {strides = array<i32>} : memref<40x128xf32, #tpu.memory_space<vmem>>, vector<16xf32>,
        tpu.vector_store %arg14[%swap3A_651, %swap3A_652], %mul3A_650 {strides = array<i32>} : memref<40x128xf32, #tpu.memory_space<vmem>>, vector<16xf32>,
        %get3A_654 = arith.index_cast %add3A_628 : i32 to index
        %get3A_655 = arith.constant 48 : index
        %get3A_656 = tpu.vector_load %arg14[%get3A_654, %get3A_655] {strides = array<i32>} : memref<40x128xf32, #tpu.memory_space<vmem>>, vector<16xf32>,
        %mul3A_657 = arith.mulf %get3A_656, %gather3A_632 : vector<16xf32>
        %swap3A_658 = arith.index_cast %add3A_628 : i32 to index
        %swap3A_659 = arith.constant 48 : index
        %swap3A_660 = tpu.vector_load %arg14[%swap3A_658, %swap3A_659] {strides = array<i32>} : memref<40x128xf32, #tpu.memory_space<vmem>>, vector<16xf32>,
        tpu.vector_store %arg14[%swap3A_658, %swap3A_659], %mul3A_657 {strides = array<i32>} : memref<40x128xf32, #tpu.memory_space<vmem>>, vector<16xf32>,
        %get3A_661 = arith.index_cast %add3A_628 : i32 to index
        %get3A_662 = arith.constant 64 : index
        %get3A_663 = tpu.vector_load %arg14[%get3A_661, %get3A_662] {strides = array<i32>} : memref<40x128xf32, #tpu.memory_space<vmem>>, vector<16xf32>,
        %mul3A_664 = arith.mulf %get3A_663, %gather3A_632 : vector<16xf32>
        %swap3A_665 = arith.index_cast %add3A_628 : i32 to index
        %swap3A_666 = arith.constant 64 : index
        %swap3A_667 = tpu.vector_load %arg14[%swap3A_665, %swap3A_666] {strides = array<i32>} : memref<40x128xf32, #tpu.memory_space<vmem>>, vector<16xf32>,
        tpu.vector_store %arg14[%swap3A_665, %swap3A_666], %mul3A_664 {strides = array<i32>} : memref<40x128xf32, #tpu.memory_space<vmem>>, vector<16xf32>,
        %get3A_668 = arith.index_cast %add3A_628 : i32 to index
        %get3A_669 = arith.constant 80 : index
        %get3A_670 = tpu.vector_load %arg14[%get3A_668, %get3A_669] {strides = array<i32>} : memref<40x128xf32, #tpu.memory_space<vmem>>, vector<16xf32>,
        %mul3A_671 = arith.mulf %get3A_670, %gather3A_632 : vector<16xf32>
        %swap3A_672 = arith.index_cast %add3A_628 : i32 to index
        %swap3A_673 = arith.constant 80 : index
        %swap3A_674 = tpu.vector_load %arg14[%swap3A_672, %swap3A_673] {strides = array<i32>} : memref<40x128xf32, #tpu.memory_space<vmem>>, vector<16xf32>,
        tpu.vector_store %arg14[%swap3A_672, %swap3A_673], %mul3A_671 {strides = array<i32>} : memref<40x128xf32, #tpu.memory_space<vmem>>, vector<16xf32>,
        %get3A_675 = arith.index_cast %add3A_628 : i32 to index
        %get3A_676 = arith.constant 96 : index
        %get3A_677 = tpu.vector_load %arg14[%get3A_675, %get3A_676] {strides = array<i32>} : memref<40x128xf32, #tpu.memory_space<vmem>>, vector<16xf32>,
        %mul3A_678 = arith.mulf %get3A_677, %gather3A_632 : vector<16xf32>
        %swap3A_679 = arith.index_cast %add3A_628 : i32 to index
        %swap3A_680 = arith.constant 96 : index
        %swap3A_681 = tpu.vector_load %arg14[%swap3A_679, %swap3A_680] {strides = array<i32>} : memref<40x128xf32, #tpu.memory_space<vmem>>, vector<16xf32>,
        tpu.vector_store %arg14[%swap3A_679, %swap3A_680], %mul3A_678 {strides = array<i32>} : memref<40x128xf32, #tpu.memory_space<vmem>>, vector<16xf32>,
        %get3A_682 = arith.index_cast %add3A_628 : i32 to index
        %get3A_683 = arith.constant 112 : index
        %get3A_684 = tpu.vector_load %arg14[%get3A_682, %get3A_683] {strides = array<i32>} : memref<40x128xf32, #tpu.memory_space<vmem>>, vector<16xf32>,
        %mul3A_685 = arith.mulf %get3A_684, %gather3A_632 : vector<16xf32>
        %swap3A_686 = arith.index_cast %add3A_628 : i32 to index
        %swap3A_687 = arith.constant 112 : index
        %swap3A_688 = tpu.vector_load %arg14[%swap3A_686, %swap3A_687] {strides = array<i32>} : memref<40x128xf32, #tpu.memory_space<vmem>>, vector<16xf32>,
        tpu.vector_store %arg14[%swap3A_686, %swap3A_687], %mul3A_685 {strides = array<i32>} : memref<40x128xf32, #tpu.memory_space<vmem>>, vector<16xf32>,
      }
      %scan3A_343 = arith.constant 10 : i32
      %dma_start3A_344 = arith.constant 0 : i32
      %dma_start3A_345 = arith.constant 0 : i32
      %dma_start3A_346 = tpu.memref_slice %arg11[%dma_start3A_345] : memref<200xi32, #tpu.memory_space<vmem>> -> memref<40xi32, #tpu.memory_space<vmem>>
      %dma_start3A_347 = arith.constant 0 : i32
      %dma_start3A_348 = arith.constant 0 : i32
      %dma_start3A_349 = tpu.memref_slice %arg7[%dma_start3A_347, %dma_start3A_348] : memref<10000x128xf32, #tpu.memory_space<vmem_shared>> -> memref<10000x128xf32, #tpu.memory_space<vmem_shared>>
      %dma_start3A_350 = tpu.memref_slice %arg20[%dma_start3A_344] : memref<5x!tpu.dma_semaphore, #tpu.memory_space<semaphore_mem>> -> memref<1x!tpu.dma_semaphore, #tpu.memory_space<semaphore_mem>>
      %dma_start3A_351 = tpu.memref_squeeze %dma_start3A_350 : memref<1x!tpu.dma_semaphore, #tpu.memory_space<semaphore_mem>> -> memref<!tpu.dma_semaphore, #tpu.memory_space<semaphore_mem>>
      tpu.enqueue_indirect_dma source(%arg14 : memref<40x128xf32, #tpu.memory_space<vmem>>) target(%dma_start3A_349 : memref<10000x128xf32, #tpu.memory_space<vmem_shared>>) offsets(%dma_start3A_346 : memref<40xi32, #tpu.memory_space<vmem>>) semaphore(%dma_start3A_351 : memref<!tpu.dma_semaphore, #tpu.memory_space<semaphore_mem>>) {add = true}
      %dma_wait3A_352 = arith.constant 1 : i32
      %dma_wait3A_353 = arith.constant 40 : i32
      %dma_wait3A_354 = tpu.memref_slice %arg9[%dma_wait3A_353] : memref<200xi32, #tpu.memory_space<vmem>> -> memref<40xi32, #tpu.memory_space<vmem>>
      %dma_wait3A_355 = arith.constant 0 : i32
      %dma_wait3A_356 = arith.constant 0 : i32
      %dma_wait3A_357 = tpu.memref_slice %arg2[%dma_wait3A_355, %dma_wait3A_356] : memref<10000x128xf32, #tpu.memory_space<hbm>> -> memref<10000x128xf32, #tpu.memory_space<hbm>>
      %dma_wait3A_358 = tpu.memref_slice %arg19[%dma_wait3A_352] : memref<5x!tpu.dma_semaphore, #tpu.memory_space<semaphore_mem>> -> memref<1x!tpu.dma_semaphore, #tpu.memory_space<semaphore_mem>>
      %dma_wait3A_359 = tpu.memref_squeeze %dma_wait3A_358 : memref<1x!tpu.dma_semaphore, #tpu.memory_space<semaphore_mem>> -> memref<!tpu.dma_semaphore, #tpu.memory_space<semaphore_mem>>
      tpu.wait_indirect_dma semaphore(%dma_wait3A_359 : memref<!tpu.dma_semaphore, #tpu.memory_space<semaphore_mem>>) src(%dma_wait3A_357 : memref<10000x128xf32, #tpu.memory_space<hbm>>) dst(%arg15 : memref<40x128xf32, #tpu.memory_space<vmem>>)
      %scan3A_360 = arith.constant 0 : i32
      %scan3A_361 = arith.constant 10 : i32
      %scan3A_362 = arith.addi %scan3A_360, %scan3A_361 : i32
      %scan3A_363 = arith.constant 1 : i32
      scf.for %scan3A_436 = %scan3A_360 to %scan3A_362 step %scan3A_363  : i32 {
        %mul3A_437 = arith.constant 4 : i32
        %mul3A_438 = arith.muli %scan3A_436, %mul3A_437 : i32
        %add3A_439 = arith.constant 0 : i32
        %add3A_440 = arith.addi %mul3A_438, %add3A_439 : i32
        %add3A_441 = arith.constant 40 : i32
        %add3A_442 = arith.addi %add3A_441, %add3A_440 : i32
        %broadcast_in_dim3A = vector.broadcast %add3A_442 : i32 to vector<16xi32>
        %gather3A = tpu.vector_load_idx %arg13[%broadcast_in_dim3A] : memref<208xf32, #tpu.memory_space<vmem>>[vector<16xi32>], vector<16xf32>,
        %get3A = arith.index_cast %add3A_440 : i32 to index
        %get3A_443 = arith.constant 0 : index
        %get3A_444 = tpu.vector_load %arg15[%get3A, %get3A_443] {strides = array<i32>} : memref<40x128xf32, #tpu.memory_space<vmem>>, vector<16xf32>,
        %mul3A_445 = arith.mulf %get3A_444, %gather3A : vector<16xf32>
        %swap3A = arith.index_cast %add3A_440 : i32 to index
        %swap3A_446 = arith.constant 0 : index
        %swap3A_447 = tpu.vector_load %arg15[%swap3A, %swap3A_446] {strides = array<i32>} : memref<40x128xf32, #tpu.memory_space<vmem>>, vector<16xf32>,
        tpu.vector_store %arg15[%swap3A, %swap3A_446], %mul3A_445 {strides = array<i32>} : memref<40x128xf32, #tpu.memory_space<vmem>>, vector<16xf32>,
        %get3A_448 = arith.index_cast %add3A_440 : i32 to index
        %get3A_449 = arith.constant 16 : index
        %get3A_450 = tpu.vector_load %arg15[%get3A_448, %get3A_449] {strides = array<i32>} : memref<40x128xf32, #tpu.memory_space<vmem>>, vector<16xf32>,
        %mul3A_451 = arith.mulf %get3A_450, %gather3A : vector<16xf32>
        %swap3A_452 = arith.index_cast %add3A_440 : i32 to index
        %swap3A_453 = arith.constant 16 : index
        %swap3A_454 = tpu.vector_load %arg15[%swap3A_452, %swap3A_453] {strides = array<i32>} : memref<40x128xf32, #tpu.memory_space<vmem>>, vector<16xf32>,
        tpu.vector_store %arg15[%swap3A_452, %swap3A_453], %mul3A_451 {strides = array<i32>} : memref<40x128xf32, #tpu.memory_space<vmem>>, vector<16xf32>,
        %get3A_455 = arith.index_cast %add3A_440 : i32 to index
        %get3A_456 = arith.constant 32 : index
        %get3A_457 = tpu.vector_load %arg15[%get3A_455, %get3A_456] {strides = array<i32>} : memref<40x128xf32, #tpu.memory_space<vmem>>, vector<16xf32>,
        %mul3A_458 = arith.mulf %get3A_457, %gather3A : vector<16xf32>
        %swap3A_459 = arith.index_cast %add3A_440 : i32 to index
        %swap3A_460 = arith.constant 32 : index
        %swap3A_461 = tpu.vector_load %arg15[%swap3A_459, %swap3A_460] {strides = array<i32>} : memref<40x128xf32, #tpu.memory_space<vmem>>, vector<16xf32>,
        tpu.vector_store %arg15[%swap3A_459, %swap3A_460], %mul3A_458 {strides = array<i32>} : memref<40x128xf32, #tpu.memory_space<vmem>>, vector<16xf32>,
        %get3A_462 = arith.index_cast %add3A_440 : i32 to index
        %get3A_463 = arith.constant 48 : index
        %get3A_464 = tpu.vector_load %arg15[%get3A_462, %get3A_463] {strides = array<i32>} : memref<40x128xf32, #tpu.memory_space<vmem>>, vector<16xf32>,
        %mul3A_465 = arith.mulf %get3A_464, %gather3A : vector<16xf32>
        %swap3A_466 = arith.index_cast %add3A_440 : i32 to index
        %swap3A_467 = arith.constant 48 : index
        %swap3A_468 = tpu.vector_load %arg15[%swap3A_466, %swap3A_467] {strides = array<i32>} : memref<40x128xf32, #tpu.memory_space<vmem>>, vector<16xf32>,
        tpu.vector_store %arg15[%swap3A_466, %swap3A_467], %mul3A_465 {strides = array<i32>} : memref<40x128xf32, #tpu.memory_space<vmem>>, vector<16xf32>,
        %get3A_469 = arith.index_cast %add3A_440 : i32 to index
        %get3A_470 = arith.constant 64 : index
        %get3A_471 = tpu.vector_load %arg15[%get3A_469, %get3A_470] {strides = array<i32>} : memref<40x128xf32, #tpu.memory_space<vmem>>, vector<16xf32>,
        %mul3A_472 = arith.mulf %get3A_471, %gather3A : vector<16xf32>
        %swap3A_473 = arith.index_cast %add3A_440 : i32 to index
        %swap3A_474 = arith.constant 64 : index
        %swap3A_475 = tpu.vector_load %arg15[%swap3A_473, %swap3A_474] {strides = array<i32>} : memref<40x128xf32, #tpu.memory_space<vmem>>, vector<16xf32>,
        tpu.vector_store %arg15[%swap3A_473, %swap3A_474], %mul3A_472 {strides = array<i32>} : memref<40x128xf32, #tpu.memory_space<vmem>>, vector<16xf32>,
        %get3A_476 = arith.index_cast %add3A_440 : i32 to index
        %get3A_477 = arith.constant 80 : index
        %get3A_478 = tpu.vector_load %arg15[%get3A_476, %get3A_477] {strides = array<i32>} : memref<40x128xf32, #tpu.memory_space<vmem>>, vector<16xf32>,
        %mul3A_479 = arith.mulf %get3A_478, %gather3A : vector<16xf32>
        %swap3A_480 = arith.index_cast %add3A_440 : i32 to index
        %swap3A_481 = arith.constant 80 : index
        %swap3A_482 = tpu.vector_load %arg15[%swap3A_480, %swap3A_481] {strides = array<i32>} : memref<40x128xf32, #tpu.memory_space<vmem>>, vector<16xf32>,
        tpu.vector_store %arg15[%swap3A_480, %swap3A_481], %mul3A_479 {strides = array<i32>} : memref<40x128xf32, #tpu.memory_space<vmem>>, vector<16xf32>,
        %get3A_483 = arith.index_cast %add3A_440 : i32 to index
        %get3A_484 = arith.constant 96 : index
        %get3A_485 = tpu.vector_load %arg15[%get3A_483, %get3A_484] {strides = array<i32>} : memref<40x128xf32, #tpu.memory_space<vmem>>, vector<16xf32>,
        %mul3A_486 = arith.mulf %get3A_485, %gather3A : vector<16xf32>
        %swap3A_487 = arith.index_cast %add3A_440 : i32 to index
        %swap3A_488 = arith.constant 96 : index
        %swap3A_489 = tpu.vector_load %arg15[%swap3A_487, %swap3A_488] {strides = array<i32>} : memref<40x128xf32, #tpu.memory_space<vmem>>, vector<16xf32>,
        tpu.vector_store %arg15[%swap3A_487, %swap3A_488], %mul3A_486 {strides = array<i32>} : memref<40x128xf32, #tpu.memory_space<vmem>>, vector<16xf32>,
        %get3A_490 = arith.index_cast %add3A_440 : i32 to index
        %get3A_491 = arith.constant 112 : index
        %get3A_492 = tpu.vector_load %arg15[%get3A_490, %get3A_491] {strides = array<i32>} : memref<40x128xf32, #tpu.memory_space<vmem>>, vector<16xf32>,
        %mul3A_493 = arith.mulf %get3A_492, %gather3A : vector<16xf32>
        %swap3A_494 = arith.index_cast %add3A_440 : i32 to index
        %swap3A_495 = arith.constant 112 : index
        %swap3A_496 = tpu.vector_load %arg15[%swap3A_494, %swap3A_495] {strides = array<i32>} : memref<40x128xf32, #tpu.memory_space<vmem>>, vector<16xf32>,
        tpu.vector_store %arg15[%swap3A_494, %swap3A_495], %mul3A_493 {strides = array<i32>} : memref<40x128xf32, #tpu.memory_space<vmem>>, vector<16xf32>,
        %mul3A_497 = arith.constant 4 : i32
        %mul3A_498 = arith.muli %scan3A_436, %mul3A_497 : i32
        %add3A_499 = arith.constant 1 : i32
        %add3A_500 = arith.addi %mul3A_498, %add3A_499 : i32
        %add3A_501 = arith.constant 40 : i32
        %add3A_502 = arith.addi %add3A_501, %add3A_500 : i32
        %broadcast_in_dim3A_503 = vector.broadcast %add3A_502 : i32 to vector<16xi32>
        %gather3A_504 = tpu.vector_load_idx %arg13[%broadcast_in_dim3A_503] : memref<208xf32, #tpu.memory_space<vmem>>[vector<16xi32>], vector<16xf32>,
        %get3A_505 = arith.index_cast %add3A_500 : i32 to index
        %get3A_506 = arith.constant 0 : index
        %get3A_507 = tpu.vector_load %arg15[%get3A_505, %get3A_506] {strides = array<i32>} : memref<40x128xf32, #tpu.memory_space<vmem>>, vector<16xf32>,
        %mul3A_508 = arith.mulf %get3A_507, %gather3A_504 : vector<16xf32>
        %swap3A_509 = arith.index_cast %add3A_500 : i32 to index
        %swap3A_510 = arith.constant 0 : index
        %swap3A_511 = tpu.vector_load %arg15[%swap3A_509, %swap3A_510] {strides = array<i32>} : memref<40x128xf32, #tpu.memory_space<vmem>>, vector<16xf32>,
        tpu.vector_store %arg15[%swap3A_509, %swap3A_510], %mul3A_508 {strides = array<i32>} : memref<40x128xf32, #tpu.memory_space<vmem>>, vector<16xf32>,
        %get3A_512 = arith.index_cast %add3A_500 : i32 to index
        %get3A_513 = arith.constant 16 : index
        %get3A_514 = tpu.vector_load %arg15[%get3A_512, %get3A_513] {strides = array<i32>} : memref<40x128xf32, #tpu.memory_space<vmem>>, vector<16xf32>,
        %mul3A_515 = arith.mulf %get3A_514, %gather3A_504 : vector<16xf32>
        %swap3A_516 = arith.index_cast %add3A_500 : i32 to index
        %swap3A_517 = arith.constant 16 : index
        %swap3A_518 = tpu.vector_load %arg15[%swap3A_516, %swap3A_517] {strides = array<i32>} : memref<40x128xf32, #tpu.memory_space<vmem>>, vector<16xf32>,
        tpu.vector_store %arg15[%swap3A_516, %swap3A_517], %mul3A_515 {strides = array<i32>} : memref<40x128xf32, #tpu.memory_space<vmem>>, vector<16xf32>,
        %get3A_519 = arith.index_cast %add3A_500 : i32 to index
        %get3A_520 = arith.constant 32 : index
        %get3A_521 = tpu.vector_load %arg15[%get3A_519, %get3A_520] {strides = array<i32>} : memref<40x128xf32, #tpu.memory_space<vmem>>, vector<16xf32>,
        %mul3A_522 = arith.mulf %get3A_521, %gather3A_504 : vector<16xf32>
        %swap3A_523 = arith.index_cast %add3A_500 : i32 to index
        %swap3A_524 = arith.constant 32 : index
        %swap3A_525 = tpu.vector_load %arg15[%swap3A_523, %swap3A_524] {strides = array<i32>} : memref<40x128xf32, #tpu.memory_space<vmem>>, vector<16xf32>,
        tpu.vector_store %arg15[%swap3A_523, %swap3A_524], %mul3A_522 {strides = array<i32>} : memref<40x128xf32, #tpu.memory_space<vmem>>, vector<16xf32>,
        %get3A_526 = arith.index_cast %add3A_500 : i32 to index
        %get3A_527 = arith.constant 48 : index
        %get3A_528 = tpu.vector_load %arg15[%get3A_526, %get3A_527] {strides = array<i32>} : memref<40x128xf32, #tpu.memory_space<vmem>>, vector<16xf32>,
        %mul3A_529 = arith.mulf %get3A_528, %gather3A_504 : vector<16xf32>
        %swap3A_530 = arith.index_cast %add3A_500 : i32 to index
        %swap3A_531 = arith.constant 48 : index
        %swap3A_532 = tpu.vector_load %arg15[%swap3A_530, %swap3A_531] {strides = array<i32>} : memref<40x128xf32, #tpu.memory_space<vmem>>, vector<16xf32>,
        tpu.vector_store %arg15[%swap3A_530, %swap3A_531], %mul3A_529 {strides = array<i32>} : memref<40x128xf32, #tpu.memory_space<vmem>>, vector<16xf32>,
        %get3A_533 = arith.index_cast %add3A_500 : i32 to index
        %get3A_534 = arith.constant 64 : index
        %get3A_535 = tpu.vector_load %arg15[%get3A_533, %get3A_534] {strides = array<i32>} : memref<40x128xf32, #tpu.memory_space<vmem>>, vector<16xf32>,
        %mul3A_536 = arith.mulf %get3A_535, %gather3A_504 : vector<16xf32>
        %swap3A_537 = arith.index_cast %add3A_500 : i32 to index
        %swap3A_538 = arith.constant 64 : index
        %swap3A_539 = tpu.vector_load %arg15[%swap3A_537, %swap3A_538] {strides = array<i32>} : memref<40x128xf32, #tpu.memory_space<vmem>>, vector<16xf32>,
        tpu.vector_store %arg15[%swap3A_537, %swap3A_538], %mul3A_536 {strides = array<i32>} : memref<40x128xf32, #tpu.memory_space<vmem>>, vector<16xf32>,
        %get3A_540 = arith.index_cast %add3A_500 : i32 to index
        %get3A_541 = arith.constant 80 : index
        %get3A_542 = tpu.vector_load %arg15[%get3A_540, %get3A_541] {strides = array<i32>} : memref<40x128xf32, #tpu.memory_space<vmem>>, vector<16xf32>,
        %mul3A_543 = arith.mulf %get3A_542, %gather3A_504 : vector<16xf32>
        %swap3A_544 = arith.index_cast %add3A_500 : i32 to index
        %swap3A_545 = arith.constant 80 : index
        %swap3A_546 = tpu.vector_load %arg15[%swap3A_544, %swap3A_545] {strides = array<i32>} : memref<40x128xf32, #tpu.memory_space<vmem>>, vector<16xf32>,
        tpu.vector_store %arg15[%swap3A_544, %swap3A_545], %mul3A_543 {strides = array<i32>} : memref<40x128xf32, #tpu.memory_space<vmem>>, vector<16xf32>,
        %get3A_547 = arith.index_cast %add3A_500 : i32 to index
        %get3A_548 = arith.constant 96 : index
        %get3A_549 = tpu.vector_load %arg15[%get3A_547, %get3A_548] {strides = array<i32>} : memref<40x128xf32, #tpu.memory_space<vmem>>, vector<16xf32>,
        %mul3A_550 = arith.mulf %get3A_549, %gather3A_504 : vector<16xf32>
        %swap3A_551 = arith.index_cast %add3A_500 : i32 to index
        %swap3A_552 = arith.constant 96 : index
        %swap3A_553 = tpu.vector_load %arg15[%swap3A_551, %swap3A_552] {strides = array<i32>} : memref<40x128xf32, #tpu.memory_space<vmem>>, vector<16xf32>,
        tpu.vector_store %arg15[%swap3A_551, %swap3A_552], %mul3A_550 {strides = array<i32>} : memref<40x128xf32, #tpu.memory_space<vmem>>, vector<16xf32>,
        %get3A_554 = arith.index_cast %add3A_500 : i32 to index
        %get3A_555 = arith.constant 112 : index
        %get3A_556 = tpu.vector_load %arg15[%get3A_554, %get3A_555] {strides = array<i32>} : memref<40x128xf32, #tpu.memory_space<vmem>>, vector<16xf32>,
        %mul3A_557 = arith.mulf %get3A_556, %gather3A_504 : vector<16xf32>
        %swap3A_558 = arith.index_cast %add3A_500 : i32 to index
        %swap3A_559 = arith.constant 112 : index
        %swap3A_560 = tpu.vector_load %arg15[%swap3A_558, %swap3A_559] {strides = array<i32>} : memref<40x128xf32, #tpu.memory_space<vmem>>, vector<16xf32>,
        tpu.vector_store %arg15[%swap3A_558, %swap3A_559], %mul3A_557 {strides = array<i32>} : memref<40x128xf32, #tpu.memory_space<vmem>>, vector<16xf32>,
        %mul3A_561 = arith.constant 4 : i32
        %mul3A_562 = arith.muli %scan3A_436, %mul3A_561 : i32
        %add3A_563 = arith.constant 2 : i32
        %add3A_564 = arith.addi %mul3A_562, %add3A_563 : i32
        %add3A_565 = arith.constant 40 : i32
        %add3A_566 = arith.addi %add3A_565, %add3A_564 : i32
        %broadcast_in_dim3A_567 = vector.broadcast %add3A_566 : i32 to vector<16xi32>
        %gather3A_568 = tpu.vector_load_idx %arg13[%broadcast_in_dim3A_567] : memref<208xf32, #tpu.memory_space<vmem>>[vector<16xi32>], vector<16xf32>,
        %get3A_569 = arith.index_cast %add3A_564 : i32 to index
        %get3A_570 = arith.constant 0 : index
        %get3A_571 = tpu.vector_load %arg15[%get3A_569, %get3A_570] {strides = array<i32>} : memref<40x128xf32, #tpu.memory_space<vmem>>, vector<16xf32>,
        %mul3A_572 = arith.mulf %get3A_571, %gather3A_568 : vector<16xf32>
        %swap3A_573 = arith.index_cast %add3A_564 : i32 to index
        %swap3A_574 = arith.constant 0 : index
        %swap3A_575 = tpu.vector_load %arg15[%swap3A_573, %swap3A_574] {strides = array<i32>} : memref<40x128xf32, #tpu.memory_space<vmem>>, vector<16xf32>,
        tpu.vector_store %arg15[%swap3A_573, %swap3A_574], %mul3A_572 {strides = array<i32>} : memref<40x128xf32, #tpu.memory_space<vmem>>, vector<16xf32>,
        %get3A_576 = arith.index_cast %add3A_564 : i32 to index
        %get3A_577 = arith.constant 16 : index
        %get3A_578 = tpu.vector_load %arg15[%get3A_576, %get3A_577] {strides = array<i32>} : memref<40x128xf32, #tpu.memory_space<vmem>>, vector<16xf32>,
        %mul3A_579 = arith.mulf %get3A_578, %gather3A_568 : vector<16xf32>
        %swap3A_580 = arith.index_cast %add3A_564 : i32 to index
        %swap3A_581 = arith.constant 16 : index
        %swap3A_582 = tpu.vector_load %arg15[%swap3A_580, %swap3A_581] {strides = array<i32>} : memref<40x128xf32, #tpu.memory_space<vmem>>, vector<16xf32>,
        tpu.vector_store %arg15[%swap3A_580, %swap3A_581], %mul3A_579 {strides = array<i32>} : memref<40x128xf32, #tpu.memory_space<vmem>>, vector<16xf32>,
        %get3A_583 = arith.index_cast %add3A_564 : i32 to index
        %get3A_584 = arith.constant 32 : index
        %get3A_585 = tpu.vector_load %arg15[%get3A_583, %get3A_584] {strides = array<i32>} : memref<40x128xf32, #tpu.memory_space<vmem>>, vector<16xf32>,
        %mul3A_586 = arith.mulf %get3A_585, %gather3A_568 : vector<16xf32>
        %swap3A_587 = arith.index_cast %add3A_564 : i32 to index
        %swap3A_588 = arith.constant 32 : index
        %swap3A_589 = tpu.vector_load %arg15[%swap3A_587, %swap3A_588] {strides = array<i32>} : memref<40x128xf32, #tpu.memory_space<vmem>>, vector<16xf32>,
        tpu.vector_store %arg15[%swap3A_587, %swap3A_588], %mul3A_586 {strides = array<i32>} : memref<40x128xf32, #tpu.memory_space<vmem>>, vector<16xf32>,
        %get3A_590 = arith.index_cast %add3A_564 : i32 to index
        %get3A_591 = arith.constant 48 : index
        %get3A_592 = tpu.vector_load %arg15[%get3A_590, %get3A_591] {strides = array<i32>} : memref<40x128xf32, #tpu.memory_space<vmem>>, vector<16xf32>,
        %mul3A_593 = arith.mulf %get3A_592, %gather3A_568 : vector<16xf32>
        %swap3A_594 = arith.index_cast %add3A_564 : i32 to index
        %swap3A_595 = arith.constant 48 : index
        %swap3A_596 = tpu.vector_load %arg15[%swap3A_594, %swap3A_595] {strides = array<i32>} : memref<40x128xf32, #tpu.memory_space<vmem>>, vector<16xf32>,
        tpu.vector_store %arg15[%swap3A_594, %swap3A_595], %mul3A_593 {strides = array<i32>} : memref<40x128xf32, #tpu.memory_space<vmem>>, vector<16xf32>,
        %get3A_597 = arith.index_cast %add3A_564 : i32 to index
        %get3A_598 = arith.constant 64 : index
        %get3A_599 = tpu.vector_load %arg15[%get3A_597, %get3A_598] {strides = array<i32>} : memref<40x128xf32, #tpu.memory_space<vmem>>, vector<16xf32>,
        %mul3A_600 = arith.mulf %get3A_599, %gather3A_568 : vector<16xf32>
        %swap3A_601 = arith.index_cast %add3A_564 : i32 to index
        %swap3A_602 = arith.constant 64 : index
        %swap3A_603 = tpu.vector_load %arg15[%swap3A_601, %swap3A_602] {strides = array<i32>} : memref<40x128xf32, #tpu.memory_space<vmem>>, vector<16xf32>,
        tpu.vector_store %arg15[%swap3A_601, %swap3A_602], %mul3A_600 {strides = array<i32>} : memref<40x128xf32, #tpu.memory_space<vmem>>, vector<16xf32>,
        %get3A_604 = arith.index_cast %add3A_564 : i32 to index
        %get3A_605 = arith.constant 80 : index
        %get3A_606 = tpu.vector_load %arg15[%get3A_604, %get3A_605] {strides = array<i32>} : memref<40x128xf32, #tpu.memory_space<vmem>>, vector<16xf32>,
        %mul3A_607 = arith.mulf %get3A_606, %gather3A_568 : vector<16xf32>
        %swap3A_608 = arith.index_cast %add3A_564 : i32 to index
        %swap3A_609 = arith.constant 80 : index
        %swap3A_610 = tpu.vector_load %arg15[%swap3A_608, %swap3A_609] {strides = array<i32>} : memref<40x128xf32, #tpu.memory_space<vmem>>, vector<16xf32>,
        tpu.vector_store %arg15[%swap3A_608, %swap3A_609], %mul3A_607 {strides = array<i32>} : memref<40x128xf32, #tpu.memory_space<vmem>>, vector<16xf32>,
        %get3A_611 = arith.index_cast %add3A_564 : i32 to index
        %get3A_612 = arith.constant 96 : index
        %get3A_613 = tpu.vector_load %arg15[%get3A_611, %get3A_612] {strides = array<i32>} : memref<40x128xf32, #tpu.memory_space<vmem>>, vector<16xf32>,
        %mul3A_614 = arith.mulf %get3A_613, %gather3A_568 : vector<16xf32>
        %swap3A_615 = arith.index_cast %add3A_564 : i32 to index
        %swap3A_616 = arith.constant 96 : index
        %swap3A_617 = tpu.vector_load %arg15[%swap3A_615, %swap3A_616] {strides = array<i32>} : memref<40x128xf32, #tpu.memory_space<vmem>>, vector<16xf32>,
        tpu.vector_store %arg15[%swap3A_615, %swap3A_616], %mul3A_614 {strides = array<i32>} : memref<40x128xf32, #tpu.memory_space<vmem>>, vector<16xf32>,
        %get3A_618 = arith.index_cast %add3A_564 : i32 to index
        %get3A_619 = arith.constant 112 : index
        %get3A_620 = tpu.vector_load %arg15[%get3A_618, %get3A_619] {strides = array<i32>} : memref<40x128xf32, #tpu.memory_space<vmem>>, vector<16xf32>,
        %mul3A_621 = arith.mulf %get3A_620, %gather3A_568 : vector<16xf32>
        %swap3A_622 = arith.index_cast %add3A_564 : i32 to index
        %swap3A_623 = arith.constant 112 : index
        %swap3A_624 = tpu.vector_load %arg15[%swap3A_622, %swap3A_623] {strides = array<i32>} : memref<40x128xf32, #tpu.memory_space<vmem>>, vector<16xf32>,
        tpu.vector_store %arg15[%swap3A_622, %swap3A_623], %mul3A_621 {strides = array<i32>} : memref<40x128xf32, #tpu.memory_space<vmem>>, vector<16xf32>,
        %mul3A_625 = arith.constant 4 : i32
        %mul3A_626 = arith.muli %scan3A_436, %mul3A_625 : i32
        %add3A_627 = arith.constant 3 : i32
        %add3A_628 = arith.addi %mul3A_626, %add3A_627 : i32
        %add3A_629 = arith.constant 40 : i32
        %add3A_630 = arith.addi %add3A_629, %add3A_628 : i32
        %broadcast_in_dim3A_631 = vector.broadcast %add3A_630 : i32 to vector<16xi32>
        %gather3A_632 = tpu.vector_load_idx %arg13[%broadcast_in_dim3A_631] : memref<208xf32, #tpu.memory_space<vmem>>[vector<16xi32>], vector<16xf32>,
        %get3A_633 = arith.index_cast %add3A_628 : i32 to index
        %get3A_634 = arith.constant 0 : index
        %get3A_635 = tpu.vector_load %arg15[%get3A_633, %get3A_634] {strides = array<i32>} : memref<40x128xf32, #tpu.memory_space<vmem>>, vector<16xf32>,
        %mul3A_636 = arith.mulf %get3A_635, %gather3A_632 : vector<16xf32>
        %swap3A_637 = arith.index_cast %add3A_628 : i32 to index
        %swap3A_638 = arith.constant 0 : index
        %swap3A_639 = tpu.vector_load %arg15[%swap3A_637, %swap3A_638] {strides = array<i32>} : memref<40x128xf32, #tpu.memory_space<vmem>>, vector<16xf32>,
        tpu.vector_store %arg15[%swap3A_637, %swap3A_638], %mul3A_636 {strides = array<i32>} : memref<40x128xf32, #tpu.memory_space<vmem>>, vector<16xf32>,
        %get3A_640 = arith.index_cast %add3A_628 : i32 to index
        %get3A_641 = arith.constant 16 : index
        %get3A_642 = tpu.vector_load %arg15[%get3A_640, %get3A_641] {strides = array<i32>} : memref<40x128xf32, #tpu.memory_space<vmem>>, vector<16xf32>,
        %mul3A_643 = arith.mulf %get3A_642, %gather3A_632 : vector<16xf32>
        %swap3A_644 = arith.index_cast %add3A_628 : i32 to index
        %swap3A_645 = arith.constant 16 : index
        %swap3A_646 = tpu.vector_load %arg15[%swap3A_644, %swap3A_645] {strides = array<i32>} : memref<40x128xf32, #tpu.memory_space<vmem>>, vector<16xf32>,
        tpu.vector_store %arg15[%swap3A_644, %swap3A_645], %mul3A_643 {strides = array<i32>} : memref<40x128xf32, #tpu.memory_space<vmem>>, vector<16xf32>,
        %get3A_647 = arith.index_cast %add3A_628 : i32 to index
        %get3A_648 = arith.constant 32 : index
        %get3A_649 = tpu.vector_load %arg15[%get3A_647, %get3A_648] {strides = array<i32>} : memref<40x128xf32, #tpu.memory_space<vmem>>, vector<16xf32>,
        %mul3A_650 = arith.mulf %get3A_649, %gather3A_632 : vector<16xf32>
        %swap3A_651 = arith.index_cast %add3A_628 : i32 to index
        %swap3A_652 = arith.constant 32 : index
        %swap3A_653 = tpu.vector_load %arg15[%swap3A_651, %swap3A_652] {strides = array<i32>} : memref<40x128xf32, #tpu.memory_space<vmem>>, vector<16xf32>,
        tpu.vector_store %arg15[%swap3A_651, %swap3A_652], %mul3A_650 {strides = array<i32>} : memref<40x128xf32, #tpu.memory_space<vmem>>, vector<16xf32>,
        %get3A_654 = arith.index_cast %add3A_628 : i32 to index
        %get3A_655 = arith.constant 48 : index
        %get3A_656 = tpu.vector_load %arg15[%get3A_654, %get3A_655] {strides = array<i32>} : memref<40x128xf32, #tpu.memory_space<vmem>>, vector<16xf32>,
        %mul3A_657 = arith.mulf %get3A_656, %gather3A_632 : vector<16xf32>
        %swap3A_658 = arith.index_cast %add3A_628 : i32 to index
        %swap3A_659 = arith.constant 48 : index
        %swap3A_660 = tpu.vector_load %arg15[%swap3A_658, %swap3A_659] {strides = array<i32>} : memref<40x128xf32, #tpu.memory_space<vmem>>, vector<16xf32>,
        tpu.vector_store %arg15[%swap3A_658, %swap3A_659], %mul3A_657 {strides = array<i32>} : memref<40x128xf32, #tpu.memory_space<vmem>>, vector<16xf32>,
        %get3A_661 = arith.index_cast %add3A_628 : i32 to index
        %get3A_662 = arith.constant 64 : index
        %get3A_663 = tpu.vector_load %arg15[%get3A_661, %get3A_662] {strides = array<i32>} : memref<40x128xf32, #tpu.memory_space<vmem>>, vector<16xf32>,
        %mul3A_664 = arith.mulf %get3A_663, %gather3A_632 : vector<16xf32>
        %swap3A_665 = arith.index_cast %add3A_628 : i32 to index
        %swap3A_666 = arith.constant 64 : index
        %swap3A_667 = tpu.vector_load %arg15[%swap3A_665, %swap3A_666] {strides = array<i32>} : memref<40x128xf32, #tpu.memory_space<vmem>>, vector<16xf32>,
        tpu.vector_store %arg15[%swap3A_665, %swap3A_666], %mul3A_664 {strides = array<i32>} : memref<40x128xf32, #tpu.memory_space<vmem>>, vector<16xf32>,
        %get3A_668 = arith.index_cast %add3A_628 : i32 to index
        %get3A_669 = arith.constant 80 : index
        %get3A_670 = tpu.vector_load %arg15[%get3A_668, %get3A_669] {strides = array<i32>} : memref<40x128xf32, #tpu.memory_space<vmem>>, vector<16xf32>,
        %mul3A_671 = arith.mulf %get3A_670, %gather3A_632 : vector<16xf32>
        %swap3A_672 = arith.index_cast %add3A_628 : i32 to index
        %swap3A_673 = arith.constant 80 : index
        %swap3A_674 = tpu.vector_load %arg15[%swap3A_672, %swap3A_673] {strides = array<i32>} : memref<40x128xf32, #tpu.memory_space<vmem>>, vector<16xf32>,
        tpu.vector_store %arg15[%swap3A_672, %swap3A_673], %mul3A_671 {strides = array<i32>} : memref<40x128xf32, #tpu.memory_space<vmem>>, vector<16xf32>,
        %get3A_675 = arith.index_cast %add3A_628 : i32 to index
        %get3A_676 = arith.constant 96 : index
        %get3A_677 = tpu.vector_load %arg15[%get3A_675, %get3A_676] {strides = array<i32>} : memref<40x128xf32, #tpu.memory_space<vmem>>, vector<16xf32>,
        %mul3A_678 = arith.mulf %get3A_677, %gather3A_632 : vector<16xf32>
        %swap3A_679 = arith.index_cast %add3A_628 : i32 to index
        %swap3A_680 = arith.constant 96 : index
        %swap3A_681 = tpu.vector_load %arg15[%swap3A_679, %swap3A_680] {strides = array<i32>} : memref<40x128xf32, #tpu.memory_space<vmem>>, vector<16xf32>,
        tpu.vector_store %arg15[%swap3A_679, %swap3A_680], %mul3A_678 {strides = array<i32>} : memref<40x128xf32, #tpu.memory_space<vmem>>, vector<16xf32>,
        %get3A_682 = arith.index_cast %add3A_628 : i32 to index
        %get3A_683 = arith.constant 112 : index
        %get3A_684 = tpu.vector_load %arg15[%get3A_682, %get3A_683] {strides = array<i32>} : memref<40x128xf32, #tpu.memory_space<vmem>>, vector<16xf32>,
        %mul3A_685 = arith.mulf %get3A_684, %gather3A_632 : vector<16xf32>
        %swap3A_686 = arith.index_cast %add3A_628 : i32 to index
        %swap3A_687 = arith.constant 112 : index
        %swap3A_688 = tpu.vector_load %arg15[%swap3A_686, %swap3A_687] {strides = array<i32>} : memref<40x128xf32, #tpu.memory_space<vmem>>, vector<16xf32>,
        tpu.vector_store %arg15[%swap3A_686, %swap3A_687], %mul3A_685 {strides = array<i32>} : memref<40x128xf32, #tpu.memory_space<vmem>>, vector<16xf32>,
      }
      %scan3A_364 = arith.constant 10 : i32
      %dma_start3A_365 = arith.constant 1 : i32
      %dma_start3A_366 = arith.constant 40 : i32
      %dma_start3A_367 = tpu.memref_slice %arg11[%dma_start3A_366] : memref<200xi32, #tpu.memory_space<vmem>> -> memref<40xi32, #tpu.memory_space<vmem>>
      %dma_start3A_368 = arith.constant 0 : i32
      %dma_start3A_369 = arith.constant 0 : i32
      %dma_start3A_370 = tpu.memref_slice %arg7[%dma_start3A_368, %dma_start3A_369] : memref<10000x128xf32, #tpu.memory_space<vmem_shared>> -> memref<10000x128xf32, #tpu.memory_space<vmem_shared>>
      %dma_start3A_371 = tpu.memref_slice %arg20[%dma_start3A_365] : memref<5x!tpu.dma_semaphore, #tpu.memory_space<semaphore_mem>> -> memref<1x!tpu.dma_semaphore, #tpu.memory_space<semaphore_mem>>
      %dma_start3A_372 = tpu.memref_squeeze %dma_start3A_371 : memref<1x!tpu.dma_semaphore, #tpu.memory_space<semaphore_mem>> -> memref<!tpu.dma_semaphore, #tpu.memory_space<semaphore_mem>>
      tpu.enqueue_indirect_dma source(%arg15 : memref<40x128xf32, #tpu.memory_space<vmem>>) target(%dma_start3A_370 : memref<10000x128xf32, #tpu.memory_space<vmem_shared>>) offsets(%dma_start3A_367 : memref<40xi32, #tpu.memory_space<vmem>>) semaphore(%dma_start3A_372 : memref<!tpu.dma_semaphore, #tpu.memory_space<semaphore_mem>>) {add = true}
      %dma_wait3A_373 = arith.constant 2 : i32
      %dma_wait3A_374 = arith.constant 80 : i32
      %dma_wait3A_375 = tpu.memref_slice %arg9[%dma_wait3A_374] : memref<200xi32, #tpu.memory_space<vmem>> -> memref<40xi32, #tpu.memory_space<vmem>>
      %dma_wait3A_376 = arith.constant 0 : i32
      %dma_wait3A_377 = arith.constant 0 : i32
      %dma_wait3A_378 = tpu.memref_slice %arg2[%dma_wait3A_376, %dma_wait3A_377] : memref<10000x128xf32, #tpu.memory_space<hbm>> -> memref<10000x128xf32, #tpu.memory_space<hbm>>
      %dma_wait3A_379 = tpu.memref_slice %arg19[%dma_wait3A_373] : memref<5x!tpu.dma_semaphore, #tpu.memory_space<semaphore_mem>> -> memref<1x!tpu.dma_semaphore, #tpu.memory_space<semaphore_mem>>
      %dma_wait3A_380 = tpu.memref_squeeze %dma_wait3A_379 : memref<1x!tpu.dma_semaphore, #tpu.memory_space<semaphore_mem>> -> memref<!tpu.dma_semaphore, #tpu.memory_space<semaphore_mem>>
      tpu.wait_indirect_dma semaphore(%dma_wait3A_380 : memref<!tpu.dma_semaphore, #tpu.memory_space<semaphore_mem>>) src(%dma_wait3A_378 : memref<10000x128xf32, #tpu.memory_space<hbm>>) dst(%arg16 : memref<40x128xf32, #tpu.memory_space<vmem>>)
      %scan3A_381 = arith.constant 0 : i32
      %scan3A_382 = arith.constant 10 : i32
      %scan3A_383 = arith.addi %scan3A_381, %scan3A_382 : i32
      %scan3A_384 = arith.constant 1 : i32
      scf.for %scan3A_436 = %scan3A_381 to %scan3A_383 step %scan3A_384  : i32 {
        %mul3A_437 = arith.constant 4 : i32
        %mul3A_438 = arith.muli %scan3A_436, %mul3A_437 : i32
        %add3A_439 = arith.constant 0 : i32
        %add3A_440 = arith.addi %mul3A_438, %add3A_439 : i32
        %add3A_441 = arith.constant 80 : i32
        %add3A_442 = arith.addi %add3A_441, %add3A_440 : i32
        %broadcast_in_dim3A = vector.broadcast %add3A_442 : i32 to vector<16xi32>
        %gather3A = tpu.vector_load_idx %arg13[%broadcast_in_dim3A] : memref<208xf32, #tpu.memory_space<vmem>>[vector<16xi32>], vector<16xf32>,
        %get3A = arith.index_cast %add3A_440 : i32 to index
        %get3A_443 = arith.constant 0 : index
        %get3A_444 = tpu.vector_load %arg16[%get3A, %get3A_443] {strides = array<i32>} : memref<40x128xf32, #tpu.memory_space<vmem>>, vector<16xf32>,
        %mul3A_445 = arith.mulf %get3A_444, %gather3A : vector<16xf32>
        %swap3A = arith.index_cast %add3A_440 : i32 to index
        %swap3A_446 = arith.constant 0 : index
        %swap3A_447 = tpu.vector_load %arg16[%swap3A, %swap3A_446] {strides = array<i32>} : memref<40x128xf32, #tpu.memory_space<vmem>>, vector<16xf32>,
        tpu.vector_store %arg16[%swap3A, %swap3A_446], %mul3A_445 {strides = array<i32>} : memref<40x128xf32, #tpu.memory_space<vmem>>, vector<16xf32>,
        %get3A_448 = arith.index_cast %add3A_440 : i32 to index
        %get3A_449 = arith.constant 16 : index
        %get3A_450 = tpu.vector_load %arg16[%get3A_448, %get3A_449] {strides = array<i32>} : memref<40x128xf32, #tpu.memory_space<vmem>>, vector<16xf32>,
        %mul3A_451 = arith.mulf %get3A_450, %gather3A : vector<16xf32>
        %swap3A_452 = arith.index_cast %add3A_440 : i32 to index
        %swap3A_453 = arith.constant 16 : index
        %swap3A_454 = tpu.vector_load %arg16[%swap3A_452, %swap3A_453] {strides = array<i32>} : memref<40x128xf32, #tpu.memory_space<vmem>>, vector<16xf32>,
        tpu.vector_store %arg16[%swap3A_452, %swap3A_453], %mul3A_451 {strides = array<i32>} : memref<40x128xf32, #tpu.memory_space<vmem>>, vector<16xf32>,
        %get3A_455 = arith.index_cast %add3A_440 : i32 to index
        %get3A_456 = arith.constant 32 : index
        %get3A_457 = tpu.vector_load %arg16[%get3A_455, %get3A_456] {strides = array<i32>} : memref<40x128xf32, #tpu.memory_space<vmem>>, vector<16xf32>,
        %mul3A_458 = arith.mulf %get3A_457, %gather3A : vector<16xf32>
        %swap3A_459 = arith.index_cast %add3A_440 : i32 to index
        %swap3A_460 = arith.constant 32 : index
        %swap3A_461 = tpu.vector_load %arg16[%swap3A_459, %swap3A_460] {strides = array<i32>} : memref<40x128xf32, #tpu.memory_space<vmem>>, vector<16xf32>,
        tpu.vector_store %arg16[%swap3A_459, %swap3A_460], %mul3A_458 {strides = array<i32>} : memref<40x128xf32, #tpu.memory_space<vmem>>, vector<16xf32>,
        %get3A_462 = arith.index_cast %add3A_440 : i32 to index
        %get3A_463 = arith.constant 48 : index
        %get3A_464 = tpu.vector_load %arg16[%get3A_462, %get3A_463] {strides = array<i32>} : memref<40x128xf32, #tpu.memory_space<vmem>>, vector<16xf32>,
        %mul3A_465 = arith.mulf %get3A_464, %gather3A : vector<16xf32>
        %swap3A_466 = arith.index_cast %add3A_440 : i32 to index
        %swap3A_467 = arith.constant 48 : index
        %swap3A_468 = tpu.vector_load %arg16[%swap3A_466, %swap3A_467] {strides = array<i32>} : memref<40x128xf32, #tpu.memory_space<vmem>>, vector<16xf32>,
        tpu.vector_store %arg16[%swap3A_466, %swap3A_467], %mul3A_465 {strides = array<i32>} : memref<40x128xf32, #tpu.memory_space<vmem>>, vector<16xf32>,
        %get3A_469 = arith.index_cast %add3A_440 : i32 to index
        %get3A_470 = arith.constant 64 : index
        %get3A_471 = tpu.vector_load %arg16[%get3A_469, %get3A_470] {strides = array<i32>} : memref<40x128xf32, #tpu.memory_space<vmem>>, vector<16xf32>,
        %mul3A_472 = arith.mulf %get3A_471, %gather3A : vector<16xf32>
        %swap3A_473 = arith.index_cast %add3A_440 : i32 to index
        %swap3A_474 = arith.constant 64 : index
        %swap3A_475 = tpu.vector_load %arg16[%swap3A_473, %swap3A_474] {strides = array<i32>} : memref<40x128xf32, #tpu.memory_space<vmem>>, vector<16xf32>,
        tpu.vector_store %arg16[%swap3A_473, %swap3A_474], %mul3A_472 {strides = array<i32>} : memref<40x128xf32, #tpu.memory_space<vmem>>, vector<16xf32>,
        %get3A_476 = arith.index_cast %add3A_440 : i32 to index
        %get3A_477 = arith.constant 80 : index
        %get3A_478 = tpu.vector_load %arg16[%get3A_476, %get3A_477] {strides = array<i32>} : memref<40x128xf32, #tpu.memory_space<vmem>>, vector<16xf32>,
        %mul3A_479 = arith.mulf %get3A_478, %gather3A : vector<16xf32>
        %swap3A_480 = arith.index_cast %add3A_440 : i32 to index
        %swap3A_481 = arith.constant 80 : index
        %swap3A_482 = tpu.vector_load %arg16[%swap3A_480, %swap3A_481] {strides = array<i32>} : memref<40x128xf32, #tpu.memory_space<vmem>>, vector<16xf32>,
        tpu.vector_store %arg16[%swap3A_480, %swap3A_481], %mul3A_479 {strides = array<i32>} : memref<40x128xf32, #tpu.memory_space<vmem>>, vector<16xf32>,
        %get3A_483 = arith.index_cast %add3A_440 : i32 to index
        %get3A_484 = arith.constant 96 : index
        %get3A_485 = tpu.vector_load %arg16[%get3A_483, %get3A_484] {strides = array<i32>} : memref<40x128xf32, #tpu.memory_space<vmem>>, vector<16xf32>,
        %mul3A_486 = arith.mulf %get3A_485, %gather3A : vector<16xf32>
        %swap3A_487 = arith.index_cast %add3A_440 : i32 to index
        %swap3A_488 = arith.constant 96 : index
        %swap3A_489 = tpu.vector_load %arg16[%swap3A_487, %swap3A_488] {strides = array<i32>} : memref<40x128xf32, #tpu.memory_space<vmem>>, vector<16xf32>,
        tpu.vector_store %arg16[%swap3A_487, %swap3A_488], %mul3A_486 {strides = array<i32>} : memref<40x128xf32, #tpu.memory_space<vmem>>, vector<16xf32>,
        %get3A_490 = arith.index_cast %add3A_440 : i32 to index
        %get3A_491 = arith.constant 112 : index
        %get3A_492 = tpu.vector_load %arg16[%get3A_490, %get3A_491] {strides = array<i32>} : memref<40x128xf32, #tpu.memory_space<vmem>>, vector<16xf32>,
        %mul3A_493 = arith.mulf %get3A_492, %gather3A : vector<16xf32>
        %swap3A_494 = arith.index_cast %add3A_440 : i32 to index
        %swap3A_495 = arith.constant 112 : index
        %swap3A_496 = tpu.vector_load %arg16[%swap3A_494, %swap3A_495] {strides = array<i32>} : memref<40x128xf32, #tpu.memory_space<vmem>>, vector<16xf32>,
        tpu.vector_store %arg16[%swap3A_494, %swap3A_495], %mul3A_493 {strides = array<i32>} : memref<40x128xf32, #tpu.memory_space<vmem>>, vector<16xf32>,
        %mul3A_497 = arith.constant 4 : i32
        %mul3A_498 = arith.muli %scan3A_436, %mul3A_497 : i32
        %add3A_499 = arith.constant 1 : i32
        %add3A_500 = arith.addi %mul3A_498, %add3A_499 : i32
        %add3A_501 = arith.constant 80 : i32
        %add3A_502 = arith.addi %add3A_501, %add3A_500 : i32
        %broadcast_in_dim3A_503 = vector.broadcast %add3A_502 : i32 to vector<16xi32>
        %gather3A_504 = tpu.vector_load_idx %arg13[%broadcast_in_dim3A_503] : memref<208xf32, #tpu.memory_space<vmem>>[vector<16xi32>], vector<16xf32>,
        %get3A_505 = arith.index_cast %add3A_500 : i32 to index
        %get3A_506 = arith.constant 0 : index
        %get3A_507 = tpu.vector_load %arg16[%get3A_505, %get3A_506] {strides = array<i32>} : memref<40x128xf32, #tpu.memory_space<vmem>>, vector<16xf32>,
        %mul3A_508 = arith.mulf %get3A_507, %gather3A_504 : vector<16xf32>
        %swap3A_509 = arith.index_cast %add3A_500 : i32 to index
        %swap3A_510 = arith.constant 0 : index
        %swap3A_511 = tpu.vector_load %arg16[%swap3A_509, %swap3A_510] {strides = array<i32>} : memref<40x128xf32, #tpu.memory_space<vmem>>, vector<16xf32>,
        tpu.vector_store %arg16[%swap3A_509, %swap3A_510], %mul3A_508 {strides = array<i32>} : memref<40x128xf32, #tpu.memory_space<vmem>>, vector<16xf32>,
        %get3A_512 = arith.index_cast %add3A_500 : i32 to index
        %get3A_513 = arith.constant 16 : index
        %get3A_514 = tpu.vector_load %arg16[%get3A_512, %get3A_513] {strides = array<i32>} : memref<40x128xf32, #tpu.memory_space<vmem>>, vector<16xf32>,
        %mul3A_515 = arith.mulf %get3A_514, %gather3A_504 : vector<16xf32>
        %swap3A_516 = arith.index_cast %add3A_500 : i32 to index
        %swap3A_517 = arith.constant 16 : index
        %swap3A_518 = tpu.vector_load %arg16[%swap3A_516, %swap3A_517] {strides = array<i32>} : memref<40x128xf32, #tpu.memory_space<vmem>>, vector<16xf32>,
        tpu.vector_store %arg16[%swap3A_516, %swap3A_517], %mul3A_515 {strides = array<i32>} : memref<40x128xf32, #tpu.memory_space<vmem>>, vector<16xf32>,
        %get3A_519 = arith.index_cast %add3A_500 : i32 to index
        %get3A_520 = arith.constant 32 : index
        %get3A_521 = tpu.vector_load %arg16[%get3A_519, %get3A_520] {strides = array<i32>} : memref<40x128xf32, #tpu.memory_space<vmem>>, vector<16xf32>,
        %mul3A_522 = arith.mulf %get3A_521, %gather3A_504 : vector<16xf32>
        %swap3A_523 = arith.index_cast %add3A_500 : i32 to index
        %swap3A_524 = arith.constant 32 : index
        %swap3A_525 = tpu.vector_load %arg16[%swap3A_523, %swap3A_524] {strides = array<i32>} : memref<40x128xf32, #tpu.memory_space<vmem>>, vector<16xf32>,
        tpu.vector_store %arg16[%swap3A_523, %swap3A_524], %mul3A_522 {strides = array<i32>} : memref<40x128xf32, #tpu.memory_space<vmem>>, vector<16xf32>,
        %get3A_526 = arith.index_cast %add3A_500 : i32 to index
        %get3A_527 = arith.constant 48 : index
        %get3A_528 = tpu.vector_load %arg16[%get3A_526, %get3A_527] {strides = array<i32>} : memref<40x128xf32, #tpu.memory_space<vmem>>, vector<16xf32>,
        %mul3A_529 = arith.mulf %get3A_528, %gather3A_504 : vector<16xf32>
        %swap3A_530 = arith.index_cast %add3A_500 : i32 to index
        %swap3A_531 = arith.constant 48 : index
        %swap3A_532 = tpu.vector_load %arg16[%swap3A_530, %swap3A_531] {strides = array<i32>} : memref<40x128xf32, #tpu.memory_space<vmem>>, vector<16xf32>,
        tpu.vector_store %arg16[%swap3A_530, %swap3A_531], %mul3A_529 {strides = array<i32>} : memref<40x128xf32, #tpu.memory_space<vmem>>, vector<16xf32>,
        %get3A_533 = arith.index_cast %add3A_500 : i32 to index
        %get3A_534 = arith.constant 64 : index
        %get3A_535 = tpu.vector_load %arg16[%get3A_533, %get3A_534] {strides = array<i32>} : memref<40x128xf32, #tpu.memory_space<vmem>>, vector<16xf32>,
        %mul3A_536 = arith.mulf %get3A_535, %gather3A_504 : vector<16xf32>
        %swap3A_537 = arith.index_cast %add3A_500 : i32 to index
        %swap3A_538 = arith.constant 64 : index
        %swap3A_539 = tpu.vector_load %arg16[%swap3A_537, %swap3A_538] {strides = array<i32>} : memref<40x128xf32, #tpu.memory_space<vmem>>, vector<16xf32>,
        tpu.vector_store %arg16[%swap3A_537, %swap3A_538], %mul3A_536 {strides = array<i32>} : memref<40x128xf32, #tpu.memory_space<vmem>>, vector<16xf32>,
        %get3A_540 = arith.index_cast %add3A_500 : i32 to index
        %get3A_541 = arith.constant 80 : index
        %get3A_542 = tpu.vector_load %arg16[%get3A_540, %get3A_541] {strides = array<i32>} : memref<40x128xf32, #tpu.memory_space<vmem>>, vector<16xf32>,
        %mul3A_543 = arith.mulf %get3A_542, %gather3A_504 : vector<16xf32>
        %swap3A_544 = arith.index_cast %add3A_500 : i32 to index
        %swap3A_545 = arith.constant 80 : index
        %swap3A_546 = tpu.vector_load %arg16[%swap3A_544, %swap3A_545] {strides = array<i32>} : memref<40x128xf32, #tpu.memory_space<vmem>>, vector<16xf32>,
        tpu.vector_store %arg16[%swap3A_544, %swap3A_545], %mul3A_543 {strides = array<i32>} : memref<40x128xf32, #tpu.memory_space<vmem>>, vector<16xf32>,
        %get3A_547 = arith.index_cast %add3A_500 : i32 to index
        %get3A_548 = arith.constant 96 : index
        %get3A_549 = tpu.vector_load %arg16[%get3A_547, %get3A_548] {strides = array<i32>} : memref<40x128xf32, #tpu.memory_space<vmem>>, vector<16xf32>,
        %mul3A_550 = arith.mulf %get3A_549, %gather3A_504 : vector<16xf32>
        %swap3A_551 = arith.index_cast %add3A_500 : i32 to index
        %swap3A_552 = arith.constant 96 : index
        %swap3A_553 = tpu.vector_load %arg16[%swap3A_551, %swap3A_552] {strides = array<i32>} : memref<40x128xf32, #tpu.memory_space<vmem>>, vector<16xf32>,
        tpu.vector_store %arg16[%swap3A_551, %swap3A_552], %mul3A_550 {strides = array<i32>} : memref<40x128xf32, #tpu.memory_space<vmem>>, vector<16xf32>,
        %get3A_554 = arith.index_cast %add3A_500 : i32 to index
        %get3A_555 = arith.constant 112 : index
        %get3A_556 = tpu.vector_load %arg16[%get3A_554, %get3A_555] {strides = array<i32>} : memref<40x128xf32, #tpu.memory_space<vmem>>, vector<16xf32>,
        %mul3A_557 = arith.mulf %get3A_556, %gather3A_504 : vector<16xf32>
        %swap3A_558 = arith.index_cast %add3A_500 : i32 to index
        %swap3A_559 = arith.constant 112 : index
        %swap3A_560 = tpu.vector_load %arg16[%swap3A_558, %swap3A_559] {strides = array<i32>} : memref<40x128xf32, #tpu.memory_space<vmem>>, vector<16xf32>,
        tpu.vector_store %arg16[%swap3A_558, %swap3A_559], %mul3A_557 {strides = array<i32>} : memref<40x128xf32, #tpu.memory_space<vmem>>, vector<16xf32>,
        %mul3A_561 = arith.constant 4 : i32
        %mul3A_562 = arith.muli %scan3A_436, %mul3A_561 : i32
        %add3A_563 = arith.constant 2 : i32
        %add3A_564 = arith.addi %mul3A_562, %add3A_563 : i32
        %add3A_565 = arith.constant 80 : i32
        %add3A_566 = arith.addi %add3A_565, %add3A_564 : i32
        %broadcast_in_dim3A_567 = vector.broadcast %add3A_566 : i32 to vector<16xi32>
        %gather3A_568 = tpu.vector_load_idx %arg13[%broadcast_in_dim3A_567] : memref<208xf32, #tpu.memory_space<vmem>>[vector<16xi32>], vector<16xf32>,
        %get3A_569 = arith.index_cast %add3A_564 : i32 to index
        %get3A_570 = arith.constant 0 : index
        %get3A_571 = tpu.vector_load %arg16[%get3A_569, %get3A_570] {strides = array<i32>} : memref<40x128xf32, #tpu.memory_space<vmem>>, vector<16xf32>,
        %mul3A_572 = arith.mulf %get3A_571, %gather3A_568 : vector<16xf32>
        %swap3A_573 = arith.index_cast %add3A_564 : i32 to index
        %swap3A_574 = arith.constant 0 : index
        %swap3A_575 = tpu.vector_load %arg16[%swap3A_573, %swap3A_574] {strides = array<i32>} : memref<40x128xf32, #tpu.memory_space<vmem>>, vector<16xf32>,
        tpu.vector_store %arg16[%swap3A_573, %swap3A_574], %mul3A_572 {strides = array<i32>} : memref<40x128xf32, #tpu.memory_space<vmem>>, vector<16xf32>,
        %get3A_576 = arith.index_cast %add3A_564 : i32 to index
        %get3A_577 = arith.constant 16 : index
        %get3A_578 = tpu.vector_load %arg16[%get3A_576, %get3A_577] {strides = array<i32>} : memref<40x128xf32, #tpu.memory_space<vmem>>, vector<16xf32>,
        %mul3A_579 = arith.mulf %get3A_578, %gather3A_568 : vector<16xf32>
        %swap3A_580 = arith.index_cast %add3A_564 : i32 to index
        %swap3A_581 = arith.constant 16 : index
        %swap3A_582 = tpu.vector_load %arg16[%swap3A_580, %swap3A_581] {strides = array<i32>} : memref<40x128xf32, #tpu.memory_space<vmem>>, vector<16xf32>,
        tpu.vector_store %arg16[%swap3A_580, %swap3A_581], %mul3A_579 {strides = array<i32>} : memref<40x128xf32, #tpu.memory_space<vmem>>, vector<16xf32>,
        %get3A_583 = arith.index_cast %add3A_564 : i32 to index
        %get3A_584 = arith.constant 32 : index
        %get3A_585 = tpu.vector_load %arg16[%get3A_583, %get3A_584] {strides = array<i32>} : memref<40x128xf32, #tpu.memory_space<vmem>>, vector<16xf32>,
        %mul3A_586 = arith.mulf %get3A_585, %gather3A_568 : vector<16xf32>
        %swap3A_587 = arith.index_cast %add3A_564 : i32 to index
        %swap3A_588 = arith.constant 32 : index
        %swap3A_589 = tpu.vector_load %arg16[%swap3A_587, %swap3A_588] {strides = array<i32>} : memref<40x128xf32, #tpu.memory_space<vmem>>, vector<16xf32>,
        tpu.vector_store %arg16[%swap3A_587, %swap3A_588], %mul3A_586 {strides = array<i32>} : memref<40x128xf32, #tpu.memory_space<vmem>>, vector<16xf32>,
        %get3A_590 = arith.index_cast %add3A_564 : i32 to index
        %get3A_591 = arith.constant 48 : index
        %get3A_592 = tpu.vector_load %arg16[%get3A_590, %get3A_591] {strides = array<i32>} : memref<40x128xf32, #tpu.memory_space<vmem>>, vector<16xf32>,
        %mul3A_593 = arith.mulf %get3A_592, %gather3A_568 : vector<16xf32>
        %swap3A_594 = arith.index_cast %add3A_564 : i32 to index
        %swap3A_595 = arith.constant 48 : index
        %swap3A_596 = tpu.vector_load %arg16[%swap3A_594, %swap3A_595] {strides = array<i32>} : memref<40x128xf32, #tpu.memory_space<vmem>>, vector<16xf32>,
        tpu.vector_store %arg16[%swap3A_594, %swap3A_595], %mul3A_593 {strides = array<i32>} : memref<40x128xf32, #tpu.memory_space<vmem>>, vector<16xf32>,
        %get3A_597 = arith.index_cast %add3A_564 : i32 to index
        %get3A_598 = arith.constant 64 : index
        %get3A_599 = tpu.vector_load %arg16[%get3A_597, %get3A_598] {strides = array<i32>} : memref<40x128xf32, #tpu.memory_space<vmem>>, vector<16xf32>,
        %mul3A_600 = arith.mulf %get3A_599, %gather3A_568 : vector<16xf32>
        %swap3A_601 = arith.index_cast %add3A_564 : i32 to index
        %swap3A_602 = arith.constant 64 : index
        %swap3A_603 = tpu.vector_load %arg16[%swap3A_601, %swap3A_602] {strides = array<i32>} : memref<40x128xf32, #tpu.memory_space<vmem>>, vector<16xf32>,
        tpu.vector_store %arg16[%swap3A_601, %swap3A_602], %mul3A_600 {strides = array<i32>} : memref<40x128xf32, #tpu.memory_space<vmem>>, vector<16xf32>,
        %get3A_604 = arith.index_cast %add3A_564 : i32 to index
        %get3A_605 = arith.constant 80 : index
        %get3A_606 = tpu.vector_load %arg16[%get3A_604, %get3A_605] {strides = array<i32>} : memref<40x128xf32, #tpu.memory_space<vmem>>, vector<16xf32>,
        %mul3A_607 = arith.mulf %get3A_606, %gather3A_568 : vector<16xf32>
        %swap3A_608 = arith.index_cast %add3A_564 : i32 to index
        %swap3A_609 = arith.constant 80 : index
        %swap3A_610 = tpu.vector_load %arg16[%swap3A_608, %swap3A_609] {strides = array<i32>} : memref<40x128xf32, #tpu.memory_space<vmem>>, vector<16xf32>,
        tpu.vector_store %arg16[%swap3A_608, %swap3A_609], %mul3A_607 {strides = array<i32>} : memref<40x128xf32, #tpu.memory_space<vmem>>, vector<16xf32>,
        %get3A_611 = arith.index_cast %add3A_564 : i32 to index
        %get3A_612 = arith.constant 96 : index
        %get3A_613 = tpu.vector_load %arg16[%get3A_611, %get3A_612] {strides = array<i32>} : memref<40x128xf32, #tpu.memory_space<vmem>>, vector<16xf32>,
        %mul3A_614 = arith.mulf %get3A_613, %gather3A_568 : vector<16xf32>
        %swap3A_615 = arith.index_cast %add3A_564 : i32 to index
        %swap3A_616 = arith.constant 96 : index
        %swap3A_617 = tpu.vector_load %arg16[%swap3A_615, %swap3A_616] {strides = array<i32>} : memref<40x128xf32, #tpu.memory_space<vmem>>, vector<16xf32>,
        tpu.vector_store %arg16[%swap3A_615, %swap3A_616], %mul3A_614 {strides = array<i32>} : memref<40x128xf32, #tpu.memory_space<vmem>>, vector<16xf32>,
        %get3A_618 = arith.index_cast %add3A_564 : i32 to index
        %get3A_619 = arith.constant 112 : index
        %get3A_620 = tpu.vector_load %arg16[%get3A_618, %get3A_619] {strides = array<i32>} : memref<40x128xf32, #tpu.memory_space<vmem>>, vector<16xf32>,
        %mul3A_621 = arith.mulf %get3A_620, %gather3A_568 : vector<16xf32>
        %swap3A_622 = arith.index_cast %add3A_564 : i32 to index
        %swap3A_623 = arith.constant 112 : index
        %swap3A_624 = tpu.vector_load %arg16[%swap3A_622, %swap3A_623] {strides = array<i32>} : memref<40x128xf32, #tpu.memory_space<vmem>>, vector<16xf32>,
        tpu.vector_store %arg16[%swap3A_622, %swap3A_623], %mul3A_621 {strides = array<i32>} : memref<40x128xf32, #tpu.memory_space<vmem>>, vector<16xf32>,
        %mul3A_625 = arith.constant 4 : i32
        %mul3A_626 = arith.muli %scan3A_436, %mul3A_625 : i32
        %add3A_627 = arith.constant 3 : i32
        %add3A_628 = arith.addi %mul3A_626, %add3A_627 : i32
        %add3A_629 = arith.constant 80 : i32
        %add3A_630 = arith.addi %add3A_629, %add3A_628 : i32
        %broadcast_in_dim3A_631 = vector.broadcast %add3A_630 : i32 to vector<16xi32>
        %gather3A_632 = tpu.vector_load_idx %arg13[%broadcast_in_dim3A_631] : memref<208xf32, #tpu.memory_space<vmem>>[vector<16xi32>], vector<16xf32>,
        %get3A_633 = arith.index_cast %add3A_628 : i32 to index
        %get3A_634 = arith.constant 0 : index
        %get3A_635 = tpu.vector_load %arg16[%get3A_633, %get3A_634] {strides = array<i32>} : memref<40x128xf32, #tpu.memory_space<vmem>>, vector<16xf32>,
        %mul3A_636 = arith.mulf %get3A_635, %gather3A_632 : vector<16xf32>
        %swap3A_637 = arith.index_cast %add3A_628 : i32 to index
        %swap3A_638 = arith.constant 0 : index
        %swap3A_639 = tpu.vector_load %arg16[%swap3A_637, %swap3A_638] {strides = array<i32>} : memref<40x128xf32, #tpu.memory_space<vmem>>, vector<16xf32>,
        tpu.vector_store %arg16[%swap3A_637, %swap3A_638], %mul3A_636 {strides = array<i32>} : memref<40x128xf32, #tpu.memory_space<vmem>>, vector<16xf32>,
        %get3A_640 = arith.index_cast %add3A_628 : i32 to index
        %get3A_641 = arith.constant 16 : index
        %get3A_642 = tpu.vector_load %arg16[%get3A_640, %get3A_641] {strides = array<i32>} : memref<40x128xf32, #tpu.memory_space<vmem>>, vector<16xf32>,
        %mul3A_643 = arith.mulf %get3A_642, %gather3A_632 : vector<16xf32>
        %swap3A_644 = arith.index_cast %add3A_628 : i32 to index
        %swap3A_645 = arith.constant 16 : index
        %swap3A_646 = tpu.vector_load %arg16[%swap3A_644, %swap3A_645] {strides = array<i32>} : memref<40x128xf32, #tpu.memory_space<vmem>>, vector<16xf32>,
        tpu.vector_store %arg16[%swap3A_644, %swap3A_645], %mul3A_643 {strides = array<i32>} : memref<40x128xf32, #tpu.memory_space<vmem>>, vector<16xf32>,
        %get3A_647 = arith.index_cast %add3A_628 : i32 to index
        %get3A_648 = arith.constant 32 : index
        %get3A_649 = tpu.vector_load %arg16[%get3A_647, %get3A_648] {strides = array<i32>} : memref<40x128xf32, #tpu.memory_space<vmem>>, vector<16xf32>,
        %mul3A_650 = arith.mulf %get3A_649, %gather3A_632 : vector<16xf32>
        %swap3A_651 = arith.index_cast %add3A_628 : i32 to index
        %swap3A_652 = arith.constant 32 : index
        %swap3A_653 = tpu.vector_load %arg16[%swap3A_651, %swap3A_652] {strides = array<i32>} : memref<40x128xf32, #tpu.memory_space<vmem>>, vector<16xf32>,
        tpu.vector_store %arg16[%swap3A_651, %swap3A_652], %mul3A_650 {strides = array<i32>} : memref<40x128xf32, #tpu.memory_space<vmem>>, vector<16xf32>,
        %get3A_654 = arith.index_cast %add3A_628 : i32 to index
        %get3A_655 = arith.constant 48 : index
        %get3A_656 = tpu.vector_load %arg16[%get3A_654, %get3A_655] {strides = array<i32>} : memref<40x128xf32, #tpu.memory_space<vmem>>, vector<16xf32>,
        %mul3A_657 = arith.mulf %get3A_656, %gather3A_632 : vector<16xf32>
        %swap3A_658 = arith.index_cast %add3A_628 : i32 to index
        %swap3A_659 = arith.constant 48 : index
        %swap3A_660 = tpu.vector_load %arg16[%swap3A_658, %swap3A_659] {strides = array<i32>} : memref<40x128xf32, #tpu.memory_space<vmem>>, vector<16xf32>,
        tpu.vector_store %arg16[%swap3A_658, %swap3A_659], %mul3A_657 {strides = array<i32>} : memref<40x128xf32, #tpu.memory_space<vmem>>, vector<16xf32>,
        %get3A_661 = arith.index_cast %add3A_628 : i32 to index
        %get3A_662 = arith.constant 64 : index
        %get3A_663 = tpu.vector_load %arg16[%get3A_661, %get3A_662] {strides = array<i32>} : memref<40x128xf32, #tpu.memory_space<vmem>>, vector<16xf32>,
        %mul3A_664 = arith.mulf %get3A_663, %gather3A_632 : vector<16xf32>
        %swap3A_665 = arith.index_cast %add3A_628 : i32 to index
        %swap3A_666 = arith.constant 64 : index
        %swap3A_667 = tpu.vector_load %arg16[%swap3A_665, %swap3A_666] {strides = array<i32>} : memref<40x128xf32, #tpu.memory_space<vmem>>, vector<16xf32>,
        tpu.vector_store %arg16[%swap3A_665, %swap3A_666], %mul3A_664 {strides = array<i32>} : memref<40x128xf32, #tpu.memory_space<vmem>>, vector<16xf32>,
        %get3A_668 = arith.index_cast %add3A_628 : i32 to index
        %get3A_669 = arith.constant 80 : index
        %get3A_670 = tpu.vector_load %arg16[%get3A_668, %get3A_669] {strides = array<i32>} : memref<40x128xf32, #tpu.memory_space<vmem>>, vector<16xf32>,
        %mul3A_671 = arith.mulf %get3A_670, %gather3A_632 : vector<16xf32>
        %swap3A_672 = arith.index_cast %add3A_628 : i32 to index
        %swap3A_673 = arith.constant 80 : index
        %swap3A_674 = tpu.vector_load %arg16[%swap3A_672, %swap3A_673] {strides = array<i32>} : memref<40x128xf32, #tpu.memory_space<vmem>>, vector<16xf32>,
        tpu.vector_store %arg16[%swap3A_672, %swap3A_673], %mul3A_671 {strides = array<i32>} : memref<40x128xf32, #tpu.memory_space<vmem>>, vector<16xf32>,
        %get3A_675 = arith.index_cast %add3A_628 : i32 to index
        %get3A_676 = arith.constant 96 : index
        %get3A_677 = tpu.vector_load %arg16[%get3A_675, %get3A_676] {strides = array<i32>} : memref<40x128xf32, #tpu.memory_space<vmem>>, vector<16xf32>,
        %mul3A_678 = arith.mulf %get3A_677, %gather3A_632 : vector<16xf32>
        %swap3A_679 = arith.index_cast %add3A_628 : i32 to index
        %swap3A_680 = arith.constant 96 : index
        %swap3A_681 = tpu.vector_load %arg16[%swap3A_679, %swap3A_680] {strides = array<i32>} : memref<40x128xf32, #tpu.memory_space<vmem>>, vector<16xf32>,
        tpu.vector_store %arg16[%swap3A_679, %swap3A_680], %mul3A_678 {strides = array<i32>} : memref<40x128xf32, #tpu.memory_space<vmem>>, vector<16xf32>,
        %get3A_682 = arith.index_cast %add3A_628 : i32 to index
        %get3A_683 = arith.constant 112 : index
        %get3A_684 = tpu.vector_load %arg16[%get3A_682, %get3A_683] {strides = array<i32>} : memref<40x128xf32, #tpu.memory_space<vmem>>, vector<16xf32>,
        %mul3A_685 = arith.mulf %get3A_684, %gather3A_632 : vector<16xf32>
        %swap3A_686 = arith.index_cast %add3A_628 : i32 to index
        %swap3A_687 = arith.constant 112 : index
        %swap3A_688 = tpu.vector_load %arg16[%swap3A_686, %swap3A_687] {strides = array<i32>} : memref<40x128xf32, #tpu.memory_space<vmem>>, vector<16xf32>,
        tpu.vector_store %arg16[%swap3A_686, %swap3A_687], %mul3A_685 {strides = array<i32>} : memref<40x128xf32, #tpu.memory_space<vmem>>, vector<16xf32>,
      }
      %scan3A_385 = arith.constant 10 : i32
      %dma_start3A_386 = arith.constant 2 : i32
      %dma_start3A_387 = arith.constant 80 : i32
      %dma_start3A_388 = tpu.memref_slice %arg11[%dma_start3A_387] : memref<200xi32, #tpu.memory_space<vmem>> -> memref<40xi32, #tpu.memory_space<vmem>>
      %dma_start3A_389 = arith.constant 0 : i32
      %dma_start3A_390 = arith.constant 0 : i32
      %dma_start3A_391 = tpu.memref_slice %arg7[%dma_start3A_389, %dma_start3A_390] : memref<10000x128xf32, #tpu.memory_space<vmem_shared>> -> memref<10000x128xf32, #tpu.memory_space<vmem_shared>>
      %dma_start3A_392 = tpu.memref_slice %arg20[%dma_start3A_386] : memref<5x!tpu.dma_semaphore, #tpu.memory_space<semaphore_mem>> -> memref<1x!tpu.dma_semaphore, #tpu.memory_space<semaphore_mem>>
      %dma_start3A_393 = tpu.memref_squeeze %dma_start3A_392 : memref<1x!tpu.dma_semaphore, #tpu.memory_space<semaphore_mem>> -> memref<!tpu.dma_semaphore, #tpu.memory_space<semaphore_mem>>
      tpu.enqueue_indirect_dma source(%arg16 : memref<40x128xf32, #tpu.memory_space<vmem>>) target(%dma_start3A_391 : memref<10000x128xf32, #tpu.memory_space<vmem_shared>>) offsets(%dma_start3A_388 : memref<40xi32, #tpu.memory_space<vmem>>) semaphore(%dma_start3A_393 : memref<!tpu.dma_semaphore, #tpu.memory_space<semaphore_mem>>) {add = true}
      %dma_wait3A_394 = arith.constant 3 : i32
      %dma_wait3A_395 = arith.constant 120 : i32
      %dma_wait3A_396 = tpu.memref_slice %arg9[%dma_wait3A_395] : memref<200xi32, #tpu.memory_space<vmem>> -> memref<40xi32, #tpu.memory_space<vmem>>
      %dma_wait3A_397 = arith.constant 0 : i32
      %dma_wait3A_398 = arith.constant 0 : i32
      %dma_wait3A_399 = tpu.memref_slice %arg2[%dma_wait3A_397, %dma_wait3A_398] : memref<10000x128xf32, #tpu.memory_space<hbm>> -> memref<10000x128xf32, #tpu.memory_space<hbm>>
      %dma_wait3A_400 = tpu.memref_slice %arg19[%dma_wait3A_394] : memref<5x!tpu.dma_semaphore, #tpu.memory_space<semaphore_mem>> -> memref<1x!tpu.dma_semaphore, #tpu.memory_space<semaphore_mem>>
      %dma_wait3A_401 = tpu.memref_squeeze %dma_wait3A_400 : memref<1x!tpu.dma_semaphore, #tpu.memory_space<semaphore_mem>> -> memref<!tpu.dma_semaphore, #tpu.memory_space<semaphore_mem>>
      tpu.wait_indirect_dma semaphore(%dma_wait3A_401 : memref<!tpu.dma_semaphore, #tpu.memory_space<semaphore_mem>>) src(%dma_wait3A_399 : memref<10000x128xf32, #tpu.memory_space<hbm>>) dst(%arg17 : memref<40x128xf32, #tpu.memory_space<vmem>>)
      %scan3A_402 = arith.constant 0 : i32
      %scan3A_403 = arith.constant 10 : i32
      %scan3A_404 = arith.addi %scan3A_402, %scan3A_403 : i32
      %scan3A_405 = arith.constant 1 : i32
      scf.for %scan3A_436 = %scan3A_402 to %scan3A_404 step %scan3A_405  : i32 {
        %mul3A_437 = arith.constant 4 : i32
        %mul3A_438 = arith.muli %scan3A_436, %mul3A_437 : i32
        %add3A_439 = arith.constant 0 : i32
        %add3A_440 = arith.addi %mul3A_438, %add3A_439 : i32
        %add3A_441 = arith.constant 120 : i32
        %add3A_442 = arith.addi %add3A_441, %add3A_440 : i32
        %broadcast_in_dim3A = vector.broadcast %add3A_442 : i32 to vector<16xi32>
        %gather3A = tpu.vector_load_idx %arg13[%broadcast_in_dim3A] : memref<208xf32, #tpu.memory_space<vmem>>[vector<16xi32>], vector<16xf32>,
        %get3A = arith.index_cast %add3A_440 : i32 to index
        %get3A_443 = arith.constant 0 : index
        %get3A_444 = tpu.vector_load %arg17[%get3A, %get3A_443] {strides = array<i32>} : memref<40x128xf32, #tpu.memory_space<vmem>>, vector<16xf32>,
        %mul3A_445 = arith.mulf %get3A_444, %gather3A : vector<16xf32>
        %swap3A = arith.index_cast %add3A_440 : i32 to index
        %swap3A_446 = arith.constant 0 : index
        %swap3A_447 = tpu.vector_load %arg17[%swap3A, %swap3A_446] {strides = array<i32>} : memref<40x128xf32, #tpu.memory_space<vmem>>, vector<16xf32>,
        tpu.vector_store %arg17[%swap3A, %swap3A_446], %mul3A_445 {strides = array<i32>} : memref<40x128xf32, #tpu.memory_space<vmem>>, vector<16xf32>,
        %get3A_448 = arith.index_cast %add3A_440 : i32 to index
        %get3A_449 = arith.constant 16 : index
        %get3A_450 = tpu.vector_load %arg17[%get3A_448, %get3A_449] {strides = array<i32>} : memref<40x128xf32, #tpu.memory_space<vmem>>, vector<16xf32>,
        %mul3A_451 = arith.mulf %get3A_450, %gather3A : vector<16xf32>
        %swap3A_452 = arith.index_cast %add3A_440 : i32 to index
        %swap3A_453 = arith.constant 16 : index
        %swap3A_454 = tpu.vector_load %arg17[%swap3A_452, %swap3A_453] {strides = array<i32>} : memref<40x128xf32, #tpu.memory_space<vmem>>, vector<16xf32>,
        tpu.vector_store %arg17[%swap3A_452, %swap3A_453], %mul3A_451 {strides = array<i32>} : memref<40x128xf32, #tpu.memory_space<vmem>>, vector<16xf32>,
        %get3A_455 = arith.index_cast %add3A_440 : i32 to index
        %get3A_456 = arith.constant 32 : index
        %get3A_457 = tpu.vector_load %arg17[%get3A_455, %get3A_456] {strides = array<i32>} : memref<40x128xf32, #tpu.memory_space<vmem>>, vector<16xf32>,
        %mul3A_458 = arith.mulf %get3A_457, %gather3A : vector<16xf32>
        %swap3A_459 = arith.index_cast %add3A_440 : i32 to index
        %swap3A_460 = arith.constant 32 : index
        %swap3A_461 = tpu.vector_load %arg17[%swap3A_459, %swap3A_460] {strides = array<i32>} : memref<40x128xf32, #tpu.memory_space<vmem>>, vector<16xf32>,
        tpu.vector_store %arg17[%swap3A_459, %swap3A_460], %mul3A_458 {strides = array<i32>} : memref<40x128xf32, #tpu.memory_space<vmem>>, vector<16xf32>,
        %get3A_462 = arith.index_cast %add3A_440 : i32 to index
        %get3A_463 = arith.constant 48 : index
        %get3A_464 = tpu.vector_load %arg17[%get3A_462, %get3A_463] {strides = array<i32>} : memref<40x128xf32, #tpu.memory_space<vmem>>, vector<16xf32>,
        %mul3A_465 = arith.mulf %get3A_464, %gather3A : vector<16xf32>
        %swap3A_466 = arith.index_cast %add3A_440 : i32 to index
        %swap3A_467 = arith.constant 48 : index
        %swap3A_468 = tpu.vector_load %arg17[%swap3A_466, %swap3A_467] {strides = array<i32>} : memref<40x128xf32, #tpu.memory_space<vmem>>, vector<16xf32>,
        tpu.vector_store %arg17[%swap3A_466, %swap3A_467], %mul3A_465 {strides = array<i32>} : memref<40x128xf32, #tpu.memory_space<vmem>>, vector<16xf32>,
        %get3A_469 = arith.index_cast %add3A_440 : i32 to index
        %get3A_470 = arith.constant 64 : index
        %get3A_471 = tpu.vector_load %arg17[%get3A_469, %get3A_470] {strides = array<i32>} : memref<40x128xf32, #tpu.memory_space<vmem>>, vector<16xf32>,
        %mul3A_472 = arith.mulf %get3A_471, %gather3A : vector<16xf32>
        %swap3A_473 = arith.index_cast %add3A_440 : i32 to index
        %swap3A_474 = arith.constant 64 : index
        %swap3A_475 = tpu.vector_load %arg17[%swap3A_473, %swap3A_474] {strides = array<i32>} : memref<40x128xf32, #tpu.memory_space<vmem>>, vector<16xf32>,
        tpu.vector_store %arg17[%swap3A_473, %swap3A_474], %mul3A_472 {strides = array<i32>} : memref<40x128xf32, #tpu.memory_space<vmem>>, vector<16xf32>,
        %get3A_476 = arith.index_cast %add3A_440 : i32 to index
        %get3A_477 = arith.constant 80 : index
        %get3A_478 = tpu.vector_load %arg17[%get3A_476, %get3A_477] {strides = array<i32>} : memref<40x128xf32, #tpu.memory_space<vmem>>, vector<16xf32>,
        %mul3A_479 = arith.mulf %get3A_478, %gather3A : vector<16xf32>
        %swap3A_480 = arith.index_cast %add3A_440 : i32 to index
        %swap3A_481 = arith.constant 80 : index
        %swap3A_482 = tpu.vector_load %arg17[%swap3A_480, %swap3A_481] {strides = array<i32>} : memref<40x128xf32, #tpu.memory_space<vmem>>, vector<16xf32>,
        tpu.vector_store %arg17[%swap3A_480, %swap3A_481], %mul3A_479 {strides = array<i32>} : memref<40x128xf32, #tpu.memory_space<vmem>>, vector<16xf32>,
        %get3A_483 = arith.index_cast %add3A_440 : i32 to index
        %get3A_484 = arith.constant 96 : index
        %get3A_485 = tpu.vector_load %arg17[%get3A_483, %get3A_484] {strides = array<i32>} : memref<40x128xf32, #tpu.memory_space<vmem>>, vector<16xf32>,
        %mul3A_486 = arith.mulf %get3A_485, %gather3A : vector<16xf32>
        %swap3A_487 = arith.index_cast %add3A_440 : i32 to index
        %swap3A_488 = arith.constant 96 : index
        %swap3A_489 = tpu.vector_load %arg17[%swap3A_487, %swap3A_488] {strides = array<i32>} : memref<40x128xf32, #tpu.memory_space<vmem>>, vector<16xf32>,
        tpu.vector_store %arg17[%swap3A_487, %swap3A_488], %mul3A_486 {strides = array<i32>} : memref<40x128xf32, #tpu.memory_space<vmem>>, vector<16xf32>,
        %get3A_490 = arith.index_cast %add3A_440 : i32 to index
        %get3A_491 = arith.constant 112 : index
        %get3A_492 = tpu.vector_load %arg17[%get3A_490, %get3A_491] {strides = array<i32>} : memref<40x128xf32, #tpu.memory_space<vmem>>, vector<16xf32>,
        %mul3A_493 = arith.mulf %get3A_492, %gather3A : vector<16xf32>
        %swap3A_494 = arith.index_cast %add3A_440 : i32 to index
        %swap3A_495 = arith.constant 112 : index
        %swap3A_496 = tpu.vector_load %arg17[%swap3A_494, %swap3A_495] {strides = array<i32>} : memref<40x128xf32, #tpu.memory_space<vmem>>, vector<16xf32>,
        tpu.vector_store %arg17[%swap3A_494, %swap3A_495], %mul3A_493 {strides = array<i32>} : memref<40x128xf32, #tpu.memory_space<vmem>>, vector<16xf32>,
        %mul3A_497 = arith.constant 4 : i32
        %mul3A_498 = arith.muli %scan3A_436, %mul3A_497 : i32
        %add3A_499 = arith.constant 1 : i32
        %add3A_500 = arith.addi %mul3A_498, %add3A_499 : i32
        %add3A_501 = arith.constant 120 : i32
        %add3A_502 = arith.addi %add3A_501, %add3A_500 : i32
        %broadcast_in_dim3A_503 = vector.broadcast %add3A_502 : i32 to vector<16xi32>
        %gather3A_504 = tpu.vector_load_idx %arg13[%broadcast_in_dim3A_503] : memref<208xf32, #tpu.memory_space<vmem>>[vector<16xi32>], vector<16xf32>,
        %get3A_505 = arith.index_cast %add3A_500 : i32 to index
        %get3A_506 = arith.constant 0 : index
        %get3A_507 = tpu.vector_load %arg17[%get3A_505, %get3A_506] {strides = array<i32>} : memref<40x128xf32, #tpu.memory_space<vmem>>, vector<16xf32>,
        %mul3A_508 = arith.mulf %get3A_507, %gather3A_504 : vector<16xf32>
        %swap3A_509 = arith.index_cast %add3A_500 : i32 to index
        %swap3A_510 = arith.constant 0 : index
        %swap3A_511 = tpu.vector_load %arg17[%swap3A_509, %swap3A_510] {strides = array<i32>} : memref<40x128xf32, #tpu.memory_space<vmem>>, vector<16xf32>,
        tpu.vector_store %arg17[%swap3A_509, %swap3A_510], %mul3A_508 {strides = array<i32>} : memref<40x128xf32, #tpu.memory_space<vmem>>, vector<16xf32>,
        %get3A_512 = arith.index_cast %add3A_500 : i32 to index
        %get3A_513 = arith.constant 16 : index
        %get3A_514 = tpu.vector_load %arg17[%get3A_512, %get3A_513] {strides = array<i32>} : memref<40x128xf32, #tpu.memory_space<vmem>>, vector<16xf32>,
        %mul3A_515 = arith.mulf %get3A_514, %gather3A_504 : vector<16xf32>
        %swap3A_516 = arith.index_cast %add3A_500 : i32 to index
        %swap3A_517 = arith.constant 16 : index
        %swap3A_518 = tpu.vector_load %arg17[%swap3A_516, %swap3A_517] {strides = array<i32>} : memref<40x128xf32, #tpu.memory_space<vmem>>, vector<16xf32>,
        tpu.vector_store %arg17[%swap3A_516, %swap3A_517], %mul3A_515 {strides = array<i32>} : memref<40x128xf32, #tpu.memory_space<vmem>>, vector<16xf32>,
        %get3A_519 = arith.index_cast %add3A_500 : i32 to index
        %get3A_520 = arith.constant 32 : index
        %get3A_521 = tpu.vector_load %arg17[%get3A_519, %get3A_520] {strides = array<i32>} : memref<40x128xf32, #tpu.memory_space<vmem>>, vector<16xf32>,
        %mul3A_522 = arith.mulf %get3A_521, %gather3A_504 : vector<16xf32>
        %swap3A_523 = arith.index_cast %add3A_500 : i32 to index
        %swap3A_524 = arith.constant 32 : index
        %swap3A_525 = tpu.vector_load %arg17[%swap3A_523, %swap3A_524] {strides = array<i32>} : memref<40x128xf32, #tpu.memory_space<vmem>>, vector<16xf32>,
        tpu.vector_store %arg17[%swap3A_523, %swap3A_524], %mul3A_522 {strides = array<i32>} : memref<40x128xf32, #tpu.memory_space<vmem>>, vector<16xf32>,
        %get3A_526 = arith.index_cast %add3A_500 : i32 to index
        %get3A_527 = arith.constant 48 : index
        %get3A_528 = tpu.vector_load %arg17[%get3A_526, %get3A_527] {strides = array<i32>} : memref<40x128xf32, #tpu.memory_space<vmem>>, vector<16xf32>,
        %mul3A_529 = arith.mulf %get3A_528, %gather3A_504 : vector<16xf32>
        %swap3A_530 = arith.index_cast %add3A_500 : i32 to index
        %swap3A_531 = arith.constant 48 : index
        %swap3A_532 = tpu.vector_load %arg17[%swap3A_530, %swap3A_531] {strides = array<i32>} : memref<40x128xf32, #tpu.memory_space<vmem>>, vector<16xf32>,
        tpu.vector_store %arg17[%swap3A_530, %swap3A_531], %mul3A_529 {strides = array<i32>} : memref<40x128xf32, #tpu.memory_space<vmem>>, vector<16xf32>,
        %get3A_533 = arith.index_cast %add3A_500 : i32 to index
        %get3A_534 = arith.constant 64 : index
        %get3A_535 = tpu.vector_load %arg17[%get3A_533, %get3A_534] {strides = array<i32>} : memref<40x128xf32, #tpu.memory_space<vmem>>, vector<16xf32>,
        %mul3A_536 = arith.mulf %get3A_535, %gather3A_504 : vector<16xf32>
        %swap3A_537 = arith.index_cast %add3A_500 : i32 to index
        %swap3A_538 = arith.constant 64 : index
        %swap3A_539 = tpu.vector_load %arg17[%swap3A_537, %swap3A_538] {strides = array<i32>} : memref<40x128xf32, #tpu.memory_space<vmem>>, vector<16xf32>,
        tpu.vector_store %arg17[%swap3A_537, %swap3A_538], %mul3A_536 {strides = array<i32>} : memref<40x128xf32, #tpu.memory_space<vmem>>, vector<16xf32>,
        %get3A_540 = arith.index_cast %add3A_500 : i32 to index
        %get3A_541 = arith.constant 80 : index
        %get3A_542 = tpu.vector_load %arg17[%get3A_540, %get3A_541] {strides = array<i32>} : memref<40x128xf32, #tpu.memory_space<vmem>>, vector<16xf32>,
        %mul3A_543 = arith.mulf %get3A_542, %gather3A_504 : vector<16xf32>
        %swap3A_544 = arith.index_cast %add3A_500 : i32 to index
        %swap3A_545 = arith.constant 80 : index
        %swap3A_546 = tpu.vector_load %arg17[%swap3A_544, %swap3A_545] {strides = array<i32>} : memref<40x128xf32, #tpu.memory_space<vmem>>, vector<16xf32>,
        tpu.vector_store %arg17[%swap3A_544, %swap3A_545], %mul3A_543 {strides = array<i32>} : memref<40x128xf32, #tpu.memory_space<vmem>>, vector<16xf32>,
        %get3A_547 = arith.index_cast %add3A_500 : i32 to index
        %get3A_548 = arith.constant 96 : index
        %get3A_549 = tpu.vector_load %arg17[%get3A_547, %get3A_548] {strides = array<i32>} : memref<40x128xf32, #tpu.memory_space<vmem>>, vector<16xf32>,
        %mul3A_550 = arith.mulf %get3A_549, %gather3A_504 : vector<16xf32>
        %swap3A_551 = arith.index_cast %add3A_500 : i32 to index
        %swap3A_552 = arith.constant 96 : index
        %swap3A_553 = tpu.vector_load %arg17[%swap3A_551, %swap3A_552] {strides = array<i32>} : memref<40x128xf32, #tpu.memory_space<vmem>>, vector<16xf32>,
        tpu.vector_store %arg17[%swap3A_551, %swap3A_552], %mul3A_550 {strides = array<i32>} : memref<40x128xf32, #tpu.memory_space<vmem>>, vector<16xf32>,
        %get3A_554 = arith.index_cast %add3A_500 : i32 to index
        %get3A_555 = arith.constant 112 : index
        %get3A_556 = tpu.vector_load %arg17[%get3A_554, %get3A_555] {strides = array<i32>} : memref<40x128xf32, #tpu.memory_space<vmem>>, vector<16xf32>,
        %mul3A_557 = arith.mulf %get3A_556, %gather3A_504 : vector<16xf32>
        %swap3A_558 = arith.index_cast %add3A_500 : i32 to index
        %swap3A_559 = arith.constant 112 : index
        %swap3A_560 = tpu.vector_load %arg17[%swap3A_558, %swap3A_559] {strides = array<i32>} : memref<40x128xf32, #tpu.memory_space<vmem>>, vector<16xf32>,
        tpu.vector_store %arg17[%swap3A_558, %swap3A_559], %mul3A_557 {strides = array<i32>} : memref<40x128xf32, #tpu.memory_space<vmem>>, vector<16xf32>,
        %mul3A_561 = arith.constant 4 : i32
        %mul3A_562 = arith.muli %scan3A_436, %mul3A_561 : i32
        %add3A_563 = arith.constant 2 : i32
        %add3A_564 = arith.addi %mul3A_562, %add3A_563 : i32
        %add3A_565 = arith.constant 120 : i32
        %add3A_566 = arith.addi %add3A_565, %add3A_564 : i32
        %broadcast_in_dim3A_567 = vector.broadcast %add3A_566 : i32 to vector<16xi32>
        %gather3A_568 = tpu.vector_load_idx %arg13[%broadcast_in_dim3A_567] : memref<208xf32, #tpu.memory_space<vmem>>[vector<16xi32>], vector<16xf32>,
        %get3A_569 = arith.index_cast %add3A_564 : i32 to index
        %get3A_570 = arith.constant 0 : index
        %get3A_571 = tpu.vector_load %arg17[%get3A_569, %get3A_570] {strides = array<i32>} : memref<40x128xf32, #tpu.memory_space<vmem>>, vector<16xf32>,
        %mul3A_572 = arith.mulf %get3A_571, %gather3A_568 : vector<16xf32>
        %swap3A_573 = arith.index_cast %add3A_564 : i32 to index
        %swap3A_574 = arith.constant 0 : index
        %swap3A_575 = tpu.vector_load %arg17[%swap3A_573, %swap3A_574] {strides = array<i32>} : memref<40x128xf32, #tpu.memory_space<vmem>>, vector<16xf32>,
        tpu.vector_store %arg17[%swap3A_573, %swap3A_574], %mul3A_572 {strides = array<i32>} : memref<40x128xf32, #tpu.memory_space<vmem>>, vector<16xf32>,
        %get3A_576 = arith.index_cast %add3A_564 : i32 to index
        %get3A_577 = arith.constant 16 : index
        %get3A_578 = tpu.vector_load %arg17[%get3A_576, %get3A_577] {strides = array<i32>} : memref<40x128xf32, #tpu.memory_space<vmem>>, vector<16xf32>,
        %mul3A_579 = arith.mulf %get3A_578, %gather3A_568 : vector<16xf32>
        %swap3A_580 = arith.index_cast %add3A_564 : i32 to index
        %swap3A_581 = arith.constant 16 : index
        %swap3A_582 = tpu.vector_load %arg17[%swap3A_580, %swap3A_581] {strides = array<i32>} : memref<40x128xf32, #tpu.memory_space<vmem>>, vector<16xf32>,
        tpu.vector_store %arg17[%swap3A_580, %swap3A_581], %mul3A_579 {strides = array<i32>} : memref<40x128xf32, #tpu.memory_space<vmem>>, vector<16xf32>,
        %get3A_583 = arith.index_cast %add3A_564 : i32 to index
        %get3A_584 = arith.constant 32 : index
        %get3A_585 = tpu.vector_load %arg17[%get3A_583, %get3A_584] {strides = array<i32>} : memref<40x128xf32, #tpu.memory_space<vmem>>, vector<16xf32>,
        %mul3A_586 = arith.mulf %get3A_585, %gather3A_568 : vector<16xf32>
        %swap3A_587 = arith.index_cast %add3A_564 : i32 to index
        %swap3A_588 = arith.constant 32 : index
        %swap3A_589 = tpu.vector_load %arg17[%swap3A_587, %swap3A_588] {strides = array<i32>} : memref<40x128xf32, #tpu.memory_space<vmem>>, vector<16xf32>,
        tpu.vector_store %arg17[%swap3A_587, %swap3A_588], %mul3A_586 {strides = array<i32>} : memref<40x128xf32, #tpu.memory_space<vmem>>, vector<16xf32>,
        %get3A_590 = arith.index_cast %add3A_564 : i32 to index
        %get3A_591 = arith.constant 48 : index
        %get3A_592 = tpu.vector_load %arg17[%get3A_590, %get3A_591] {strides = array<i32>} : memref<40x128xf32, #tpu.memory_space<vmem>>, vector<16xf32>,
        %mul3A_593 = arith.mulf %get3A_592, %gather3A_568 : vector<16xf32>
        %swap3A_594 = arith.index_cast %add3A_564 : i32 to index
        %swap3A_595 = arith.constant 48 : index
        %swap3A_596 = tpu.vector_load %arg17[%swap3A_594, %swap3A_595] {strides = array<i32>} : memref<40x128xf32, #tpu.memory_space<vmem>>, vector<16xf32>,
        tpu.vector_store %arg17[%swap3A_594, %swap3A_595], %mul3A_593 {strides = array<i32>} : memref<40x128xf32, #tpu.memory_space<vmem>>, vector<16xf32>,
        %get3A_597 = arith.index_cast %add3A_564 : i32 to index
        %get3A_598 = arith.constant 64 : index
        %get3A_599 = tpu.vector_load %arg17[%get3A_597, %get3A_598] {strides = array<i32>} : memref<40x128xf32, #tpu.memory_space<vmem>>, vector<16xf32>,
        %mul3A_600 = arith.mulf %get3A_599, %gather3A_568 : vector<16xf32>
        %swap3A_601 = arith.index_cast %add3A_564 : i32 to index
        %swap3A_602 = arith.constant 64 : index
        %swap3A_603 = tpu.vector_load %arg17[%swap3A_601, %swap3A_602] {strides = array<i32>} : memref<40x128xf32, #tpu.memory_space<vmem>>, vector<16xf32>,
        tpu.vector_store %arg17[%swap3A_601, %swap3A_602], %mul3A_600 {strides = array<i32>} : memref<40x128xf32, #tpu.memory_space<vmem>>, vector<16xf32>,
        %get3A_604 = arith.index_cast %add3A_564 : i32 to index
        %get3A_605 = arith.constant 80 : index
        %get3A_606 = tpu.vector_load %arg17[%get3A_604, %get3A_605] {strides = array<i32>} : memref<40x128xf32, #tpu.memory_space<vmem>>, vector<16xf32>,
        %mul3A_607 = arith.mulf %get3A_606, %gather3A_568 : vector<16xf32>
        %swap3A_608 = arith.index_cast %add3A_564 : i32 to index
        %swap3A_609 = arith.constant 80 : index
        %swap3A_610 = tpu.vector_load %arg17[%swap3A_608, %swap3A_609] {strides = array<i32>} : memref<40x128xf32, #tpu.memory_space<vmem>>, vector<16xf32>,
        tpu.vector_store %arg17[%swap3A_608, %swap3A_609], %mul3A_607 {strides = array<i32>} : memref<40x128xf32, #tpu.memory_space<vmem>>, vector<16xf32>,
        %get3A_611 = arith.index_cast %add3A_564 : i32 to index
        %get3A_612 = arith.constant 96 : index
        %get3A_613 = tpu.vector_load %arg17[%get3A_611, %get3A_612] {strides = array<i32>} : memref<40x128xf32, #tpu.memory_space<vmem>>, vector<16xf32>,
        %mul3A_614 = arith.mulf %get3A_613, %gather3A_568 : vector<16xf32>
        %swap3A_615 = arith.index_cast %add3A_564 : i32 to index
        %swap3A_616 = arith.constant 96 : index
        %swap3A_617 = tpu.vector_load %arg17[%swap3A_615, %swap3A_616] {strides = array<i32>} : memref<40x128xf32, #tpu.memory_space<vmem>>, vector<16xf32>,
        tpu.vector_store %arg17[%swap3A_615, %swap3A_616], %mul3A_614 {strides = array<i32>} : memref<40x128xf32, #tpu.memory_space<vmem>>, vector<16xf32>,
        %get3A_618 = arith.index_cast %add3A_564 : i32 to index
        %get3A_619 = arith.constant 112 : index
        %get3A_620 = tpu.vector_load %arg17[%get3A_618, %get3A_619] {strides = array<i32>} : memref<40x128xf32, #tpu.memory_space<vmem>>, vector<16xf32>,
        %mul3A_621 = arith.mulf %get3A_620, %gather3A_568 : vector<16xf32>
        %swap3A_622 = arith.index_cast %add3A_564 : i32 to index
        %swap3A_623 = arith.constant 112 : index
        %swap3A_624 = tpu.vector_load %arg17[%swap3A_622, %swap3A_623] {strides = array<i32>} : memref<40x128xf32, #tpu.memory_space<vmem>>, vector<16xf32>,
        tpu.vector_store %arg17[%swap3A_622, %swap3A_623], %mul3A_621 {strides = array<i32>} : memref<40x128xf32, #tpu.memory_space<vmem>>, vector<16xf32>,
        %mul3A_625 = arith.constant 4 : i32
        %mul3A_626 = arith.muli %scan3A_436, %mul3A_625 : i32
        %add3A_627 = arith.constant 3 : i32
        %add3A_628 = arith.addi %mul3A_626, %add3A_627 : i32
        %add3A_629 = arith.constant 120 : i32
        %add3A_630 = arith.addi %add3A_629, %add3A_628 : i32
        %broadcast_in_dim3A_631 = vector.broadcast %add3A_630 : i32 to vector<16xi32>
        %gather3A_632 = tpu.vector_load_idx %arg13[%broadcast_in_dim3A_631] : memref<208xf32, #tpu.memory_space<vmem>>[vector<16xi32>], vector<16xf32>,
        %get3A_633 = arith.index_cast %add3A_628 : i32 to index
        %get3A_634 = arith.constant 0 : index
        %get3A_635 = tpu.vector_load %arg17[%get3A_633, %get3A_634] {strides = array<i32>} : memref<40x128xf32, #tpu.memory_space<vmem>>, vector<16xf32>,
        %mul3A_636 = arith.mulf %get3A_635, %gather3A_632 : vector<16xf32>
        %swap3A_637 = arith.index_cast %add3A_628 : i32 to index
        %swap3A_638 = arith.constant 0 : index
        %swap3A_639 = tpu.vector_load %arg17[%swap3A_637, %swap3A_638] {strides = array<i32>} : memref<40x128xf32, #tpu.memory_space<vmem>>, vector<16xf32>,
        tpu.vector_store %arg17[%swap3A_637, %swap3A_638], %mul3A_636 {strides = array<i32>} : memref<40x128xf32, #tpu.memory_space<vmem>>, vector<16xf32>,
        %get3A_640 = arith.index_cast %add3A_628 : i32 to index
        %get3A_641 = arith.constant 16 : index
        %get3A_642 = tpu.vector_load %arg17[%get3A_640, %get3A_641] {strides = array<i32>} : memref<40x128xf32, #tpu.memory_space<vmem>>, vector<16xf32>,
        %mul3A_643 = arith.mulf %get3A_642, %gather3A_632 : vector<16xf32>
        %swap3A_644 = arith.index_cast %add3A_628 : i32 to index
        %swap3A_645 = arith.constant 16 : index
        %swap3A_646 = tpu.vector_load %arg17[%swap3A_644, %swap3A_645] {strides = array<i32>} : memref<40x128xf32, #tpu.memory_space<vmem>>, vector<16xf32>,
        tpu.vector_store %arg17[%swap3A_644, %swap3A_645], %mul3A_643 {strides = array<i32>} : memref<40x128xf32, #tpu.memory_space<vmem>>, vector<16xf32>,
        %get3A_647 = arith.index_cast %add3A_628 : i32 to index
        %get3A_648 = arith.constant 32 : index
        %get3A_649 = tpu.vector_load %arg17[%get3A_647, %get3A_648] {strides = array<i32>} : memref<40x128xf32, #tpu.memory_space<vmem>>, vector<16xf32>,
        %mul3A_650 = arith.mulf %get3A_649, %gather3A_632 : vector<16xf32>
        %swap3A_651 = arith.index_cast %add3A_628 : i32 to index
        %swap3A_652 = arith.constant 32 : index
        %swap3A_653 = tpu.vector_load %arg17[%swap3A_651, %swap3A_652] {strides = array<i32>} : memref<40x128xf32, #tpu.memory_space<vmem>>, vector<16xf32>,
        tpu.vector_store %arg17[%swap3A_651, %swap3A_652], %mul3A_650 {strides = array<i32>} : memref<40x128xf32, #tpu.memory_space<vmem>>, vector<16xf32>,
        %get3A_654 = arith.index_cast %add3A_628 : i32 to index
        %get3A_655 = arith.constant 48 : index
        %get3A_656 = tpu.vector_load %arg17[%get3A_654, %get3A_655] {strides = array<i32>} : memref<40x128xf32, #tpu.memory_space<vmem>>, vector<16xf32>,
        %mul3A_657 = arith.mulf %get3A_656, %gather3A_632 : vector<16xf32>
        %swap3A_658 = arith.index_cast %add3A_628 : i32 to index
        %swap3A_659 = arith.constant 48 : index
        %swap3A_660 = tpu.vector_load %arg17[%swap3A_658, %swap3A_659] {strides = array<i32>} : memref<40x128xf32, #tpu.memory_space<vmem>>, vector<16xf32>,
        tpu.vector_store %arg17[%swap3A_658, %swap3A_659], %mul3A_657 {strides = array<i32>} : memref<40x128xf32, #tpu.memory_space<vmem>>, vector<16xf32>,
        %get3A_661 = arith.index_cast %add3A_628 : i32 to index
        %get3A_662 = arith.constant 64 : index
        %get3A_663 = tpu.vector_load %arg17[%get3A_661, %get3A_662] {strides = array<i32>} : memref<40x128xf32, #tpu.memory_space<vmem>>, vector<16xf32>,
        %mul3A_664 = arith.mulf %get3A_663, %gather3A_632 : vector<16xf32>
        %swap3A_665 = arith.index_cast %add3A_628 : i32 to index
        %swap3A_666 = arith.constant 64 : index
        %swap3A_667 = tpu.vector_load %arg17[%swap3A_665, %swap3A_666] {strides = array<i32>} : memref<40x128xf32, #tpu.memory_space<vmem>>, vector<16xf32>,
        tpu.vector_store %arg17[%swap3A_665, %swap3A_666], %mul3A_664 {strides = array<i32>} : memref<40x128xf32, #tpu.memory_space<vmem>>, vector<16xf32>,
        %get3A_668 = arith.index_cast %add3A_628 : i32 to index
        %get3A_669 = arith.constant 80 : index
        %get3A_670 = tpu.vector_load %arg17[%get3A_668, %get3A_669] {strides = array<i32>} : memref<40x128xf32, #tpu.memory_space<vmem>>, vector<16xf32>,
        %mul3A_671 = arith.mulf %get3A_670, %gather3A_632 : vector<16xf32>
        %swap3A_672 = arith.index_cast %add3A_628 : i32 to index
        %swap3A_673 = arith.constant 80 : index
        %swap3A_674 = tpu.vector_load %arg17[%swap3A_672, %swap3A_673] {strides = array<i32>} : memref<40x128xf32, #tpu.memory_space<vmem>>, vector<16xf32>,
        tpu.vector_store %arg17[%swap3A_672, %swap3A_673], %mul3A_671 {strides = array<i32>} : memref<40x128xf32, #tpu.memory_space<vmem>>, vector<16xf32>,
        %get3A_675 = arith.index_cast %add3A_628 : i32 to index
        %get3A_676 = arith.constant 96 : index
        %get3A_677 = tpu.vector_load %arg17[%get3A_675, %get3A_676] {strides = array<i32>} : memref<40x128xf32, #tpu.memory_space<vmem>>, vector<16xf32>,
        %mul3A_678 = arith.mulf %get3A_677, %gather3A_632 : vector<16xf32>
        %swap3A_679 = arith.index_cast %add3A_628 : i32 to index
        %swap3A_680 = arith.constant 96 : index
        %swap3A_681 = tpu.vector_load %arg17[%swap3A_679, %swap3A_680] {strides = array<i32>} : memref<40x128xf32, #tpu.memory_space<vmem>>, vector<16xf32>,
        tpu.vector_store %arg17[%swap3A_679, %swap3A_680], %mul3A_678 {strides = array<i32>} : memref<40x128xf32, #tpu.memory_space<vmem>>, vector<16xf32>,
        %get3A_682 = arith.index_cast %add3A_628 : i32 to index
        %get3A_683 = arith.constant 112 : index
        %get3A_684 = tpu.vector_load %arg17[%get3A_682, %get3A_683] {strides = array<i32>} : memref<40x128xf32, #tpu.memory_space<vmem>>, vector<16xf32>,
        %mul3A_685 = arith.mulf %get3A_684, %gather3A_632 : vector<16xf32>
        %swap3A_686 = arith.index_cast %add3A_628 : i32 to index
        %swap3A_687 = arith.constant 112 : index
        %swap3A_688 = tpu.vector_load %arg17[%swap3A_686, %swap3A_687] {strides = array<i32>} : memref<40x128xf32, #tpu.memory_space<vmem>>, vector<16xf32>,
        tpu.vector_store %arg17[%swap3A_686, %swap3A_687], %mul3A_685 {strides = array<i32>} : memref<40x128xf32, #tpu.memory_space<vmem>>, vector<16xf32>,
      }
      %scan3A_406 = arith.constant 10 : i32
      %dma_start3A_407 = arith.constant 3 : i32
      %dma_start3A_408 = arith.constant 120 : i32
      %dma_start3A_409 = tpu.memref_slice %arg11[%dma_start3A_408] : memref<200xi32, #tpu.memory_space<vmem>> -> memref<40xi32, #tpu.memory_space<vmem>>
      %dma_start3A_410 = arith.constant 0 : i32
      %dma_start3A_411 = arith.constant 0 : i32
      %dma_start3A_412 = tpu.memref_slice %arg7[%dma_start3A_410, %dma_start3A_411] : memref<10000x128xf32, #tpu.memory_space<vmem_shared>> -> memref<10000x128xf32, #tpu.memory_space<vmem_shared>>
      %dma_start3A_413 = tpu.memref_slice %arg20[%dma_start3A_407] : memref<5x!tpu.dma_semaphore, #tpu.memory_space<semaphore_mem>> -> memref<1x!tpu.dma_semaphore, #tpu.memory_space<semaphore_mem>>
      %dma_start3A_414 = tpu.memref_squeeze %dma_start3A_413 : memref<1x!tpu.dma_semaphore, #tpu.memory_space<semaphore_mem>> -> memref<!tpu.dma_semaphore, #tpu.memory_space<semaphore_mem>>
      tpu.enqueue_indirect_dma source(%arg17 : memref<40x128xf32, #tpu.memory_space<vmem>>) target(%dma_start3A_412 : memref<10000x128xf32, #tpu.memory_space<vmem_shared>>) offsets(%dma_start3A_409 : memref<40xi32, #tpu.memory_space<vmem>>) semaphore(%dma_start3A_414 : memref<!tpu.dma_semaphore, #tpu.memory_space<semaphore_mem>>) {add = true}
      %dma_wait3A_415 = arith.constant 4 : i32
      %dma_wait3A_416 = arith.constant 160 : i32
      %dma_wait3A_417 = tpu.memref_slice %arg9[%dma_wait3A_416] : memref<200xi32, #tpu.memory_space<vmem>> -> memref<40xi32, #tpu.memory_space<vmem>>
      %dma_wait3A_418 = arith.constant 0 : i32
      %dma_wait3A_419 = arith.constant 0 : i32
      %dma_wait3A_420 = tpu.memref_slice %arg2[%dma_wait3A_418, %dma_wait3A_419] : memref<10000x128xf32, #tpu.memory_space<hbm>> -> memref<10000x128xf32, #tpu.memory_space<hbm>>
      %dma_wait3A_421 = tpu.memref_slice %arg19[%dma_wait3A_415] : memref<5x!tpu.dma_semaphore, #tpu.memory_space<semaphore_mem>> -> memref<1x!tpu.dma_semaphore, #tpu.memory_space<semaphore_mem>>
      %dma_wait3A_422 = tpu.memref_squeeze %dma_wait3A_421 : memref<1x!tpu.dma_semaphore, #tpu.memory_space<semaphore_mem>> -> memref<!tpu.dma_semaphore, #tpu.memory_space<semaphore_mem>>
      tpu.wait_indirect_dma semaphore(%dma_wait3A_422 : memref<!tpu.dma_semaphore, #tpu.memory_space<semaphore_mem>>) src(%dma_wait3A_420 : memref<10000x128xf32, #tpu.memory_space<hbm>>) dst(%arg18 : memref<40x128xf32, #tpu.memory_space<vmem>>)
      %scan3A_423 = arith.constant 0 : i32
      %scan3A_424 = arith.constant 10 : i32
      %scan3A_425 = arith.addi %scan3A_423, %scan3A_424 : i32
      %scan3A_426 = arith.constant 1 : i32
      scf.for %scan3A_436 = %scan3A_423 to %scan3A_425 step %scan3A_426  : i32 {
        %mul3A_437 = arith.constant 4 : i32
        %mul3A_438 = arith.muli %scan3A_436, %mul3A_437 : i32
        %add3A_439 = arith.constant 0 : i32
        %add3A_440 = arith.addi %mul3A_438, %add3A_439 : i32
        %add3A_441 = arith.constant 160 : i32
        %add3A_442 = arith.addi %add3A_441, %add3A_440 : i32
        %broadcast_in_dim3A = vector.broadcast %add3A_442 : i32 to vector<16xi32>
        %gather3A = tpu.vector_load_idx %arg13[%broadcast_in_dim3A] : memref<208xf32, #tpu.memory_space<vmem>>[vector<16xi32>], vector<16xf32>,
        %get3A = arith.index_cast %add3A_440 : i32 to index
        %get3A_443 = arith.constant 0 : index
        %get3A_444 = tpu.vector_load %arg18[%get3A, %get3A_443] {strides = array<i32>} : memref<40x128xf32, #tpu.memory_space<vmem>>, vector<16xf32>,
        %mul3A_445 = arith.mulf %get3A_444, %gather3A : vector<16xf32>
        %swap3A = arith.index_cast %add3A_440 : i32 to index
        %swap3A_446 = arith.constant 0 : index
        %swap3A_447 = tpu.vector_load %arg18[%swap3A, %swap3A_446] {strides = array<i32>} : memref<40x128xf32, #tpu.memory_space<vmem>>, vector<16xf32>,
        tpu.vector_store %arg18[%swap3A, %swap3A_446], %mul3A_445 {strides = array<i32>} : memref<40x128xf32, #tpu.memory_space<vmem>>, vector<16xf32>,
        %get3A_448 = arith.index_cast %add3A_440 : i32 to index
        %get3A_449 = arith.constant 16 : index
        %get3A_450 = tpu.vector_load %arg18[%get3A_448, %get3A_449] {strides = array<i32>} : memref<40x128xf32, #tpu.memory_space<vmem>>, vector<16xf32>,
        %mul3A_451 = arith.mulf %get3A_450, %gather3A : vector<16xf32>
        %swap3A_452 = arith.index_cast %add3A_440 : i32 to index
        %swap3A_453 = arith.constant 16 : index
        %swap3A_454 = tpu.vector_load %arg18[%swap3A_452, %swap3A_453] {strides = array<i32>} : memref<40x128xf32, #tpu.memory_space<vmem>>, vector<16xf32>,
        tpu.vector_store %arg18[%swap3A_452, %swap3A_453], %mul3A_451 {strides = array<i32>} : memref<40x128xf32, #tpu.memory_space<vmem>>, vector<16xf32>,
        %get3A_455 = arith.index_cast %add3A_440 : i32 to index
        %get3A_456 = arith.constant 32 : index
        %get3A_457 = tpu.vector_load %arg18[%get3A_455, %get3A_456] {strides = array<i32>} : memref<40x128xf32, #tpu.memory_space<vmem>>, vector<16xf32>,
        %mul3A_458 = arith.mulf %get3A_457, %gather3A : vector<16xf32>
        %swap3A_459 = arith.index_cast %add3A_440 : i32 to index
        %swap3A_460 = arith.constant 32 : index
        %swap3A_461 = tpu.vector_load %arg18[%swap3A_459, %swap3A_460] {strides = array<i32>} : memref<40x128xf32, #tpu.memory_space<vmem>>, vector<16xf32>,
        tpu.vector_store %arg18[%swap3A_459, %swap3A_460], %mul3A_458 {strides = array<i32>} : memref<40x128xf32, #tpu.memory_space<vmem>>, vector<16xf32>,
        %get3A_462 = arith.index_cast %add3A_440 : i32 to index
        %get3A_463 = arith.constant 48 : index
        %get3A_464 = tpu.vector_load %arg18[%get3A_462, %get3A_463] {strides = array<i32>} : memref<40x128xf32, #tpu.memory_space<vmem>>, vector<16xf32>,
        %mul3A_465 = arith.mulf %get3A_464, %gather3A : vector<16xf32>
        %swap3A_466 = arith.index_cast %add3A_440 : i32 to index
        %swap3A_467 = arith.constant 48 : index
        %swap3A_468 = tpu.vector_load %arg18[%swap3A_466, %swap3A_467] {strides = array<i32>} : memref<40x128xf32, #tpu.memory_space<vmem>>, vector<16xf32>,
        tpu.vector_store %arg18[%swap3A_466, %swap3A_467], %mul3A_465 {strides = array<i32>} : memref<40x128xf32, #tpu.memory_space<vmem>>, vector<16xf32>,
        %get3A_469 = arith.index_cast %add3A_440 : i32 to index
        %get3A_470 = arith.constant 64 : index
        %get3A_471 = tpu.vector_load %arg18[%get3A_469, %get3A_470] {strides = array<i32>} : memref<40x128xf32, #tpu.memory_space<vmem>>, vector<16xf32>,
        %mul3A_472 = arith.mulf %get3A_471, %gather3A : vector<16xf32>
        %swap3A_473 = arith.index_cast %add3A_440 : i32 to index
        %swap3A_474 = arith.constant 64 : index
        %swap3A_475 = tpu.vector_load %arg18[%swap3A_473, %swap3A_474] {strides = array<i32>} : memref<40x128xf32, #tpu.memory_space<vmem>>, vector<16xf32>,
        tpu.vector_store %arg18[%swap3A_473, %swap3A_474], %mul3A_472 {strides = array<i32>} : memref<40x128xf32, #tpu.memory_space<vmem>>, vector<16xf32>,
        %get3A_476 = arith.index_cast %add3A_440 : i32 to index
        %get3A_477 = arith.constant 80 : index
        %get3A_478 = tpu.vector_load %arg18[%get3A_476, %get3A_477] {strides = array<i32>} : memref<40x128xf32, #tpu.memory_space<vmem>>, vector<16xf32>,
        %mul3A_479 = arith.mulf %get3A_478, %gather3A : vector<16xf32>
        %swap3A_480 = arith.index_cast %add3A_440 : i32 to index
        %swap3A_481 = arith.constant 80 : index
        %swap3A_482 = tpu.vector_load %arg18[%swap3A_480, %swap3A_481] {strides = array<i32>} : memref<40x128xf32, #tpu.memory_space<vmem>>, vector<16xf32>,
        tpu.vector_store %arg18[%swap3A_480, %swap3A_481], %mul3A_479 {strides = array<i32>} : memref<40x128xf32, #tpu.memory_space<vmem>>, vector<16xf32>,
        %get3A_483 = arith.index_cast %add3A_440 : i32 to index
        %get3A_484 = arith.constant 96 : index
        %get3A_485 = tpu.vector_load %arg18[%get3A_483, %get3A_484] {strides = array<i32>} : memref<40x128xf32, #tpu.memory_space<vmem>>, vector<16xf32>,
        %mul3A_486 = arith.mulf %get3A_485, %gather3A : vector<16xf32>
        %swap3A_487 = arith.index_cast %add3A_440 : i32 to index
        %swap3A_488 = arith.constant 96 : index
        %swap3A_489 = tpu.vector_load %arg18[%swap3A_487, %swap3A_488] {strides = array<i32>} : memref<40x128xf32, #tpu.memory_space<vmem>>, vector<16xf32>,
        tpu.vector_store %arg18[%swap3A_487, %swap3A_488], %mul3A_486 {strides = array<i32>} : memref<40x128xf32, #tpu.memory_space<vmem>>, vector<16xf32>,
        %get3A_490 = arith.index_cast %add3A_440 : i32 to index
        %get3A_491 = arith.constant 112 : index
        %get3A_492 = tpu.vector_load %arg18[%get3A_490, %get3A_491] {strides = array<i32>} : memref<40x128xf32, #tpu.memory_space<vmem>>, vector<16xf32>,
        %mul3A_493 = arith.mulf %get3A_492, %gather3A : vector<16xf32>
        %swap3A_494 = arith.index_cast %add3A_440 : i32 to index
        %swap3A_495 = arith.constant 112 : index
        %swap3A_496 = tpu.vector_load %arg18[%swap3A_494, %swap3A_495] {strides = array<i32>} : memref<40x128xf32, #tpu.memory_space<vmem>>, vector<16xf32>,
        tpu.vector_store %arg18[%swap3A_494, %swap3A_495], %mul3A_493 {strides = array<i32>} : memref<40x128xf32, #tpu.memory_space<vmem>>, vector<16xf32>,
        %mul3A_497 = arith.constant 4 : i32
        %mul3A_498 = arith.muli %scan3A_436, %mul3A_497 : i32
        %add3A_499 = arith.constant 1 : i32
        %add3A_500 = arith.addi %mul3A_498, %add3A_499 : i32
        %add3A_501 = arith.constant 160 : i32
        %add3A_502 = arith.addi %add3A_501, %add3A_500 : i32
        %broadcast_in_dim3A_503 = vector.broadcast %add3A_502 : i32 to vector<16xi32>
        %gather3A_504 = tpu.vector_load_idx %arg13[%broadcast_in_dim3A_503] : memref<208xf32, #tpu.memory_space<vmem>>[vector<16xi32>], vector<16xf32>,
        %get3A_505 = arith.index_cast %add3A_500 : i32 to index
        %get3A_506 = arith.constant 0 : index
        %get3A_507 = tpu.vector_load %arg18[%get3A_505, %get3A_506] {strides = array<i32>} : memref<40x128xf32, #tpu.memory_space<vmem>>, vector<16xf32>,
        %mul3A_508 = arith.mulf %get3A_507, %gather3A_504 : vector<16xf32>
        %swap3A_509 = arith.index_cast %add3A_500 : i32 to index
        %swap3A_510 = arith.constant 0 : index
        %swap3A_511 = tpu.vector_load %arg18[%swap3A_509, %swap3A_510] {strides = array<i32>} : memref<40x128xf32, #tpu.memory_space<vmem>>, vector<16xf32>,
        tpu.vector_store %arg18[%swap3A_509, %swap3A_510], %mul3A_508 {strides = array<i32>} : memref<40x128xf32, #tpu.memory_space<vmem>>, vector<16xf32>,
        %get3A_512 = arith.index_cast %add3A_500 : i32 to index
        %get3A_513 = arith.constant 16 : index
        %get3A_514 = tpu.vector_load %arg18[%get3A_512, %get3A_513] {strides = array<i32>} : memref<40x128xf32, #tpu.memory_space<vmem>>, vector<16xf32>,
        %mul3A_515 = arith.mulf %get3A_514, %gather3A_504 : vector<16xf32>
        %swap3A_516 = arith.index_cast %add3A_500 : i32 to index
        %swap3A_517 = arith.constant 16 : index
        %swap3A_518 = tpu.vector_load %arg18[%swap3A_516, %swap3A_517] {strides = array<i32>} : memref<40x128xf32, #tpu.memory_space<vmem>>, vector<16xf32>,
        tpu.vector_store %arg18[%swap3A_516, %swap3A_517], %mul3A_515 {strides = array<i32>} : memref<40x128xf32, #tpu.memory_space<vmem>>, vector<16xf32>,
        %get3A_519 = arith.index_cast %add3A_500 : i32 to index
        %get3A_520 = arith.constant 32 : index
        %get3A_521 = tpu.vector_load %arg18[%get3A_519, %get3A_520] {strides = array<i32>} : memref<40x128xf32, #tpu.memory_space<vmem>>, vector<16xf32>,
        %mul3A_522 = arith.mulf %get3A_521, %gather3A_504 : vector<16xf32>
        %swap3A_523 = arith.index_cast %add3A_500 : i32 to index
        %swap3A_524 = arith.constant 32 : index
        %swap3A_525 = tpu.vector_load %arg18[%swap3A_523, %swap3A_524] {strides = array<i32>} : memref<40x128xf32, #tpu.memory_space<vmem>>, vector<16xf32>,
        tpu.vector_store %arg18[%swap3A_523, %swap3A_524], %mul3A_522 {strides = array<i32>} : memref<40x128xf32, #tpu.memory_space<vmem>>, vector<16xf32>,
        %get3A_526 = arith.index_cast %add3A_500 : i32 to index
        %get3A_527 = arith.constant 48 : index
        %get3A_528 = tpu.vector_load %arg18[%get3A_526, %get3A_527] {strides = array<i32>} : memref<40x128xf32, #tpu.memory_space<vmem>>, vector<16xf32>,
        %mul3A_529 = arith.mulf %get3A_528, %gather3A_504 : vector<16xf32>
        %swap3A_530 = arith.index_cast %add3A_500 : i32 to index
        %swap3A_531 = arith.constant 48 : index
        %swap3A_532 = tpu.vector_load %arg18[%swap3A_530, %swap3A_531] {strides = array<i32>} : memref<40x128xf32, #tpu.memory_space<vmem>>, vector<16xf32>,
        tpu.vector_store %arg18[%swap3A_530, %swap3A_531], %mul3A_529 {strides = array<i32>} : memref<40x128xf32, #tpu.memory_space<vmem>>, vector<16xf32>,
        %get3A_533 = arith.index_cast %add3A_500 : i32 to index
        %get3A_534 = arith.constant 64 : index
        %get3A_535 = tpu.vector_load %arg18[%get3A_533, %get3A_534] {strides = array<i32>} : memref<40x128xf32, #tpu.memory_space<vmem>>, vector<16xf32>,
        %mul3A_536 = arith.mulf %get3A_535, %gather3A_504 : vector<16xf32>
        %swap3A_537 = arith.index_cast %add3A_500 : i32 to index
        %swap3A_538 = arith.constant 64 : index
        %swap3A_539 = tpu.vector_load %arg18[%swap3A_537, %swap3A_538] {strides = array<i32>} : memref<40x128xf32, #tpu.memory_space<vmem>>, vector<16xf32>,
        tpu.vector_store %arg18[%swap3A_537, %swap3A_538], %mul3A_536 {strides = array<i32>} : memref<40x128xf32, #tpu.memory_space<vmem>>, vector<16xf32>,
        %get3A_540 = arith.index_cast %add3A_500 : i32 to index
        %get3A_541 = arith.constant 80 : index
        %get3A_542 = tpu.vector_load %arg18[%get3A_540, %get3A_541] {strides = array<i32>} : memref<40x128xf32, #tpu.memory_space<vmem>>, vector<16xf32>,
        %mul3A_543 = arith.mulf %get3A_542, %gather3A_504 : vector<16xf32>
        %swap3A_544 = arith.index_cast %add3A_500 : i32 to index
        %swap3A_545 = arith.constant 80 : index
        %swap3A_546 = tpu.vector_load %arg18[%swap3A_544, %swap3A_545] {strides = array<i32>} : memref<40x128xf32, #tpu.memory_space<vmem>>, vector<16xf32>,
        tpu.vector_store %arg18[%swap3A_544, %swap3A_545], %mul3A_543 {strides = array<i32>} : memref<40x128xf32, #tpu.memory_space<vmem>>, vector<16xf32>,
        %get3A_547 = arith.index_cast %add3A_500 : i32 to index
        %get3A_548 = arith.constant 96 : index
        %get3A_549 = tpu.vector_load %arg18[%get3A_547, %get3A_548] {strides = array<i32>} : memref<40x128xf32, #tpu.memory_space<vmem>>, vector<16xf32>,
        %mul3A_550 = arith.mulf %get3A_549, %gather3A_504 : vector<16xf32>
        %swap3A_551 = arith.index_cast %add3A_500 : i32 to index
        %swap3A_552 = arith.constant 96 : index
        %swap3A_553 = tpu.vector_load %arg18[%swap3A_551, %swap3A_552] {strides = array<i32>} : memref<40x128xf32, #tpu.memory_space<vmem>>, vector<16xf32>,
        tpu.vector_store %arg18[%swap3A_551, %swap3A_552], %mul3A_550 {strides = array<i32>} : memref<40x128xf32, #tpu.memory_space<vmem>>, vector<16xf32>,
        %get3A_554 = arith.index_cast %add3A_500 : i32 to index
        %get3A_555 = arith.constant 112 : index
        %get3A_556 = tpu.vector_load %arg18[%get3A_554, %get3A_555] {strides = array<i32>} : memref<40x128xf32, #tpu.memory_space<vmem>>, vector<16xf32>,
        %mul3A_557 = arith.mulf %get3A_556, %gather3A_504 : vector<16xf32>
        %swap3A_558 = arith.index_cast %add3A_500 : i32 to index
        %swap3A_559 = arith.constant 112 : index
        %swap3A_560 = tpu.vector_load %arg18[%swap3A_558, %swap3A_559] {strides = array<i32>} : memref<40x128xf32, #tpu.memory_space<vmem>>, vector<16xf32>,
        tpu.vector_store %arg18[%swap3A_558, %swap3A_559], %mul3A_557 {strides = array<i32>} : memref<40x128xf32, #tpu.memory_space<vmem>>, vector<16xf32>,
        %mul3A_561 = arith.constant 4 : i32
        %mul3A_562 = arith.muli %scan3A_436, %mul3A_561 : i32
        %add3A_563 = arith.constant 2 : i32
        %add3A_564 = arith.addi %mul3A_562, %add3A_563 : i32
        %add3A_565 = arith.constant 160 : i32
        %add3A_566 = arith.addi %add3A_565, %add3A_564 : i32
        %broadcast_in_dim3A_567 = vector.broadcast %add3A_566 : i32 to vector<16xi32>
        %gather3A_568 = tpu.vector_load_idx %arg13[%broadcast_in_dim3A_567] : memref<208xf32, #tpu.memory_space<vmem>>[vector<16xi32>], vector<16xf32>,
        %get3A_569 = arith.index_cast %add3A_564 : i32 to index
        %get3A_570 = arith.constant 0 : index
        %get3A_571 = tpu.vector_load %arg18[%get3A_569, %get3A_570] {strides = array<i32>} : memref<40x128xf32, #tpu.memory_space<vmem>>, vector<16xf32>,
        %mul3A_572 = arith.mulf %get3A_571, %gather3A_568 : vector<16xf32>
        %swap3A_573 = arith.index_cast %add3A_564 : i32 to index
        %swap3A_574 = arith.constant 0 : index
        %swap3A_575 = tpu.vector_load %arg18[%swap3A_573, %swap3A_574] {strides = array<i32>} : memref<40x128xf32, #tpu.memory_space<vmem>>, vector<16xf32>,
        tpu.vector_store %arg18[%swap3A_573, %swap3A_574], %mul3A_572 {strides = array<i32>} : memref<40x128xf32, #tpu.memory_space<vmem>>, vector<16xf32>,
        %get3A_576 = arith.index_cast %add3A_564 : i32 to index
        %get3A_577 = arith.constant 16 : index
        %get3A_578 = tpu.vector_load %arg18[%get3A_576, %get3A_577] {strides = array<i32>} : memref<40x128xf32, #tpu.memory_space<vmem>>, vector<16xf32>,
        %mul3A_579 = arith.mulf %get3A_578, %gather3A_568 : vector<16xf32>
        %swap3A_580 = arith.index_cast %add3A_564 : i32 to index
        %swap3A_581 = arith.constant 16 : index
        %swap3A_582 = tpu.vector_load %arg18[%swap3A_580, %swap3A_581] {strides = array<i32>} : memref<40x128xf32, #tpu.memory_space<vmem>>, vector<16xf32>,
        tpu.vector_store %arg18[%swap3A_580, %swap3A_581], %mul3A_579 {strides = array<i32>} : memref<40x128xf32, #tpu.memory_space<vmem>>, vector<16xf32>,
        %get3A_583 = arith.index_cast %add3A_564 : i32 to index
        %get3A_584 = arith.constant 32 : index
        %get3A_585 = tpu.vector_load %arg18[%get3A_583, %get3A_584] {strides = array<i32>} : memref<40x128xf32, #tpu.memory_space<vmem>>, vector<16xf32>,
        %mul3A_586 = arith.mulf %get3A_585, %gather3A_568 : vector<16xf32>
        %swap3A_587 = arith.index_cast %add3A_564 : i32 to index
        %swap3A_588 = arith.constant 32 : index
        %swap3A_589 = tpu.vector_load %arg18[%swap3A_587, %swap3A_588] {strides = array<i32>} : memref<40x128xf32, #tpu.memory_space<vmem>>, vector<16xf32>,
        tpu.vector_store %arg18[%swap3A_587, %swap3A_588], %mul3A_586 {strides = array<i32>} : memref<40x128xf32, #tpu.memory_space<vmem>>, vector<16xf32>,
        %get3A_590 = arith.index_cast %add3A_564 : i32 to index
        %get3A_591 = arith.constant 48 : index
        %get3A_592 = tpu.vector_load %arg18[%get3A_590, %get3A_591] {strides = array<i32>} : memref<40x128xf32, #tpu.memory_space<vmem>>, vector<16xf32>,
        %mul3A_593 = arith.mulf %get3A_592, %gather3A_568 : vector<16xf32>
        %swap3A_594 = arith.index_cast %add3A_564 : i32 to index
        %swap3A_595 = arith.constant 48 : index
        %swap3A_596 = tpu.vector_load %arg18[%swap3A_594, %swap3A_595] {strides = array<i32>} : memref<40x128xf32, #tpu.memory_space<vmem>>, vector<16xf32>,
        tpu.vector_store %arg18[%swap3A_594, %swap3A_595], %mul3A_593 {strides = array<i32>} : memref<40x128xf32, #tpu.memory_space<vmem>>, vector<16xf32>,
        %get3A_597 = arith.index_cast %add3A_564 : i32 to index
        %get3A_598 = arith.constant 64 : index
        %get3A_599 = tpu.vector_load %arg18[%get3A_597, %get3A_598] {strides = array<i32>} : memref<40x128xf32, #tpu.memory_space<vmem>>, vector<16xf32>,
        %mul3A_600 = arith.mulf %get3A_599, %gather3A_568 : vector<16xf32>
        %swap3A_601 = arith.index_cast %add3A_564 : i32 to index
        %swap3A_602 = arith.constant 64 : index
        %swap3A_603 = tpu.vector_load %arg18[%swap3A_601, %swap3A_602] {strides = array<i32>} : memref<40x128xf32, #tpu.memory_space<vmem>>, vector<16xf32>,
        tpu.vector_store %arg18[%swap3A_601, %swap3A_602], %mul3A_600 {strides = array<i32>} : memref<40x128xf32, #tpu.memory_space<vmem>>, vector<16xf32>,
        %get3A_604 = arith.index_cast %add3A_564 : i32 to index
        %get3A_605 = arith.constant 80 : index
        %get3A_606 = tpu.vector_load %arg18[%get3A_604, %get3A_605] {strides = array<i32>} : memref<40x128xf32, #tpu.memory_space<vmem>>, vector<16xf32>,
        %mul3A_607 = arith.mulf %get3A_606, %gather3A_568 : vector<16xf32>
        %swap3A_608 = arith.index_cast %add3A_564 : i32 to index
        %swap3A_609 = arith.constant 80 : index
        %swap3A_610 = tpu.vector_load %arg18[%swap3A_608, %swap3A_609] {strides = array<i32>} : memref<40x128xf32, #tpu.memory_space<vmem>>, vector<16xf32>,
        tpu.vector_store %arg18[%swap3A_608, %swap3A_609], %mul3A_607 {strides = array<i32>} : memref<40x128xf32, #tpu.memory_space<vmem>>, vector<16xf32>,
        %get3A_611 = arith.index_cast %add3A_564 : i32 to index
        %get3A_612 = arith.constant 96 : index
        %get3A_613 = tpu.vector_load %arg18[%get3A_611, %get3A_612] {strides = array<i32>} : memref<40x128xf32, #tpu.memory_space<vmem>>, vector<16xf32>,
        %mul3A_614 = arith.mulf %get3A_613, %gather3A_568 : vector<16xf32>
        %swap3A_615 = arith.index_cast %add3A_564 : i32 to index
        %swap3A_616 = arith.constant 96 : index
        %swap3A_617 = tpu.vector_load %arg18[%swap3A_615, %swap3A_616] {strides = array<i32>} : memref<40x128xf32, #tpu.memory_space<vmem>>, vector<16xf32>,
        tpu.vector_store %arg18[%swap3A_615, %swap3A_616], %mul3A_614 {strides = array<i32>} : memref<40x128xf32, #tpu.memory_space<vmem>>, vector<16xf32>,
        %get3A_618 = arith.index_cast %add3A_564 : i32 to index
        %get3A_619 = arith.constant 112 : index
        %get3A_620 = tpu.vector_load %arg18[%get3A_618, %get3A_619] {strides = array<i32>} : memref<40x128xf32, #tpu.memory_space<vmem>>, vector<16xf32>,
        %mul3A_621 = arith.mulf %get3A_620, %gather3A_568 : vector<16xf32>
        %swap3A_622 = arith.index_cast %add3A_564 : i32 to index
        %swap3A_623 = arith.constant 112 : index
        %swap3A_624 = tpu.vector_load %arg18[%swap3A_622, %swap3A_623] {strides = array<i32>} : memref<40x128xf32, #tpu.memory_space<vmem>>, vector<16xf32>,
        tpu.vector_store %arg18[%swap3A_622, %swap3A_623], %mul3A_621 {strides = array<i32>} : memref<40x128xf32, #tpu.memory_space<vmem>>, vector<16xf32>,
        %mul3A_625 = arith.constant 4 : i32
        %mul3A_626 = arith.muli %scan3A_436, %mul3A_625 : i32
        %add3A_627 = arith.constant 3 : i32
        %add3A_628 = arith.addi %mul3A_626, %add3A_627 : i32
        %add3A_629 = arith.constant 160 : i32
        %add3A_630 = arith.addi %add3A_629, %add3A_628 : i32
        %broadcast_in_dim3A_631 = vector.broadcast %add3A_630 : i32 to vector<16xi32>
        %gather3A_632 = tpu.vector_load_idx %arg13[%broadcast_in_dim3A_631] : memref<208xf32, #tpu.memory_space<vmem>>[vector<16xi32>], vector<16xf32>,
        %get3A_633 = arith.index_cast %add3A_628 : i32 to index
        %get3A_634 = arith.constant 0 : index
        %get3A_635 = tpu.vector_load %arg18[%get3A_633, %get3A_634] {strides = array<i32>} : memref<40x128xf32, #tpu.memory_space<vmem>>, vector<16xf32>,
        %mul3A_636 = arith.mulf %get3A_635, %gather3A_632 : vector<16xf32>
        %swap3A_637 = arith.index_cast %add3A_628 : i32 to index
        %swap3A_638 = arith.constant 0 : index
        %swap3A_639 = tpu.vector_load %arg18[%swap3A_637, %swap3A_638] {strides = array<i32>} : memref<40x128xf32, #tpu.memory_space<vmem>>, vector<16xf32>,
        tpu.vector_store %arg18[%swap3A_637, %swap3A_638], %mul3A_636 {strides = array<i32>} : memref<40x128xf32, #tpu.memory_space<vmem>>, vector<16xf32>,
        %get3A_640 = arith.index_cast %add3A_628 : i32 to index
        %get3A_641 = arith.constant 16 : index
        %get3A_642 = tpu.vector_load %arg18[%get3A_640, %get3A_641] {strides = array<i32>} : memref<40x128xf32, #tpu.memory_space<vmem>>, vector<16xf32>,
        %mul3A_643 = arith.mulf %get3A_642, %gather3A_632 : vector<16xf32>
        %swap3A_644 = arith.index_cast %add3A_628 : i32 to index
        %swap3A_645 = arith.constant 16 : index
        %swap3A_646 = tpu.vector_load %arg18[%swap3A_644, %swap3A_645] {strides = array<i32>} : memref<40x128xf32, #tpu.memory_space<vmem>>, vector<16xf32>,
        tpu.vector_store %arg18[%swap3A_644, %swap3A_645], %mul3A_643 {strides = array<i32>} : memref<40x128xf32, #tpu.memory_space<vmem>>, vector<16xf32>,
        %get3A_647 = arith.index_cast %add3A_628 : i32 to index
        %get3A_648 = arith.constant 32 : index
        %get3A_649 = tpu.vector_load %arg18[%get3A_647, %get3A_648] {strides = array<i32>} : memref<40x128xf32, #tpu.memory_space<vmem>>, vector<16xf32>,
        %mul3A_650 = arith.mulf %get3A_649, %gather3A_632 : vector<16xf32>
        %swap3A_651 = arith.index_cast %add3A_628 : i32 to index
        %swap3A_652 = arith.constant 32 : index
        %swap3A_653 = tpu.vector_load %arg18[%swap3A_651, %swap3A_652] {strides = array<i32>} : memref<40x128xf32, #tpu.memory_space<vmem>>, vector<16xf32>,
        tpu.vector_store %arg18[%swap3A_651, %swap3A_652], %mul3A_650 {strides = array<i32>} : memref<40x128xf32, #tpu.memory_space<vmem>>, vector<16xf32>,
        %get3A_654 = arith.index_cast %add3A_628 : i32 to index
        %get3A_655 = arith.constant 48 : index
        %get3A_656 = tpu.vector_load %arg18[%get3A_654, %get3A_655] {strides = array<i32>} : memref<40x128xf32, #tpu.memory_space<vmem>>, vector<16xf32>,
        %mul3A_657 = arith.mulf %get3A_656, %gather3A_632 : vector<16xf32>
        %swap3A_658 = arith.index_cast %add3A_628 : i32 to index
        %swap3A_659 = arith.constant 48 : index
        %swap3A_660 = tpu.vector_load %arg18[%swap3A_658, %swap3A_659] {strides = array<i32>} : memref<40x128xf32, #tpu.memory_space<vmem>>, vector<16xf32>,
        tpu.vector_store %arg18[%swap3A_658, %swap3A_659], %mul3A_657 {strides = array<i32>} : memref<40x128xf32, #tpu.memory_space<vmem>>, vector<16xf32>,
        %get3A_661 = arith.index_cast %add3A_628 : i32 to index
        %get3A_662 = arith.constant 64 : index
        %get3A_663 = tpu.vector_load %arg18[%get3A_661, %get3A_662] {strides = array<i32>} : memref<40x128xf32, #tpu.memory_space<vmem>>, vector<16xf32>,
        %mul3A_664 = arith.mulf %get3A_663, %gather3A_632 : vector<16xf32>
        %swap3A_665 = arith.index_cast %add3A_628 : i32 to index
        %swap3A_666 = arith.constant 64 : index
        %swap3A_667 = tpu.vector_load %arg18[%swap3A_665, %swap3A_666] {strides = array<i32>} : memref<40x128xf32, #tpu.memory_space<vmem>>, vector<16xf32>,
        tpu.vector_store %arg18[%swap3A_665, %swap3A_666], %mul3A_664 {strides = array<i32>} : memref<40x128xf32, #tpu.memory_space<vmem>>, vector<16xf32>,
        %get3A_668 = arith.index_cast %add3A_628 : i32 to index
        %get3A_669 = arith.constant 80 : index
        %get3A_670 = tpu.vector_load %arg18[%get3A_668, %get3A_669] {strides = array<i32>} : memref<40x128xf32, #tpu.memory_space<vmem>>, vector<16xf32>,
        %mul3A_671 = arith.mulf %get3A_670, %gather3A_632 : vector<16xf32>
        %swap3A_672 = arith.index_cast %add3A_628 : i32 to index
        %swap3A_673 = arith.constant 80 : index
        %swap3A_674 = tpu.vector_load %arg18[%swap3A_672, %swap3A_673] {strides = array<i32>} : memref<40x128xf32, #tpu.memory_space<vmem>>, vector<16xf32>,
        tpu.vector_store %arg18[%swap3A_672, %swap3A_673], %mul3A_671 {strides = array<i32>} : memref<40x128xf32, #tpu.memory_space<vmem>>, vector<16xf32>,
        %get3A_675 = arith.index_cast %add3A_628 : i32 to index
        %get3A_676 = arith.constant 96 : index
        %get3A_677 = tpu.vector_load %arg18[%get3A_675, %get3A_676] {strides = array<i32>} : memref<40x128xf32, #tpu.memory_space<vmem>>, vector<16xf32>,
        %mul3A_678 = arith.mulf %get3A_677, %gather3A_632 : vector<16xf32>
        %swap3A_679 = arith.index_cast %add3A_628 : i32 to index
        %swap3A_680 = arith.constant 96 : index
        %swap3A_681 = tpu.vector_load %arg18[%swap3A_679, %swap3A_680] {strides = array<i32>} : memref<40x128xf32, #tpu.memory_space<vmem>>, vector<16xf32>,
        tpu.vector_store %arg18[%swap3A_679, %swap3A_680], %mul3A_678 {strides = array<i32>} : memref<40x128xf32, #tpu.memory_space<vmem>>, vector<16xf32>,
        %get3A_682 = arith.index_cast %add3A_628 : i32 to index
        %get3A_683 = arith.constant 112 : index
        %get3A_684 = tpu.vector_load %arg18[%get3A_682, %get3A_683] {strides = array<i32>} : memref<40x128xf32, #tpu.memory_space<vmem>>, vector<16xf32>,
        %mul3A_685 = arith.mulf %get3A_684, %gather3A_632 : vector<16xf32>
        %swap3A_686 = arith.index_cast %add3A_628 : i32 to index
        %swap3A_687 = arith.constant 112 : index
        %swap3A_688 = tpu.vector_load %arg18[%swap3A_686, %swap3A_687] {strides = array<i32>} : memref<40x128xf32, #tpu.memory_space<vmem>>, vector<16xf32>,
        tpu.vector_store %arg18[%swap3A_686, %swap3A_687], %mul3A_685 {strides = array<i32>} : memref<40x128xf32, #tpu.memory_space<vmem>>, vector<16xf32>,
      }
      %scan3A_427 = arith.constant 10 : i32
      %dma_start3A_428 = arith.constant 4 : i32
      %dma_start3A_429 = arith.constant 160 : i32
      %dma_start3A_430 = tpu.memref_slice %arg11[%dma_start3A_429] : memref<200xi32, #tpu.memory_space<vmem>> -> memref<40xi32, #tpu.memory_space<vmem>>
      %dma_start3A_431 = arith.constant 0 : i32
      %dma_start3A_432 = arith.constant 0 : i32
      %dma_start3A_433 = tpu.memref_slice %arg7[%dma_start3A_431, %dma_start3A_432] : memref<10000x128xf32, #tpu.memory_space<vmem_shared>> -> memref<10000x128xf32, #tpu.memory_space<vmem_shared>>
      %dma_start3A_434 = tpu.memref_slice %arg20[%dma_start3A_428] : memref<5x!tpu.dma_semaphore, #tpu.memory_space<semaphore_mem>> -> memref<1x!tpu.dma_semaphore, #tpu.memory_space<semaphore_mem>>
      %dma_start3A_435 = tpu.memref_squeeze %dma_start3A_434 : memref<1x!tpu.dma_semaphore, #tpu.memory_space<semaphore_mem>> -> memref<!tpu.dma_semaphore, #tpu.memory_space<semaphore_mem>>
      tpu.enqueue_indirect_dma source(%arg18 : memref<40x128xf32, #tpu.memory_space<vmem>>) target(%dma_start3A_433 : memref<10000x128xf32, #tpu.memory_space<vmem_shared>>) offsets(%dma_start3A_430 : memref<40xi32, #tpu.memory_space<vmem>>) semaphore(%dma_start3A_435 : memref<!tpu.dma_semaphore, #tpu.memory_space<semaphore_mem>>) {add = true}
    }
    %scan3A_26 = arith.constant 25 : i32
    %dma_wait3A = arith.constant 0 : i32
    %dma_wait3A_27 = arith.constant 0 : i32
    %dma_wait3A_28 = tpu.memref_slice %arg11[%dma_wait3A_27] : memref<200xi32, #tpu.memory_space<vmem>> -> memref<40xi32, #tpu.memory_space<vmem>>
    %dma_wait3A_29 = arith.constant 0 : i32
    %dma_wait3A_30 = arith.constant 0 : i32
    %dma_wait3A_31 = tpu.memref_slice %arg7[%dma_wait3A_29, %dma_wait3A_30] : memref<10000x128xf32, #tpu.memory_space<vmem_shared>> -> memref<10000x128xf32, #tpu.memory_space<vmem_shared>>
    %dma_wait3A_32 = tpu.memref_slice %arg20[%dma_wait3A] : memref<5x!tpu.dma_semaphore, #tpu.memory_space<semaphore_mem>> -> memref<1x!tpu.dma_semaphore, #tpu.memory_space<semaphore_mem>>
    %dma_wait3A_33 = tpu.memref_squeeze %dma_wait3A_32 : memref<1x!tpu.dma_semaphore, #tpu.memory_space<semaphore_mem>> -> memref<!tpu.dma_semaphore, #tpu.memory_space<semaphore_mem>>
    tpu.wait_indirect_dma semaphore(%dma_wait3A_33 : memref<!tpu.dma_semaphore, #tpu.memory_space<semaphore_mem>>) src(%arg14 : memref<40x128xf32, #tpu.memory_space<vmem>>) dst(%dma_wait3A_31 : memref<10000x128xf32, #tpu.memory_space<vmem_shared>>)
    %dma_wait3A_34 = arith.constant 1 : i32
    %dma_wait3A_35 = arith.constant 40 : i32
    %dma_wait3A_36 = tpu.memref_slice %arg11[%dma_wait3A_35] : memref<200xi32, #tpu.memory_space<vmem>> -> memref<40xi32, #tpu.memory_space<vmem>>
    %dma_wait3A_37 = arith.constant 0 : i32
    %dma_wait3A_38 = arith.constant 0 : i32
    %dma_wait3A_39 = tpu.memref_slice %arg7[%dma_wait3A_37, %dma_wait3A_38] : memref<10000x128xf32, #tpu.memory_space<vmem_shared>> -> memref<10000x128xf32, #tpu.memory_space<vmem_shared>>
    %dma_wait3A_40 = tpu.memref_slice %arg20[%dma_wait3A_34] : memref<5x!tpu.dma_semaphore, #tpu.memory_space<semaphore_mem>> -> memref<1x!tpu.dma_semaphore, #tpu.memory_space<semaphore_mem>>
    %dma_wait3A_41 = tpu.memref_squeeze %dma_wait3A_40 : memref<1x!tpu.dma_semaphore, #tpu.memory_space<semaphore_mem>> -> memref<!tpu.dma_semaphore, #tpu.memory_space<semaphore_mem>>
    tpu.wait_indirect_dma semaphore(%dma_wait3A_41 : memref<!tpu.dma_semaphore, #tpu.memory_space<semaphore_mem>>) src(%arg15 : memref<40x128xf32, #tpu.memory_space<vmem>>) dst(%dma_wait3A_39 : memref<10000x128xf32, #tpu.memory_space<vmem_shared>>)
    %dma_wait3A_42 = arith.constant 2 : i32
    %dma_wait3A_43 = arith.constant 80 : i32
    %dma_wait3A_44 = tpu.memref_slice %arg11[%dma_wait3A_43] : memref<200xi32, #tpu.memory_space<vmem>> -> memref<40xi32, #tpu.memory_space<vmem>>
    %dma_wait3A_45 = arith.constant 0 : i32
    %dma_wait3A_46 = arith.constant 0 : i32
    %dma_wait3A_47 = tpu.memref_slice %arg7[%dma_wait3A_45, %dma_wait3A_46] : memref<10000x128xf32, #tpu.memory_space<vmem_shared>> -> memref<10000x128xf32, #tpu.memory_space<vmem_shared>>
    %dma_wait3A_48 = tpu.memref_slice %arg20[%dma_wait3A_42] : memref<5x!tpu.dma_semaphore, #tpu.memory_space<semaphore_mem>> -> memref<1x!tpu.dma_semaphore, #tpu.memory_space<semaphore_mem>>
    %dma_wait3A_49 = tpu.memref_squeeze %dma_wait3A_48 : memref<1x!tpu.dma_semaphore, #tpu.memory_space<semaphore_mem>> -> memref<!tpu.dma_semaphore, #tpu.memory_space<semaphore_mem>>
    tpu.wait_indirect_dma semaphore(%dma_wait3A_49 : memref<!tpu.dma_semaphore, #tpu.memory_space<semaphore_mem>>) src(%arg16 : memref<40x128xf32, #tpu.memory_space<vmem>>) dst(%dma_wait3A_47 : memref<10000x128xf32, #tpu.memory_space<vmem_shared>>)
    %dma_wait3A_50 = arith.constant 3 : i32
    %dma_wait3A_51 = arith.constant 120 : i32
    %dma_wait3A_52 = tpu.memref_slice %arg11[%dma_wait3A_51] : memref<200xi32, #tpu.memory_space<vmem>> -> memref<40xi32, #tpu.memory_space<vmem>>
    %dma_wait3A_53 = arith.constant 0 : i32
    %dma_wait3A_54 = arith.constant 0 : i32
    %dma_wait3A_55 = tpu.memref_slice %arg7[%dma_wait3A_53, %dma_wait3A_54] : memref<10000x128xf32, #tpu.memory_space<vmem_shared>> -> memref<10000x128xf32, #tpu.memory_space<vmem_shared>>
    %dma_wait3A_56 = tpu.memref_slice %arg20[%dma_wait3A_50] : memref<5x!tpu.dma_semaphore, #tpu.memory_space<semaphore_mem>> -> memref<1x!tpu.dma_semaphore, #tpu.memory_space<semaphore_mem>>
    %dma_wait3A_57 = tpu.memref_squeeze %dma_wait3A_56 : memref<1x!tpu.dma_semaphore, #tpu.memory_space<semaphore_mem>> -> memref<!tpu.dma_semaphore, #tpu.memory_space<semaphore_mem>>
    tpu.wait_indirect_dma semaphore(%dma_wait3A_57 : memref<!tpu.dma_semaphore, #tpu.memory_space<semaphore_mem>>) src(%arg17 : memref<40x128xf32, #tpu.memory_space<vmem>>) dst(%dma_wait3A_55 : memref<10000x128xf32, #tpu.memory_space<vmem_shared>>)
    %dma_wait3A_58 = arith.constant 4 : i32
    %dma_wait3A_59 = arith.constant 160 : i32
    %dma_wait3A_60 = tpu.memref_slice %arg11[%dma_wait3A_59] : memref<200xi32, #tpu.memory_space<vmem>> -> memref<40xi32, #tpu.memory_space<vmem>>
    %dma_wait3A_61 = arith.constant 0 : i32
    %dma_wait3A_62 = arith.constant 0 : i32
    %dma_wait3A_63 = tpu.memref_slice %arg7[%dma_wait3A_61, %dma_wait3A_62] : memref<10000x128xf32, #tpu.memory_space<vmem_shared>> -> memref<10000x128xf32, #tpu.memory_space<vmem_shared>>
    %dma_wait3A_64 = tpu.memref_slice %arg20[%dma_wait3A_58] : memref<5x!tpu.dma_semaphore, #tpu.memory_space<semaphore_mem>> -> memref<1x!tpu.dma_semaphore, #tpu.memory_space<semaphore_mem>>
    %dma_wait3A_65 = tpu.memref_squeeze %dma_wait3A_64 : memref<1x!tpu.dma_semaphore, #tpu.memory_space<semaphore_mem>> -> memref<!tpu.dma_semaphore, #tpu.memory_space<semaphore_mem>>
    tpu.wait_indirect_dma semaphore(%dma_wait3A_65 : memref<!tpu.dma_semaphore, #tpu.memory_space<semaphore_mem>>) src(%arg18 : memref<40x128xf32, #tpu.memory_space<vmem>>) dst(%dma_wait3A_63 : memref<10000x128xf32, #tpu.memory_space<vmem_shared>>)
    %barrier3A_66 = arith.constant 0 : index
    tpu.barrier barrier_id(%barrier3A_66)
    %lt3A_67 = arith.constant 10 : i32
    %lt3A_68 = arith.cmpi slt, %arg1, %lt3A_67 : i32
    %convert_element_type3A_69 = arith.extui %lt3A_68 : i1 to i32
    %cond3A_70 = arith.constant 0 : i32
    %cond3A_71 = arith.cmpi ne, %convert_element_type3A_69, %cond3A_70 : i32
    scf.if %cond3A_71 {
      %mul3A_72 = arith.constant 1000 : i32
      %mul3A_73 = arith.muli %arg1, %mul3A_72 : i32
      %mul3A_74 = arith.constant 1000 : i32
      %mul3A_75 = arith.muli %arg1, %mul3A_74 : i32
      "tpu.region"() ({
        %run_scoped3A = tpu.sem_alloc : memref<!tpu.dma_semaphore, #tpu.memory_space<semaphore_mem>>
        %dma_start3A_76 = arith.constant 0 : i32
        %dma_start3A_77 = tpu.memref_slice %arg6[%arg0, %mul3A_75, %dma_start3A_76] : memref<2x10000x128xf32, #tpu.memory_space<hbm>> -> memref<1x1000x128xf32, #tpu.memory_space<hbm>>
        %dma_start3A_78 = tpu.memref_squeeze %dma_start3A_77 : memref<1x1000x128xf32, #tpu.memory_space<hbm>> -> memref<1000x128xf32, #tpu.memory_space<hbm>>
        %dma_start3A_79 = arith.constant 0 : i32
        %dma_start3A_80 = tpu.memref_slice %arg7[%mul3A_73, %dma_start3A_79] : memref<10000x128xf32, #tpu.memory_space<vmem_shared>> -> memref<1000x128xf32, #tpu.memory_space<vmem_shared>>
        tpu.enqueue_dma source(%dma_start3A_80 : memref<1000x128xf32, #tpu.memory_space<vmem_shared>>) target(%dma_start3A_78 : memref<1000x128xf32, #tpu.memory_space<hbm>>) target_semaphore(%run_scoped3A : memref<!tpu.dma_semaphore, #tpu.memory_space<semaphore_mem>>)
        %dma_wait3A_81 = arith.constant 0 : i32
        %dma_wait3A_82 = tpu.memref_slice %arg6[%arg0, %mul3A_75, %dma_wait3A_81] : memref<2x10000x128xf32, #tpu.memory_space<hbm>> -> memref<1x1000x128xf32, #tpu.memory_space<hbm>>
        %dma_wait3A_83 = tpu.memref_squeeze %dma_wait3A_82 : memref<1x1000x128xf32, #tpu.memory_space<hbm>> -> memref<1000x128xf32, #tpu.memory_space<hbm>>
        %dma_wait3A_84 = arith.constant 0 : i32
        %dma_wait3A_85 = tpu.memref_slice %arg7[%mul3A_73, %dma_wait3A_84] : memref<10000x128xf32, #tpu.memory_space<vmem_shared>> -> memref<1000x128xf32, #tpu.memory_space<vmem_shared>>
        tpu.wait_dma2 semaphore(%run_scoped3A : memref<!tpu.dma_semaphore, #tpu.memory_space<semaphore_mem>>) src(%dma_wait3A_85 : memref<1000x128xf32, #tpu.memory_space<vmem_shared>>) dst(%dma_wait3A_83 : memref<1000x128xf32, #tpu.memory_space<hbm>>)
        tpu.yield
      }) : () -> ()
    } else {
    }
    return
  }
}

module attributes {stable_mosaic.version = 14 : i64} {
  func.func @_comb_body(%arg0: i32, %arg1: memref<2x1000x128xf32, #tpu.memory_space<vmem>>, %arg2: memref<128xf32, #tpu.memory_space<vmem>>, %arg3: memref<1000x128xf32, #tpu.memory_space<vmem>>) attributes {dimension_semantics = [#tpu.dimension_semantics<arbitrary>], iteration_bounds = array<i64: 10>, scalar_prefetch = 0 : i64, scratch_operands = 0 : i64, tpu.core_type = #tpu.core_type<tc>, window_params = [{transform_indices = @transform_0, window_bounds = array<i64: 2, 1000, 128>}, {pipeline_mode = #tpu.pipeline_mode<synchronous>, transform_indices = @transform_1, window_bounds = array<i64: 128>}, {transform_indices = @transform_2, window_bounds = array<i64: 1000, 128>}]} {
    %get3A = arith.constant 0 : index
    %get3A_0 = arith.constant 0 : index
    %get3A_1 = arith.constant 0 : index
    %get3A_2 = vector.load %arg1[%get3A, %get3A_0, %get3A_1] : memref<2x1000x128xf32, #tpu.memory_space<vmem>>, vector<1x1000x128xf32>
    %get3A_3 = vector.shape_cast %get3A_2 : vector<1x1000x128xf32> to vector<1000x128xf32>
    %get3A_4 = arith.constant 1 : index
    %get3A_5 = arith.constant 0 : index
    %get3A_6 = arith.constant 0 : index
    %get3A_7 = vector.load %arg1[%get3A_4, %get3A_5, %get3A_6] : memref<2x1000x128xf32, #tpu.memory_space<vmem>>, vector<1x1000x128xf32>
    %get3A_8 = vector.shape_cast %get3A_7 : vector<1x1000x128xf32> to vector<1000x128xf32>
    %add3A = arith.addf %get3A_3, %get3A_8 : vector<1000x128xf32>
    %get3A_9 = arith.constant 0 : index
    %get3A_10 = vector.load %arg2[%get3A_9] : memref<128xf32, #tpu.memory_space<vmem>>, vector<128xf32>
    %broadcast_in_dim3A = vector.shape_cast %get3A_10 : vector<128xf32> to vector<1x128xf32>
    %add3A_11 = vector.broadcast %broadcast_in_dim3A : vector<1x128xf32> to vector<1000x128xf32>
    %add3A_12 = arith.addf %add3A, %add3A_11 : vector<1000x128xf32>
    %swap3A = arith.constant 0 : index
    %swap3A_13 = arith.constant 0 : index
    %swap3A_14 = vector.load %arg3[%swap3A, %swap3A_13] : memref<1000x128xf32, #tpu.memory_space<vmem>>, vector<1000x128xf32>
    tpu.vector_store %arg3[%swap3A, %swap3A_13], %add3A_12 {strides = array<i32>} : memref<1000x128xf32, #tpu.memory_space<vmem>>, vector<1000x128xf32>,
    return
  }
  func.func @transform_0(%arg0: i32) -> (i32, i32, i32) {
    %c0_i32 = arith.constant 0 : i32
    %c0_i32_0 = arith.constant 0 : i32
    %c0_i32_1 = arith.constant 0 : i32
    return %c0_i32, %arg0, %c0_i32_0 : i32, i32, i32
  }
  func.func @transform_1(%arg0: i32) -> i32 {
    %c0_i32 = arith.constant 0 : i32
    %c0_i32_0 = arith.constant 0 : i32
    return %c0_i32 : i32
  }
  func.func @transform_2(%arg0: i32) -> (i32, i32) {
    %c0_i32 = arith.constant 0 : i32
    %c0_i32_0 = arith.constant 0 : i32
    return %arg0, %c0_i32 : i32, i32
  }
}

module attributes {stable_mosaic.version = 14 : i64} {
  func.func @_mm_body(%arg0: i32, %arg1: memref<1000x128xf32, #tpu.memory_space<vmem>>, %arg2: memref<128x128xf32, #tpu.memory_space<vmem>>, %arg3: memref<1000x128xf32, #tpu.memory_space<vmem>>) attributes {dimension_semantics = [#tpu.dimension_semantics<arbitrary>], iteration_bounds = array<i64: 10>, scalar_prefetch = 0 : i64, scratch_operands = 0 : i64, tpu.core_type = #tpu.core_type<tc>, window_params = [{transform_indices = @transform_0, window_bounds = array<i64: 1000, 128>}, {pipeline_mode = #tpu.pipeline_mode<synchronous>, transform_indices = @transform_1, window_bounds = array<i64: 128, 128>}, {transform_indices = @transform_2, window_bounds = array<i64: 1000, 128>}]} {
    %get3A = arith.constant 0 : index
    %get3A_0 = arith.constant 0 : index
    %get3A_1 = vector.load %arg1[%get3A, %get3A_0] : memref<1000x128xf32, #tpu.memory_space<vmem>>, vector<1000x128xf32>
    %get3A_2 = arith.constant 0 : index
    %get3A_3 = arith.constant 0 : index
    %get3A_4 = vector.load %arg2[%get3A_2, %get3A_3] : memref<128x128xf32, #tpu.memory_space<vmem>>, vector<128x128xf32>
    %dot_general3A = arith.constant dense<0.000000e+00> : vector<1000x128xf32>
    %dot_general3A_5 = tpu.matmul %get3A_1, %get3A_4, %dot_general3A {dimension_numbers = #tpu.dot_dimension_numbers<[1], [0], [0], [1], [0, 0, 1, 1], [], []>, transpose_lhs_hint = false} : vector<1000x128xf32>, vector<128x128xf32>, vector<1000x128xf32> -> vector<1000x128xf32>
    %swap3A = arith.constant 0 : index
    %swap3A_6 = arith.constant 0 : index
    %swap3A_7 = vector.load %arg3[%swap3A, %swap3A_6] : memref<1000x128xf32, #tpu.memory_space<vmem>>, vector<1000x128xf32>
    tpu.vector_store %arg3[%swap3A, %swap3A_6], %dot_general3A_5 {strides = array<i32>} : memref<1000x128xf32, #tpu.memory_space<vmem>>, vector<1000x128xf32>,
    return
  }
  func.func @transform_0(%arg0: i32) -> (i32, i32) {
    %c0_i32 = arith.constant 0 : i32
    %c0_i32_0 = arith.constant 0 : i32
    return %arg0, %c0_i32 : i32, i32
  }
  func.func @transform_1(%arg0: i32) -> (i32, i32) {
    %c0_i32 = arith.constant 0 : i32
    %c0_i32_0 = arith.constant 0 : i32
    %c0_i32_1 = arith.constant 0 : i32
    return %c0_i32, %c0_i32_0 : i32, i32
  }
  func.func @transform_2(%arg0: i32) -> (i32, i32) {
    %c0_i32 = arith.constant 0 : i32
    %c0_i32_0 = arith.constant 0 : i32
    return %arg0, %c0_i32 : i32, i32
  }
}

</mosaic_0001>

<sc_bundles>
// kernel: kernel.5.cloned.1.call-start
scs
__scs_entry_jumppad:
0x0: {  	(pc) =	sbr.rel $0x88, $3  }
0x1: {  	(tag) =	ssettag $0x0;
	lr =	simm.s32 $0x1  }
0x2: {  	[smem:$0x3F9C] =	sst lr;
	_ =	strace $0xD0000000  }
0x3: {  	_ = 	snop  }
0x4: {  	_ = 	snop  }
0x5: {  	_ = 	snop  }
0x6: {  	_ = 	snop  }
0x7: {  	_ = 	snop  }
__scs_overlays_trampoline_lowered:
0x8: {  	[smem:$0x3FAB] =	sst s0  }
0x9: {  	[smem:$0x3FAC] =	sst s1  }
0xa: {  	[smem:$0x3FAD] =	sst s2  }
0xb: {  	[smem:$0x3FAE] =	sst s3  }
0xc: {  	[smem:$0x3FAF] =	sst s4  }
0xd: {  	[smem:$0x3FB0] =	sst s5  }
0xe: {  	[smem:$0x3FB1] =	sst s6  }
0xf: {  	[smem:$0x3FB2] =	sst s7  }
0x10: {  	[smem:$0x3FB3] =	sst s8  }
0x11: {  	[smem:$0x3FB4] =	sst s9;
	s0 =	simm.s32 @!p0 $0x0  }
0x12: {  	s1 =	sld [smem:$0x3F9A];
	s0 =	simm.s32 @p0 $0x1  }
0x13: {  	[smem:$0x3FB5] =	sst s0;
	s0 =	simm.s32 @!p1 $0x0  }
0x14: {  	s2 =	sld [smem:$0x3F99];
	s0 =	simm.s32 @p1 $0x1  }
0x15: {  	[smem:$0x3FB6] =	sst s0;
	s0 =	simm.s32 @!p2 $0x0  }
0x16: {  	s3 =	sld [smem:$0x3FDB];
	s0 =	simm.s32 @p2 $0x1  }
0x17: {  	s4 =	simm.s32 $0x1BF5;
	[smem:$0x3FB8] =	sst s0  }
0x18: {  	s0 =	sld [smem:$0x3F9B];
	_ =	swait.ge [sflag:s4], $0x0  }
0x19: {  	s7 =	sld [smem:$0x3F9C]  }
0x1a: {  	s8 =	sadd.s32 $0xFFFFE003, lr  }
0x1b: {  	s9 =	sadd.s32 $0xFFFFFEF7, lr;
	s5 =	simm.s32 $0xFFFFFFFF;
	p2 =	slt.u32 s8, $0xFFFFF086  }
0x1c: {  	p1 =	slt.u32 s9, $0xF7A;
	s5 =	simm.s32 @!p2 $0x0  }
0x1d: {  	s5 =	simm.s32 @p1 $0x1;
	p0 =	seq.s32 s7, s2  }
0x1e: {  	s7 =	smul.u32 @!p0 $0xF7A, s2;
	p2 =	seq.s32 @!p0 s5, $0x0  }
0x1f: {  	s9 =	smul.u32 $0xF7A, s1;
	s8 =	simm.s32 @!p0 $0x1BF5;
	p2 =	por !p2, p0  }
0x20: {  	[sflag:s8] =	ssyncset.s32 @!p0 $0xFFFFF086;
	s6 =	sadd.s32 @!p0 s3, s7;
	s7 =	simm.s32 @!p0 $0x108  }
0x21: {  	s3 =	sadd.s32 s3, s9;
	s6 =	sadd.s32 @!p0 $0x88, s6;
	s7 =	simm.s32 @p2 $0x1082  }
0x22: {  	[simem:s7], [sflag:s8] =	dma.local @!p0 [hbm:s6], $0xF7A  }
0x23: {  	s9 =	sor.u32 $0xD0000000, s2;
	s6 =	simm.s32 $0x108;
	_ =	swait.ge @!p0 [sflag:s8], $0x0  }
0x24: {  	s3 =	sadd.s32 $0x88, s3;
	s6 =	simm.s32 @!p1 $0x1082;
	[sflag:s4] =	ssyncset.s32 $0xFFFFF086  }
0x25: {  	[simem:s6], [sflag:s4] =	dma.local [hbm:s3], $0xF7A  }
0x26: {  	[smem:$0x3F9C] =	sst s1;
	(tag) =	ssettag s2;
	_ =	strace s9  }
0x27: {  	s1 =	sld [smem:$0x3FAC]  }
0x28: {  	s2 =	sld [smem:$0x3FAD]  }
0x29: {  	s4 =	sld [smem:$0x3FAF]  }
0x2a: {  	p0 =	seq.s32 s5, $0x0;
	s5 =	sld [smem:$0x3FB0]  }
0x2b: {  	s6 =	sld [smem:$0x3FB1]  }
0x2c: {  	s7 =	sld [smem:$0x3FB2]  }
0x2d: {  	s3 =	simm.s32 $0x108;
	s8 =	sld [smem:$0x3FB3]  }
0x2e: {  	s3 =	simm.s32 @!p0 $0x1082;
	s9 =	sld [smem:$0x3FB4]  }
0x2f: {  	lr =	sadd.s32 s0, s3;
	s0 =	sld [smem:$0x3FAB]  }
0x30: {  	s3 =	sld [smem:$0x3FAE]  }
0x31: {  	[smem:$0x3FB7] =	sst s10  }
0x32: {  	s10 =	sld [smem:$0x3FB5];
	_ =	sdelay $0x3  }
0x33: {  	p0 =	seq.s32 s10, $0x1;
	s10 =	sld [smem:$0x3FB7];
	_ =	sdelay $0x3  }
0x34: {  	[smem:$0x3FB7] =	sst s10  }
0x35: {  	s10 =	sld [smem:$0x3FB6];
	_ =	sdelay $0x3  }
0x36: {  	p1 =	seq.s32 s10, $0x1;
	s10 =	sld [smem:$0x3FB7];
	_ =	sdelay $0x3  }
0x37: {  	[smem:$0x3FB7] =	sst s10  }
0x38: {  	s10 =	sld [smem:$0x3FB8]  }
0x39: {  	_ = 	snop;
	(pc) =	sbr.ind lr, $3  }
0x3a: {  	_ = 	snop  }
0x3b: {  	_ = 	snop  }
0x3c: {  	p2 =	seq.s32 s10, $0x1;
	s10 =	sld [smem:$0x3FB7]  }
0x3d: {  	_ =	shalt  }
0x3e: {  	_ =	shalt  }
0x3f: {  	_ =	shalt  }
0x40: {  	_ =	shalt  }
0x41: {  	_ =	shalt  }
0x42: {  	_ =	shalt  }
0x43: {  	_ =	shalt  }
0x44: {  	_ =	shalt  }
0x45: {  	_ =	shalt  }
0x46: {  	_ =	shalt  }
0x47: {  	_ =	shalt  }
0x48: {  	_ =	shalt  }
0x49: {  	_ =	shalt  }
0x4a: {  	_ =	shalt  }
0x4b: {  	_ =	shalt  }
0x4c: {  	_ =	shalt  }
0x4d: {  	_ =	shalt  }
0x4e: {  	_ =	shalt  }
0x4f: {  	_ =	shalt  }
0x50: {  	_ =	shalt  }
0x51: {  	_ =	shalt  }
0x52: {  	_ =	shalt  }
0x53: {  	_ =	shalt  }
0x54: {  	_ =	shalt  }
0x55: {  	_ =	shalt  }
0x56: {  	_ =	shalt  }
0x57: {  	_ =	shalt  }
0x58: {  	_ =	shalt  }
0x59: {  	_ =	shalt  }
0x5a: {  	_ =	shalt  }
0x5b: {  	_ =	shalt  }
0x5c: {  	_ =	shalt  }
0x5d: {  	_ =	shalt  }
0x5e: {  	_ =	shalt  }
0x5f: {  	_ =	shalt  }
0x60: {  	_ =	shalt  }
0x61: {  	_ =	shalt  }
0x62: {  	_ =	shalt  }
0x63: {  	_ =	shalt  }
0x64: {  	_ =	shalt  }
0x65: {  	_ =	shalt  }
0x66: {  	_ =	shalt  }
0x67: {  	_ =	shalt  }
0x68: {  	_ =	shalt  }
0x69: {  	_ =	shalt  }
0x6a: {  	_ =	shalt  }
0x6b: {  	_ =	shalt  }
0x6c: {  	_ =	shalt  }
0x6d: {  	_ =	shalt  }
0x6e: {  	_ =	shalt  }
0x6f: {  	_ =	shalt  }
0x70: {  	_ =	shalt  }
0x71: {  	_ =	shalt  }
0x72: {  	_ =	shalt  }
0x73: {  	_ =	shalt  }
0x74: {  	_ =	shalt  }
0x75: {  	_ =	shalt  }
0x76: {  	_ =	shalt  }
0x77: {  	_ =	shalt  }
0x78: {  	_ =	shalt  }
0x79: {  	_ =	shalt  }
0x7a: {  	_ =	shalt  }
0x7b: {  	_ =	shalt  }
0x7c: {  	_ =	shalt  }
0x7d: {  	_ =	shalt  }
0x7e: {  	_ =	shalt  }
0x7f: {  	_ =	shalt  }
0x80: {  	_ =	shalt  }
0x81: {  	_ =	shalt  }
0x82: {  	_ =	shalt  }
0x83: {  	_ =	shalt  }
0x84: {  	_ =	shalt  }
0x85: {  	_ =	shalt  }
0x86: {  	_ =	shalt  }
0x87: {  	_ =	shalt  }
.Lfunc_end0:
.L_simem_size_0:
called_computation_lowered:
.L_overlay_start_0:
0x88: {  	s2 =	sld [smem:$0x3FD9]  }
0x89: {  	s3 =	sld [smem:$0x3FFE];
	_ =	sdelay $0x1  }
0x8a: {  	s1 =	srdreg.scid  }
0x8b: {  	s0 =	sand.u32 $0x1, s1  }
0x8c: {  	s17 =	sshll.u32 s0, $0xA;
	s2 =	sadd.s32 s3, s2  }
0x8d: {  	s2 =	sadd.s32 s2, s17  }
0x8e: {  	[smem:$0x3FC3] =	sst s2  }
0x8f: {  	_ = 	snop  }
0x90: {  	s2 =	sld [smem:$0x3FC7]  }
0x91: {  	s18 =	sld [smem:$0x3FD0];
	(tm) =	ssettm $0x1  }
0x92: {  	s4 =	sld [smem:$0x3FFB];
	_ =	sdelay $0x3  }
0x93: {  	_ =	strace s4  }
0x94: {  	s4 =	sld [smem:$0x3FFC];
	_ =	sdelay $0x3  }
0x95: {  	_ =	strace s4  }
0x96: {  	s4 =	sld [smem:$0x3FFD];
	_ =	sdelay $0x3  }
0x97: {  	_ =	strace s4  }
0x98: {  	_ =	strace $0x8FFFFFFF  }
0x99: {  	s19 =	sld [smem:$0x3FDB];
	_ =	sdelay $0x1  }
0x9a: {  	s5 =	simm.s32 $_scs_section_size  }
0x9b: {  	s6 =	simm.s32 $_size__tile_overlayer_lowered;
	s7 =	simm.s32 $_tile_overlayer_lowered  }
0x9c: {  	s22 =	simm.s32 $0x1BFF;
	s21 =	sshll.u32 s7, $0x1;
	s4 =	sadd.s32 s5, s19  }
0x9d: {  	s8 =	simm.s32 $0x0;
	s20 =	sshll.u32 s6, $0x1;
	s6 =	sadd.s32 s21, s4  }
0x9e: {  	[timem:s8], [sflag:s22] =	dma.local [hbm:s6], s20  }
0x9f: {  	_ =	swait.ge [sflag:s22], s20  }
0xa0: {  	s5 =	ssub.s32 $0x0, s20;
	[sflag:s22] =	ssyncset.done $0x0  }
0xa1: {  	[sflag:s22] =	ssyncadd.s32 s5;
	_ =	sdelay $0x1  }
0xa2: {  	s23 =	simm.s32 $0x1B8B  }
0xa3: {  	_ =	swait.ge [sflag:s23], $0x1  }
0xa4: {  	[sflag:s23] =	ssyncset.done $0x0  }
0xa5: {  	s25 =	simm.s32 $0x1B8E;
	s24 =	sld [smem:$0x3FFE];
	[sflag:s23] =	ssyncadd.s32 $0xFFFFFFFF  }
0xa6: {  	s26 =	simm.s32 $execute0_lowered;
	[smem:$0x3FD2] =	sst s25  }
0xa7: {  	s6 =	sshll.u32 s26, $0x1;
	_ =	strace $0x80000046;
	[dreg:$0x1] =	wrdreg $0xFFFFFFFF  }
0xa8: {  	s28 =	simm.s32 $_size_execute0_lowered;
	s4 =	sadd.s32 s4, s6;
	[dreg:$0x0] =	wrdreg $0x0  }
0xa9: {  	s6 =	sshll.u32 s28, $0x1;
	[dreg:$0x2] =	wrdreg s4  }
0xaa: {  	[dreg:$0x3] =	wrdreg s6  }
0xab: {  	[dreg:$0x4] =	wrdreg $0xC0  }
0xac: {  	_ =	task [dreg:s8], $0x5FFFF  }
0xad: {  	[dreg:$0x1] =	wrdreg $0xFFFFFFFF  }
0xae: {  	[dreg:$0x0] =	wrdreg $0x60  }
0xaf: {  	[dreg:$0x2] =	wrdreg s18  }
0xb0: {  	[dreg:$0x3] =	wrdreg s24  }
0xb1: {  	[dreg:$0x4] =	wrdreg s2  }
0xb2: {  	[dreg:$0x5] =	wrdreg $0x0  }
0xb3: {  	[dreg:$0x6] =	wrdreg $0x9  }
0xb4: {  	_ =	task.clear_ibuf [dreg:s8], $0x7FFFF;
	_ =	strace $0x90000046  }
0xb5: {  	s29 =	simm.s32 $0x9;
	_ =	strace $0x80000048  }
0xb6: {  	_ =	swait.ge [sflag:s29], $0x1  }
0xb7: {  	[sflag:s29] =	ssyncadd.s32 $0xFFFFFFFF  }
0xb8: {  	_ =	strace $0x90000048  }
0xb9: {  	_ =	sfence  }
0xba: {  	s30 =	sld [smem:$0x0];
	_ =	sdelay $0x2  }
0xbb: {  	s31 =	sshll.u32 s1, $0xD;
	s1 =	sshrl.u32 s1, $0x2  }
0xbc: {  	s3 =	sand.u32 $0x4000, s31;
	s1 =	sadd.s32 s1, s30  }
0xbd: {  	s0 =	sor.u32 s3, s0;
	s1 =	sshll.u32 s1, $0x11  }
0xbe: {  	s0 =	sor.u32 s1, s0  }
0xbf: {  	s0 =	sadd.s32 $0x8F2B, s0  }
0xc0: {  	[sflag:s0] =	ssyncadd.remote.s32 $0x1  }
0xc1: {  	_ =	sfence.sel $0xFFFF  }
0xc2: {  	[dreg:$0x0] =	wrdreg $0xFFFFFFFF;
	(pc) =	sbr.abs _section_cstart, $3  }
0xc3: {  	[dreg:$0x1] =	wrdreg $0xFFFFFFFF  }
0xc4: {  	_ =	task.clear_ibuf [dreg:s8], $0x2FFFF;
	_ =	strace $0x9FFFFFFF  }
0xc5: {  	(tm) =	ssettm $0x7FFFFFFF  }
tec
execute0_lowered:
.L_overlay_start_1:
0x0: {  	(tag) =	ssettag $0x1  }
0x1: {  	s1 =	rddreg [dreg:$0x0]  }
0x2: {  	s0 =	rddreg [dreg:$0x1]  }
0x3: {  	s30 =	rddreg [dreg:$0x2]  }
0x4: {  	s3 =	rddreg [dreg:$0x3]  }
0x5: {  	s2 =	srdreg.scid;
	s5 =	stileid.u32  }
0x6: {  	s2 =	sand.u32 $0x1, s2;
	s7 =	smul.u32 $0x1F400, s5;
	s8 =	sshll.u32 s5, $0x1  }
0x7: {  	s6 =	simm.s32 $0x0;
	s4 =	smul.u32 $0x138800, s2;
	s19 =	sor.u32 s2, s8  }
0x8: {  	[smem:$0x7FF] =	sst s6;
	s6 =	sadd.s32 $0xA400, s0;
	s8 =	smul.u32 $0x2710, s19  }
0x9: {  	s9 =	smul.u32 $0x7D000, s5;
	_ =	strace $0x80000047;
	s2 =	ssub.s32 $0x2, s2  }
0xa: {  	s20 =	sshrl.u32 s2, $0x1;
	s4 =	sadd.s32 s7, s4;
	s23 =	sadd.s32 $0xC8, s8  }
0xb: {  	s2 =	ssub.s32 s2, s20;
	s24 =	sadd.s32 $0x190, s8;
	[dreg:$0x8] =	wrdreg s23  }
0xc: {  	s21 =	sshrl.u32 s8, $0x3;
	s2 =	smax.u32 s2, $0x1;
	[dreg:$0x9] =	wrdreg s24  }
0xd: {  	s7 =	sadd.s32 $0x600, s0;
	s10 =	sadd.s32 s6, s21;
	[dreg:$0xc] =	wrdreg s2  }
0xe: {  	s4 =	sshrl.u32 s4, $0x3;
	s22 =	sadd.s32 s30, s21;
	[dreg:$0x5] =	wrdreg s10  }
0xf: {  	s0 =	sadd.s32 s4, s0;
	s4 =	sadd.s32 s7, s21;
	[dreg:$0x6] =	wrdreg s22  }
0x10: {  	s25 =	sshrl.u32 s9, $0x2;
	[dreg:$0x7] =	wrdreg s4;
	s0 =	sadd.s32 $0x14200, s0  }
0x11: {  	[dreg:$0xa] =	wrdreg s0;
	s0 =	sadd.s32 s25, s3  }
0x12: {  	s26 =	sadd.s32 $0x1400, s0;
	[dreg:$0xb] =	wrdreg s0  }
0x13: {  	s29 =	sadd.s32 $0x2800, s0;
	[dreg:$0xd] =	wrdreg s26  }
0x14: {  	s4 =	sadd.s32 $0x3C00, s0;
	[dreg:$0xe] =	wrdreg s29  }
0x15: {  	s8 =	sadd.s32 $0x5000, s0;
	[dreg:$0xf] =	wrdreg s4  }
0x16: {  	s9 =	sadd.s32 $0x6400, s0;
	[dreg:$0x10] =	wrdreg s8  }
0x17: {  	s10 =	sadd.s32 $0x7800, s0;
	[dreg:$0x11] =	wrdreg s9  }
0x18: {  	s11 =	sadd.s32 $0x8C00, s0;
	[dreg:$0x12] =	wrdreg s10  }
0x19: {  	s12 =	sadd.s32 $0xA000, s0;
	[dreg:$0x13] =	wrdreg s11  }
0x1a: {  	s13 =	sadd.s32 $0xB400, s0;
	[dreg:$0x14] =	wrdreg s12  }
0x1b: {  	s14 =	sadd.s32 $0xC800, s0;
	[dreg:$0x15] =	wrdreg s13  }
0x1c: {  	s15 =	sadd.s32 $0xDC00, s0;
	[dreg:$0x16] =	wrdreg s14  }
0x1d: {  	s16 =	sadd.s32 $0xF000, s0;
	[dreg:$0x17] =	wrdreg s15  }
0x1e: {  	s17 =	sadd.s32 $0x10400, s0;
	[dreg:$0x18] =	wrdreg s16  }
0x1f: {  	s18 =	sadd.s32 $0x11800, s0;
	[dreg:$0x19] =	wrdreg s17  }
0x20: {  	s19 =	sadd.s32 $0x12C00, s0;
	[dreg:$0x1a] =	wrdreg s18  }
0x21: {  	s20 =	sadd.s32 $0x14000, s0;
	[dreg:$0x1b] =	wrdreg s19  }
0x22: {  	s21 =	sadd.s32 $0x15400, s0;
	[dreg:$0x1c] =	wrdreg s20  }
0x23: {  	s28 =	simm.s32 $0x13C80;
	s22 =	sadd.s32 $0x16800, s0;
	[dreg:$0x1d] =	wrdreg s21  }
0x24: {  	s31 =	simm.s32 $0x13D80;
	s23 =	sadd.s32 $0x17C00, s0;
	[dreg:$0x1e] =	wrdreg s22  }
0x25: {  	p0 =	sgt.u32 s5, $0x9;
	s24 =	sadd.s32 $0x19000, s0;
	[dreg:$0x1f] =	wrdreg s23  }
0x26: {  	s5 =	simm.s32 $0x0;
	s25 =	sadd.s32 $0x1A400, s0;
	[smem:$0x7F9] =	sst s24  }
0x27: {  	[smem:$0x7FA] =	sst s25;
	s26 =	sadd.s32 $0x1B800, s0;
	s29 =	sadd.s32 $0x1CC00, s0  }
0x28: {  	s0 =	sadd.s32 $0x1E000, s0;
	s24 =	simm.s32 $0x13E80;
	s25 =	simm.s32 $0xB  }
0x29: {  	s10 =	simm.s32 $0x13980;
	s16 =	simm.s32 $0x28;
	s18 =	simm.s32 $0x15280  }
0x2a: {  	s20 =	simm.s32 $0x16680;
	s22 =	simm.s32 $0x17A80;
	s4 =	simm.s32 $0x18E80  }
0x2b: {  	s8 =	simm.s32 $0x1;
	s9 =	simm.s32 $0x2;
	s13 =	simm.s32 $0x3  }
0x2c: {  	s14 =	simm.s32 $0x4;
	s19 =	simm.s32 $0x5;
	[smem:$0x7FB] =	sst s26  }
0x2d: {  	s15 =	simm.s32 $0x8;
	s17 =	simm.s32 $0x9;
	[smem:$0x7FC] =	sst s29  }
0x2e: {  	v0 =	vimm.f32 $0.0e+00;
	s21 =	simm.s32 $0xA;
	[smem:$0x7FD] =	sst s0;
	s26 =	simm.s32 $0xC  }
.LBB2_1:
.Ltmp0:
0x2f: {  	(pc) =	sbr.rel @p0 .LBB2_5-.Ltmp0, $1  }
0x30: {  	_ =	sdelay $0x3  }
0x31: {  	s2 =	simm.s32 $0x0  }
0x32: {  	s0 =	sshra.s32 s2, $0x2;
	s2 =	sadd.s32 $0x200, s2  }
.LBB2_3:
0x33: {  	p1 =	sne.s32 s2, $0x4E00;
	[tilespmem:s0+$0x13EF0] =	vst v0  }
0x34: {  	[tilespmem:s0+$0x13E80] =	vst v0  }
0x35: {  	[tilespmem:s0+$0x13E90] =	vst v0  }
.Ltmp1:
0x36: {  	[tilespmem:s0+$0x13EA0] =	vst v0;
	(pc) =	sbr.rel @p1 .LBB2_3-.Ltmp1, $4  }
0x37: {  	[tilespmem:s0+$0x13EB0] =	vst v0  }
0x38: {  	[tilespmem:s0+$0x13EC0] =	vst v0  }
0x39: {  	[tilespmem:s0+$0x13ED0] =	vst v0  }
0x3a: {  	[tilespmem:s0+$0x13EE0] =	vst v0;
	s0 =	sshra.s32 s2, $0x2;
	s2 =	sadd.s32 $0x200, s2  }
0x3b: {  	[tilespmem:s0+$0x13EF0] =	vst v0  }
0x3c: {  	[tilespmem:s0+$0x13E80] =	vst v0  }
0x3d: {  	[tilespmem:s0+$0x13E90] =	vst v0  }
0x3e: {  	[tilespmem:s0+$0x13EA0] =	vst v0  }
0x3f: {  	[tilespmem:s0+$0x13EB0] =	vst v0  }
0x40: {  	[tilespmem:s0+$0x13EC0] =	vst v0  }
0x41: {  	[tilespmem:s0+$0x13ED0] =	vst v0;
	s2 =	rddreg [dreg:$0xb]  }
0x42: {  	[tilespmem:s0+$0x13EE0] =	vst v0;
	s11 =	rddreg [dreg:$0xd]  }
0x43: {  	[spmem:s2] =	stream.linear.scatter [tilespmem:s24], [sflag:$0xB], $0x1400, $0x38;
	[tilespmem:$0x1A280] =	vst v63  }
0x44: {  	s12 =	rddreg [dreg:$0xe]  }
0x45: {  	[spmem:s11] =	stream.linear.scatter [tilespmem:s24], [sflag:$0xB], $0x1400, $0x38;
	[tilespmem:$0x1A280] =	vst v63  }
0x46: {  	s23 =	rddreg [dreg:$0xf]  }
0x47: {  	[spmem:s12] =	stream.linear.scatter [tilespmem:s24], [sflag:$0xB], $0x1400, $0x38;
	[tilespmem:$0x1A280] =	vst v63  }
0x48: {  	s29 =	rddreg [dreg:$0x10]  }
0x49: {  	[spmem:s23] =	stream.linear.scatter [tilespmem:s24], [sflag:$0xB], $0x1400, $0x38;
	[tilespmem:$0x1A280] =	vst v63  }
0x4a: {  	s2 =	rddreg [dreg:$0x11]  }
0x4b: {  	[spmem:s29] =	stream.linear.scatter [tilespmem:s24], [sflag:$0xB], $0x1400, $0x38;
	[tilespmem:$0x1A280] =	vst v63  }
0x4c: {  	s11 =	rddreg [dreg:$0x12]  }
0x4d: {  	[spmem:s2] =	stream.linear.scatter [tilespmem:s24], [sflag:$0xB], $0x1400, $0x38;
	[tilespmem:$0x1A280] =	vst v63  }
0x4e: {  	s12 =	rddreg [dreg:$0x13]  }
0x4f: {  	[spmem:s11] =	stream.linear.scatter [tilespmem:s24], [sflag:$0xB], $0x1400, $0x38;
	[tilespmem:$0x1A280] =	vst v63  }
0x50: {  	s23 =	rddreg [dreg:$0x14]  }
0x51: {  	[spmem:s12] =	stream.linear.scatter [tilespmem:s24], [sflag:$0xB], $0x1400, $0x38;
	[tilespmem:$0x1A280] =	vst v63  }
0x52: {  	s29 =	rddreg [dreg:$0x15]  }
0x53: {  	[spmem:s23] =	stream.linear.scatter [tilespmem:s24], [sflag:$0xB], $0x1400, $0x38;
	[tilespmem:$0x1A280] =	vst v63  }
0x54: {  	s2 =	rddreg [dreg:$0x16]  }
0x55: {  	[spmem:s29] =	stream.linear.scatter [tilespmem:s24], [sflag:$0xB], $0x1400, $0x38;
	[tilespmem:$0x1A280] =	vst v63  }
0x56: {  	s11 =	rddreg [dreg:$0x17]  }
0x57: {  	[spmem:s2] =	stream.linear.scatter [tilespmem:s24], [sflag:$0xB], $0x1400, $0x38;
	[tilespmem:$0x1A280] =	vst v63  }
0x58: {  	s12 =	rddreg [dreg:$0x18]  }
0x59: {  	[spmem:s11] =	stream.linear.scatter [tilespmem:s24], [sflag:$0xB], $0x1400, $0x38;
	[tilespmem:$0x1A280] =	vst v63  }
0x5a: {  	s23 =	rddreg [dreg:$0x19]  }
0x5b: {  	[spmem:s12] =	stream.linear.scatter [tilespmem:s24], [sflag:$0xB], $0x1400, $0x38;
	[tilespmem:$0x1A280] =	vst v63  }
0x5c: {  	s29 =	rddreg [dreg:$0x1a]  }
0x5d: {  	[spmem:s23] =	stream.linear.scatter [tilespmem:s24], [sflag:$0xB], $0x1400, $0x38;
	[tilespmem:$0x1A280] =	vst v63  }
0x5e: {  	s2 =	rddreg [dreg:$0x1b]  }
0x5f: {  	[spmem:s29] =	stream.linear.scatter [tilespmem:s24], [sflag:$0xB], $0x1400, $0x38;
	[tilespmem:$0x1A280] =	vst v63  }
0x60: {  	s11 =	rddreg [dreg:$0x1c]  }
0x61: {  	[spmem:s2] =	stream.linear.scatter [tilespmem:s24], [sflag:$0xB], $0x1400, $0x38;
	[tilespmem:$0x1A280] =	vst v63  }
0x62: {  	s12 =	rddreg [dreg:$0x1d]  }
0x63: {  	[spmem:s11] =	stream.linear.scatter [tilespmem:s24], [sflag:$0xB], $0x1400, $0x38;
	[tilespmem:$0x1A280] =	vst v63  }
0x64: {  	s23 =	rddreg [dreg:$0x1e]  }
0x65: {  	[spmem:s12] =	stream.linear.scatter [tilespmem:s24], [sflag:$0xB], $0x1400, $0x38;
	[tilespmem:$0x1A280] =	vst v63  }
0x66: {  	s29 =	rddreg [dreg:$0x1f]  }
0x67: {  	[spmem:s23] =	stream.linear.scatter [tilespmem:s24], [sflag:$0xB], $0x1400, $0x38;
	[tilespmem:$0x1A280] =	vst v63  }
0x68: {  	s2 =	sld [smem:$0x7F9]  }
0x69: {  	[spmem:s29] =	stream.linear.scatter [tilespmem:s24], [sflag:$0xB], $0x1400, $0x38;
	[tilespmem:$0x1A280] =	vst v63  }
0x6a: {  	s11 =	sld [smem:$0x7FA]  }
0x6b: {  	[spmem:s2] =	stream.linear.scatter [tilespmem:s24], [sflag:$0xB], $0x1400, $0x38;
	[tilespmem:$0x1A280] =	vst v63  }
0x6c: {  	s12 =	sld [smem:$0x7FB]  }
0x6d: {  	[spmem:s11] =	stream.linear.scatter [tilespmem:s24], [sflag:$0xB], $0x1400, $0x38;
	[tilespmem:$0x1A280] =	vst v63  }
0x6e: {  	s23 =	sld [smem:$0x7FC]  }
0x6f: {  	[spmem:s12] =	stream.linear.scatter [tilespmem:s24], [sflag:$0xB], $0x1400, $0x38;
	[tilespmem:$0x1A280] =	vst v63  }
0x70: {  	s29 =	sld [smem:$0x7FD]  }
0x71: {  	[spmem:s23] =	stream.linear.scatter [tilespmem:s24], [sflag:$0xB], $0x1400, $0x38;
	[tilespmem:$0x1A280] =	vst v63  }
0x72: {  	_ = 	snop  }
0x73: {  	[spmem:s29] =	stream.linear.scatter [tilespmem:s24], [sflag:$0xB], $0x1400, $0x38;
	[tilespmem:$0x1A280] =	vst v63  }
0x74: {  	_ =	swait.ge [sflag:s25], $0x1400  }
0x75: {  	[sflag:s25] =	ssyncset.done $0x0  }
0x76: {  	[sflag:s25] =	ssyncadd.s32 $0xFFFFEC00  }
0x77: {  	_ =	swait.ge [sflag:s25], $0x1400  }
0x78: {  	[sflag:s25] =	ssyncset.done $0x0  }
0x79: {  	[sflag:s25] =	ssyncadd.s32 $0xFFFFEC00  }
0x7a: {  	_ =	swait.ge [sflag:s25], $0x1400  }
0x7b: {  	[sflag:s25] =	ssyncset.done $0x0  }
0x7c: {  	[sflag:s25] =	ssyncadd.s32 $0xFFFFEC00  }
0x7d: {  	_ =	swait.ge [sflag:s25], $0x1400  }
0x7e: {  	[sflag:s25] =	ssyncset.done $0x0  }
0x7f: {  	[sflag:s25] =	ssyncadd.s32 $0xFFFFEC00  }
0x80: {  	_ =	swait.ge [sflag:s25], $0x1400  }
0x81: {  	[sflag:s25] =	ssyncset.done $0x0  }
0x82: {  	[sflag:s25] =	ssyncadd.s32 $0xFFFFEC00  }
0x83: {  	_ =	swait.ge [sflag:s25], $0x1400  }
0x84: {  	[sflag:s25] =	ssyncset.done $0x0  }
0x85: {  	[sflag:s25] =	ssyncadd.s32 $0xFFFFEC00  }
0x86: {  	_ =	swait.ge [sflag:s25], $0x1400  }
0x87: {  	[sflag:s25] =	ssyncset.done $0x0  }
0x88: {  	[sflag:s25] =	ssyncadd.s32 $0xFFFFEC00  }
0x89: {  	_ =	swait.ge [sflag:s25], $0x1400  }
0x8a: {  	[sflag:s25] =	ssyncset.done $0x0  }
0x8b: {  	[sflag:s25] =	ssyncadd.s32 $0xFFFFEC00  }
0x8c: {  	_ =	swait.ge [sflag:s25], $0x1400  }
0x8d: {  	[sflag:s25] =	ssyncset.done $0x0  }
0x8e: {  	[sflag:s25] =	ssyncadd.s32 $0xFFFFEC00  }
0x8f: {  	_ =	swait.ge [sflag:s25], $0x1400  }
0x90: {  	[sflag:s25] =	ssyncset.done $0x0  }
0x91: {  	[sflag:s25] =	ssyncadd.s32 $0xFFFFEC00  }
0x92: {  	_ =	swait.ge [sflag:s25], $0x1400  }
0x93: {  	[sflag:s25] =	ssyncset.done $0x0  }
0x94: {  	[sflag:s25] =	ssyncadd.s32 $0xFFFFEC00  }
0x95: {  	_ =	swait.ge [sflag:s25], $0x1400  }
0x96: {  	[sflag:s25] =	ssyncset.done $0x0  }
0x97: {  	[sflag:s25] =	ssyncadd.s32 $0xFFFFEC00  }
0x98: {  	_ =	swait.ge [sflag:s25], $0x1400  }
0x99: {  	[sflag:s25] =	ssyncset.done $0x0  }
0x9a: {  	[sflag:s25] =	ssyncadd.s32 $0xFFFFEC00  }
0x9b: {  	_ =	swait.ge [sflag:s25], $0x1400  }
0x9c: {  	[sflag:s25] =	ssyncset.done $0x0  }
0x9d: {  	[sflag:s25] =	ssyncadd.s32 $0xFFFFEC00  }
0x9e: {  	_ =	swait.ge [sflag:s25], $0x1400  }
0x9f: {  	[sflag:s25] =	ssyncset.done $0x0  }
0xa0: {  	[sflag:s25] =	ssyncadd.s32 $0xFFFFEC00  }
0xa1: {  	_ =	swait.ge [sflag:s25], $0x1400  }
0xa2: {  	[sflag:s25] =	ssyncset.done $0x0  }
0xa3: {  	[sflag:s25] =	ssyncadd.s32 $0xFFFFEC00  }
0xa4: {  	_ =	swait.ge [sflag:s25], $0x1400  }
0xa5: {  	[sflag:s25] =	ssyncset.done $0x0  }
0xa6: {  	[sflag:s25] =	ssyncadd.s32 $0xFFFFEC00  }
0xa7: {  	_ =	swait.ge [sflag:s25], $0x1400  }
0xa8: {  	[sflag:s25] =	ssyncset.done $0x0  }
0xa9: {  	[sflag:s25] =	ssyncadd.s32 $0xFFFFEC00  }
0xaa: {  	_ =	swait.ge [sflag:s25], $0x1400  }
0xab: {  	[sflag:s25] =	ssyncset.done $0x0  }
0xac: {  	[sflag:s25] =	ssyncadd.s32 $0xFFFFEC00  }
0xad: {  	_ =	swait.ge [sflag:s25], $0x1400  }
0xae: {  	[sflag:s25] =	ssyncset.done $0x0  }
0xaf: {  	[sflag:s25] =	ssyncadd.s32 $0xFFFFEC00  }
0xb0: {  	_ =	swait.ge [sflag:s25], $0x1400  }
0xb1: {  	[sflag:s25] =	ssyncset.done $0x0  }
0xb2: {  	[sflag:s25] =	ssyncadd.s32 $0xFFFFEC00  }
0xb3: {  	_ =	swait.ge [sflag:s25], $0x1400  }
0xb4: {  	[sflag:s25] =	ssyncset.done $0x0  }
0xb5: {  	[sflag:s25] =	ssyncadd.s32 $0xFFFFEC00  }
0xb6: {  	_ =	swait.ge [sflag:s25], $0x1400  }
0xb7: {  	[sflag:s25] =	ssyncset.done $0x0  }
0xb8: {  	[sflag:s25] =	ssyncadd.s32 $0xFFFFEC00  }
0xb9: {  	_ =	swait.ge [sflag:s25], $0x1400  }
0xba: {  	[sflag:s25] =	ssyncset.done $0x0  }
0xbb: {  	[sflag:s25] =	ssyncadd.s32 $0xFFFFEC00  }
0xbc: {  	_ =	swait.ge [sflag:s25], $0x1400  }
0xbd: {  	[sflag:s25] =	ssyncset.done $0x0  }
0xbe: {  	[sflag:s25] =	ssyncadd.s32 $0xFFFFEC00  }
.LBB2_5:
0xbf: {  	[smem:$0x7F8] =	sst s5  }
0xc0: {  	[bflag:$0x0] =	sbarrier.arrive $0xFFFF  }
0xc1: {  	s29 =	simm.s32 $0x0;
	s2 =	simm.s32 $0x13880;
	s0 =	rddreg [dreg:$0x5]  }
0xc2: {  	[tilespmem:s2], [sflag:$0xB] =	stream.linear.gather [hbm4b:s0+s29], $0xC8, $0x38;
	[tilespmem:$0x1A280] =	vst v63  }
0xc3: {  	s11 =	rddreg [dreg:$0x6]  }
0xc4: {  	[tilespmem:s28], [sflag:$0xB] =	stream.linear.gather [hbm4b:s11+s29], $0xC8, $0x38;
	[tilespmem:$0x1A280] =	vst v63  }
0xc5: {  	s23 =	simm.s32 $0x13A80;
	s12 =	rddreg [dreg:$0x7]  }
0xc6: {  	[tilespmem:s23], [sflag:$0xB] =	stream.linear.gather [hbm4b:s12+s29], $0xC8, $0x38;
	[tilespmem:$0x1A280] =	vst v63  }
.LBB2_6:
0xc7: {  	p1 =	seq.s32 s29, $0x0  }
0xc8: {  	s0 =	simm.s32 @!p1 $0x6  }
0xc9: {  	_ =	swait.ge @!p1 [sflag:s0], $0x1400  }
0xca: {  	[sflag:s0] =	ssyncset.done @!p1 $0x0  }
0xcb: {  	[sflag:s0] =	ssyncadd.s32 @!p1 $0xFFFFEC00;
	s0 =	simm.s32 @!p1 $0x7  }
0xcc: {  	_ =	swait.ge @!p1 [sflag:s0], $0x1400  }
0xcd: {  	[sflag:s0] =	ssyncset.done @!p1 $0x0  }
0xce: {  	[sflag:s0] =	ssyncadd.s32 @!p1 $0xFFFFEC00;
	s0 =	simm.s32 @!p1 $0x8  }
0xcf: {  	_ =	swait.ge @!p1 [sflag:s0], $0x1400  }
0xd0: {  	[sflag:s0] =	ssyncset.done @!p1 $0x0  }
0xd1: {  	[sflag:s0] =	ssyncadd.s32 @!p1 $0xFFFFEC00;
	s0 =	simm.s32 @!p1 $0x9  }
0xd2: {  	_ =	swait.ge @!p1 [sflag:s0], $0x1400  }
0xd3: {  	[sflag:s0] =	ssyncset.done @!p1 $0x0  }
0xd4: {  	[sflag:s0] =	ssyncadd.s32 @!p1 $0xFFFFEC00;
	s0 =	simm.s32 @!p1 $0xA  }
0xd5: {  	s2 =	smul.u32 $0x190, s29;
	_ =	swait.ge @!p1 [sflag:s0], $0x1400  }
0xd6: {  	s5 =	rddreg [dreg:$0x8]  }
0xd7: {  	s11 =	sadd.s32 s2, s5  }
0xd8: {  	[sflag:s0] =	ssyncset.done @!p1 $0x0;
	s11 =	sshrl.u32 s11, $0x3  }
0xd9: {  	[sflag:s0] =	ssyncadd.s32 @!p1 $0xFFFFEC00;
	s5 =	simm.s32 $0x0;
	s12 =	sadd.s32 s6, s11  }
0xda: {  	[tilespmem:s10], [sflag:$0xC] =	stream.linear.gather [hbm4b:s12+s5], $0xC8, $0x38;
	[tilespmem:$0x1A280] =	vst v63  }
0xdb: {  	s23 =	sadd.s32 s30, s11  }
0xdc: {  	[tilespmem:s31], [sflag:$0xC] =	stream.linear.gather [hbm4b:s23+s5], $0xC8, $0x38;
	[tilespmem:$0x1A280] =	vst v63  }
0xdd: {  	s11 =	sadd.s32 s7, s11;
	s12 =	simm.s32 $0x13B80  }
0xde: {  	[tilespmem:s12], [sflag:$0xC] =	stream.linear.gather [hbm4b:s11+s5], $0xC8, $0x38;
	[tilespmem:$0x1A280] =	vst v63  }
0xdf: {  	_ =	swait.ge [sflag:s25], $0xC8  }
0xe0: {  	[sflag:s25] =	ssyncset.done $0x0  }
0xe1: {  	[sflag:s25] =	ssyncadd.s32 $0xFFFFFF38  }
0xe2: {  	_ =	swait.ge [sflag:s25], $0xC8  }
0xe3: {  	[sflag:s25] =	ssyncset.done $0x0  }
0xe4: {  	[sflag:s25] =	ssyncadd.s32 $0xFFFFFF38  }
0xe5: {  	_ =	swait.ge [sflag:s25], $0xC8  }
0xe6: {  	[sflag:s25] =	ssyncset.done $0x0  }
0xe7: {  	s23 =	simm.s32 $0x13880;
	[sflag:s25] =	ssyncadd.s32 $0xFFFFFF38  }
0xe8: {  	[tilespmem:s24], [sflag:$0x1] =	stream.indirect.gather [hbm4b:s1+s16], $0x80, s23, s16, $0xb8;
	[tilespmem:$0x1A280] =	vst v63  }
0xe9: {  	s5 =	simm.s32 $0x138A8  }
0xea: {  	[tilespmem:s18], [sflag:$0x2] =	stream.indirect.gather [hbm4b:s1+s16], $0x80, s5, s16, $0xb8;
	[tilespmem:$0x1A280] =	vst v63  }
0xeb: {  	s11 =	simm.s32 $0x138D0;
	s12 =	simm.s32 $0x0  }
0xec: {  	[tilespmem:s20], [sflag:$0x3] =	stream.indirect.gather [hbm4b:s1+s16], $0x80, s11, s16, $0xb8;
	[tilespmem:$0x1A280] =	vst v63  }
0xed: {  	v1 =	vmov s12;
	s23 =	simm.s32 $0x138F8  }
0xee: {  	v1 =	vand.u32 $0xFFFFFFFC, v1;
	[tilespmem:s22], [sflag:$0x4] =	stream.indirect.gather [hbm4b:s1+s16], $0x80, s23, s16, $0xb8;
	[tilespmem:$0x1A280] =	vst v63  }
0xef: {  	v1 =	vbroadcast v1, $0x0;
	s11 =	simm.s32 $0x13920  }
0xf0: {  	[tilespmem:s4], [sflag:$0x5] =	stream.indirect.gather [hbm4b:s1+s16], $0x80, s11, s16, $0xb8;
	[tilespmem:$0x1A280] =	vst v63  }
0xf1: {  	_ =	swait.ge [sflag:s8], $0x1400  }
0xf2: {  	[sflag:s8] =	ssyncset.done $0x0  }
0xf3: {  	s11 =	simm.s32 $0x13F80;
	[sflag:s8] =	ssyncadd.s32 $0xFFFFEC00  }
0xf4: {  	v3 =	vld [tilespmem:s11+$0xFFFFFF70]  }
0xf5: {  	v1 =	vld.idx.msk [tilespmem:v1+s28+$0x0], $0xffff  }
0xf6: {  	v4 =	vld [tilespmem:s11+$0xFFFFFF00]  }
0xf7: {  	v5 =	vld [tilespmem:s11+$0xFFFFFF20]  }
0xf8: {  	v6 =	vld [tilespmem:s11+$0xFFFFFF30]  }
0xf9: {  	v2 =	vld [tilespmem:s11+$0xFFFFFF50]  }
0xfa: {  	v8 =	vld [tilespmem:s11+$0xFFFFFF10];
	v3 =	vmul.f32 v3, v1  }
0xfb: {  	s12 =	simm.s32 $0x1;
	v7 =	vld [tilespmem:s11+$0xFFFFFF60];
	v4 =	vmul.f32 v4, v1  }
0xfc: {  	v9 =	vld [tilespmem:s11+$0xFFFFFF40];
	v5 =	vmul.f32 v5, v1;
	[tilespmem:s11+$0xFFFFFF70] =	vst v3;
	v3 =	vmov s12  }
0xfd: {  	v6 =	vmul.f32 v6, v1;
	[tilespmem:s11+$0xFFFFFF00] =	vst v4;
	v3 =	vand.u32 $0xFFFFFFFD, v3  }
0xfe: {  	v2 =	vmul.f32 v2, v1;
	[tilespmem:s11+$0xFFFFFF20] =	vst v5;
	v3 =	vbroadcast v3, $0x0  }
0xff: {  	v4 =	vmul.f32 v8, v1;
	[tilespmem:s11+$0xFFFFFF30] =	vst v6  }
0x100: {  	v5 =	vmul.f32 v7, v1;
	[tilespmem:s11+$0xFFFFFF50] =	vst v2  }
0x101: {  	v1 =	vmul.f32 v9, v1;
	[tilespmem:s11+$0xFFFFFF10] =	vst v4  }
0x102: {  	[tilespmem:s11+$0xFFFFFF60] =	vst v5  }
0x103: {  	[tilespmem:s11+$0xFFFFFF40] =	vst v1;
	v1 =	vld [tilespmem:s11+$0xFFFFFF80]  }
0x104: {  	v3 =	vld.idx.msk [tilespmem:v3+s28+$0x0], $0xffff  }
0x105: {  	v2 =	vld [tilespmem:s11+$0xFFFFFFA0]  }
0x106: {  	v4 =	vld [tilespmem:s11+$0xFFFFFF90]  }
0x107: {  	v5 =	vld [tilespmem:s11+$0xFFFFFFD0]  }
0x108: {  	v6 =	vld [tilespmem:s11+$0xFFFFFFE0]  }
0x109: {  	v7 =	vld [tilespmem:s11+$0xFFFFFFF0];
	v1 =	vmul.f32 v1, v3  }
0x10a: {  	s23 =	simm.s32 $0x2;
	v8 =	vld [tilespmem:s11+$0xFFFFFFB0];
	v2 =	vmul.f32 v2, v3  }
0x10b: {  	v63 =	vld [tilespmem:s11+$0xFFFFFFC0];
	v4 =	vmul.f32 v4, v3;
	[tilespmem:s11+$0xFFFFFF80] =	vst v1;
	v1 =	vmov s23  }
0x10c: {  	v5 =	vmul.f32 v5, v3;
	[tilespmem:s11+$0xFFFFFFA0] =	vst v2;
	v1 =	vand.u32 $0xFFFFFFFE, v1  }
0x10d: {  	v2 =	vmul.f32 v6, v3;
	[tilespmem:s11+$0xFFFFFF90] =	vst v4;
	v4 =	vbroadcast v1, $0x0  }
0x10e: {  	v6 =	vmul.f32 v7, v3;
	[tilespmem:s11+$0xFFFFFFD0] =	vst v5;
	v7 =	vld [tilespmem:s11+$0x30]  }
0x10f: {  	v5 =	vmul.f32 v8, v3;
	v1 =	vld [tilespmem:s11+$0x40];
	[tilespmem:s11+$0xFFFFFFE0] =	vst v2  }
0x110: {  	v3 =	vmul.f32 v63, v3;
	v2 =	vld [tilespmem:s11+$0x70];
	[tilespmem:s11+$0xFFFFFFF0] =	vst v6  }
0x111: {  	[tilespmem:s11+$0xFFFFFFB0] =	vst v5;
	v5 =	vld [tilespmem:s11+$0x20]  }
0x112: {  	[tilespmem:s11+$0xFFFFFFC0] =	vst v3;
	v6 =	vld [tilespmem:s11+$0x0]  }
0x113: {  	s0 =	simm.s32 $0x13F80;
	v3 =	vld.idx.msk [tilespmem:v4+s28+$0x0], $0xffff  }
0x114: {  	s10 =	smov.u32 s30;
	s30 =	simm.s32 $0x7;
	s12 =	simm.s32 $0x3;
	v4 =	vld [tilespmem:s11+$0x10]  }
.LBB2_7:
0x115: {  	p1 =	sne.s32 s30, $0x27  }
0x116: {  	v8 =	vld [tilespmem:s11+$0x50];
	s0 =	sadd.s32 $0x200, s0;
	s5 =	smov.u32 s30;
	s30 =	sadd.s32 $0x4, s30  }
0x117: {  	v9 =	vld [tilespmem:s11+$0x60];
	_ =	sdelay $0x1  }
0x118: {  	v6 =	vmul.f32 v6, v3;
	v4 =	vmul.f32 v4, v3  }
0x119: {  	v5 =	vmul.f32 v5, v3;
	v7 =	vmul.f32 v7, v3  }
0x11a: {  	v1 =	vmul.f32 v1, v3;
	v2 =	vmul.f32 v2, v3;
	[tilespmem:s11+$0x0] =	vst v6  }
0x11b: {  	[tilespmem:s11+$0x20] =	vst v5;
	v5 =	vmul.f32 v8, v3;
	v3 =	vmul.f32 v9, v3  }
0x11c: {  	[tilespmem:s11+$0x30] =	vst v7;
	v6 =	vld [tilespmem:s11+$0x80]  }
0x11d: {  	[tilespmem:s11+$0x60] =	vst v3;
	v3 =	vmov s12;
	v7 =	vld [tilespmem:s11+$0xD0];
	s12 =	smov.u32 s5  }
0x11e: {  	[tilespmem:s11+$0x50] =	vst v5;
	v5 =	vld [tilespmem:s11+$0xE0]  }
0x11f: {  	[tilespmem:s11+$0x40] =	vst v1;
	v8 =	vld [tilespmem:s11+$0xB0]  }
0x120: {  	v1 =	vld [tilespmem:s0+$0x40];
	[tilespmem:s11+$0x70] =	vst v2  }
0x121: {  	v2 =	vld [tilespmem:s0+$0x70];
	[tilespmem:s11+$0x10] =	vst v4  }
0x122: {  	v3 =	vld.idx.msk [tilespmem:v3+s28+$0x0], $0xffff  }
0x123: {  	v4 =	vld [tilespmem:s11+$0x90]  }
0x124: {  	v9 =	vld [tilespmem:s11+$0xA0]  }
0x125: {  	v10 =	vld [tilespmem:s11+$0xC0]  }
0x126: {  	v11 =	vld [tilespmem:s11+$0xF0];
	_ =	sdelay $0x1  }
0x127: {  	v6 =	vmul.f32 v6, v3;
	v4 =	vmul.f32 v4, v3  }
0x128: {  	s5 =	sadd.s32 $0xFFFFFFFD, s12;
	v8 =	vmul.f32 v8, v3;
	v9 =	vmul.f32 v9, v3  }
0x129: {  	v12 =	vmov s5;
	v7 =	vmul.f32 v7, v3;
	[tilespmem:s11+$0x80] =	vst v6;
	v6 =	vmul.f32 v10, v3  }
0x12a: {  	v10 =	vand.u32 $0xFFFFFFFC, v12;
	[tilespmem:s11+$0x90] =	vst v4;
	v4 =	vmul.f32 v5, v3;
	v3 =	vmul.f32 v11, v3  }
0x12b: {  	v5 =	vbroadcast v10, $0x0;
	[tilespmem:s11+$0xA0] =	vst v9  }
0x12c: {  	[tilespmem:s11+$0xD0] =	vst v7  }
0x12d: {  	v7 =	vld [tilespmem:s0+$0xFFFFFF50];
	[tilespmem:s11+$0xB0] =	vst v8  }
0x12e: {  	v8 =	vld [tilespmem:s0+$0xFFFFFF30];
	[tilespmem:s11+$0xC0] =	vst v6  }
0x12f: {  	v6 =	vld [tilespmem:s0+$0xFFFFFF60];
	[tilespmem:s11+$0xE0] =	vst v4  }
0x130: {  	v4 =	vld [tilespmem:s0+$0xFFFFFF70];
	[tilespmem:s11+$0xF0] =	vst v3;
	s11 =	smov.u32 s0  }
0x131: {  	v3 =	vld.idx.msk [tilespmem:v5+s28+$0x0], $0xffff  }
0x132: {  	v5 =	vld [tilespmem:s0+$0xFFFFFF00]  }
0x133: {  	v9 =	vld [tilespmem:s0+$0xFFFFFF20]  }
0x134: {  	v10 =	vld [tilespmem:s0+$0xFFFFFF10]  }
0x135: {  	v11 =	vld [tilespmem:s0+$0xFFFFFF40];
	_ =	sdelay $0x1  }
0x136: {  	v4 =	vmul.f32 v4, v3;
	v5 =	vmul.f32 v5, v3  }
0x137: {  	s5 =	sadd.s32 $0xFFFFFFFE, s12;
	v6 =	vmul.f32 v6, v3;
	v9 =	vmul.f32 v9, v3  }
0x138: {  	v8 =	vmul.f32 v8, v3;
	v10 =	vmul.f32 v10, v3;
	[tilespmem:s0+$0xFFFFFF70] =	vst v4;
	v4 =	vmov s5  }
0x139: {  	[tilespmem:s0+$0xFFFFFF00] =	vst v5;
	v5 =	vmul.f32 v11, v3;
	v3 =	vmul.f32 v7, v3;
	v4 =	vand.u32 $0xFFFFFFFD, v4  }
0x13a: {  	[tilespmem:s0+$0xFFFFFF20] =	vst v9;
	v4 =	vbroadcast v4, $0x0  }
0x13b: {  	[tilespmem:s0+$0xFFFFFF30] =	vst v8  }
0x13c: {  	[tilespmem:s0+$0xFFFFFF50] =	vst v3;
	v3 =	vld [tilespmem:s0+$0xFFFFFFF0]  }
0x13d: {  	[tilespmem:s0+$0xFFFFFF10] =	vst v10;
	v7 =	vld [tilespmem:s0+$0xFFFFFFD0]  }
0x13e: {  	[tilespmem:s0+$0xFFFFFF60] =	vst v6;
	v6 =	vld [tilespmem:s0+$0xFFFFFFB0]  }
0x13f: {  	[tilespmem:s0+$0xFFFFFF40] =	vst v5;
	v5 =	vld [tilespmem:s0+$0xFFFFFF90]  }
0x140: {  	v4 =	vld.idx.msk [tilespmem:v4+s28+$0x0], $0xffff  }
0x141: {  	v8 =	vld [tilespmem:s0+$0xFFFFFF80]  }
0x142: {  	v9 =	vld [tilespmem:s0+$0xFFFFFFA0]  }
0x143: {  	v10 =	vld [tilespmem:s0+$0xFFFFFFC0]  }
0x144: {  	v11 =	vld [tilespmem:s0+$0xFFFFFFE0];
	_ =	sdelay $0x1  }
0x145: {  	v5 =	vmul.f32 v5, v4;
	v8 =	vmul.f32 v8, v4  }
0x146: {  	s5 =	sadd.s32 $0xFFFFFFFF, s12;
	v6 =	vmul.f32 v6, v4;
	v9 =	vmul.f32 v9, v4  }
0x147: {  	v7 =	vmul.f32 v7, v4;
	[tilespmem:s0+$0xFFFFFF80] =	vst v8;
	v8 =	vmul.f32 v10, v4;
	v10 =	vmov s5  }
0x148: {  	v3 =	vmul.f32 v3, v4;
	[tilespmem:s0+$0xFFFFFFA0] =	vst v9;
	v9 =	vmul.f32 v11, v4;
	v4 =	vand.u32 $0xFFFFFFFE, v10  }
0x149: {  	[tilespmem:s0+$0xFFFFFF90] =	vst v5;
	v4 =	vbroadcast v4, $0x0  }
0x14a: {  	[tilespmem:s0+$0xFFFFFFD0] =	vst v7  }
0x14b: {  	[tilespmem:s0+$0xFFFFFFE0] =	vst v9  }
0x14c: {  	[tilespmem:s0+$0xFFFFFFB0] =	vst v6  }
.Ltmp2:
0x14d: {  	[tilespmem:s0+$0xFFFFFFF0] =	vst v3;
	v5 =	vld [tilespmem:s0+$0x20];
	(pc) =	sbr.rel @p1 .LBB2_7-.Ltmp2, $4  }
0x14e: {  	[tilespmem:s0+$0xFFFFFFC0] =	vst v8;
	v6 =	vld [tilespmem:s0+$0x0]  }
0x14f: {  	v3 =	vld.idx.msk [tilespmem:v4+s28+$0x0], $0xffff  }
0x150: {  	v4 =	vld [tilespmem:s0+$0x10]  }
0x151: {  	v7 =	vld [tilespmem:s0+$0x30]  }
0x152: {  	v8 =	vld [tilespmem:s11+$0x60];
	_ =	sdelay $0x1  }
0x153: {  	v6 =	vmul.f32 v6, v3  }
0x154: {  	v9 =	vld [tilespmem:s11+$0x50];
	v5 =	vmul.f32 v5, v3  }
0x155: {  	v1 =	vmul.f32 v1, v3;
	[tilespmem:s11+$0x0] =	vst v6  }
0x156: {  	[tilespmem:s11+$0x20] =	vst v5;
	v5 =	vmul.f32 v8, v3  }
0x157: {  	v2 =	vmul.f32 v2, v3;
	[tilespmem:s11+$0x40] =	vst v1  }
0x158: {  	v7 =	vmul.f32 v7, v3;
	[tilespmem:s11+$0x60] =	vst v5;
	v5 =	vmov s12  }
0x159: {  	[tilespmem:s11+$0x70] =	vst v2;
	v6 =	vmul.f32 v9, v3  }
0x15a: {  	v3 =	vmul.f32 v4, v3;
	[tilespmem:s11+$0x30] =	vst v7  }
0x15b: {  	[tilespmem:s11+$0x50] =	vst v6  }
0x15c: {  	v7 =	vld [tilespmem:s11+$0x80];
	[tilespmem:s11+$0x10] =	vst v3  }
0x15d: {  	v1 =	vld.idx.msk [tilespmem:v5+s28+$0x0], $0xffff  }
0x15e: {  	v2 =	vld [tilespmem:s11+$0x90]  }
0x15f: {  	v3 =	vld [tilespmem:s11+$0xA0]  }
0x160: {  	v4 =	vld [tilespmem:s11+$0xD0]  }
0x161: {  	v5 =	vld [tilespmem:s11+$0xB0]  }
0x162: {  	v6 =	vld [tilespmem:s11+$0xC0];
	v7 =	vmul.f32 v7, v1  }
0x163: {  	v8 =	vld [tilespmem:s11+$0xE0];
	v2 =	vmul.f32 v2, v1  }
0x164: {  	v61 =	vld [tilespmem:s11+$0xF0];
	v3 =	vmul.f32 v3, v1;
	[tilespmem:s11+$0x80] =	vst v7  }
0x165: {  	v4 =	vmul.f32 v4, v1;
	[tilespmem:s11+$0x90] =	vst v2  }
0x166: {  	v2 =	vmul.f32 v5, v1;
	[tilespmem:s11+$0xA0] =	vst v3  }
0x167: {  	v3 =	vmul.f32 v6, v1;
	[tilespmem:s11+$0xD0] =	vst v4  }
0x168: {  	s12 =	simm.s32 $0x28;
	v4 =	vmul.f32 v8, v1;
	[tilespmem:s11+$0xB0] =	vst v2  }
0x169: {  	v1 =	vmul.f32 v61, v1;
	[tilespmem:s11+$0xC0] =	vst v3;
	v2 =	vmov s12  }
0x16a: {  	[tilespmem:s11+$0xE0] =	vst v4;
	v2 =	vand.u32 $0xFFFFFFFC, v2  }
0x16b: {  	s0 =	simm.s32 $0x13A80;
	[tilespmem:s11+$0xF0] =	vst v1;
	v1 =	vbroadcast v2, $0x0  }
0x16c: {  	[spmem:s3] =	stream.indirect.scatter.add.f32 [tilespmem:s24], [sflag:$0x6], $0x80, s0, s12, $0xb8;
	[tilespmem:$0x1A280] =	vst v63  }
0x16d: {  	_ =	swait.ge [sflag:s9], $0x1400  }
0x16e: {  	[sflag:s9] =	ssyncset.done $0x0  }
0x16f: {  	s11 =	simm.s32 $0x15380;
	[sflag:s9] =	ssyncadd.s32 $0xFFFFEC00  }
0x170: {  	v2 =	vld [tilespmem:s11+$0xFFFFFF70]  }
0x171: {  	v1 =	vld.idx.msk [tilespmem:v1+s28+$0x0], $0xffff  }
0x172: {  	v3 =	vld [tilespmem:s11+$0xFFFFFF00]  }
0x173: {  	v4 =	vld [tilespmem:s11+$0xFFFFFF20]  }
0x174: {  	v5 =	vld [tilespmem:s11+$0xFFFFFF50]  }
0x175: {  	v6 =	vld [tilespmem:s11+$0xFFFFFF40]  }
0x176: {  	v7 =	vld [tilespmem:s11+$0xFFFFFF60];
	v2 =	vmul.f32 v2, v1  }
0x177: {  	s5 =	simm.s32 $0x29;
	v8 =	vld [tilespmem:s11+$0xFFFFFF30];
	v3 =	vmul.f32 v3, v1  }
0x178: {  	v62 =	vld [tilespmem:s11+$0xFFFFFF10];
	v4 =	vmul.f32 v4, v1;
	[tilespmem:s11+$0xFFFFFF70] =	vst v2;
	v2 =	vmov s5  }
0x179: {  	v5 =	vmul.f32 v5, v1;
	[tilespmem:s11+$0xFFFFFF00] =	vst v3;
	v2 =	vand.u32 $0xFFFFFFFD, v2  }
0x17a: {  	v3 =	vmul.f32 v6, v1;
	[tilespmem:s11+$0xFFFFFF20] =	vst v4;
	v2 =	vbroadcast v2, $0x0  }
0x17b: {  	v4 =	vmul.f32 v7, v1;
	[tilespmem:s11+$0xFFFFFF50] =	vst v5  }
0x17c: {  	v5 =	vmul.f32 v8, v1;
	[tilespmem:s11+$0xFFFFFF40] =	vst v3  }
0x17d: {  	v1 =	vmul.f32 v62, v1;
	[tilespmem:s11+$0xFFFFFF60] =	vst v4  }
0x17e: {  	[tilespmem:s11+$0xFFFFFF30] =	vst v5  }
0x17f: {  	[tilespmem:s11+$0xFFFFFF10] =	vst v1;
	v1 =	vld [tilespmem:s11+$0xFFFFFF90]  }
0x180: {  	v3 =	vld.idx.msk [tilespmem:v2+s28+$0x0], $0xffff  }
0x181: {  	v2 =	vld [tilespmem:s11+$0xFFFFFFA0]  }
0x182: {  	v4 =	vld [tilespmem:s11+$0xFFFFFF80]  }
0x183: {  	v5 =	vld [tilespmem:s11+$0xFFFFFFB0]  }
0x184: {  	v6 =	vld [tilespmem:s11+$0xFFFFFFC0]  }
0x185: {  	v7 =	vld [tilespmem:s11+$0xFFFFFFD0];
	v1 =	vmul.f32 v1, v3  }
0x186: {  	s23 =	simm.s32 $0x2A;
	v8 =	vld [tilespmem:s11+$0xFFFFFFF0];
	v2 =	vmul.f32 v2, v3  }
0x187: {  	v63 =	vld [tilespmem:s11+$0xFFFFFFE0];
	v4 =	vmul.f32 v4, v3;
	[tilespmem:s11+$0xFFFFFF90] =	vst v1;
	v1 =	vmov s23  }
0x188: {  	v5 =	vmul.f32 v5, v3;
	[tilespmem:s11+$0xFFFFFFA0] =	vst v2;
	v1 =	vand.u32 $0xFFFFFFFE, v1  }
0x189: {  	v2 =	vmul.f32 v6, v3;
	[tilespmem:s11+$0xFFFFFF80] =	vst v4;
	v6 =	vld [tilespmem:s11+$0x60];
	v10 =	vbroadcast v1, $0x0  }
0x18a: {  	v4 =	vmul.f32 v7, v3;
	[tilespmem:s11+$0xFFFFFFB0] =	vst v5;
	v7 =	vld [tilespmem:s11+$0x0]  }
0x18b: {  	v5 =	vmul.f32 v8, v3;
	v1 =	vld [tilespmem:s11+$0x20];
	[tilespmem:s11+$0xFFFFFFC0] =	vst v2  }
0x18c: {  	v3 =	vmul.f32 v63, v3;
	v2 =	vld [tilespmem:s11+$0x30];
	[tilespmem:s11+$0xFFFFFFD0] =	vst v4  }
0x18d: {  	[tilespmem:s11+$0xFFFFFFF0] =	vst v5;
	v4 =	vld [tilespmem:s11+$0x40]  }
0x18e: {  	[tilespmem:s11+$0xFFFFFFE0] =	vst v3;
	v5 =	vld [tilespmem:s11+$0x10]  }
0x18f: {  	s30 =	simm.s32 $0x2C;
	s0 =	simm.s32 $0x15380;
	v3 =	vld.idx.msk [tilespmem:v10+s28+$0x0], $0xffff  }
.LBB2_9:
0x190: {  	p1 =	sne.s32 s30, $0x4C  }
0x191: {  	v8 =	vld [tilespmem:s11+$0x50];
	s0 =	sadd.s32 $0x200, s0;
	s5 =	smov.u32 s30;
	s30 =	sadd.s32 $0x4, s30  }
0x192: {  	v9 =	vld [tilespmem:s11+$0x70];
	_ =	sdelay $0x1  }
0x193: {  	v6 =	vmul.f32 v6, v3;
	v7 =	vmul.f32 v7, v3  }
0x194: {  	v4 =	vmul.f32 v4, v3;
	v5 =	vmul.f32 v5, v3  }
0x195: {  	v1 =	vmul.f32 v1, v3;
	v2 =	vmul.f32 v2, v3;
	[tilespmem:s11+$0x60] =	vst v6  }
0x196: {  	[tilespmem:s11+$0x40] =	vst v4;
	v4 =	vmul.f32 v8, v3;
	v3 =	vmul.f32 v9, v3  }
0x197: {  	s23 =	sadd.s32 $0x3, s12;
	s12 =	smov.u32 s5;
	[tilespmem:s11+$0x20] =	vst v1;
	v6 =	vld [tilespmem:s11+$0x80]  }
0x198: {  	v1 =	vld [tilespmem:s0+$0x20];
	[tilespmem:s11+$0x0] =	vst v7;
	v7 =	vmov s23  }
0x199: {  	[tilespmem:s11+$0x50] =	vst v4;
	v4 =	vld [tilespmem:s11+$0xE0]  }
0x19a: {  	[tilespmem:s11+$0x30] =	vst v2;
	v8 =	vld [tilespmem:s11+$0xC0]  }
0x19b: {  	v2 =	vld [tilespmem:s0+$0x30];
	[tilespmem:s11+$0x10] =	vst v5  }
0x19c: {  	[tilespmem:s11+$0x70] =	vst v3;
	v3 =	vld [tilespmem:s11+$0xA0]  }
0x19d: {  	v5 =	vld.idx.msk [tilespmem:v7+s28+$0x0], $0xffff  }
0x19e: {  	v7 =	vld [tilespmem:s11+$0x90]  }
0x19f: {  	v9 =	vld [tilespmem:s11+$0xB0]  }
0x1a0: {  	v10 =	vld [tilespmem:s11+$0xD0]  }
0x1a1: {  	v11 =	vld [tilespmem:s11+$0xF0];
	_ =	sdelay $0x1  }
0x1a2: {  	v6 =	vmul.f32 v6, v5;
	v7 =	vmul.f32 v7, v5  }
0x1a3: {  	v3 =	vmul.f32 v3, v5;
	v9 =	vmul.f32 v9, v5  }
0x1a4: {  	v12 =	vmov s12;
	[tilespmem:s11+$0x80] =	vst v6;
	v6 =	vmul.f32 v8, v5;
	v8 =	vmul.f32 v10, v5  }
0x1a5: {  	v10 =	vand.u32 $0xFFFFFFFC, v12;
	[tilespmem:s11+$0xA0] =	vst v3;
	v3 =	vmul.f32 v4, v5;
	v4 =	vmul.f32 v11, v5  }
0x1a6: {  	v5 =	vbroadcast v10, $0x0;
	[tilespmem:s11+$0xC0] =	vst v6  }
0x1a7: {  	[tilespmem:s11+$0xF0] =	vst v4  }
0x1a8: {  	v4 =	vld [tilespmem:s0+$0xFFFFFF40];
	[tilespmem:s11+$0xE0] =	vst v3  }
0x1a9: {  	v3 =	vld [tilespmem:s0+$0xFFFFFF50];
	[tilespmem:s11+$0x90] =	vst v7  }
0x1aa: {  	v6 =	vld [tilespmem:s0+$0xFFFFFF60];
	[tilespmem:s11+$0xB0] =	vst v9  }
0x1ab: {  	v7 =	vld [tilespmem:s0+$0xFFFFFF70];
	[tilespmem:s11+$0xD0] =	vst v8;
	s11 =	smov.u32 s0  }
0x1ac: {  	v5 =	vld.idx.msk [tilespmem:v5+s28+$0x0], $0xffff  }
0x1ad: {  	v8 =	vld [tilespmem:s0+$0xFFFFFF00]  }
0x1ae: {  	v9 =	vld [tilespmem:s0+$0xFFFFFF20]  }
0x1af: {  	v10 =	vld [tilespmem:s0+$0xFFFFFF10]  }
0x1b0: {  	v11 =	vld [tilespmem:s0+$0xFFFFFF30];
	_ =	sdelay $0x1  }
0x1b1: {  	v7 =	vmul.f32 v7, v5;
	v8 =	vmul.f32 v8, v5  }
0x1b2: {  	s5 =	sadd.s32 $0x1, s12;
	v6 =	vmul.f32 v6, v5;
	v9 =	vmul.f32 v9, v5  }
0x1b3: {  	v3 =	vmul.f32 v3, v5;
	v10 =	vmul.f32 v10, v5;
	[tilespmem:s0+$0xFFFFFF70] =	vst v7;
	v7 =	vmov s5  }
0x1b4: {  	v4 =	vmul.f32 v4, v5;
	[tilespmem:s0+$0xFFFFFF00] =	vst v8;
	v8 =	vmul.f32 v11, v5;
	v5 =	vand.u32 $0xFFFFFFFD, v7  }
0x1b5: {  	[tilespmem:s0+$0xFFFFFF20] =	vst v9;
	v5 =	vbroadcast v5, $0x0  }
0x1b6: {  	[tilespmem:s0+$0xFFFFFF50] =	vst v3  }
0x1b7: {  	[tilespmem:s0+$0xFFFFFF40] =	vst v4;
	v3 =	vld [tilespmem:s0+$0xFFFFFFF0]  }
0x1b8: {  	[tilespmem:s0+$0xFFFFFF60] =	vst v6;
	v4 =	vld [tilespmem:s0+$0xFFFFFFC0]  }
0x1b9: {  	[tilespmem:s0+$0xFFFFFF30] =	vst v8;
	v6 =	vld [tilespmem:s0+$0xFFFFFFD0]  }
0x1ba: {  	[tilespmem:s0+$0xFFFFFF10] =	vst v10;
	v7 =	vld [tilespmem:s0+$0xFFFFFF90]  }
0x1bb: {  	v5 =	vld.idx.msk [tilespmem:v5+s28+$0x0], $0xffff  }
0x1bc: {  	v8 =	vld [tilespmem:s0+$0xFFFFFF80]  }
0x1bd: {  	v9 =	vld [tilespmem:s0+$0xFFFFFFA0]  }
0x1be: {  	v10 =	vld [tilespmem:s0+$0xFFFFFFB0]  }
0x1bf: {  	v11 =	vld [tilespmem:s0+$0xFFFFFFE0];
	_ =	sdelay $0x1  }
0x1c0: {  	v7 =	vmul.f32 v7, v5;
	v8 =	vmul.f32 v8, v5  }
0x1c1: {  	s5 =	sadd.s32 $0x2, s12;
	v6 =	vmul.f32 v6, v5;
	v9 =	vmul.f32 v9, v5  }
0x1c2: {  	v4 =	vmul.f32 v4, v5;
	[tilespmem:s0+$0xFFFFFF90] =	vst v7;
	v7 =	vmul.f32 v10, v5;
	v10 =	vmov s5  }
0x1c3: {  	v3 =	vmul.f32 v3, v5;
	[tilespmem:s0+$0xFFFFFFA0] =	vst v9;
	v9 =	vmul.f32 v11, v5;
	v5 =	vand.u32 $0xFFFFFFFE, v10  }
0x1c4: {  	[tilespmem:s0+$0xFFFFFF80] =	vst v8;
	v5 =	vbroadcast v5, $0x0  }
0x1c5: {  	[tilespmem:s0+$0xFFFFFFB0] =	vst v7  }
0x1c6: {  	[tilespmem:s0+$0xFFFFFFC0] =	vst v4  }
0x1c7: {  	[tilespmem:s0+$0xFFFFFFD0] =	vst v6  }
.Ltmp3:
0x1c8: {  	[tilespmem:s0+$0xFFFFFFF0] =	vst v3;
	v4 =	vld [tilespmem:s0+$0x40];
	(pc) =	sbr.rel @p1 .LBB2_9-.Ltmp3, $4  }
0x1c9: {  	[tilespmem:s0+$0xFFFFFFE0] =	vst v9;
	v6 =	vld [tilespmem:s0+$0x60]  }
0x1ca: {  	v3 =	vld.idx.msk [tilespmem:v5+s28+$0x0], $0xffff  }
0x1cb: {  	v7 =	vld [tilespmem:s0+$0x0]  }
0x1cc: {  	v5 =	vld [tilespmem:s0+$0x10]  }
0x1cd: {  	_ =	sdelay $0x1  }
0x1ce: {  	v6 =	vmul.f32 v6, v3  }
0x1cf: {  	v8 =	vld [tilespmem:s11+$0x50];
	v4 =	vmul.f32 v4, v3  }
0x1d0: {  	v9 =	vld [tilespmem:s11+$0x70];
	v1 =	vmul.f32 v1, v3;
	[tilespmem:s11+$0x60] =	vst v6  }
0x1d1: {  	v6 =	vmul.f32 v7, v3;
	[tilespmem:s11+$0x40] =	vst v4  }
0x1d2: {  	s0 =	sadd.s32 $0x3, s12;
	[tilespmem:s11+$0x20] =	vst v1;
	v1 =	vmul.f32 v2, v3  }
0x1d3: {  	v5 =	vmul.f32 v5, v3;
	[tilespmem:s11+$0x0] =	vst v6;
	v6 =	vmov s0  }
0x1d4: {  	v4 =	vmul.f32 v8, v3;
	[tilespmem:s11+$0x30] =	vst v1  }
0x1d5: {  	v3 =	vmul.f32 v9, v3;
	[tilespmem:s11+$0x10] =	vst v5  }
0x1d6: {  	[tilespmem:s11+$0x50] =	vst v4  }
0x1d7: {  	v2 =	vld [tilespmem:s11+$0x80];
	[tilespmem:s11+$0x70] =	vst v3  }
0x1d8: {  	v1 =	vld.idx.msk [tilespmem:v6+s28+$0x0], $0xffff  }
0x1d9: {  	v3 =	vld [tilespmem:s11+$0xA0]  }
0x1da: {  	v4 =	vld [tilespmem:s11+$0xC0]  }
0x1db: {  	v5 =	vld [tilespmem:s11+$0xF0]  }
0x1dc: {  	v6 =	vld [tilespmem:s11+$0xE0]  }
0x1dd: {  	v7 =	vld [tilespmem:s11+$0x90];
	v2 =	vmul.f32 v2, v1  }
0x1de: {  	v8 =	vld [tilespmem:s11+$0xB0];
	v3 =	vmul.f32 v3, v1  }
0x1df: {  	v61 =	vld [tilespmem:s11+$0xD0];
	[tilespmem:s11+$0x80] =	vst v2;
	v2 =	vmul.f32 v4, v1  }
0x1e0: {  	[tilespmem:s11+$0xA0] =	vst v3;
	v3 =	vmul.f32 v5, v1  }
0x1e1: {  	v4 =	vmul.f32 v6, v1;
	[tilespmem:s11+$0xC0] =	vst v2  }
0x1e2: {  	v2 =	vmul.f32 v7, v1;
	[tilespmem:s11+$0xF0] =	vst v3  }
0x1e3: {  	s12 =	simm.s32 $0x50;
	v3 =	vmul.f32 v8, v1;
	[tilespmem:s11+$0xE0] =	vst v4  }
0x1e4: {  	v1 =	vmul.f32 v61, v1;
	[tilespmem:s11+$0x90] =	vst v2;
	v2 =	vmov s12  }
0x1e5: {  	[tilespmem:s11+$0xB0] =	vst v3;
	v2 =	vand.u32 $0xFFFFFFFC, v2  }
0x1e6: {  	s23 =	simm.s32 $0x13AA8;
	[tilespmem:s11+$0xD0] =	vst v1;
	v1 =	vbroadcast v2, $0x0  }
0x1e7: {  	[spmem:s3] =	stream.indirect.scatter.add.f32 [tilespmem:s18], [sflag:$0x7], $0x80, s23, s16, $0xb8;
	[tilespmem:$0x1A280] =	vst v63  }
0x1e8: {  	_ =	swait.ge [sflag:s13], $0x1400  }
0x1e9: {  	[sflag:s13] =	ssyncset.done $0x0  }
0x1ea: {  	s11 =	simm.s32 $0x16780;
	[sflag:s13] =	ssyncadd.s32 $0xFFFFEC00  }
0x1eb: {  	v2 =	vld [tilespmem:s11+$0xFFFFFF70]  }
0x1ec: {  	v1 =	vld.idx.msk [tilespmem:v1+s28+$0x0], $0xffff  }
0x1ed: {  	v3 =	vld [tilespmem:s11+$0xFFFFFF00]  }
0x1ee: {  	v4 =	vld [tilespmem:s11+$0xFFFFFF20]  }
0x1ef: {  	v5 =	vld [tilespmem:s11+$0xFFFFFF50]  }
0x1f0: {  	v6 =	vld [tilespmem:s11+$0xFFFFFF40]  }
0x1f1: {  	v7 =	vld [tilespmem:s11+$0xFFFFFF60];
	v2 =	vmul.f32 v2, v1  }
0x1f2: {  	s5 =	simm.s32 $0x51;
	v8 =	vld [tilespmem:s11+$0xFFFFFF30];
	v3 =	vmul.f32 v3, v1  }
0x1f3: {  	v62 =	vld [tilespmem:s11+$0xFFFFFF10];
	v4 =	vmul.f32 v4, v1;
	[tilespmem:s11+$0xFFFFFF70] =	vst v2;
	v2 =	vmov s5  }
0x1f4: {  	v5 =	vmul.f32 v5, v1;
	[tilespmem:s11+$0xFFFFFF00] =	vst v3;
	v2 =	vand.u32 $0xFFFFFFFD, v2  }
0x1f5: {  	v3 =	vmul.f32 v6, v1;
	[tilespmem:s11+$0xFFFFFF20] =	vst v4;
	v2 =	vbroadcast v2, $0x0  }
0x1f6: {  	v4 =	vmul.f32 v7, v1;
	[tilespmem:s11+$0xFFFFFF50] =	vst v5  }
0x1f7: {  	v5 =	vmul.f32 v8, v1;
	[tilespmem:s11+$0xFFFFFF40] =	vst v3  }
0x1f8: {  	v1 =	vmul.f32 v62, v1;
	[tilespmem:s11+$0xFFFFFF60] =	vst v4  }
0x1f9: {  	[tilespmem:s11+$0xFFFFFF30] =	vst v5  }
0x1fa: {  	[tilespmem:s11+$0xFFFFFF10] =	vst v1;
	v1 =	vld [tilespmem:s11+$0xFFFFFF90]  }
0x1fb: {  	v3 =	vld.idx.msk [tilespmem:v2+s28+$0x0], $0xffff  }
0x1fc: {  	v2 =	vld [tilespmem:s11+$0xFFFFFFA0]  }
0x1fd: {  	v4 =	vld [tilespmem:s11+$0xFFFFFF80]  }
0x1fe: {  	v5 =	vld [tilespmem:s11+$0xFFFFFFB0]  }
0x1ff: {  	v6 =	vld [tilespmem:s11+$0xFFFFFFC0]  }
0x200: {  	v7 =	vld [tilespmem:s11+$0xFFFFFFD0];
	v1 =	vmul.f32 v1, v3  }
0x201: {  	s23 =	simm.s32 $0x52;
	v8 =	vld [tilespmem:s11+$0xFFFFFFF0];
	v2 =	vmul.f32 v2, v3  }
0x202: {  	v63 =	vld [tilespmem:s11+$0xFFFFFFE0];
	v4 =	vmul.f32 v4, v3;
	[tilespmem:s11+$0xFFFFFF90] =	vst v1;
	v1 =	vmov s23  }
0x203: {  	v5 =	vmul.f32 v5, v3;
	[tilespmem:s11+$0xFFFFFFA0] =	vst v2;
	v1 =	vand.u32 $0xFFFFFFFE, v1  }
0x204: {  	v2 =	vmul.f32 v6, v3;
	[tilespmem:s11+$0xFFFFFF80] =	vst v4;
	v6 =	vld [tilespmem:s11+$0x60];
	v10 =	vbroadcast v1, $0x0  }
0x205: {  	v4 =	vmul.f32 v7, v3;
	[tilespmem:s11+$0xFFFFFFB0] =	vst v5;
	v7 =	vld [tilespmem:s11+$0x0]  }
0x206: {  	v5 =	vmul.f32 v8, v3;
	v1 =	vld [tilespmem:s11+$0x20];
	[tilespmem:s11+$0xFFFFFFC0] =	vst v2  }
0x207: {  	v3 =	vmul.f32 v63, v3;
	v2 =	vld [tilespmem:s11+$0x30];
	[tilespmem:s11+$0xFFFFFFD0] =	vst v4  }
0x208: {  	[tilespmem:s11+$0xFFFFFFF0] =	vst v5;
	v4 =	vld [tilespmem:s11+$0x40]  }
0x209: {  	[tilespmem:s11+$0xFFFFFFE0] =	vst v3;
	v5 =	vld [tilespmem:s11+$0x10]  }
0x20a: {  	s30 =	simm.s32 $0x54;
	s0 =	simm.s32 $0x16780;
	v3 =	vld.idx.msk [tilespmem:v10+s28+$0x0], $0xffff  }
.LBB2_11:
0x20b: {  	p1 =	sne.s32 s30, $0x74  }
0x20c: {  	v8 =	vld [tilespmem:s11+$0x50];
	s0 =	sadd.s32 $0x200, s0;
	s5 =	smov.u32 s30;
	s30 =	sadd.s32 $0x4, s30  }
0x20d: {  	v9 =	vld [tilespmem:s11+$0x70];
	_ =	sdelay $0x1  }
0x20e: {  	v6 =	vmul.f32 v6, v3;
	v7 =	vmul.f32 v7, v3  }
0x20f: {  	v4 =	vmul.f32 v4, v3;
	v5 =	vmul.f32 v5, v3  }
0x210: {  	v1 =	vmul.f32 v1, v3;
	v2 =	vmul.f32 v2, v3;
	[tilespmem:s11+$0x60] =	vst v6  }
0x211: {  	[tilespmem:s11+$0x40] =	vst v4;
	v4 =	vmul.f32 v8, v3;
	v3 =	vmul.f32 v9, v3  }
0x212: {  	s23 =	sadd.s32 $0x3, s12;
	s12 =	smov.u32 s5;
	[tilespmem:s11+$0x20] =	vst v1;
	v6 =	vld [tilespmem:s11+$0x80]  }
0x213: {  	v1 =	vld [tilespmem:s0+$0x20];
	[tilespmem:s11+$0x0] =	vst v7;
	v7 =	vmov s23  }
0x214: {  	[tilespmem:s11+$0x50] =	vst v4;
	v4 =	vld [tilespmem:s11+$0xE0]  }
0x215: {  	[tilespmem:s11+$0x30] =	vst v2;
	v8 =	vld [tilespmem:s11+$0xC0]  }
0x216: {  	v2 =	vld [tilespmem:s0+$0x30];
	[tilespmem:s11+$0x10] =	vst v5  }
0x217: {  	[tilespmem:s11+$0x70] =	vst v3;
	v3 =	vld [tilespmem:s11+$0xA0]  }
0x218: {  	v5 =	vld.idx.msk [tilespmem:v7+s28+$0x0], $0xffff  }
0x219: {  	v7 =	vld [tilespmem:s11+$0x90]  }
0x21a: {  	v9 =	vld [tilespmem:s11+$0xB0]  }
0x21b: {  	v10 =	vld [tilespmem:s11+$0xD0]  }
0x21c: {  	v11 =	vld [tilespmem:s11+$0xF0];
	_ =	sdelay $0x1  }
0x21d: {  	v6 =	vmul.f32 v6, v5;
	v7 =	vmul.f32 v7, v5  }
0x21e: {  	v3 =	vmul.f32 v3, v5;
	v9 =	vmul.f32 v9, v5  }
0x21f: {  	v12 =	vmov s12;
	[tilespmem:s11+$0x80] =	vst v6;
	v6 =	vmul.f32 v8, v5;
	v8 =	vmul.f32 v10, v5  }
0x220: {  	v10 =	vand.u32 $0xFFFFFFFC, v12;
	[tilespmem:s11+$0xA0] =	vst v3;
	v3 =	vmul.f32 v4, v5;
	v4 =	vmul.f32 v11, v5  }
0x221: {  	v5 =	vbroadcast v10, $0x0;
	[tilespmem:s11+$0xC0] =	vst v6  }
0x222: {  	[tilespmem:s11+$0xF0] =	vst v4  }
0x223: {  	v4 =	vld [tilespmem:s0+$0xFFFFFF40];
	[tilespmem:s11+$0xE0] =	vst v3  }
0x224: {  	v3 =	vld [tilespmem:s0+$0xFFFFFF50];
	[tilespmem:s11+$0x90] =	vst v7  }
0x225: {  	v6 =	vld [tilespmem:s0+$0xFFFFFF60];
	[tilespmem:s11+$0xB0] =	vst v9  }
0x226: {  	v7 =	vld [tilespmem:s0+$0xFFFFFF70];
	[tilespmem:s11+$0xD0] =	vst v8;
	s11 =	smov.u32 s0  }
0x227: {  	v5 =	vld.idx.msk [tilespmem:v5+s28+$0x0], $0xffff  }
0x228: {  	v8 =	vld [tilespmem:s0+$0xFFFFFF00]  }
0x229: {  	v9 =	vld [tilespmem:s0+$0xFFFFFF20]  }
0x22a: {  	v10 =	vld [tilespmem:s0+$0xFFFFFF10]  }
0x22b: {  	v11 =	vld [tilespmem:s0+$0xFFFFFF30];
	_ =	sdelay $0x1  }
0x22c: {  	v7 =	vmul.f32 v7, v5;
	v8 =	vmul.f32 v8, v5  }
0x22d: {  	s5 =	sadd.s32 $0x1, s12;
	v6 =	vmul.f32 v6, v5;
	v9 =	vmul.f32 v9, v5  }
0x22e: {  	v3 =	vmul.f32 v3, v5;
	v10 =	vmul.f32 v10, v5;
	[tilespmem:s0+$0xFFFFFF70] =	vst v7;
	v7 =	vmov s5  }
0x22f: {  	v4 =	vmul.f32 v4, v5;
	[tilespmem:s0+$0xFFFFFF00] =	vst v8;
	v8 =	vmul.f32 v11, v5;
	v5 =	vand.u32 $0xFFFFFFFD, v7  }
0x230: {  	[tilespmem:s0+$0xFFFFFF20] =	vst v9;
	v5 =	vbroadcast v5, $0x0  }
0x231: {  	[tilespmem:s0+$0xFFFFFF50] =	vst v3  }
0x232: {  	[tilespmem:s0+$0xFFFFFF40] =	vst v4;
	v3 =	vld [tilespmem:s0+$0xFFFFFFF0]  }
0x233: {  	[tilespmem:s0+$0xFFFFFF60] =	vst v6;
	v4 =	vld [tilespmem:s0+$0xFFFFFFC0]  }
0x234: {  	[tilespmem:s0+$0xFFFFFF30] =	vst v8;
	v6 =	vld [tilespmem:s0+$0xFFFFFFD0]  }
0x235: {  	[tilespmem:s0+$0xFFFFFF10] =	vst v10;
	v7 =	vld [tilespmem:s0+$0xFFFFFF90]  }
0x236: {  	v5 =	vld.idx.msk [tilespmem:v5+s28+$0x0], $0xffff  }
0x237: {  	v8 =	vld [tilespmem:s0+$0xFFFFFF80]  }
0x238: {  	v9 =	vld [tilespmem:s0+$0xFFFFFFA0]  }
0x239: {  	v10 =	vld [tilespmem:s0+$0xFFFFFFB0]  }
0x23a: {  	v11 =	vld [tilespmem:s0+$0xFFFFFFE0];
	_ =	sdelay $0x1  }
0x23b: {  	v7 =	vmul.f32 v7, v5;
	v8 =	vmul.f32 v8, v5  }
0x23c: {  	s5 =	sadd.s32 $0x2, s12;
	v6 =	vmul.f32 v6, v5;
	v9 =	vmul.f32 v9, v5  }
0x23d: {  	v4 =	vmul.f32 v4, v5;
	[tilespmem:s0+$0xFFFFFF90] =	vst v7;
	v7 =	vmul.f32 v10, v5;
	v10 =	vmov s5  }
0x23e: {  	v3 =	vmul.f32 v3, v5;
	[tilespmem:s0+$0xFFFFFFA0] =	vst v9;
	v9 =	vmul.f32 v11, v5;
	v5 =	vand.u32 $0xFFFFFFFE, v10  }
0x23f: {  	[tilespmem:s0+$0xFFFFFF80] =	vst v8;
	v5 =	vbroadcast v5, $0x0  }
0x240: {  	[tilespmem:s0+$0xFFFFFFB0] =	vst v7  }
0x241: {  	[tilespmem:s0+$0xFFFFFFC0] =	vst v4  }
0x242: {  	[tilespmem:s0+$0xFFFFFFD0] =	vst v6  }
.Ltmp4:
0x243: {  	[tilespmem:s0+$0xFFFFFFF0] =	vst v3;
	v4 =	vld [tilespmem:s0+$0x40];
	(pc) =	sbr.rel @p1 .LBB2_11-.Ltmp4, $4  }
0x244: {  	[tilespmem:s0+$0xFFFFFFE0] =	vst v9;
	v6 =	vld [tilespmem:s0+$0x60]  }
0x245: {  	v3 =	vld.idx.msk [tilespmem:v5+s28+$0x0], $0xffff  }
0x246: {  	v7 =	vld [tilespmem:s0+$0x0]  }
0x247: {  	v5 =	vld [tilespmem:s0+$0x10]  }
0x248: {  	_ =	sdelay $0x1  }
0x249: {  	v6 =	vmul.f32 v6, v3  }
0x24a: {  	v8 =	vld [tilespmem:s11+$0x50];
	v4 =	vmul.f32 v4, v3  }
0x24b: {  	v9 =	vld [tilespmem:s11+$0x70];
	v1 =	vmul.f32 v1, v3;
	[tilespmem:s11+$0x60] =	vst v6  }
0x24c: {  	v6 =	vmul.f32 v7, v3;
	[tilespmem:s11+$0x40] =	vst v4  }
0x24d: {  	s0 =	sadd.s32 $0x3, s12;
	[tilespmem:s11+$0x20] =	vst v1;
	v1 =	vmul.f32 v2, v3  }
0x24e: {  	v5 =	vmul.f32 v5, v3;
	[tilespmem:s11+$0x0] =	vst v6;
	v6 =	vmov s0  }
0x24f: {  	v4 =	vmul.f32 v8, v3;
	[tilespmem:s11+$0x30] =	vst v1  }
0x250: {  	v3 =	vmul.f32 v9, v3;
	[tilespmem:s11+$0x10] =	vst v5  }
0x251: {  	[tilespmem:s11+$0x50] =	vst v4  }
0x252: {  	v2 =	vld [tilespmem:s11+$0x80];
	[tilespmem:s11+$0x70] =	vst v3  }
0x253: {  	v1 =	vld.idx.msk [tilespmem:v6+s28+$0x0], $0xffff  }
0x254: {  	v3 =	vld [tilespmem:s11+$0xA0]  }
0x255: {  	v4 =	vld [tilespmem:s11+$0xC0]  }
0x256: {  	v5 =	vld [tilespmem:s11+$0xF0]  }
0x257: {  	v6 =	vld [tilespmem:s11+$0xE0]  }
0x258: {  	v7 =	vld [tilespmem:s11+$0x90];
	v2 =	vmul.f32 v2, v1  }
0x259: {  	v8 =	vld [tilespmem:s11+$0xB0];
	v3 =	vmul.f32 v3, v1  }
0x25a: {  	v61 =	vld [tilespmem:s11+$0xD0];
	[tilespmem:s11+$0x80] =	vst v2;
	v2 =	vmul.f32 v4, v1  }
0x25b: {  	[tilespmem:s11+$0xA0] =	vst v3;
	v3 =	vmul.f32 v5, v1  }
0x25c: {  	v4 =	vmul.f32 v6, v1;
	[tilespmem:s11+$0xC0] =	vst v2  }
0x25d: {  	v2 =	vmul.f32 v7, v1;
	[tilespmem:s11+$0xF0] =	vst v3  }
0x25e: {  	s12 =	simm.s32 $0x78;
	v3 =	vmul.f32 v8, v1;
	[tilespmem:s11+$0xE0] =	vst v4  }
0x25f: {  	v1 =	vmul.f32 v61, v1;
	[tilespmem:s11+$0x90] =	vst v2;
	v2 =	vmov s12  }
0x260: {  	[tilespmem:s11+$0xB0] =	vst v3;
	v2 =	vand.u32 $0xFFFFFFFC, v2  }
0x261: {  	s23 =	simm.s32 $0x13AD0;
	[tilespmem:s11+$0xD0] =	vst v1;
	v1 =	vbroadcast v2, $0x0  }
0x262: {  	[spmem:s3] =	stream.indirect.scatter.add.f32 [tilespmem:s20], [sflag:$0x8], $0x80, s23, s16, $0xb8;
	[tilespmem:$0x1A280] =	vst v63  }
0x263: {  	_ =	swait.ge [sflag:s14], $0x1400  }
0x264: {  	[sflag:s14] =	ssyncset.done $0x0  }
0x265: {  	s11 =	simm.s32 $0x17B80;
	[sflag:s14] =	ssyncadd.s32 $0xFFFFEC00  }
0x266: {  	v2 =	vld [tilespmem:s11+$0xFFFFFF70]  }
0x267: {  	v1 =	vld.idx.msk [tilespmem:v1+s28+$0x0], $0xffff  }
0x268: {  	v3 =	vld [tilespmem:s11+$0xFFFFFF00]  }
0x269: {  	v4 =	vld [tilespmem:s11+$0xFFFFFF20]  }
0x26a: {  	v5 =	vld [tilespmem:s11+$0xFFFFFF50]  }
0x26b: {  	v6 =	vld [tilespmem:s11+$0xFFFFFF40]  }
0x26c: {  	v7 =	vld [tilespmem:s11+$0xFFFFFF60];
	v2 =	vmul.f32 v2, v1  }
0x26d: {  	s5 =	simm.s32 $0x79;
	v8 =	vld [tilespmem:s11+$0xFFFFFF30];
	v3 =	vmul.f32 v3, v1  }
0x26e: {  	v62 =	vld [tilespmem:s11+$0xFFFFFF10];
	v4 =	vmul.f32 v4, v1;
	[tilespmem:s11+$0xFFFFFF70] =	vst v2;
	v2 =	vmov s5  }
0x26f: {  	v5 =	vmul.f32 v5, v1;
	[tilespmem:s11+$0xFFFFFF00] =	vst v3;
	v2 =	vand.u32 $0xFFFFFFFD, v2  }
0x270: {  	v3 =	vmul.f32 v6, v1;
	[tilespmem:s11+$0xFFFFFF20] =	vst v4;
	v2 =	vbroadcast v2, $0x0  }
0x271: {  	v4 =	vmul.f32 v7, v1;
	[tilespmem:s11+$0xFFFFFF50] =	vst v5  }
0x272: {  	v5 =	vmul.f32 v8, v1;
	[tilespmem:s11+$0xFFFFFF40] =	vst v3  }
0x273: {  	v1 =	vmul.f32 v62, v1;
	[tilespmem:s11+$0xFFFFFF60] =	vst v4  }
0x274: {  	[tilespmem:s11+$0xFFFFFF30] =	vst v5  }
0x275: {  	[tilespmem:s11+$0xFFFFFF10] =	vst v1;
	v1 =	vld [tilespmem:s11+$0xFFFFFF90]  }
0x276: {  	v3 =	vld.idx.msk [tilespmem:v2+s28+$0x0], $0xffff  }
0x277: {  	v2 =	vld [tilespmem:s11+$0xFFFFFFA0]  }
0x278: {  	v4 =	vld [tilespmem:s11+$0xFFFFFF80]  }
0x279: {  	v5 =	vld [tilespmem:s11+$0xFFFFFFB0]  }
0x27a: {  	v6 =	vld [tilespmem:s11+$0xFFFFFFC0]  }
0x27b: {  	v7 =	vld [tilespmem:s11+$0xFFFFFFD0];
	v1 =	vmul.f32 v1, v3  }
0x27c: {  	s23 =	simm.s32 $0x7A;
	v8 =	vld [tilespmem:s11+$0xFFFFFFF0];
	v2 =	vmul.f32 v2, v3  }
0x27d: {  	v63 =	vld [tilespmem:s11+$0xFFFFFFE0];
	v4 =	vmul.f32 v4, v3;
	[tilespmem:s11+$0xFFFFFF90] =	vst v1;
	v1 =	vmov s23  }
0x27e: {  	v5 =	vmul.f32 v5, v3;
	[tilespmem:s11+$0xFFFFFFA0] =	vst v2;
	v1 =	vand.u32 $0xFFFFFFFE, v1  }
0x27f: {  	v2 =	vmul.f32 v6, v3;
	[tilespmem:s11+$0xFFFFFF80] =	vst v4;
	v6 =	vld [tilespmem:s11+$0x60];
	v10 =	vbroadcast v1, $0x0  }
0x280: {  	v4 =	vmul.f32 v7, v3;
	[tilespmem:s11+$0xFFFFFFB0] =	vst v5;
	v7 =	vld [tilespmem:s11+$0x0]  }
0x281: {  	v5 =	vmul.f32 v8, v3;
	v1 =	vld [tilespmem:s11+$0x20];
	[tilespmem:s11+$0xFFFFFFC0] =	vst v2  }
0x282: {  	v3 =	vmul.f32 v63, v3;
	v2 =	vld [tilespmem:s11+$0x30];
	[tilespmem:s11+$0xFFFFFFD0] =	vst v4  }
0x283: {  	[tilespmem:s11+$0xFFFFFFF0] =	vst v5;
	v4 =	vld [tilespmem:s11+$0x40]  }
0x284: {  	[tilespmem:s11+$0xFFFFFFE0] =	vst v3;
	v5 =	vld [tilespmem:s11+$0x10]  }
0x285: {  	s30 =	simm.s32 $0x7C;
	s0 =	simm.s32 $0x17B80;
	v3 =	vld.idx.msk [tilespmem:v10+s28+$0x0], $0xffff  }
.LBB2_13:
0x286: {  	p1 =	sne.s32 s30, $0x9C  }
0x287: {  	v8 =	vld [tilespmem:s11+$0x50];
	s0 =	sadd.s32 $0x200, s0;
	s5 =	smov.u32 s30;
	s30 =	sadd.s32 $0x4, s30  }
0x288: {  	v9 =	vld [tilespmem:s11+$0x70];
	_ =	sdelay $0x1  }
0x289: {  	v6 =	vmul.f32 v6, v3;
	v7 =	vmul.f32 v7, v3  }
0x28a: {  	v4 =	vmul.f32 v4, v3;
	v5 =	vmul.f32 v5, v3  }
0x28b: {  	v1 =	vmul.f32 v1, v3;
	v2 =	vmul.f32 v2, v3;
	[tilespmem:s11+$0x60] =	vst v6  }
0x28c: {  	[tilespmem:s11+$0x40] =	vst v4;
	v4 =	vmul.f32 v8, v3;
	v3 =	vmul.f32 v9, v3  }
0x28d: {  	s23 =	sadd.s32 $0x3, s12;
	s12 =	smov.u32 s5;
	[tilespmem:s11+$0x20] =	vst v1;
	v6 =	vld [tilespmem:s11+$0x80]  }
0x28e: {  	v1 =	vld [tilespmem:s0+$0x20];
	[tilespmem:s11+$0x0] =	vst v7;
	v7 =	vmov s23  }
0x28f: {  	[tilespmem:s11+$0x50] =	vst v4;
	v4 =	vld [tilespmem:s11+$0xE0]  }
0x290: {  	[tilespmem:s11+$0x30] =	vst v2;
	v8 =	vld [tilespmem:s11+$0xC0]  }
0x291: {  	v2 =	vld [tilespmem:s0+$0x30];
	[tilespmem:s11+$0x10] =	vst v5  }
0x292: {  	[tilespmem:s11+$0x70] =	vst v3;
	v3 =	vld [tilespmem:s11+$0xA0]  }
0x293: {  	v5 =	vld.idx.msk [tilespmem:v7+s28+$0x0], $0xffff  }
0x294: {  	v7 =	vld [tilespmem:s11+$0x90]  }
0x295: {  	v9 =	vld [tilespmem:s11+$0xB0]  }
0x296: {  	v10 =	vld [tilespmem:s11+$0xD0]  }
0x297: {  	v11 =	vld [tilespmem:s11+$0xF0];
	_ =	sdelay $0x1  }
0x298: {  	v6 =	vmul.f32 v6, v5;
	v7 =	vmul.f32 v7, v5  }
0x299: {  	v3 =	vmul.f32 v3, v5;
	v9 =	vmul.f32 v9, v5  }
0x29a: {  	v12 =	vmov s12;
	[tilespmem:s11+$0x80] =	vst v6;
	v6 =	vmul.f32 v8, v5;
	v8 =	vmul.f32 v10, v5  }
0x29b: {  	v10 =	vand.u32 $0xFFFFFFFC, v12;
	[tilespmem:s11+$0xA0] =	vst v3;
	v3 =	vmul.f32 v4, v5;
	v4 =	vmul.f32 v11, v5  }
0x29c: {  	v5 =	vbroadcast v10, $0x0;
	[tilespmem:s11+$0xC0] =	vst v6  }
0x29d: {  	[tilespmem:s11+$0xF0] =	vst v4  }
0x29e: {  	v4 =	vld [tilespmem:s0+$0xFFFFFF40];
	[tilespmem:s11+$0xE0] =	vst v3  }
0x29f: {  	v3 =	vld [tilespmem:s0+$0xFFFFFF50];
	[tilespmem:s11+$0x90] =	vst v7  }
0x2a0: {  	v6 =	vld [tilespmem:s0+$0xFFFFFF60];
	[tilespmem:s11+$0xB0] =	vst v9  }
0x2a1: {  	v7 =	vld [tilespmem:s0+$0xFFFFFF70];
	[tilespmem:s11+$0xD0] =	vst v8;
	s11 =	smov.u32 s0  }
0x2a2: {  	v5 =	vld.idx.msk [tilespmem:v5+s28+$0x0], $0xffff  }
0x2a3: {  	v8 =	vld [tilespmem:s0+$0xFFFFFF00]  }
0x2a4: {  	v9 =	vld [tilespmem:s0+$0xFFFFFF20]  }
0x2a5: {  	v10 =	vld [tilespmem:s0+$0xFFFFFF10]  }
0x2a6: {  	v11 =	vld [tilespmem:s0+$0xFFFFFF30];
	_ =	sdelay $0x1  }
0x2a7: {  	v7 =	vmul.f32 v7, v5;
	v8 =	vmul.f32 v8, v5  }
0x2a8: {  	s5 =	sadd.s32 $0x1, s12;
	v6 =	vmul.f32 v6, v5;
	v9 =	vmul.f32 v9, v5  }
0x2a9: {  	v3 =	vmul.f32 v3, v5;
	v10 =	vmul.f32 v10, v5;
	[tilespmem:s0+$0xFFFFFF70] =	vst v7;
	v7 =	vmov s5  }
0x2aa: {  	v4 =	vmul.f32 v4, v5;
	[tilespmem:s0+$0xFFFFFF00] =	vst v8;
	v8 =	vmul.f32 v11, v5;
	v5 =	vand.u32 $0xFFFFFFFD, v7  }
0x2ab: {  	[tilespmem:s0+$0xFFFFFF20] =	vst v9;
	v5 =	vbroadcast v5, $0x0  }
0x2ac: {  	[tilespmem:s0+$0xFFFFFF50] =	vst v3  }
0x2ad: {  	[tilespmem:s0+$0xFFFFFF40] =	vst v4;
	v3 =	vld [tilespmem:s0+$0xFFFFFFF0]  }
0x2ae: {  	[tilespmem:s0+$0xFFFFFF60] =	vst v6;
	v4 =	vld [tilespmem:s0+$0xFFFFFFC0]  }
0x2af: {  	[tilespmem:s0+$0xFFFFFF30] =	vst v8;
	v6 =	vld [tilespmem:s0+$0xFFFFFFD0]  }
0x2b0: {  	[tilespmem:s0+$0xFFFFFF10] =	vst v10;
	v7 =	vld [tilespmem:s0+$0xFFFFFF90]  }
0x2b1: {  	v5 =	vld.idx.msk [tilespmem:v5+s28+$0x0], $0xffff  }
0x2b2: {  	v8 =	vld [tilespmem:s0+$0xFFFFFF80]  }
0x2b3: {  	v9 =	vld [tilespmem:s0+$0xFFFFFFA0]  }
0x2b4: {  	v10 =	vld [tilespmem:s0+$0xFFFFFFB0]  }
0x2b5: {  	v11 =	vld [tilespmem:s0+$0xFFFFFFE0];
	_ =	sdelay $0x1  }
0x2b6: {  	v7 =	vmul.f32 v7, v5;
	v8 =	vmul.f32 v8, v5  }
0x2b7: {  	s5 =	sadd.s32 $0x2, s12;
	v6 =	vmul.f32 v6, v5;
	v9 =	vmul.f32 v9, v5  }
0x2b8: {  	v4 =	vmul.f32 v4, v5;
	[tilespmem:s0+$0xFFFFFF90] =	vst v7;
	v7 =	vmul.f32 v10, v5;
	v10 =	vmov s5  }
0x2b9: {  	v3 =	vmul.f32 v3, v5;
	[tilespmem:s0+$0xFFFFFFA0] =	vst v9;
	v9 =	vmul.f32 v11, v5;
	v5 =	vand.u32 $0xFFFFFFFE, v10  }
0x2ba: {  	[tilespmem:s0+$0xFFFFFF80] =	vst v8;
	v5 =	vbroadcast v5, $0x0  }
0x2bb: {  	[tilespmem:s0+$0xFFFFFFB0] =	vst v7  }
0x2bc: {  	[tilespmem:s0+$0xFFFFFFC0] =	vst v4  }
0x2bd: {  	[tilespmem:s0+$0xFFFFFFD0] =	vst v6  }
.Ltmp5:
0x2be: {  	[tilespmem:s0+$0xFFFFFFF0] =	vst v3;
	v4 =	vld [tilespmem:s0+$0x40];
	(pc) =	sbr.rel @p1 .LBB2_13-.Ltmp5, $4  }
0x2bf: {  	[tilespmem:s0+$0xFFFFFFE0] =	vst v9;
	v6 =	vld [tilespmem:s0+$0x60]  }
0x2c0: {  	v3 =	vld.idx.msk [tilespmem:v5+s28+$0x0], $0xffff  }
0x2c1: {  	v7 =	vld [tilespmem:s0+$0x0]  }
0x2c2: {  	v5 =	vld [tilespmem:s0+$0x10]  }
0x2c3: {  	_ =	sdelay $0x1  }
0x2c4: {  	v6 =	vmul.f32 v6, v3  }
0x2c5: {  	v8 =	vld [tilespmem:s11+$0x50];
	v4 =	vmul.f32 v4, v3  }
0x2c6: {  	v9 =	vld [tilespmem:s11+$0x70];
	v1 =	vmul.f32 v1, v3;
	[tilespmem:s11+$0x60] =	vst v6  }
0x2c7: {  	v6 =	vmul.f32 v7, v3;
	[tilespmem:s11+$0x40] =	vst v4  }
0x2c8: {  	s0 =	sadd.s32 $0x3, s12;
	[tilespmem:s11+$0x20] =	vst v1;
	v1 =	vmul.f32 v2, v3  }
0x2c9: {  	v5 =	vmul.f32 v5, v3;
	[tilespmem:s11+$0x0] =	vst v6;
	v6 =	vmov s0  }
0x2ca: {  	v4 =	vmul.f32 v8, v3;
	[tilespmem:s11+$0x30] =	vst v1  }
0x2cb: {  	v3 =	vmul.f32 v9, v3;
	[tilespmem:s11+$0x10] =	vst v5  }
0x2cc: {  	[tilespmem:s11+$0x50] =	vst v4  }
0x2cd: {  	v2 =	vld [tilespmem:s11+$0x80];
	[tilespmem:s11+$0x70] =	vst v3  }
0x2ce: {  	v1 =	vld.idx.msk [tilespmem:v6+s28+$0x0], $0xffff  }
0x2cf: {  	v3 =	vld [tilespmem:s11+$0xA0]  }
0x2d0: {  	v4 =	vld [tilespmem:s11+$0xC0]  }
0x2d1: {  	v5 =	vld [tilespmem:s11+$0xF0]  }
0x2d2: {  	v6 =	vld [tilespmem:s11+$0xE0]  }
0x2d3: {  	v7 =	vld [tilespmem:s11+$0x90];
	v2 =	vmul.f32 v2, v1  }
0x2d4: {  	v8 =	vld [tilespmem:s11+$0xB0];
	v3 =	vmul.f32 v3, v1  }
0x2d5: {  	v61 =	vld [tilespmem:s11+$0xD0];
	[tilespmem:s11+$0x80] =	vst v2;
	v2 =	vmul.f32 v4, v1  }
0x2d6: {  	[tilespmem:s11+$0xA0] =	vst v3;
	v3 =	vmul.f32 v5, v1  }
0x2d7: {  	v4 =	vmul.f32 v6, v1;
	[tilespmem:s11+$0xC0] =	vst v2  }
0x2d8: {  	v2 =	vmul.f32 v7, v1;
	[tilespmem:s11+$0xF0] =	vst v3  }
0x2d9: {  	s12 =	simm.s32 $0xA0;
	v3 =	vmul.f32 v8, v1;
	[tilespmem:s11+$0xE0] =	vst v4  }
0x2da: {  	v1 =	vmul.f32 v61, v1;
	[tilespmem:s11+$0x90] =	vst v2;
	v2 =	vmov s12  }
0x2db: {  	[tilespmem:s11+$0xB0] =	vst v3;
	v2 =	vand.u32 $0xFFFFFFFC, v2  }
0x2dc: {  	s23 =	simm.s32 $0x13AF8;
	[tilespmem:s11+$0xD0] =	vst v1;
	v1 =	vbroadcast v2, $0x0  }
0x2dd: {  	[spmem:s3] =	stream.indirect.scatter.add.f32 [tilespmem:s22], [sflag:$0x9], $0x80, s23, s16, $0xb8;
	[tilespmem:$0x1A280] =	vst v63  }
0x2de: {  	_ =	swait.ge [sflag:s19], $0x1400  }
0x2df: {  	[sflag:s19] =	ssyncset.done $0x0  }
0x2e0: {  	s11 =	simm.s32 $0x18F80;
	[sflag:s19] =	ssyncadd.s32 $0xFFFFEC00  }
0x2e1: {  	v2 =	vld [tilespmem:s11+$0xFFFFFF70]  }
0x2e2: {  	v1 =	vld.idx.msk [tilespmem:v1+s28+$0x0], $0xffff  }
0x2e3: {  	v3 =	vld [tilespmem:s11+$0xFFFFFF00]  }
0x2e4: {  	v4 =	vld [tilespmem:s11+$0xFFFFFF20]  }
0x2e5: {  	v5 =	vld [tilespmem:s11+$0xFFFFFF50]  }
0x2e6: {  	v6 =	vld [tilespmem:s11+$0xFFFFFF40]  }
0x2e7: {  	v7 =	vld [tilespmem:s11+$0xFFFFFF60];
	v2 =	vmul.f32 v2, v1  }
0x2e8: {  	s5 =	simm.s32 $0xA1;
	v8 =	vld [tilespmem:s11+$0xFFFFFF30];
	v3 =	vmul.f32 v3, v1  }
0x2e9: {  	v62 =	vld [tilespmem:s11+$0xFFFFFF10];
	v4 =	vmul.f32 v4, v1;
	[tilespmem:s11+$0xFFFFFF70] =	vst v2;
	v2 =	vmov s5  }
0x2ea: {  	v5 =	vmul.f32 v5, v1;
	[tilespmem:s11+$0xFFFFFF00] =	vst v3;
	v2 =	vand.u32 $0xFFFFFFFD, v2  }
0x2eb: {  	v3 =	vmul.f32 v6, v1;
	[tilespmem:s11+$0xFFFFFF20] =	vst v4;
	v2 =	vbroadcast v2, $0x0  }
0x2ec: {  	v4 =	vmul.f32 v7, v1;
	[tilespmem:s11+$0xFFFFFF50] =	vst v5  }
0x2ed: {  	v5 =	vmul.f32 v8, v1;
	[tilespmem:s11+$0xFFFFFF40] =	vst v3  }
0x2ee: {  	v1 =	vmul.f32 v62, v1;
	[tilespmem:s11+$0xFFFFFF60] =	vst v4  }
0x2ef: {  	[tilespmem:s11+$0xFFFFFF30] =	vst v5  }
0x2f0: {  	[tilespmem:s11+$0xFFFFFF10] =	vst v1;
	v1 =	vld [tilespmem:s11+$0xFFFFFF90]  }
0x2f1: {  	v3 =	vld.idx.msk [tilespmem:v2+s28+$0x0], $0xffff  }
0x2f2: {  	v2 =	vld [tilespmem:s11+$0xFFFFFFA0]  }
0x2f3: {  	v4 =	vld [tilespmem:s11+$0xFFFFFF80]  }
0x2f4: {  	v5 =	vld [tilespmem:s11+$0xFFFFFFB0]  }
0x2f5: {  	v6 =	vld [tilespmem:s11+$0xFFFFFFC0]  }
0x2f6: {  	v7 =	vld [tilespmem:s11+$0xFFFFFFD0];
	v1 =	vmul.f32 v1, v3  }
0x2f7: {  	s23 =	simm.s32 $0xA2;
	v8 =	vld [tilespmem:s11+$0xFFFFFFF0];
	v2 =	vmul.f32 v2, v3  }
0x2f8: {  	v63 =	vld [tilespmem:s11+$0xFFFFFFE0];
	v4 =	vmul.f32 v4, v3;
	[tilespmem:s11+$0xFFFFFF90] =	vst v1;
	v1 =	vmov s23  }
0x2f9: {  	v5 =	vmul.f32 v5, v3;
	[tilespmem:s11+$0xFFFFFFA0] =	vst v2;
	v1 =	vand.u32 $0xFFFFFFFE, v1  }
0x2fa: {  	v2 =	vmul.f32 v6, v3;
	[tilespmem:s11+$0xFFFFFF80] =	vst v4;
	v6 =	vld [tilespmem:s11+$0x60];
	v10 =	vbroadcast v1, $0x0  }
0x2fb: {  	v4 =	vmul.f32 v7, v3;
	[tilespmem:s11+$0xFFFFFFB0] =	vst v5;
	v7 =	vld [tilespmem:s11+$0x0]  }
0x2fc: {  	v5 =	vmul.f32 v8, v3;
	v1 =	vld [tilespmem:s11+$0x20];
	[tilespmem:s11+$0xFFFFFFC0] =	vst v2  }
0x2fd: {  	v3 =	vmul.f32 v63, v3;
	v2 =	vld [tilespmem:s11+$0x30];
	[tilespmem:s11+$0xFFFFFFD0] =	vst v4  }
0x2fe: {  	[tilespmem:s11+$0xFFFFFFF0] =	vst v5;
	v4 =	vld [tilespmem:s11+$0x40]  }
0x2ff: {  	[tilespmem:s11+$0xFFFFFFE0] =	vst v3;
	v5 =	vld [tilespmem:s11+$0x10]  }
0x300: {  	s30 =	simm.s32 $0xA4;
	s0 =	simm.s32 $0x18F80;
	v3 =	vld.idx.msk [tilespmem:v10+s28+$0x0], $0xffff  }
.LBB2_15:
0x301: {  	p1 =	sne.s32 s30, $0xC4  }
0x302: {  	v8 =	vld [tilespmem:s11+$0x50];
	s0 =	sadd.s32 $0x200, s0;
	s5 =	smov.u32 s30;
	s30 =	sadd.s32 $0x4, s30  }
0x303: {  	v9 =	vld [tilespmem:s11+$0x70];
	_ =	sdelay $0x1  }
0x304: {  	v6 =	vmul.f32 v6, v3;
	v7 =	vmul.f32 v7, v3  }
0x305: {  	v4 =	vmul.f32 v4, v3;
	v5 =	vmul.f32 v5, v3  }
0x306: {  	v1 =	vmul.f32 v1, v3;
	v2 =	vmul.f32 v2, v3;
	[tilespmem:s11+$0x60] =	vst v6  }
0x307: {  	[tilespmem:s11+$0x40] =	vst v4;
	v4 =	vmul.f32 v8, v3;
	v3 =	vmul.f32 v9, v3  }
0x308: {  	s23 =	sadd.s32 $0x3, s12;
	s12 =	smov.u32 s5;
	[tilespmem:s11+$0x20] =	vst v1;
	v6 =	vld [tilespmem:s11+$0x80]  }
0x309: {  	v1 =	vld [tilespmem:s0+$0x20];
	[tilespmem:s11+$0x0] =	vst v7;
	v7 =	vmov s23  }
0x30a: {  	[tilespmem:s11+$0x50] =	vst v4;
	v4 =	vld [tilespmem:s11+$0xE0]  }
0x30b: {  	[tilespmem:s11+$0x30] =	vst v2;
	v8 =	vld [tilespmem:s11+$0xC0]  }
0x30c: {  	v2 =	vld [tilespmem:s0+$0x30];
	[tilespmem:s11+$0x10] =	vst v5  }
0x30d: {  	[tilespmem:s11+$0x70] =	vst v3;
	v3 =	vld [tilespmem:s11+$0xA0]  }
0x30e: {  	v5 =	vld.idx.msk [tilespmem:v7+s28+$0x0], $0xffff  }
0x30f: {  	v7 =	vld [tilespmem:s11+$0x90]  }
0x310: {  	v9 =	vld [tilespmem:s11+$0xB0]  }
0x311: {  	v10 =	vld [tilespmem:s11+$0xD0]  }
0x312: {  	v11 =	vld [tilespmem:s11+$0xF0];
	_ =	sdelay $0x1  }
0x313: {  	v6 =	vmul.f32 v6, v5;
	v7 =	vmul.f32 v7, v5  }
0x314: {  	v3 =	vmul.f32 v3, v5;
	v9 =	vmul.f32 v9, v5  }
0x315: {  	v12 =	vmov s12;
	[tilespmem:s11+$0x80] =	vst v6;
	v6 =	vmul.f32 v8, v5;
	v8 =	vmul.f32 v10, v5  }
0x316: {  	v10 =	vand.u32 $0xFFFFFFFC, v12;
	[tilespmem:s11+$0xA0] =	vst v3;
	v3 =	vmul.f32 v4, v5;
	v4 =	vmul.f32 v11, v5  }
0x317: {  	v5 =	vbroadcast v10, $0x0;
	[tilespmem:s11+$0xC0] =	vst v6  }
0x318: {  	[tilespmem:s11+$0xF0] =	vst v4  }
0x319: {  	v4 =	vld [tilespmem:s0+$0xFFFFFF40];
	[tilespmem:s11+$0xE0] =	vst v3  }
0x31a: {  	v3 =	vld [tilespmem:s0+$0xFFFFFF50];
	[tilespmem:s11+$0x90] =	vst v7  }
0x31b: {  	v6 =	vld [tilespmem:s0+$0xFFFFFF60];
	[tilespmem:s11+$0xB0] =	vst v9  }
0x31c: {  	v7 =	vld [tilespmem:s0+$0xFFFFFF70];
	[tilespmem:s11+$0xD0] =	vst v8;
	s11 =	smov.u32 s0  }
0x31d: {  	v5 =	vld.idx.msk [tilespmem:v5+s28+$0x0], $0xffff  }
0x31e: {  	v8 =	vld [tilespmem:s0+$0xFFFFFF00]  }
0x31f: {  	v9 =	vld [tilespmem:s0+$0xFFFFFF20]  }
0x320: {  	v10 =	vld [tilespmem:s0+$0xFFFFFF10]  }
0x321: {  	v11 =	vld [tilespmem:s0+$0xFFFFFF30];
	_ =	sdelay $0x1  }
0x322: {  	v7 =	vmul.f32 v7, v5;
	v8 =	vmul.f32 v8, v5  }
0x323: {  	s5 =	sadd.s32 $0x1, s12;
	v6 =	vmul.f32 v6, v5;
	v9 =	vmul.f32 v9, v5  }
0x324: {  	v3 =	vmul.f32 v3, v5;
	v10 =	vmul.f32 v10, v5;
	[tilespmem:s0+$0xFFFFFF70] =	vst v7;
	v7 =	vmov s5  }
0x325: {  	v4 =	vmul.f32 v4, v5;
	[tilespmem:s0+$0xFFFFFF00] =	vst v8;
	v8 =	vmul.f32 v11, v5;
	v5 =	vand.u32 $0xFFFFFFFD, v7  }
0x326: {  	[tilespmem:s0+$0xFFFFFF20] =	vst v9;
	v5 =	vbroadcast v5, $0x0  }
0x327: {  	[tilespmem:s0+$0xFFFFFF50] =	vst v3  }
0x328: {  	[tilespmem:s0+$0xFFFFFF40] =	vst v4;
	v3 =	vld [tilespmem:s0+$0xFFFFFFF0]  }
0x329: {  	[tilespmem:s0+$0xFFFFFF60] =	vst v6;
	v4 =	vld [tilespmem:s0+$0xFFFFFFC0]  }
0x32a: {  	[tilespmem:s0+$0xFFFFFF30] =	vst v8;
	v6 =	vld [tilespmem:s0+$0xFFFFFFD0]  }
0x32b: {  	[tilespmem:s0+$0xFFFFFF10] =	vst v10;
	v7 =	vld [tilespmem:s0+$0xFFFFFF90]  }
0x32c: {  	v5 =	vld.idx.msk [tilespmem:v5+s28+$0x0], $0xffff  }
0x32d: {  	v8 =	vld [tilespmem:s0+$0xFFFFFF80]  }
0x32e: {  	v9 =	vld [tilespmem:s0+$0xFFFFFFA0]  }
0x32f: {  	v10 =	vld [tilespmem:s0+$0xFFFFFFB0]  }
0x330: {  	v11 =	vld [tilespmem:s0+$0xFFFFFFE0];
	_ =	sdelay $0x1  }
0x331: {  	v7 =	vmul.f32 v7, v5;
	v8 =	vmul.f32 v8, v5  }
0x332: {  	s5 =	sadd.s32 $0x2, s12;
	v6 =	vmul.f32 v6, v5;
	v9 =	vmul.f32 v9, v5  }
0x333: {  	v4 =	vmul.f32 v4, v5;
	[tilespmem:s0+$0xFFFFFF90] =	vst v7;
	v7 =	vmul.f32 v10, v5;
	v10 =	vmov s5  }
0x334: {  	v3 =	vmul.f32 v3, v5;
	[tilespmem:s0+$0xFFFFFFA0] =	vst v9;
	v9 =	vmul.f32 v11, v5;
	v5 =	vand.u32 $0xFFFFFFFE, v10  }
0x335: {  	[tilespmem:s0+$0xFFFFFF80] =	vst v8;
	v5 =	vbroadcast v5, $0x0  }
0x336: {  	[tilespmem:s0+$0xFFFFFFB0] =	vst v7  }
0x337: {  	[tilespmem:s0+$0xFFFFFFC0] =	vst v4  }
0x338: {  	[tilespmem:s0+$0xFFFFFFD0] =	vst v6  }
.Ltmp6:
0x339: {  	[tilespmem:s0+$0xFFFFFFF0] =	vst v3;
	v4 =	vld [tilespmem:s0+$0x40];
	(pc) =	sbr.rel @p1 .LBB2_15-.Ltmp6, $4  }
0x33a: {  	[tilespmem:s0+$0xFFFFFFE0] =	vst v9;
	v6 =	vld [tilespmem:s0+$0x60]  }
0x33b: {  	v3 =	vld.idx.msk [tilespmem:v5+s28+$0x0], $0xffff  }
0x33c: {  	v7 =	vld [tilespmem:s0+$0x0]  }
0x33d: {  	v5 =	vld [tilespmem:s0+$0x10]  }
0x33e: {  	_ =	sdelay $0x1  }
0x33f: {  	v6 =	vmul.f32 v6, v3  }
0x340: {  	v8 =	vld [tilespmem:s11+$0x50];
	v4 =	vmul.f32 v4, v3  }
0x341: {  	v9 =	vld [tilespmem:s11+$0x70];
	v1 =	vmul.f32 v1, v3;
	[tilespmem:s11+$0x60] =	vst v6  }
0x342: {  	v6 =	vmul.f32 v7, v3;
	[tilespmem:s11+$0x40] =	vst v4  }
0x343: {  	s0 =	sadd.s32 $0x3, s12;
	[tilespmem:s11+$0x20] =	vst v1;
	v1 =	vmul.f32 v2, v3  }
0x344: {  	v5 =	vmul.f32 v5, v3;
	[tilespmem:s11+$0x0] =	vst v6;
	v6 =	vmov s0  }
0x345: {  	v4 =	vmul.f32 v8, v3;
	[tilespmem:s11+$0x30] =	vst v1  }
0x346: {  	v3 =	vmul.f32 v9, v3;
	[tilespmem:s11+$0x10] =	vst v5  }
0x347: {  	[tilespmem:s11+$0x50] =	vst v4  }
0x348: {  	v2 =	vld [tilespmem:s11+$0x80];
	[tilespmem:s11+$0x70] =	vst v3  }
0x349: {  	v1 =	vld.idx.msk [tilespmem:v6+s28+$0x0], $0xffff  }
0x34a: {  	v3 =	vld [tilespmem:s11+$0xA0]  }
0x34b: {  	v4 =	vld [tilespmem:s11+$0xC0]  }
0x34c: {  	v5 =	vld [tilespmem:s11+$0xF0]  }
0x34d: {  	v6 =	vld [tilespmem:s11+$0xE0]  }
0x34e: {  	v7 =	vld [tilespmem:s11+$0x90];
	v2 =	vmul.f32 v2, v1  }
0x34f: {  	v8 =	vld [tilespmem:s11+$0xB0];
	v3 =	vmul.f32 v3, v1  }
0x350: {  	v61 =	vld [tilespmem:s11+$0xD0];
	[tilespmem:s11+$0x80] =	vst v2;
	v2 =	vmul.f32 v4, v1  }
0x351: {  	[tilespmem:s11+$0xA0] =	vst v3;
	v3 =	vmul.f32 v5, v1  }
0x352: {  	v4 =	vmul.f32 v6, v1;
	[tilespmem:s11+$0xC0] =	vst v2  }
0x353: {  	v2 =	vmul.f32 v7, v1;
	[tilespmem:s11+$0xF0] =	vst v3  }
0x354: {  	v3 =	vmul.f32 v8, v1;
	[tilespmem:s11+$0xE0] =	vst v4  }
0x355: {  	v1 =	vmul.f32 v61, v1;
	[tilespmem:s11+$0x90] =	vst v2  }
0x356: {  	[tilespmem:s11+$0xB0] =	vst v3  }
0x357: {  	s12 =	simm.s32 $0x13B20;
	s23 =	simm.s32 $0x6;
	[tilespmem:s11+$0xD0] =	vst v1  }
0x358: {  	[spmem:s3] =	stream.indirect.scatter.add.f32 [tilespmem:s4], [sflag:$0xA], $0x80, s12, s16, $0xb8;
	[tilespmem:$0x1A280] =	vst v63  }
0x359: {  	_ =	swait.ge [sflag:s23], $0x1400  }
0x35a: {  	[sflag:s23] =	ssyncset.done $0x0  }
0x35b: {  	s5 =	simm.s32 $0x7;
	[sflag:s23] =	ssyncadd.s32 $0xFFFFEC00  }
0x35c: {  	_ =	swait.ge [sflag:s5], $0x1400  }
0x35d: {  	[sflag:s5] =	ssyncset.done $0x0  }
0x35e: {  	[sflag:s5] =	ssyncadd.s32 $0xFFFFEC00  }
0x35f: {  	_ =	swait.ge [sflag:s15], $0x1400  }
0x360: {  	[sflag:s15] =	ssyncset.done $0x0  }
0x361: {  	[sflag:s15] =	ssyncadd.s32 $0xFFFFEC00  }
0x362: {  	_ =	swait.ge [sflag:s17], $0x1400  }
0x363: {  	[sflag:s17] =	ssyncset.done $0x0  }
0x364: {  	[sflag:s17] =	ssyncadd.s32 $0xFFFFEC00  }
0x365: {  	_ =	swait.ge [sflag:s21], $0x1400  }
0x366: {  	p1 =	seq.s32 s29, $0x18;
	s0 =	rddreg [dreg:$0x9]  }
0x367: {  	s0 =	sadd.s32 @!p1 s2, s0  }
0x368: {  	s11 =	simm.s32 @!p1 $0x13880;
	[sflag:s21] =	ssyncset.done $0x0;
	s0 =	sshrl.u32 @!p1 s0, $0x3  }
0x369: {  	s5 =	simm.s32 @!p1 $0x0;
	[sflag:s21] =	ssyncadd.s32 $0xFFFFEC00;
	s2 =	sadd.s32 @!p1 s6, s0  }
0x36a: {  	[tilespmem:s11], [sflag:$0xB] =	stream.linear.gather @!p1 [hbm4b:s2+s5], $0xC8, $0x38;
	[tilespmem:$0x1A280] =	vst v63  }
0x36b: {  	s2 =	sadd.s32 @!p1 s10, s0;
	s11 =	simm.s32 @!p1 $0x13C80  }
0x36c: {  	[tilespmem:s11], [sflag:$0xB] =	stream.linear.gather @!p1 [hbm4b:s2+s5], $0xC8, $0x38;
	[tilespmem:$0x1A280] =	vst v63  }
0x36d: {  	s0 =	sadd.s32 @!p1 s7, s0;
	s2 =	simm.s32 @!p1 $0x13A80  }
0x36e: {  	[tilespmem:s2], [sflag:$0xB] =	stream.linear.gather @!p1 [hbm4b:s0+s5], $0xC8, $0x38;
	[tilespmem:$0x1A280] =	vst v63  }
0x36f: {  	_ =	swait.ge [sflag:s26], $0xC8  }
0x370: {  	[sflag:s26] =	ssyncset.done $0x0  }
0x371: {  	[sflag:s26] =	ssyncadd.s32 $0xFFFFFF38  }
0x372: {  	_ =	swait.ge [sflag:s26], $0xC8  }
0x373: {  	[sflag:s26] =	ssyncset.done $0x0  }
0x374: {  	[sflag:s26] =	ssyncadd.s32 $0xFFFFFF38  }
0x375: {  	_ =	swait.ge [sflag:s26], $0xC8  }
0x376: {  	[sflag:s26] =	ssyncset.done $0x0  }
0x377: {  	s30 =	smov.u32 s10;
	s10 =	simm.s32 $0x13980;
	[sflag:s26] =	ssyncadd.s32 $0xFFFFFF38  }
0x378: {  	[tilespmem:s24], [sflag:$0x1] =	stream.indirect.gather [hbm4b:s1+s16], $0x80, s10, s16, $0xb8;
	[tilespmem:$0x1A280] =	vst v63  }
0x379: {  	s11 =	simm.s32 $0x139A8  }
0x37a: {  	[tilespmem:s18], [sflag:$0x2] =	stream.indirect.gather [hbm4b:s1+s16], $0x80, s11, s16, $0xb8;
	[tilespmem:$0x1A280] =	vst v63  }
0x37b: {  	s12 =	simm.s32 $0x139D0;
	s23 =	simm.s32 $0x0  }
0x37c: {  	[tilespmem:s20], [sflag:$0x3] =	stream.indirect.gather [hbm4b:s1+s16], $0x80, s12, s16, $0xb8;
	[tilespmem:$0x1A280] =	vst v63  }
0x37d: {  	v1 =	vmov s23;
	s5 =	simm.s32 $0x139F8  }
0x37e: {  	v1 =	vand.u32 $0xFFFFFFFC, v1;
	[tilespmem:s22], [sflag:$0x4] =	stream.indirect.gather [hbm4b:s1+s16], $0x80, s5, s16, $0xb8;
	[tilespmem:$0x1A280] =	vst v63  }
0x37f: {  	v1 =	vbroadcast v1, $0x0;
	s11 =	simm.s32 $0x13A20  }
0x380: {  	[tilespmem:s4], [sflag:$0x5] =	stream.indirect.gather [hbm4b:s1+s16], $0x80, s11, s16, $0xb8;
	[tilespmem:$0x1A280] =	vst v63  }
0x381: {  	_ =	swait.ge [sflag:s8], $0x1400  }
0x382: {  	[sflag:s8] =	ssyncset.done $0x0  }
0x383: {  	s2 =	simm.s32 $0x13F80;
	[sflag:s8] =	ssyncadd.s32 $0xFFFFEC00  }
0x384: {  	v3 =	vld [tilespmem:s2+$0xFFFFFF70]  }
0x385: {  	v1 =	vld.idx.msk [tilespmem:v1+s31+$0x0], $0xffff  }
0x386: {  	v4 =	vld [tilespmem:s2+$0xFFFFFF00]  }
0x387: {  	v5 =	vld [tilespmem:s2+$0xFFFFFF20]  }
0x388: {  	v6 =	vld [tilespmem:s2+$0xFFFFFF30]  }
0x389: {  	v2 =	vld [tilespmem:s2+$0xFFFFFF50]  }
0x38a: {  	v8 =	vld [tilespmem:s2+$0xFFFFFF10];
	v3 =	vmul.f32 v3, v1  }
0x38b: {  	s12 =	simm.s32 $0x1;
	v7 =	vld [tilespmem:s2+$0xFFFFFF60];
	v4 =	vmul.f32 v4, v1  }
0x38c: {  	v62 =	vld [tilespmem:s2+$0xFFFFFF40];
	v5 =	vmul.f32 v5, v1;
	[tilespmem:s2+$0xFFFFFF70] =	vst v3;
	v3 =	vmov s12  }
0x38d: {  	v6 =	vmul.f32 v6, v1;
	[tilespmem:s2+$0xFFFFFF00] =	vst v4;
	v3 =	vand.u32 $0xFFFFFFFD, v3  }
0x38e: {  	v2 =	vmul.f32 v2, v1;
	[tilespmem:s2+$0xFFFFFF20] =	vst v5;
	v3 =	vbroadcast v3, $0x0  }
0x38f: {  	v4 =	vmul.f32 v8, v1;
	[tilespmem:s2+$0xFFFFFF30] =	vst v6  }
0x390: {  	v5 =	vmul.f32 v7, v1;
	[tilespmem:s2+$0xFFFFFF50] =	vst v2  }
0x391: {  	v1 =	vmul.f32 v62, v1;
	[tilespmem:s2+$0xFFFFFF10] =	vst v4  }
0x392: {  	[tilespmem:s2+$0xFFFFFF60] =	vst v5  }
0x393: {  	[tilespmem:s2+$0xFFFFFF40] =	vst v1;
	v1 =	vld [tilespmem:s2+$0xFFFFFF80]  }
0x394: {  	v3 =	vld.idx.msk [tilespmem:v3+s31+$0x0], $0xffff  }
0x395: {  	v2 =	vld [tilespmem:s2+$0xFFFFFFA0]  }
0x396: {  	v4 =	vld [tilespmem:s2+$0xFFFFFF90]  }
0x397: {  	v5 =	vld [tilespmem:s2+$0xFFFFFFD0]  }
0x398: {  	v6 =	vld [tilespmem:s2+$0xFFFFFFE0]  }
0x399: {  	v7 =	vld [tilespmem:s2+$0xFFFFFFF0];
	v1 =	vmul.f32 v1, v3  }
0x39a: {  	s23 =	simm.s32 $0x2;
	v8 =	vld [tilespmem:s2+$0xFFFFFFB0];
	v2 =	vmul.f32 v2, v3  }
0x39b: {  	v63 =	vld [tilespmem:s2+$0xFFFFFFC0];
	v4 =	vmul.f32 v4, v3;
	[tilespmem:s2+$0xFFFFFF80] =	vst v1;
	v1 =	vmov s23  }
0x39c: {  	v5 =	vmul.f32 v5, v3;
	[tilespmem:s2+$0xFFFFFFA0] =	vst v2;
	v1 =	vand.u32 $0xFFFFFFFE, v1  }
0x39d: {  	v2 =	vmul.f32 v6, v3;
	[tilespmem:s2+$0xFFFFFF90] =	vst v4;
	v4 =	vbroadcast v1, $0x0  }
0x39e: {  	v6 =	vmul.f32 v7, v3;
	[tilespmem:s2+$0xFFFFFFD0] =	vst v5;
	v7 =	vld [tilespmem:s2+$0x30]  }
0x39f: {  	v5 =	vmul.f32 v8, v3;
	v1 =	vld [tilespmem:s2+$0x40];
	[tilespmem:s2+$0xFFFFFFE0] =	vst v2  }
0x3a0: {  	v3 =	vmul.f32 v63, v3;
	v2 =	vld [tilespmem:s2+$0x70];
	[tilespmem:s2+$0xFFFFFFF0] =	vst v6  }
0x3a1: {  	[tilespmem:s2+$0xFFFFFFB0] =	vst v5;
	v5 =	vld [tilespmem:s2+$0x20]  }
0x3a2: {  	[tilespmem:s2+$0xFFFFFFC0] =	vst v3;
	v6 =	vld [tilespmem:s2+$0x0]  }
0x3a3: {  	v3 =	vld.idx.msk [tilespmem:v4+s31+$0x0], $0xffff  }
0x3a4: {  	s0 =	simm.s32 $0x13F80;
	s11 =	simm.s32 $0x3;
	s12 =	simm.s32 $0x7;
	v4 =	vld [tilespmem:s2+$0x10]  }
.LBB2_17:
0x3a5: {  	p1 =	sne.s32 s12, $0x27  }
0x3a6: {  	v8 =	vld [tilespmem:s2+$0x50];
	s0 =	sadd.s32 $0x200, s0;
	s5 =	smov.u32 s12;
	s12 =	sadd.s32 $0x4, s12  }
0x3a7: {  	v9 =	vld [tilespmem:s2+$0x60];
	_ =	sdelay $0x1  }
0x3a8: {  	v6 =	vmul.f32 v6, v3;
	v4 =	vmul.f32 v4, v3  }
0x3a9: {  	v5 =	vmul.f32 v5, v3;
	v7 =	vmul.f32 v7, v3  }
0x3aa: {  	v1 =	vmul.f32 v1, v3;
	v2 =	vmul.f32 v2, v3;
	[tilespmem:s2+$0x0] =	vst v6  }
0x3ab: {  	[tilespmem:s2+$0x20] =	vst v5;
	v5 =	vmul.f32 v8, v3;
	v3 =	vmul.f32 v9, v3  }
0x3ac: {  	[tilespmem:s2+$0x30] =	vst v7;
	v6 =	vld [tilespmem:s2+$0x80]  }
0x3ad: {  	[tilespmem:s2+$0x60] =	vst v3;
	v3 =	vmov s11;
	v7 =	vld [tilespmem:s2+$0xD0];
	s11 =	smov.u32 s5  }
0x3ae: {  	[tilespmem:s2+$0x50] =	vst v5;
	v5 =	vld [tilespmem:s2+$0xE0]  }
0x3af: {  	[tilespmem:s2+$0x40] =	vst v1;
	v8 =	vld [tilespmem:s2+$0xB0]  }
0x3b0: {  	v1 =	vld [tilespmem:s0+$0x40];
	[tilespmem:s2+$0x70] =	vst v2  }
0x3b1: {  	v2 =	vld [tilespmem:s0+$0x70];
	[tilespmem:s2+$0x10] =	vst v4  }
0x3b2: {  	v3 =	vld.idx.msk [tilespmem:v3+s31+$0x0], $0xffff  }
0x3b3: {  	v4 =	vld [tilespmem:s2+$0x90]  }
0x3b4: {  	v9 =	vld [tilespmem:s2+$0xA0]  }
0x3b5: {  	v10 =	vld [tilespmem:s2+$0xC0]  }
0x3b6: {  	v11 =	vld [tilespmem:s2+$0xF0];
	_ =	sdelay $0x1  }
0x3b7: {  	v6 =	vmul.f32 v6, v3;
	v4 =	vmul.f32 v4, v3  }
0x3b8: {  	s5 =	sadd.s32 $0xFFFFFFFD, s11;
	v8 =	vmul.f32 v8, v3;
	v9 =	vmul.f32 v9, v3  }
0x3b9: {  	v12 =	vmov s5;
	v7 =	vmul.f32 v7, v3;
	[tilespmem:s2+$0x80] =	vst v6;
	v6 =	vmul.f32 v10, v3  }
0x3ba: {  	v10 =	vand.u32 $0xFFFFFFFC, v12;
	[tilespmem:s2+$0x90] =	vst v4;
	v4 =	vmul.f32 v5, v3;
	v3 =	vmul.f32 v11, v3  }
0x3bb: {  	v5 =	vbroadcast v10, $0x0;
	[tilespmem:s2+$0xA0] =	vst v9  }
0x3bc: {  	[tilespmem:s2+$0xD0] =	vst v7  }
0x3bd: {  	v7 =	vld [tilespmem:s0+$0xFFFFFF50];
	[tilespmem:s2+$0xB0] =	vst v8  }
0x3be: {  	v8 =	vld [tilespmem:s0+$0xFFFFFF30];
	[tilespmem:s2+$0xC0] =	vst v6  }
0x3bf: {  	v6 =	vld [tilespmem:s0+$0xFFFFFF60];
	[tilespmem:s2+$0xE0] =	vst v4  }
0x3c0: {  	v4 =	vld [tilespmem:s0+$0xFFFFFF70];
	[tilespmem:s2+$0xF0] =	vst v3;
	s2 =	smov.u32 s0  }
0x3c1: {  	v3 =	vld.idx.msk [tilespmem:v5+s31+$0x0], $0xffff  }
0x3c2: {  	v5 =	vld [tilespmem:s0+$0xFFFFFF00]  }
0x3c3: {  	v9 =	vld [tilespmem:s0+$0xFFFFFF20]  }
0x3c4: {  	v10 =	vld [tilespmem:s0+$0xFFFFFF10]  }
0x3c5: {  	v11 =	vld [tilespmem:s0+$0xFFFFFF40];
	_ =	sdelay $0x1  }
0x3c6: {  	v4 =	vmul.f32 v4, v3;
	v5 =	vmul.f32 v5, v3  }
0x3c7: {  	s5 =	sadd.s32 $0xFFFFFFFE, s11;
	v6 =	vmul.f32 v6, v3;
	v9 =	vmul.f32 v9, v3  }
0x3c8: {  	v8 =	vmul.f32 v8, v3;
	v10 =	vmul.f32 v10, v3;
	[tilespmem:s0+$0xFFFFFF70] =	vst v4;
	v4 =	vmov s5  }
0x3c9: {  	[tilespmem:s0+$0xFFFFFF00] =	vst v5;
	v5 =	vmul.f32 v11, v3;
	v3 =	vmul.f32 v7, v3;
	v4 =	vand.u32 $0xFFFFFFFD, v4  }
0x3ca: {  	[tilespmem:s0+$0xFFFFFF20] =	vst v9;
	v4 =	vbroadcast v4, $0x0  }
0x3cb: {  	[tilespmem:s0+$0xFFFFFF30] =	vst v8  }
0x3cc: {  	[tilespmem:s0+$0xFFFFFF50] =	vst v3;
	v3 =	vld [tilespmem:s0+$0xFFFFFFF0]  }
0x3cd: {  	[tilespmem:s0+$0xFFFFFF10] =	vst v10;
	v7 =	vld [tilespmem:s0+$0xFFFFFFD0]  }
0x3ce: {  	[tilespmem:s0+$0xFFFFFF60] =	vst v6;
	v6 =	vld [tilespmem:s0+$0xFFFFFFB0]  }
0x3cf: {  	[tilespmem:s0+$0xFFFFFF40] =	vst v5;
	v5 =	vld [tilespmem:s0+$0xFFFFFF90]  }
0x3d0: {  	v4 =	vld.idx.msk [tilespmem:v4+s31+$0x0], $0xffff  }
0x3d1: {  	v8 =	vld [tilespmem:s0+$0xFFFFFF80]  }
0x3d2: {  	v9 =	vld [tilespmem:s0+$0xFFFFFFA0]  }
0x3d3: {  	v10 =	vld [tilespmem:s0+$0xFFFFFFC0]  }
0x3d4: {  	v11 =	vld [tilespmem:s0+$0xFFFFFFE0];
	_ =	sdelay $0x1  }
0x3d5: {  	v5 =	vmul.f32 v5, v4;
	v8 =	vmul.f32 v8, v4  }
0x3d6: {  	s5 =	sadd.s32 $0xFFFFFFFF, s11;
	v6 =	vmul.f32 v6, v4;
	v9 =	vmul.f32 v9, v4  }
0x3d7: {  	v7 =	vmul.f32 v7, v4;
	[tilespmem:s0+$0xFFFFFF80] =	vst v8;
	v8 =	vmul.f32 v10, v4;
	v10 =	vmov s5  }
0x3d8: {  	v3 =	vmul.f32 v3, v4;
	[tilespmem:s0+$0xFFFFFFA0] =	vst v9;
	v9 =	vmul.f32 v11, v4;
	v4 =	vand.u32 $0xFFFFFFFE, v10  }
0x3d9: {  	[tilespmem:s0+$0xFFFFFF90] =	vst v5;
	v4 =	vbroadcast v4, $0x0  }
0x3da: {  	[tilespmem:s0+$0xFFFFFFD0] =	vst v7  }
0x3db: {  	[tilespmem:s0+$0xFFFFFFE0] =	vst v9  }
0x3dc: {  	[tilespmem:s0+$0xFFFFFFB0] =	vst v6  }
.Ltmp7:
0x3dd: {  	[tilespmem:s0+$0xFFFFFFF0] =	vst v3;
	v5 =	vld [tilespmem:s0+$0x20];
	(pc) =	sbr.rel @p1 .LBB2_17-.Ltmp7, $4  }
0x3de: {  	[tilespmem:s0+$0xFFFFFFC0] =	vst v8;
	v6 =	vld [tilespmem:s0+$0x0]  }
0x3df: {  	v3 =	vld.idx.msk [tilespmem:v4+s31+$0x0], $0xffff  }
0x3e0: {  	v4 =	vld [tilespmem:s0+$0x10]  }
0x3e1: {  	v7 =	vld [tilespmem:s0+$0x30]  }
0x3e2: {  	v8 =	vld [tilespmem:s2+$0x60];
	_ =	sdelay $0x1  }
0x3e3: {  	v6 =	vmul.f32 v6, v3  }
0x3e4: {  	v9 =	vld [tilespmem:s2+$0x50];
	v5 =	vmul.f32 v5, v3  }
0x3e5: {  	v1 =	vmul.f32 v1, v3;
	[tilespmem:s2+$0x0] =	vst v6  }
0x3e6: {  	[tilespmem:s2+$0x20] =	vst v5;
	v5 =	vmul.f32 v8, v3  }
0x3e7: {  	v2 =	vmul.f32 v2, v3;
	[tilespmem:s2+$0x40] =	vst v1  }
0x3e8: {  	v7 =	vmul.f32 v7, v3;
	[tilespmem:s2+$0x60] =	vst v5;
	v5 =	vmov s11  }
0x3e9: {  	[tilespmem:s2+$0x70] =	vst v2;
	v6 =	vmul.f32 v9, v3  }
0x3ea: {  	v3 =	vmul.f32 v4, v3;
	[tilespmem:s2+$0x30] =	vst v7  }
0x3eb: {  	[tilespmem:s2+$0x50] =	vst v6  }
0x3ec: {  	v7 =	vld [tilespmem:s2+$0x80];
	[tilespmem:s2+$0x10] =	vst v3  }
0x3ed: {  	v1 =	vld.idx.msk [tilespmem:v5+s31+$0x0], $0xffff  }
0x3ee: {  	v2 =	vld [tilespmem:s2+$0x90]  }
0x3ef: {  	v3 =	vld [tilespmem:s2+$0xA0]  }
0x3f0: {  	v4 =	vld [tilespmem:s2+$0xD0]  }
0x3f1: {  	v5 =	vld [tilespmem:s2+$0xB0]  }
0x3f2: {  	v6 =	vld [tilespmem:s2+$0xC0];
	v7 =	vmul.f32 v7, v1  }
0x3f3: {  	v8 =	vld [tilespmem:s2+$0xE0];
	v2 =	vmul.f32 v2, v1  }
0x3f4: {  	v61 =	vld [tilespmem:s2+$0xF0];
	v3 =	vmul.f32 v3, v1;
	[tilespmem:s2+$0x80] =	vst v7  }
0x3f5: {  	v4 =	vmul.f32 v4, v1;
	[tilespmem:s2+$0x90] =	vst v2  }
0x3f6: {  	v2 =	vmul.f32 v5, v1;
	[tilespmem:s2+$0xA0] =	vst v3  }
0x3f7: {  	v3 =	vmul.f32 v6, v1;
	[tilespmem:s2+$0xD0] =	vst v4  }
0x3f8: {  	s11 =	simm.s32 $0x28;
	v4 =	vmul.f32 v8, v1;
	[tilespmem:s2+$0xB0] =	vst v2  }
0x3f9: {  	v1 =	vmul.f32 v61, v1;
	[tilespmem:s2+$0xC0] =	vst v3;
	v2 =	vmov s11  }
0x3fa: {  	[tilespmem:s2+$0xE0] =	vst v4;
	v2 =	vand.u32 $0xFFFFFFFC, v2  }
0x3fb: {  	s0 =	simm.s32 $0x13B80;
	[tilespmem:s2+$0xF0] =	vst v1;
	v1 =	vbroadcast v2, $0x0  }
0x3fc: {  	[spmem:s3] =	stream.indirect.scatter.add.f32 [tilespmem:s24], [sflag:$0x6], $0x80, s0, s11, $0xb8;
	[tilespmem:$0x1A280] =	vst v63  }
0x3fd: {  	_ =	swait.ge [sflag:s9], $0x1400  }
0x3fe: {  	[sflag:s9] =	ssyncset.done $0x0  }
0x3ff: {  	s2 =	simm.s32 $0x15380;
	[sflag:s9] =	ssyncadd.s32 $0xFFFFEC00  }
0x400: {  	v2 =	vld [tilespmem:s2+$0xFFFFFF70]  }
0x401: {  	v1 =	vld.idx.msk [tilespmem:v1+s31+$0x0], $0xffff  }
0x402: {  	v3 =	vld [tilespmem:s2+$0xFFFFFF00]  }
0x403: {  	v4 =	vld [tilespmem:s2+$0xFFFFFF20]  }
0x404: {  	v5 =	vld [tilespmem:s2+$0xFFFFFF50]  }
0x405: {  	v6 =	vld [tilespmem:s2+$0xFFFFFF40]  }
0x406: {  	v7 =	vld [tilespmem:s2+$0xFFFFFF60];
	v2 =	vmul.f32 v2, v1  }
0x407: {  	s12 =	simm.s32 $0x29;
	v8 =	vld [tilespmem:s2+$0xFFFFFF30];
	v3 =	vmul.f32 v3, v1  }
0x408: {  	v62 =	vld [tilespmem:s2+$0xFFFFFF10];
	v4 =	vmul.f32 v4, v1;
	[tilespmem:s2+$0xFFFFFF70] =	vst v2;
	v2 =	vmov s12  }
0x409: {  	v5 =	vmul.f32 v5, v1;
	[tilespmem:s2+$0xFFFFFF00] =	vst v3;
	v2 =	vand.u32 $0xFFFFFFFD, v2  }
0x40a: {  	v3 =	vmul.f32 v6, v1;
	[tilespmem:s2+$0xFFFFFF20] =	vst v4;
	v2 =	vbroadcast v2, $0x0  }
0x40b: {  	v4 =	vmul.f32 v7, v1;
	[tilespmem:s2+$0xFFFFFF50] =	vst v5  }
0x40c: {  	v5 =	vmul.f32 v8, v1;
	[tilespmem:s2+$0xFFFFFF40] =	vst v3  }
0x40d: {  	v1 =	vmul.f32 v62, v1;
	[tilespmem:s2+$0xFFFFFF60] =	vst v4  }
0x40e: {  	[tilespmem:s2+$0xFFFFFF30] =	vst v5  }
0x40f: {  	[tilespmem:s2+$0xFFFFFF10] =	vst v1;
	v1 =	vld [tilespmem:s2+$0xFFFFFF90]  }
0x410: {  	v3 =	vld.idx.msk [tilespmem:v2+s31+$0x0], $0xffff  }
0x411: {  	v2 =	vld [tilespmem:s2+$0xFFFFFFA0]  }
0x412: {  	v4 =	vld [tilespmem:s2+$0xFFFFFF80]  }
0x413: {  	v5 =	vld [tilespmem:s2+$0xFFFFFFB0]  }
0x414: {  	v6 =	vld [tilespmem:s2+$0xFFFFFFC0]  }
0x415: {  	v7 =	vld [tilespmem:s2+$0xFFFFFFD0];
	v1 =	vmul.f32 v1, v3  }
0x416: {  	s23 =	simm.s32 $0x2A;
	v8 =	vld [tilespmem:s2+$0xFFFFFFF0];
	v2 =	vmul.f32 v2, v3  }
0x417: {  	v63 =	vld [tilespmem:s2+$0xFFFFFFE0];
	v4 =	vmul.f32 v4, v3;
	[tilespmem:s2+$0xFFFFFF90] =	vst v1;
	v1 =	vmov s23  }
0x418: {  	v5 =	vmul.f32 v5, v3;
	[tilespmem:s2+$0xFFFFFFA0] =	vst v2;
	v1 =	vand.u32 $0xFFFFFFFE, v1  }
0x419: {  	v2 =	vmul.f32 v6, v3;
	[tilespmem:s2+$0xFFFFFF80] =	vst v4;
	v6 =	vld [tilespmem:s2+$0x60];
	v10 =	vbroadcast v1, $0x0  }
0x41a: {  	v4 =	vmul.f32 v7, v3;
	[tilespmem:s2+$0xFFFFFFB0] =	vst v5;
	v7 =	vld [tilespmem:s2+$0x0]  }
0x41b: {  	v5 =	vmul.f32 v8, v3;
	v1 =	vld [tilespmem:s2+$0x20];
	[tilespmem:s2+$0xFFFFFFC0] =	vst v2  }
0x41c: {  	v3 =	vmul.f32 v63, v3;
	v2 =	vld [tilespmem:s2+$0x30];
	[tilespmem:s2+$0xFFFFFFD0] =	vst v4  }
0x41d: {  	[tilespmem:s2+$0xFFFFFFF0] =	vst v5;
	v4 =	vld [tilespmem:s2+$0x40]  }
0x41e: {  	[tilespmem:s2+$0xFFFFFFE0] =	vst v3;
	v5 =	vld [tilespmem:s2+$0x10]  }
0x41f: {  	s0 =	simm.s32 $0x15380;
	s12 =	simm.s32 $0x2C;
	v3 =	vld.idx.msk [tilespmem:v10+s31+$0x0], $0xffff  }
.LBB2_19:
0x420: {  	p1 =	sne.s32 s12, $0x4C  }
0x421: {  	v8 =	vld [tilespmem:s2+$0x50];
	s0 =	sadd.s32 $0x200, s0;
	s5 =	smov.u32 s12;
	s12 =	sadd.s32 $0x4, s12  }
0x422: {  	v9 =	vld [tilespmem:s2+$0x70];
	_ =	sdelay $0x1  }
0x423: {  	v6 =	vmul.f32 v6, v3;
	v7 =	vmul.f32 v7, v3  }
0x424: {  	v4 =	vmul.f32 v4, v3;
	v5 =	vmul.f32 v5, v3  }
0x425: {  	v1 =	vmul.f32 v1, v3;
	v2 =	vmul.f32 v2, v3;
	[tilespmem:s2+$0x60] =	vst v6  }
0x426: {  	[tilespmem:s2+$0x40] =	vst v4;
	v4 =	vmul.f32 v8, v3;
	v3 =	vmul.f32 v9, v3  }
0x427: {  	s23 =	sadd.s32 $0x3, s11;
	s11 =	smov.u32 s5;
	[tilespmem:s2+$0x20] =	vst v1;
	v6 =	vld [tilespmem:s2+$0x80]  }
0x428: {  	v1 =	vld [tilespmem:s0+$0x20];
	[tilespmem:s2+$0x0] =	vst v7;
	v7 =	vmov s23  }
0x429: {  	[tilespmem:s2+$0x50] =	vst v4;
	v4 =	vld [tilespmem:s2+$0xE0]  }
0x42a: {  	[tilespmem:s2+$0x30] =	vst v2;
	v8 =	vld [tilespmem:s2+$0xC0]  }
0x42b: {  	v2 =	vld [tilespmem:s0+$0x30];
	[tilespmem:s2+$0x10] =	vst v5  }
0x42c: {  	[tilespmem:s2+$0x70] =	vst v3;
	v3 =	vld [tilespmem:s2+$0xA0]  }
0x42d: {  	v5 =	vld.idx.msk [tilespmem:v7+s31+$0x0], $0xffff  }
0x42e: {  	v7 =	vld [tilespmem:s2+$0x90]  }
0x42f: {  	v9 =	vld [tilespmem:s2+$0xB0]  }
0x430: {  	v10 =	vld [tilespmem:s2+$0xD0]  }
0x431: {  	v11 =	vld [tilespmem:s2+$0xF0];
	_ =	sdelay $0x1  }
0x432: {  	v6 =	vmul.f32 v6, v5;
	v7 =	vmul.f32 v7, v5  }
0x433: {  	v3 =	vmul.f32 v3, v5;
	v9 =	vmul.f32 v9, v5  }
0x434: {  	v12 =	vmov s11;
	[tilespmem:s2+$0x80] =	vst v6;
	v6 =	vmul.f32 v8, v5;
	v8 =	vmul.f32 v10, v5  }
0x435: {  	v10 =	vand.u32 $0xFFFFFFFC, v12;
	[tilespmem:s2+$0xA0] =	vst v3;
	v3 =	vmul.f32 v4, v5;
	v4 =	vmul.f32 v11, v5  }
0x436: {  	v5 =	vbroadcast v10, $0x0;
	[tilespmem:s2+$0xC0] =	vst v6  }
0x437: {  	[tilespmem:s2+$0xF0] =	vst v4  }
0x438: {  	v4 =	vld [tilespmem:s0+$0xFFFFFF40];
	[tilespmem:s2+$0xE0] =	vst v3  }
0x439: {  	v3 =	vld [tilespmem:s0+$0xFFFFFF50];
	[tilespmem:s2+$0x90] =	vst v7  }
0x43a: {  	v6 =	vld [tilespmem:s0+$0xFFFFFF60];
	[tilespmem:s2+$0xB0] =	vst v9  }
0x43b: {  	v7 =	vld [tilespmem:s0+$0xFFFFFF70];
	[tilespmem:s2+$0xD0] =	vst v8;
	s2 =	smov.u32 s0  }
0x43c: {  	v5 =	vld.idx.msk [tilespmem:v5+s31+$0x0], $0xffff  }
0x43d: {  	v8 =	vld [tilespmem:s0+$0xFFFFFF00]  }
0x43e: {  	v9 =	vld [tilespmem:s0+$0xFFFFFF20]  }
0x43f: {  	v10 =	vld [tilespmem:s0+$0xFFFFFF10]  }
0x440: {  	v11 =	vld [tilespmem:s0+$0xFFFFFF30];
	_ =	sdelay $0x1  }
0x441: {  	v7 =	vmul.f32 v7, v5;
	v8 =	vmul.f32 v8, v5  }
0x442: {  	s5 =	sadd.s32 $0x1, s11;
	v6 =	vmul.f32 v6, v5;
	v9 =	vmul.f32 v9, v5  }
0x443: {  	v3 =	vmul.f32 v3, v5;
	v10 =	vmul.f32 v10, v5;
	[tilespmem:s0+$0xFFFFFF70] =	vst v7;
	v7 =	vmov s5  }
0x444: {  	v4 =	vmul.f32 v4, v5;
	[tilespmem:s0+$0xFFFFFF00] =	vst v8;
	v8 =	vmul.f32 v11, v5;
	v5 =	vand.u32 $0xFFFFFFFD, v7  }
0x445: {  	[tilespmem:s0+$0xFFFFFF20] =	vst v9;
	v5 =	vbroadcast v5, $0x0  }
0x446: {  	[tilespmem:s0+$0xFFFFFF50] =	vst v3  }
0x447: {  	[tilespmem:s0+$0xFFFFFF40] =	vst v4;
	v3 =	vld [tilespmem:s0+$0xFFFFFFF0]  }
0x448: {  	[tilespmem:s0+$0xFFFFFF60] =	vst v6;
	v4 =	vld [tilespmem:s0+$0xFFFFFFC0]  }
0x449: {  	[tilespmem:s0+$0xFFFFFF30] =	vst v8;
	v6 =	vld [tilespmem:s0+$0xFFFFFFD0]  }
0x44a: {  	[tilespmem:s0+$0xFFFFFF10] =	vst v10;
	v7 =	vld [tilespmem:s0+$0xFFFFFF90]  }
0x44b: {  	v5 =	vld.idx.msk [tilespmem:v5+s31+$0x0], $0xffff  }
0x44c: {  	v8 =	vld [tilespmem:s0+$0xFFFFFF80]  }
0x44d: {  	v9 =	vld [tilespmem:s0+$0xFFFFFFA0]  }
0x44e: {  	v10 =	vld [tilespmem:s0+$0xFFFFFFB0]  }
0x44f: {  	v11 =	vld [tilespmem:s0+$0xFFFFFFE0];
	_ =	sdelay $0x1  }
0x450: {  	v7 =	vmul.f32 v7, v5;
	v8 =	vmul.f32 v8, v5  }
0x451: {  	s5 =	sadd.s32 $0x2, s11;
	v6 =	vmul.f32 v6, v5;
	v9 =	vmul.f32 v9, v5  }
0x452: {  	v4 =	vmul.f32 v4, v5;
	[tilespmem:s0+$0xFFFFFF90] =	vst v7;
	v7 =	vmul.f32 v10, v5;
	v10 =	vmov s5  }
0x453: {  	v3 =	vmul.f32 v3, v5;
	[tilespmem:s0+$0xFFFFFFA0] =	vst v9;
	v9 =	vmul.f32 v11, v5;
	v5 =	vand.u32 $0xFFFFFFFE, v10  }
0x454: {  	[tilespmem:s0+$0xFFFFFF80] =	vst v8;
	v5 =	vbroadcast v5, $0x0  }
0x455: {  	[tilespmem:s0+$0xFFFFFFB0] =	vst v7  }
0x456: {  	[tilespmem:s0+$0xFFFFFFC0] =	vst v4  }
0x457: {  	[tilespmem:s0+$0xFFFFFFD0] =	vst v6  }
.Ltmp8:
0x458: {  	[tilespmem:s0+$0xFFFFFFF0] =	vst v3;
	v4 =	vld [tilespmem:s0+$0x40];
	(pc) =	sbr.rel @p1 .LBB2_19-.Ltmp8, $4  }
0x459: {  	[tilespmem:s0+$0xFFFFFFE0] =	vst v9;
	v6 =	vld [tilespmem:s0+$0x60]  }
0x45a: {  	v3 =	vld.idx.msk [tilespmem:v5+s31+$0x0], $0xffff  }
0x45b: {  	v7 =	vld [tilespmem:s0+$0x0]  }
0x45c: {  	v5 =	vld [tilespmem:s0+$0x10]  }
0x45d: {  	_ =	sdelay $0x1  }
0x45e: {  	v6 =	vmul.f32 v6, v3  }
0x45f: {  	v8 =	vld [tilespmem:s2+$0x50];
	v4 =	vmul.f32 v4, v3  }
0x460: {  	v9 =	vld [tilespmem:s2+$0x70];
	v1 =	vmul.f32 v1, v3;
	[tilespmem:s2+$0x60] =	vst v6  }
0x461: {  	v6 =	vmul.f32 v7, v3;
	[tilespmem:s2+$0x40] =	vst v4  }
0x462: {  	s0 =	sadd.s32 $0x3, s11;
	[tilespmem:s2+$0x20] =	vst v1;
	v1 =	vmul.f32 v2, v3  }
0x463: {  	v5 =	vmul.f32 v5, v3;
	[tilespmem:s2+$0x0] =	vst v6;
	v6 =	vmov s0  }
0x464: {  	v4 =	vmul.f32 v8, v3;
	[tilespmem:s2+$0x30] =	vst v1  }
0x465: {  	v3 =	vmul.f32 v9, v3;
	[tilespmem:s2+$0x10] =	vst v5  }
0x466: {  	[tilespmem:s2+$0x50] =	vst v4  }
0x467: {  	v2 =	vld [tilespmem:s2+$0x80];
	[tilespmem:s2+$0x70] =	vst v3  }
0x468: {  	v1 =	vld.idx.msk [tilespmem:v6+s31+$0x0], $0xffff  }
0x469: {  	v3 =	vld [tilespmem:s2+$0xA0]  }
0x46a: {  	v4 =	vld [tilespmem:s2+$0xC0]  }
0x46b: {  	v5 =	vld [tilespmem:s2+$0xF0]  }
0x46c: {  	v6 =	vld [tilespmem:s2+$0xE0]  }
0x46d: {  	v7 =	vld [tilespmem:s2+$0x90];
	v2 =	vmul.f32 v2, v1  }
0x46e: {  	v8 =	vld [tilespmem:s2+$0xB0];
	v3 =	vmul.f32 v3, v1  }
0x46f: {  	v61 =	vld [tilespmem:s2+$0xD0];
	[tilespmem:s2+$0x80] =	vst v2;
	v2 =	vmul.f32 v4, v1  }
0x470: {  	[tilespmem:s2+$0xA0] =	vst v3;
	v3 =	vmul.f32 v5, v1  }
0x471: {  	v4 =	vmul.f32 v6, v1;
	[tilespmem:s2+$0xC0] =	vst v2  }
0x472: {  	v2 =	vmul.f32 v7, v1;
	[tilespmem:s2+$0xF0] =	vst v3  }
0x473: {  	s11 =	simm.s32 $0x50;
	v3 =	vmul.f32 v8, v1;
	[tilespmem:s2+$0xE0] =	vst v4  }
0x474: {  	v1 =	vmul.f32 v61, v1;
	[tilespmem:s2+$0x90] =	vst v2;
	v2 =	vmov s11  }
0x475: {  	[tilespmem:s2+$0xB0] =	vst v3;
	v2 =	vand.u32 $0xFFFFFFFC, v2  }
0x476: {  	s5 =	simm.s32 $0x13BA8;
	[tilespmem:s2+$0xD0] =	vst v1;
	v1 =	vbroadcast v2, $0x0  }
0x477: {  	[spmem:s3] =	stream.indirect.scatter.add.f32 [tilespmem:s18], [sflag:$0x7], $0x80, s5, s16, $0xb8;
	[tilespmem:$0x1A280] =	vst v63  }
0x478: {  	_ =	swait.ge [sflag:s13], $0x1400  }
0x479: {  	[sflag:s13] =	ssyncset.done $0x0  }
0x47a: {  	s2 =	simm.s32 $0x16780;
	[sflag:s13] =	ssyncadd.s32 $0xFFFFEC00  }
0x47b: {  	v2 =	vld [tilespmem:s2+$0xFFFFFF70]  }
0x47c: {  	v1 =	vld.idx.msk [tilespmem:v1+s31+$0x0], $0xffff  }
0x47d: {  	v3 =	vld [tilespmem:s2+$0xFFFFFF00]  }
0x47e: {  	v4 =	vld [tilespmem:s2+$0xFFFFFF20]  }
0x47f: {  	v5 =	vld [tilespmem:s2+$0xFFFFFF50]  }
0x480: {  	v6 =	vld [tilespmem:s2+$0xFFFFFF40]  }
0x481: {  	v7 =	vld [tilespmem:s2+$0xFFFFFF60];
	v2 =	vmul.f32 v2, v1  }
0x482: {  	s12 =	simm.s32 $0x51;
	v8 =	vld [tilespmem:s2+$0xFFFFFF30];
	v3 =	vmul.f32 v3, v1  }
0x483: {  	v62 =	vld [tilespmem:s2+$0xFFFFFF10];
	v4 =	vmul.f32 v4, v1;
	[tilespmem:s2+$0xFFFFFF70] =	vst v2;
	v2 =	vmov s12  }
0x484: {  	v5 =	vmul.f32 v5, v1;
	[tilespmem:s2+$0xFFFFFF00] =	vst v3;
	v2 =	vand.u32 $0xFFFFFFFD, v2  }
0x485: {  	v3 =	vmul.f32 v6, v1;
	[tilespmem:s2+$0xFFFFFF20] =	vst v4;
	v2 =	vbroadcast v2, $0x0  }
0x486: {  	v4 =	vmul.f32 v7, v1;
	[tilespmem:s2+$0xFFFFFF50] =	vst v5  }
0x487: {  	v5 =	vmul.f32 v8, v1;
	[tilespmem:s2+$0xFFFFFF40] =	vst v3  }
0x488: {  	v1 =	vmul.f32 v62, v1;
	[tilespmem:s2+$0xFFFFFF60] =	vst v4  }
0x489: {  	[tilespmem:s2+$0xFFFFFF30] =	vst v5  }
0x48a: {  	[tilespmem:s2+$0xFFFFFF10] =	vst v1;
	v1 =	vld [tilespmem:s2+$0xFFFFFF90]  }
0x48b: {  	v3 =	vld.idx.msk [tilespmem:v2+s31+$0x0], $0xffff  }
0x48c: {  	v2 =	vld [tilespmem:s2+$0xFFFFFFA0]  }
0x48d: {  	v4 =	vld [tilespmem:s2+$0xFFFFFF80]  }
0x48e: {  	v5 =	vld [tilespmem:s2+$0xFFFFFFB0]  }
0x48f: {  	v6 =	vld [tilespmem:s2+$0xFFFFFFC0]  }
0x490: {  	v7 =	vld [tilespmem:s2+$0xFFFFFFD0];
	v1 =	vmul.f32 v1, v3  }
0x491: {  	s23 =	simm.s32 $0x52;
	v8 =	vld [tilespmem:s2+$0xFFFFFFF0];
	v2 =	vmul.f32 v2, v3  }
0x492: {  	v63 =	vld [tilespmem:s2+$0xFFFFFFE0];
	v4 =	vmul.f32 v4, v3;
	[tilespmem:s2+$0xFFFFFF90] =	vst v1;
	v1 =	vmov s23  }
0x493: {  	v5 =	vmul.f32 v5, v3;
	[tilespmem:s2+$0xFFFFFFA0] =	vst v2;
	v1 =	vand.u32 $0xFFFFFFFE, v1  }
0x494: {  	v2 =	vmul.f32 v6, v3;
	[tilespmem:s2+$0xFFFFFF80] =	vst v4;
	v6 =	vld [tilespmem:s2+$0x60];
	v10 =	vbroadcast v1, $0x0  }
0x495: {  	v4 =	vmul.f32 v7, v3;
	[tilespmem:s2+$0xFFFFFFB0] =	vst v5;
	v7 =	vld [tilespmem:s2+$0x0]  }
0x496: {  	v5 =	vmul.f32 v8, v3;
	v1 =	vld [tilespmem:s2+$0x20];
	[tilespmem:s2+$0xFFFFFFC0] =	vst v2  }
0x497: {  	v3 =	vmul.f32 v63, v3;
	v2 =	vld [tilespmem:s2+$0x30];
	[tilespmem:s2+$0xFFFFFFD0] =	vst v4  }
0x498: {  	[tilespmem:s2+$0xFFFFFFF0] =	vst v5;
	v4 =	vld [tilespmem:s2+$0x40]  }
0x499: {  	[tilespmem:s2+$0xFFFFFFE0] =	vst v3;
	v5 =	vld [tilespmem:s2+$0x10]  }
0x49a: {  	s0 =	simm.s32 $0x16780;
	s12 =	simm.s32 $0x54;
	v3 =	vld.idx.msk [tilespmem:v10+s31+$0x0], $0xffff  }
.LBB2_21:
0x49b: {  	p1 =	sne.s32 s12, $0x74  }
0x49c: {  	v8 =	vld [tilespmem:s2+$0x50];
	s0 =	sadd.s32 $0x200, s0;
	s5 =	smov.u32 s12;
	s12 =	sadd.s32 $0x4, s12  }
0x49d: {  	v9 =	vld [tilespmem:s2+$0x70];
	_ =	sdelay $0x1  }
0x49e: {  	v6 =	vmul.f32 v6, v3;
	v7 =	vmul.f32 v7, v3  }
0x49f: {  	v4 =	vmul.f32 v4, v3;
	v5 =	vmul.f32 v5, v3  }
0x4a0: {  	v1 =	vmul.f32 v1, v3;
	v2 =	vmul.f32 v2, v3;
	[tilespmem:s2+$0x60] =	vst v6  }
0x4a1: {  	[tilespmem:s2+$0x40] =	vst v4;
	v4 =	vmul.f32 v8, v3;
	v3 =	vmul.f32 v9, v3  }
0x4a2: {  	s23 =	sadd.s32 $0x3, s11;
	s11 =	smov.u32 s5;
	[tilespmem:s2+$0x20] =	vst v1;
	v6 =	vld [tilespmem:s2+$0x80]  }
0x4a3: {  	v1 =	vld [tilespmem:s0+$0x20];
	[tilespmem:s2+$0x0] =	vst v7;
	v7 =	vmov s23  }
0x4a4: {  	[tilespmem:s2+$0x50] =	vst v4;
	v4 =	vld [tilespmem:s2+$0xE0]  }
0x4a5: {  	[tilespmem:s2+$0x30] =	vst v2;
	v8 =	vld [tilespmem:s2+$0xC0]  }
0x4a6: {  	v2 =	vld [tilespmem:s0+$0x30];
	[tilespmem:s2+$0x10] =	vst v5  }
0x4a7: {  	[tilespmem:s2+$0x70] =	vst v3;
	v3 =	vld [tilespmem:s2+$0xA0]  }
0x4a8: {  	v5 =	vld.idx.msk [tilespmem:v7+s31+$0x0], $0xffff  }
0x4a9: {  	v7 =	vld [tilespmem:s2+$0x90]  }
0x4aa: {  	v9 =	vld [tilespmem:s2+$0xB0]  }
0x4ab: {  	v10 =	vld [tilespmem:s2+$0xD0]  }
0x4ac: {  	v11 =	vld [tilespmem:s2+$0xF0];
	_ =	sdelay $0x1  }
0x4ad: {  	v6 =	vmul.f32 v6, v5;
	v7 =	vmul.f32 v7, v5  }
0x4ae: {  	v3 =	vmul.f32 v3, v5;
	v9 =	vmul.f32 v9, v5  }
0x4af: {  	v12 =	vmov s11;
	[tilespmem:s2+$0x80] =	vst v6;
	v6 =	vmul.f32 v8, v5;
	v8 =	vmul.f32 v10, v5  }
0x4b0: {  	v10 =	vand.u32 $0xFFFFFFFC, v12;
	[tilespmem:s2+$0xA0] =	vst v3;
	v3 =	vmul.f32 v4, v5;
	v4 =	vmul.f32 v11, v5  }
0x4b1: {  	v5 =	vbroadcast v10, $0x0;
	[tilespmem:s2+$0xC0] =	vst v6  }
0x4b2: {  	[tilespmem:s2+$0xF0] =	vst v4  }
0x4b3: {  	v4 =	vld [tilespmem:s0+$0xFFFFFF40];
	[tilespmem:s2+$0xE0] =	vst v3  }
0x4b4: {  	v3 =	vld [tilespmem:s0+$0xFFFFFF50];
	[tilespmem:s2+$0x90] =	vst v7  }
0x4b5: {  	v6 =	vld [tilespmem:s0+$0xFFFFFF60];
	[tilespmem:s2+$0xB0] =	vst v9  }
0x4b6: {  	v7 =	vld [tilespmem:s0+$0xFFFFFF70];
	[tilespmem:s2+$0xD0] =	vst v8;
	s2 =	smov.u32 s0  }
0x4b7: {  	v5 =	vld.idx.msk [tilespmem:v5+s31+$0x0], $0xffff  }
0x4b8: {  	v8 =	vld [tilespmem:s0+$0xFFFFFF00]  }
0x4b9: {  	v9 =	vld [tilespmem:s0+$0xFFFFFF20]  }
0x4ba: {  	v10 =	vld [tilespmem:s0+$0xFFFFFF10]  }
0x4bb: {  	v11 =	vld [tilespmem:s0+$0xFFFFFF30];
	_ =	sdelay $0x1  }
0x4bc: {  	v7 =	vmul.f32 v7, v5;
	v8 =	vmul.f32 v8, v5  }
0x4bd: {  	s5 =	sadd.s32 $0x1, s11;
	v6 =	vmul.f32 v6, v5;
	v9 =	vmul.f32 v9, v5  }
0x4be: {  	v3 =	vmul.f32 v3, v5;
	v10 =	vmul.f32 v10, v5;
	[tilespmem:s0+$0xFFFFFF70] =	vst v7;
	v7 =	vmov s5  }
0x4bf: {  	v4 =	vmul.f32 v4, v5;
	[tilespmem:s0+$0xFFFFFF00] =	vst v8;
	v8 =	vmul.f32 v11, v5;
	v5 =	vand.u32 $0xFFFFFFFD, v7  }
0x4c0: {  	[tilespmem:s0+$0xFFFFFF20] =	vst v9;
	v5 =	vbroadcast v5, $0x0  }
0x4c1: {  	[tilespmem:s0+$0xFFFFFF50] =	vst v3  }
0x4c2: {  	[tilespmem:s0+$0xFFFFFF40] =	vst v4;
	v3 =	vld [tilespmem:s0+$0xFFFFFFF0]  }
0x4c3: {  	[tilespmem:s0+$0xFFFFFF60] =	vst v6;
	v4 =	vld [tilespmem:s0+$0xFFFFFFC0]  }
0x4c4: {  	[tilespmem:s0+$0xFFFFFF30] =	vst v8;
	v6 =	vld [tilespmem:s0+$0xFFFFFFD0]  }
0x4c5: {  	[tilespmem:s0+$0xFFFFFF10] =	vst v10;
	v7 =	vld [tilespmem:s0+$0xFFFFFF90]  }
0x4c6: {  	v5 =	vld.idx.msk [tilespmem:v5+s31+$0x0], $0xffff  }
0x4c7: {  	v8 =	vld [tilespmem:s0+$0xFFFFFF80]  }
0x4c8: {  	v9 =	vld [tilespmem:s0+$0xFFFFFFA0]  }
0x4c9: {  	v10 =	vld [tilespmem:s0+$0xFFFFFFB0]  }
0x4ca: {  	v11 =	vld [tilespmem:s0+$0xFFFFFFE0];
	_ =	sdelay $0x1  }
0x4cb: {  	v7 =	vmul.f32 v7, v5;
	v8 =	vmul.f32 v8, v5  }
0x4cc: {  	s5 =	sadd.s32 $0x2, s11;
	v6 =	vmul.f32 v6, v5;
	v9 =	vmul.f32 v9, v5  }
0x4cd: {  	v4 =	vmul.f32 v4, v5;
	[tilespmem:s0+$0xFFFFFF90] =	vst v7;
	v7 =	vmul.f32 v10, v5;
	v10 =	vmov s5  }
0x4ce: {  	v3 =	vmul.f32 v3, v5;
	[tilespmem:s0+$0xFFFFFFA0] =	vst v9;
	v9 =	vmul.f32 v11, v5;
	v5 =	vand.u32 $0xFFFFFFFE, v10  }
0x4cf: {  	[tilespmem:s0+$0xFFFFFF80] =	vst v8;
	v5 =	vbroadcast v5, $0x0  }
0x4d0: {  	[tilespmem:s0+$0xFFFFFFB0] =	vst v7  }
0x4d1: {  	[tilespmem:s0+$0xFFFFFFC0] =	vst v4  }
0x4d2: {  	[tilespmem:s0+$0xFFFFFFD0] =	vst v6  }
.Ltmp9:
0x4d3: {  	[tilespmem:s0+$0xFFFFFFF0] =	vst v3;
	v4 =	vld [tilespmem:s0+$0x40];
	(pc) =	sbr.rel @p1 .LBB2_21-.Ltmp9, $4  }
0x4d4: {  	[tilespmem:s0+$0xFFFFFFE0] =	vst v9;
	v6 =	vld [tilespmem:s0+$0x60]  }
0x4d5: {  	v3 =	vld.idx.msk [tilespmem:v5+s31+$0x0], $0xffff  }
0x4d6: {  	v7 =	vld [tilespmem:s0+$0x0]  }
0x4d7: {  	v5 =	vld [tilespmem:s0+$0x10]  }
0x4d8: {  	_ =	sdelay $0x1  }
0x4d9: {  	v6 =	vmul.f32 v6, v3  }
0x4da: {  	v8 =	vld [tilespmem:s2+$0x50];
	v4 =	vmul.f32 v4, v3  }
0x4db: {  	v9 =	vld [tilespmem:s2+$0x70];
	v1 =	vmul.f32 v1, v3;
	[tilespmem:s2+$0x60] =	vst v6  }
0x4dc: {  	v6 =	vmul.f32 v7, v3;
	[tilespmem:s2+$0x40] =	vst v4  }
0x4dd: {  	s0 =	sadd.s32 $0x3, s11;
	[tilespmem:s2+$0x20] =	vst v1;
	v1 =	vmul.f32 v2, v3  }
0x4de: {  	v5 =	vmul.f32 v5, v3;
	[tilespmem:s2+$0x0] =	vst v6;
	v6 =	vmov s0  }
0x4df: {  	v4 =	vmul.f32 v8, v3;
	[tilespmem:s2+$0x30] =	vst v1  }
0x4e0: {  	v3 =	vmul.f32 v9, v3;
	[tilespmem:s2+$0x10] =	vst v5  }
0x4e1: {  	[tilespmem:s2+$0x50] =	vst v4  }
0x4e2: {  	v2 =	vld [tilespmem:s2+$0x80];
	[tilespmem:s2+$0x70] =	vst v3  }
0x4e3: {  	v1 =	vld.idx.msk [tilespmem:v6+s31+$0x0], $0xffff  }
0x4e4: {  	v3 =	vld [tilespmem:s2+$0xA0]  }
0x4e5: {  	v4 =	vld [tilespmem:s2+$0xC0]  }
0x4e6: {  	v5 =	vld [tilespmem:s2+$0xF0]  }
0x4e7: {  	v6 =	vld [tilespmem:s2+$0xE0]  }
0x4e8: {  	v7 =	vld [tilespmem:s2+$0x90];
	v2 =	vmul.f32 v2, v1  }
0x4e9: {  	v8 =	vld [tilespmem:s2+$0xB0];
	v3 =	vmul.f32 v3, v1  }
0x4ea: {  	v61 =	vld [tilespmem:s2+$0xD0];
	[tilespmem:s2+$0x80] =	vst v2;
	v2 =	vmul.f32 v4, v1  }
0x4eb: {  	[tilespmem:s2+$0xA0] =	vst v3;
	v3 =	vmul.f32 v5, v1  }
0x4ec: {  	v4 =	vmul.f32 v6, v1;
	[tilespmem:s2+$0xC0] =	vst v2  }
0x4ed: {  	v2 =	vmul.f32 v7, v1;
	[tilespmem:s2+$0xF0] =	vst v3  }
0x4ee: {  	s11 =	simm.s32 $0x78;
	v3 =	vmul.f32 v8, v1;
	[tilespmem:s2+$0xE0] =	vst v4  }
0x4ef: {  	v1 =	vmul.f32 v61, v1;
	[tilespmem:s2+$0x90] =	vst v2;
	v2 =	vmov s11  }
0x4f0: {  	[tilespmem:s2+$0xB0] =	vst v3;
	v2 =	vand.u32 $0xFFFFFFFC, v2  }
0x4f1: {  	s5 =	simm.s32 $0x13BD0;
	[tilespmem:s2+$0xD0] =	vst v1;
	v1 =	vbroadcast v2, $0x0  }
0x4f2: {  	[spmem:s3] =	stream.indirect.scatter.add.f32 [tilespmem:s20], [sflag:$0x8], $0x80, s5, s16, $0xb8;
	[tilespmem:$0x1A280] =	vst v63  }
0x4f3: {  	_ =	swait.ge [sflag:s14], $0x1400  }
0x4f4: {  	[sflag:s14] =	ssyncset.done $0x0  }
0x4f5: {  	s2 =	simm.s32 $0x17B80;
	[sflag:s14] =	ssyncadd.s32 $0xFFFFEC00  }
0x4f6: {  	v2 =	vld [tilespmem:s2+$0xFFFFFF70]  }
0x4f7: {  	v1 =	vld.idx.msk [tilespmem:v1+s31+$0x0], $0xffff  }
0x4f8: {  	v3 =	vld [tilespmem:s2+$0xFFFFFF00]  }
0x4f9: {  	v4 =	vld [tilespmem:s2+$0xFFFFFF20]  }
0x4fa: {  	v5 =	vld [tilespmem:s2+$0xFFFFFF50]  }
0x4fb: {  	v6 =	vld [tilespmem:s2+$0xFFFFFF40]  }
0x4fc: {  	v7 =	vld [tilespmem:s2+$0xFFFFFF60];
	v2 =	vmul.f32 v2, v1  }
0x4fd: {  	s12 =	simm.s32 $0x79;
	v8 =	vld [tilespmem:s2+$0xFFFFFF30];
	v3 =	vmul.f32 v3, v1  }
0x4fe: {  	v62 =	vld [tilespmem:s2+$0xFFFFFF10];
	v4 =	vmul.f32 v4, v1;
	[tilespmem:s2+$0xFFFFFF70] =	vst v2;
	v2 =	vmov s12  }
0x4ff: {  	v5 =	vmul.f32 v5, v1;
	[tilespmem:s2+$0xFFFFFF00] =	vst v3;
	v2 =	vand.u32 $0xFFFFFFFD, v2  }
0x500: {  	v3 =	vmul.f32 v6, v1;
	[tilespmem:s2+$0xFFFFFF20] =	vst v4;
	v2 =	vbroadcast v2, $0x0  }
0x501: {  	v4 =	vmul.f32 v7, v1;
	[tilespmem:s2+$0xFFFFFF50] =	vst v5  }
0x502: {  	v5 =	vmul.f32 v8, v1;
	[tilespmem:s2+$0xFFFFFF40] =	vst v3  }
0x503: {  	v1 =	vmul.f32 v62, v1;
	[tilespmem:s2+$0xFFFFFF60] =	vst v4  }
0x504: {  	[tilespmem:s2+$0xFFFFFF30] =	vst v5  }
0x505: {  	[tilespmem:s2+$0xFFFFFF10] =	vst v1;
	v1 =	vld [tilespmem:s2+$0xFFFFFF90]  }
0x506: {  	v3 =	vld.idx.msk [tilespmem:v2+s31+$0x0], $0xffff  }
0x507: {  	v2 =	vld [tilespmem:s2+$0xFFFFFFA0]  }
0x508: {  	v4 =	vld [tilespmem:s2+$0xFFFFFF80]  }
0x509: {  	v5 =	vld [tilespmem:s2+$0xFFFFFFB0]  }
0x50a: {  	v6 =	vld [tilespmem:s2+$0xFFFFFFC0]  }
0x50b: {  	v7 =	vld [tilespmem:s2+$0xFFFFFFD0];
	v1 =	vmul.f32 v1, v3  }
0x50c: {  	s23 =	simm.s32 $0x7A;
	v8 =	vld [tilespmem:s2+$0xFFFFFFF0];
	v2 =	vmul.f32 v2, v3  }
0x50d: {  	v63 =	vld [tilespmem:s2+$0xFFFFFFE0];
	v4 =	vmul.f32 v4, v3;
	[tilespmem:s2+$0xFFFFFF90] =	vst v1;
	v1 =	vmov s23  }
0x50e: {  	v5 =	vmul.f32 v5, v3;
	[tilespmem:s2+$0xFFFFFFA0] =	vst v2;
	v1 =	vand.u32 $0xFFFFFFFE, v1  }
0x50f: {  	v2 =	vmul.f32 v6, v3;
	[tilespmem:s2+$0xFFFFFF80] =	vst v4;
	v6 =	vld [tilespmem:s2+$0x60];
	v10 =	vbroadcast v1, $0x0  }
0x510: {  	v4 =	vmul.f32 v7, v3;
	[tilespmem:s2+$0xFFFFFFB0] =	vst v5;
	v7 =	vld [tilespmem:s2+$0x0]  }
0x511: {  	v5 =	vmul.f32 v8, v3;
	v1 =	vld [tilespmem:s2+$0x20];
	[tilespmem:s2+$0xFFFFFFC0] =	vst v2  }
0x512: {  	v3 =	vmul.f32 v63, v3;
	v2 =	vld [tilespmem:s2+$0x30];
	[tilespmem:s2+$0xFFFFFFD0] =	vst v4  }
0x513: {  	[tilespmem:s2+$0xFFFFFFF0] =	vst v5;
	v4 =	vld [tilespmem:s2+$0x40]  }
0x514: {  	[tilespmem:s2+$0xFFFFFFE0] =	vst v3;
	v5 =	vld [tilespmem:s2+$0x10]  }
0x515: {  	s0 =	simm.s32 $0x17B80;
	s12 =	simm.s32 $0x7C;
	v3 =	vld.idx.msk [tilespmem:v10+s31+$0x0], $0xffff  }
.LBB2_23:
0x516: {  	p1 =	sne.s32 s12, $0x9C  }
0x517: {  	v8 =	vld [tilespmem:s2+$0x50];
	s0 =	sadd.s32 $0x200, s0;
	s5 =	smov.u32 s12;
	s12 =	sadd.s32 $0x4, s12  }
0x518: {  	v9 =	vld [tilespmem:s2+$0x70];
	_ =	sdelay $0x1  }
0x519: {  	v6 =	vmul.f32 v6, v3;
	v7 =	vmul.f32 v7, v3  }
0x51a: {  	v4 =	vmul.f32 v4, v3;
	v5 =	vmul.f32 v5, v3  }
0x51b: {  	v1 =	vmul.f32 v1, v3;
	v2 =	vmul.f32 v2, v3;
	[tilespmem:s2+$0x60] =	vst v6  }
0x51c: {  	[tilespmem:s2+$0x40] =	vst v4;
	v4 =	vmul.f32 v8, v3;
	v3 =	vmul.f32 v9, v3  }
0x51d: {  	s23 =	sadd.s32 $0x3, s11;
	s11 =	smov.u32 s5;
	[tilespmem:s2+$0x20] =	vst v1;
	v6 =	vld [tilespmem:s2+$0x80]  }
0x51e: {  	v1 =	vld [tilespmem:s0+$0x20];
	[tilespmem:s2+$0x0] =	vst v7;
	v7 =	vmov s23  }
0x51f: {  	[tilespmem:s2+$0x50] =	vst v4;
	v4 =	vld [tilespmem:s2+$0xE0]  }
0x520: {  	[tilespmem:s2+$0x30] =	vst v2;
	v8 =	vld [tilespmem:s2+$0xC0]  }
0x521: {  	v2 =	vld [tilespmem:s0+$0x30];
	[tilespmem:s2+$0x10] =	vst v5  }
0x522: {  	[tilespmem:s2+$0x70] =	vst v3;
	v3 =	vld [tilespmem:s2+$0xA0]  }
0x523: {  	v5 =	vld.idx.msk [tilespmem:v7+s31+$0x0], $0xffff  }
0x524: {  	v7 =	vld [tilespmem:s2+$0x90]  }
0x525: {  	v9 =	vld [tilespmem:s2+$0xB0]  }
0x526: {  	v10 =	vld [tilespmem:s2+$0xD0]  }
0x527: {  	v11 =	vld [tilespmem:s2+$0xF0];
	_ =	sdelay $0x1  }
0x528: {  	v6 =	vmul.f32 v6, v5;
	v7 =	vmul.f32 v7, v5  }
0x529: {  	v3 =	vmul.f32 v3, v5;
	v9 =	vmul.f32 v9, v5  }
0x52a: {  	v12 =	vmov s11;
	[tilespmem:s2+$0x80] =	vst v6;
	v6 =	vmul.f32 v8, v5;
	v8 =	vmul.f32 v10, v5  }
0x52b: {  	v10 =	vand.u32 $0xFFFFFFFC, v12;
	[tilespmem:s2+$0xA0] =	vst v3;
	v3 =	vmul.f32 v4, v5;
	v4 =	vmul.f32 v11, v5  }
0x52c: {  	v5 =	vbroadcast v10, $0x0;
	[tilespmem:s2+$0xC0] =	vst v6  }
0x52d: {  	[tilespmem:s2+$0xF0] =	vst v4  }
0x52e: {  	v4 =	vld [tilespmem:s0+$0xFFFFFF40];
	[tilespmem:s2+$0xE0] =	vst v3  }
0x52f: {  	v3 =	vld [tilespmem:s0+$0xFFFFFF50];
	[tilespmem:s2+$0x90] =	vst v7  }
0x530: {  	v6 =	vld [tilespmem:s0+$0xFFFFFF60];
	[tilespmem:s2+$0xB0] =	vst v9  }
0x531: {  	v7 =	vld [tilespmem:s0+$0xFFFFFF70];
	[tilespmem:s2+$0xD0] =	vst v8;
	s2 =	smov.u32 s0  }
0x532: {  	v5 =	vld.idx.msk [tilespmem:v5+s31+$0x0], $0xffff  }
0x533: {  	v8 =	vld [tilespmem:s0+$0xFFFFFF00]  }
0x534: {  	v9 =	vld [tilespmem:s0+$0xFFFFFF20]  }
0x535: {  	v10 =	vld [tilespmem:s0+$0xFFFFFF10]  }
0x536: {  	v11 =	vld [tilespmem:s0+$0xFFFFFF30];
	_ =	sdelay $0x1  }
0x537: {  	v7 =	vmul.f32 v7, v5;
	v8 =	vmul.f32 v8, v5  }
0x538: {  	s5 =	sadd.s32 $0x1, s11;
	v6 =	vmul.f32 v6, v5;
	v9 =	vmul.f32 v9, v5  }
0x539: {  	v3 =	vmul.f32 v3, v5;
	v10 =	vmul.f32 v10, v5;
	[tilespmem:s0+$0xFFFFFF70] =	vst v7;
	v7 =	vmov s5  }
0x53a: {  	v4 =	vmul.f32 v4, v5;
	[tilespmem:s0+$0xFFFFFF00] =	vst v8;
	v8 =	vmul.f32 v11, v5;
	v5 =	vand.u32 $0xFFFFFFFD, v7  }
0x53b: {  	[tilespmem:s0+$0xFFFFFF20] =	vst v9;
	v5 =	vbroadcast v5, $0x0  }
0x53c: {  	[tilespmem:s0+$0xFFFFFF50] =	vst v3  }
0x53d: {  	[tilespmem:s0+$0xFFFFFF40] =	vst v4;
	v3 =	vld [tilespmem:s0+$0xFFFFFFF0]  }
0x53e: {  	[tilespmem:s0+$0xFFFFFF60] =	vst v6;
	v4 =	vld [tilespmem:s0+$0xFFFFFFC0]  }
0x53f: {  	[tilespmem:s0+$0xFFFFFF30] =	vst v8;
	v6 =	vld [tilespmem:s0+$0xFFFFFFD0]  }
0x540: {  	[tilespmem:s0+$0xFFFFFF10] =	vst v10;
	v7 =	vld [tilespmem:s0+$0xFFFFFF90]  }
0x541: {  	v5 =	vld.idx.msk [tilespmem:v5+s31+$0x0], $0xffff  }
0x542: {  	v8 =	vld [tilespmem:s0+$0xFFFFFF80]  }
0x543: {  	v9 =	vld [tilespmem:s0+$0xFFFFFFA0]  }
0x544: {  	v10 =	vld [tilespmem:s0+$0xFFFFFFB0]  }
0x545: {  	v11 =	vld [tilespmem:s0+$0xFFFFFFE0];
	_ =	sdelay $0x1  }
0x546: {  	v7 =	vmul.f32 v7, v5;
	v8 =	vmul.f32 v8, v5  }
0x547: {  	s5 =	sadd.s32 $0x2, s11;
	v6 =	vmul.f32 v6, v5;
	v9 =	vmul.f32 v9, v5  }
0x548: {  	v4 =	vmul.f32 v4, v5;
	[tilespmem:s0+$0xFFFFFF90] =	vst v7;
	v7 =	vmul.f32 v10, v5;
	v10 =	vmov s5  }
0x549: {  	v3 =	vmul.f32 v3, v5;
	[tilespmem:s0+$0xFFFFFFA0] =	vst v9;
	v9 =	vmul.f32 v11, v5;
	v5 =	vand.u32 $0xFFFFFFFE, v10  }
0x54a: {  	[tilespmem:s0+$0xFFFFFF80] =	vst v8;
	v5 =	vbroadcast v5, $0x0  }
0x54b: {  	[tilespmem:s0+$0xFFFFFFB0] =	vst v7  }
0x54c: {  	[tilespmem:s0+$0xFFFFFFC0] =	vst v4  }
0x54d: {  	[tilespmem:s0+$0xFFFFFFD0] =	vst v6  }
.Ltmp10:
0x54e: {  	[tilespmem:s0+$0xFFFFFFF0] =	vst v3;
	v4 =	vld [tilespmem:s0+$0x40];
	(pc) =	sbr.rel @p1 .LBB2_23-.Ltmp10, $4  }
0x54f: {  	[tilespmem:s0+$0xFFFFFFE0] =	vst v9;
	v6 =	vld [tilespmem:s0+$0x60]  }
0x550: {  	v3 =	vld.idx.msk [tilespmem:v5+s31+$0x0], $0xffff  }
0x551: {  	v7 =	vld [tilespmem:s0+$0x0]  }
0x552: {  	v5 =	vld [tilespmem:s0+$0x10]  }
0x553: {  	_ =	sdelay $0x1  }
0x554: {  	v6 =	vmul.f32 v6, v3  }
0x555: {  	v8 =	vld [tilespmem:s2+$0x50];
	v4 =	vmul.f32 v4, v3  }
0x556: {  	v9 =	vld [tilespmem:s2+$0x70];
	v1 =	vmul.f32 v1, v3;
	[tilespmem:s2+$0x60] =	vst v6  }
0x557: {  	v6 =	vmul.f32 v7, v3;
	[tilespmem:s2+$0x40] =	vst v4  }
0x558: {  	s0 =	sadd.s32 $0x3, s11;
	[tilespmem:s2+$0x20] =	vst v1;
	v1 =	vmul.f32 v2, v3  }
0x559: {  	v5 =	vmul.f32 v5, v3;
	[tilespmem:s2+$0x0] =	vst v6;
	v6 =	vmov s0  }
0x55a: {  	v4 =	vmul.f32 v8, v3;
	[tilespmem:s2+$0x30] =	vst v1  }
0x55b: {  	v3 =	vmul.f32 v9, v3;
	[tilespmem:s2+$0x10] =	vst v5  }
0x55c: {  	[tilespmem:s2+$0x50] =	vst v4  }
0x55d: {  	v2 =	vld [tilespmem:s2+$0x80];
	[tilespmem:s2+$0x70] =	vst v3  }
0x55e: {  	v1 =	vld.idx.msk [tilespmem:v6+s31+$0x0], $0xffff  }
0x55f: {  	v3 =	vld [tilespmem:s2+$0xA0]  }
0x560: {  	v4 =	vld [tilespmem:s2+$0xC0]  }
0x561: {  	v5 =	vld [tilespmem:s2+$0xF0]  }
0x562: {  	v6 =	vld [tilespmem:s2+$0xE0]  }
0x563: {  	v7 =	vld [tilespmem:s2+$0x90];
	v2 =	vmul.f32 v2, v1  }
0x564: {  	v8 =	vld [tilespmem:s2+$0xB0];
	v3 =	vmul.f32 v3, v1  }
0x565: {  	v61 =	vld [tilespmem:s2+$0xD0];
	[tilespmem:s2+$0x80] =	vst v2;
	v2 =	vmul.f32 v4, v1  }
0x566: {  	[tilespmem:s2+$0xA0] =	vst v3;
	v3 =	vmul.f32 v5, v1  }
0x567: {  	v4 =	vmul.f32 v6, v1;
	[tilespmem:s2+$0xC0] =	vst v2  }
0x568: {  	v2 =	vmul.f32 v7, v1;
	[tilespmem:s2+$0xF0] =	vst v3  }
0x569: {  	s11 =	simm.s32 $0xA0;
	v3 =	vmul.f32 v8, v1;
	[tilespmem:s2+$0xE0] =	vst v4  }
0x56a: {  	v1 =	vmul.f32 v61, v1;
	[tilespmem:s2+$0x90] =	vst v2;
	v2 =	vmov s11  }
0x56b: {  	[tilespmem:s2+$0xB0] =	vst v3;
	v2 =	vand.u32 $0xFFFFFFFC, v2  }
0x56c: {  	s5 =	simm.s32 $0x13BF8;
	[tilespmem:s2+$0xD0] =	vst v1;
	v1 =	vbroadcast v2, $0x0  }
0x56d: {  	[spmem:s3] =	stream.indirect.scatter.add.f32 [tilespmem:s22], [sflag:$0x9], $0x80, s5, s16, $0xb8;
	[tilespmem:$0x1A280] =	vst v63  }
0x56e: {  	_ =	swait.ge [sflag:s19], $0x1400  }
0x56f: {  	[sflag:s19] =	ssyncset.done $0x0  }
0x570: {  	s2 =	simm.s32 $0x18F80;
	[sflag:s19] =	ssyncadd.s32 $0xFFFFEC00  }
0x571: {  	v2 =	vld [tilespmem:s2+$0xFFFFFF70]  }
0x572: {  	v1 =	vld.idx.msk [tilespmem:v1+s31+$0x0], $0xffff  }
0x573: {  	v3 =	vld [tilespmem:s2+$0xFFFFFF00]  }
0x574: {  	v4 =	vld [tilespmem:s2+$0xFFFFFF20]  }
0x575: {  	v5 =	vld [tilespmem:s2+$0xFFFFFF50]  }
0x576: {  	v6 =	vld [tilespmem:s2+$0xFFFFFF40]  }
0x577: {  	v7 =	vld [tilespmem:s2+$0xFFFFFF60];
	v2 =	vmul.f32 v2, v1  }
0x578: {  	s12 =	simm.s32 $0xA1;
	v8 =	vld [tilespmem:s2+$0xFFFFFF30];
	v3 =	vmul.f32 v3, v1  }
0x579: {  	v62 =	vld [tilespmem:s2+$0xFFFFFF10];
	v4 =	vmul.f32 v4, v1;
	[tilespmem:s2+$0xFFFFFF70] =	vst v2;
	v2 =	vmov s12  }
0x57a: {  	v5 =	vmul.f32 v5, v1;
	[tilespmem:s2+$0xFFFFFF00] =	vst v3;
	v2 =	vand.u32 $0xFFFFFFFD, v2  }
0x57b: {  	v3 =	vmul.f32 v6, v1;
	[tilespmem:s2+$0xFFFFFF20] =	vst v4;
	v2 =	vbroadcast v2, $0x0  }
0x57c: {  	v4 =	vmul.f32 v7, v1;
	[tilespmem:s2+$0xFFFFFF50] =	vst v5  }
0x57d: {  	v5 =	vmul.f32 v8, v1;
	[tilespmem:s2+$0xFFFFFF40] =	vst v3  }
0x57e: {  	v1 =	vmul.f32 v62, v1;
	[tilespmem:s2+$0xFFFFFF60] =	vst v4  }
0x57f: {  	[tilespmem:s2+$0xFFFFFF30] =	vst v5  }
0x580: {  	[tilespmem:s2+$0xFFFFFF10] =	vst v1;
	v1 =	vld [tilespmem:s2+$0xFFFFFF90]  }
0x581: {  	v3 =	vld.idx.msk [tilespmem:v2+s31+$0x0], $0xffff  }
0x582: {  	v2 =	vld [tilespmem:s2+$0xFFFFFFA0]  }
0x583: {  	v4 =	vld [tilespmem:s2+$0xFFFFFF80]  }
0x584: {  	v5 =	vld [tilespmem:s2+$0xFFFFFFB0]  }
0x585: {  	v6 =	vld [tilespmem:s2+$0xFFFFFFC0]  }
0x586: {  	v7 =	vld [tilespmem:s2+$0xFFFFFFD0];
	v1 =	vmul.f32 v1, v3  }
0x587: {  	s23 =	simm.s32 $0xA2;
	v8 =	vld [tilespmem:s2+$0xFFFFFFF0];
	v2 =	vmul.f32 v2, v3  }
0x588: {  	v63 =	vld [tilespmem:s2+$0xFFFFFFE0];
	v4 =	vmul.f32 v4, v3;
	[tilespmem:s2+$0xFFFFFF90] =	vst v1;
	v1 =	vmov s23  }
0x589: {  	v5 =	vmul.f32 v5, v3;
	[tilespmem:s2+$0xFFFFFFA0] =	vst v2;
	v1 =	vand.u32 $0xFFFFFFFE, v1  }
0x58a: {  	v2 =	vmul.f32 v6, v3;
	[tilespmem:s2+$0xFFFFFF80] =	vst v4;
	v6 =	vld [tilespmem:s2+$0x60];
	v10 =	vbroadcast v1, $0x0  }
0x58b: {  	v4 =	vmul.f32 v7, v3;
	[tilespmem:s2+$0xFFFFFFB0] =	vst v5;
	v7 =	vld [tilespmem:s2+$0x0]  }
0x58c: {  	v5 =	vmul.f32 v8, v3;
	v1 =	vld [tilespmem:s2+$0x20];
	[tilespmem:s2+$0xFFFFFFC0] =	vst v2  }
0x58d: {  	v3 =	vmul.f32 v63, v3;
	v2 =	vld [tilespmem:s2+$0x30];
	[tilespmem:s2+$0xFFFFFFD0] =	vst v4  }
0x58e: {  	[tilespmem:s2+$0xFFFFFFF0] =	vst v5;
	v4 =	vld [tilespmem:s2+$0x40]  }
0x58f: {  	[tilespmem:s2+$0xFFFFFFE0] =	vst v3;
	v5 =	vld [tilespmem:s2+$0x10]  }
0x590: {  	s0 =	simm.s32 $0x18F80;
	s12 =	simm.s32 $0xA4;
	v3 =	vld.idx.msk [tilespmem:v10+s31+$0x0], $0xffff  }
.LBB2_25:
0x591: {  	p1 =	sne.s32 s12, $0xC4  }
0x592: {  	v8 =	vld [tilespmem:s2+$0x50];
	s0 =	sadd.s32 $0x200, s0;
	s5 =	smov.u32 s12;
	s12 =	sadd.s32 $0x4, s12  }
0x593: {  	v9 =	vld [tilespmem:s2+$0x70];
	_ =	sdelay $0x1  }
0x594: {  	v6 =	vmul.f32 v6, v3;
	v7 =	vmul.f32 v7, v3  }
0x595: {  	v4 =	vmul.f32 v4, v3;
	v5 =	vmul.f32 v5, v3  }
0x596: {  	v1 =	vmul.f32 v1, v3;
	v2 =	vmul.f32 v2, v3;
	[tilespmem:s2+$0x60] =	vst v6  }
0x597: {  	[tilespmem:s2+$0x40] =	vst v4;
	v4 =	vmul.f32 v8, v3;
	v3 =	vmul.f32 v9, v3  }
0x598: {  	s23 =	sadd.s32 $0x3, s11;
	s11 =	smov.u32 s5;
	[tilespmem:s2+$0x20] =	vst v1;
	v6 =	vld [tilespmem:s2+$0x80]  }
0x599: {  	v1 =	vld [tilespmem:s0+$0x20];
	[tilespmem:s2+$0x0] =	vst v7;
	v7 =	vmov s23  }
0x59a: {  	[tilespmem:s2+$0x50] =	vst v4;
	v4 =	vld [tilespmem:s2+$0xE0]  }
0x59b: {  	[tilespmem:s2+$0x30] =	vst v2;
	v8 =	vld [tilespmem:s2+$0xC0]  }
0x59c: {  	v2 =	vld [tilespmem:s0+$0x30];
	[tilespmem:s2+$0x10] =	vst v5  }
0x59d: {  	[tilespmem:s2+$0x70] =	vst v3;
	v3 =	vld [tilespmem:s2+$0xA0]  }
0x59e: {  	v5 =	vld.idx.msk [tilespmem:v7+s31+$0x0], $0xffff  }
0x59f: {  	v7 =	vld [tilespmem:s2+$0x90]  }
0x5a0: {  	v9 =	vld [tilespmem:s2+$0xB0]  }
0x5a1: {  	v10 =	vld [tilespmem:s2+$0xD0]  }
0x5a2: {  	v11 =	vld [tilespmem:s2+$0xF0];
	_ =	sdelay $0x1  }
0x5a3: {  	v6 =	vmul.f32 v6, v5;
	v7 =	vmul.f32 v7, v5  }
0x5a4: {  	v3 =	vmul.f32 v3, v5;
	v9 =	vmul.f32 v9, v5  }
0x5a5: {  	v12 =	vmov s11;
	[tilespmem:s2+$0x80] =	vst v6;
	v6 =	vmul.f32 v8, v5;
	v8 =	vmul.f32 v10, v5  }
0x5a6: {  	v10 =	vand.u32 $0xFFFFFFFC, v12;
	[tilespmem:s2+$0xA0] =	vst v3;
	v3 =	vmul.f32 v4, v5;
	v4 =	vmul.f32 v11, v5  }
0x5a7: {  	v5 =	vbroadcast v10, $0x0;
	[tilespmem:s2+$0xC0] =	vst v6  }
0x5a8: {  	[tilespmem:s2+$0xF0] =	vst v4  }
0x5a9: {  	v4 =	vld [tilespmem:s0+$0xFFFFFF40];
	[tilespmem:s2+$0xE0] =	vst v3  }
0x5aa: {  	v3 =	vld [tilespmem:s0+$0xFFFFFF50];
	[tilespmem:s2+$0x90] =	vst v7  }
0x5ab: {  	v6 =	vld [tilespmem:s0+$0xFFFFFF60];
	[tilespmem:s2+$0xB0] =	vst v9  }
0x5ac: {  	v7 =	vld [tilespmem:s0+$0xFFFFFF70];
	[tilespmem:s2+$0xD0] =	vst v8;
	s2 =	smov.u32 s0  }
0x5ad: {  	v5 =	vld.idx.msk [tilespmem:v5+s31+$0x0], $0xffff  }
0x5ae: {  	v8 =	vld [tilespmem:s0+$0xFFFFFF00]  }
0x5af: {  	v9 =	vld [tilespmem:s0+$0xFFFFFF20]  }
0x5b0: {  	v10 =	vld [tilespmem:s0+$0xFFFFFF10]  }
0x5b1: {  	v11 =	vld [tilespmem:s0+$0xFFFFFF30];
	_ =	sdelay $0x1  }
0x5b2: {  	v7 =	vmul.f32 v7, v5;
	v8 =	vmul.f32 v8, v5  }
0x5b3: {  	s5 =	sadd.s32 $0x1, s11;
	v6 =	vmul.f32 v6, v5;
	v9 =	vmul.f32 v9, v5  }
0x5b4: {  	v3 =	vmul.f32 v3, v5;
	v10 =	vmul.f32 v10, v5;
	[tilespmem:s0+$0xFFFFFF70] =	vst v7;
	v7 =	vmov s5  }
0x5b5: {  	v4 =	vmul.f32 v4, v5;
	[tilespmem:s0+$0xFFFFFF00] =	vst v8;
	v8 =	vmul.f32 v11, v5;
	v5 =	vand.u32 $0xFFFFFFFD, v7  }
0x5b6: {  	[tilespmem:s0+$0xFFFFFF20] =	vst v9;
	v5 =	vbroadcast v5, $0x0  }
0x5b7: {  	[tilespmem:s0+$0xFFFFFF50] =	vst v3  }
0x5b8: {  	[tilespmem:s0+$0xFFFFFF40] =	vst v4;
	v3 =	vld [tilespmem:s0+$0xFFFFFFF0]  }
0x5b9: {  	[tilespmem:s0+$0xFFFFFF60] =	vst v6;
	v4 =	vld [tilespmem:s0+$0xFFFFFFC0]  }
0x5ba: {  	[tilespmem:s0+$0xFFFFFF30] =	vst v8;
	v6 =	vld [tilespmem:s0+$0xFFFFFFD0]  }
0x5bb: {  	[tilespmem:s0+$0xFFFFFF10] =	vst v10;
	v7 =	vld [tilespmem:s0+$0xFFFFFF90]  }
0x5bc: {  	v5 =	vld.idx.msk [tilespmem:v5+s31+$0x0], $0xffff  }
0x5bd: {  	v8 =	vld [tilespmem:s0+$0xFFFFFF80]  }
0x5be: {  	v9 =	vld [tilespmem:s0+$0xFFFFFFA0]  }
0x5bf: {  	v10 =	vld [tilespmem:s0+$0xFFFFFFB0]  }
0x5c0: {  	v11 =	vld [tilespmem:s0+$0xFFFFFFE0];
	_ =	sdelay $0x1  }
0x5c1: {  	v7 =	vmul.f32 v7, v5;
	v8 =	vmul.f32 v8, v5  }
0x5c2: {  	s5 =	sadd.s32 $0x2, s11;
	v6 =	vmul.f32 v6, v5;
	v9 =	vmul.f32 v9, v5  }
0x5c3: {  	v4 =	vmul.f32 v4, v5;
	[tilespmem:s0+$0xFFFFFF90] =	vst v7;
	v7 =	vmul.f32 v10, v5;
	v10 =	vmov s5  }
0x5c4: {  	v3 =	vmul.f32 v3, v5;
	[tilespmem:s0+$0xFFFFFFA0] =	vst v9;
	v9 =	vmul.f32 v11, v5;
	v5 =	vand.u32 $0xFFFFFFFE, v10  }
0x5c5: {  	[tilespmem:s0+$0xFFFFFF80] =	vst v8;
	v5 =	vbroadcast v5, $0x0  }
0x5c6: {  	[tilespmem:s0+$0xFFFFFFB0] =	vst v7  }
0x5c7: {  	[tilespmem:s0+$0xFFFFFFC0] =	vst v4  }
0x5c8: {  	[tilespmem:s0+$0xFFFFFFD0] =	vst v6  }
.Ltmp11:
0x5c9: {  	[tilespmem:s0+$0xFFFFFFF0] =	vst v3;
	v4 =	vld [tilespmem:s0+$0x40];
	(pc) =	sbr.rel @p1 .LBB2_25-.Ltmp11, $4  }
0x5ca: {  	[tilespmem:s0+$0xFFFFFFE0] =	vst v9;
	v6 =	vld [tilespmem:s0+$0x60]  }
0x5cb: {  	v3 =	vld.idx.msk [tilespmem:v5+s31+$0x0], $0xffff  }
0x5cc: {  	v7 =	vld [tilespmem:s0+$0x0]  }
0x5cd: {  	v5 =	vld [tilespmem:s0+$0x10]  }
0x5ce: {  	_ =	sdelay $0x1  }
0x5cf: {  	v6 =	vmul.f32 v6, v3  }
0x5d0: {  	v8 =	vld [tilespmem:s2+$0x50];
	v4 =	vmul.f32 v4, v3  }
0x5d1: {  	v9 =	vld [tilespmem:s2+$0x70];
	v1 =	vmul.f32 v1, v3;
	[tilespmem:s2+$0x60] =	vst v6  }
0x5d2: {  	v54 =	vmul.f32 v7, v3;
	[tilespmem:s2+$0x40] =	vst v4  }
0x5d3: {  	s0 =	sadd.s32 $0x3, s11;
	[tilespmem:s2+$0x20] =	vst v1;
	v1 =	vmul.f32 v2, v3  }
0x5d4: {  	v56 =	vmov s0;
	v5 =	vmul.f32 v5, v3;
	[tilespmem:s2+$0x0] =	vst v54  }
0x5d5: {  	v55 =	vmul.f32 v8, v3;
	[tilespmem:s2+$0x30] =	vst v1  }
0x5d6: {  	v3 =	vmul.f32 v9, v3;
	[tilespmem:s2+$0x10] =	vst v5  }
0x5d7: {  	[tilespmem:s2+$0x50] =	vst v55  }
0x5d8: {  	v2 =	vld [tilespmem:s2+$0x80];
	[tilespmem:s2+$0x70] =	vst v3  }
0x5d9: {  	v1 =	vld.idx.msk [tilespmem:v56+s31+$0x0], $0xffff  }
0x5da: {  	v3 =	vld [tilespmem:s2+$0xA0]  }
0x5db: {  	v59 =	vld [tilespmem:s2+$0xE0]  }
0x5dc: {  	v57 =	vld [tilespmem:s2+$0xC0]  }
0x5dd: {  	v58 =	vld [tilespmem:s2+$0xF0]  }
0x5de: {  	v60 =	vld [tilespmem:s2+$0x90];
	v2 =	vmul.f32 v2, v1  }
0x5df: {  	v61 =	vld [tilespmem:s2+$0xB0];
	v3 =	vmul.f32 v3, v1  }
0x5e0: {  	v62 =	vld [tilespmem:s2+$0xD0];
	v63 =	vmul.f32 v59, v1;
	[tilespmem:s2+$0x80] =	vst v2  }
0x5e1: {  	v2 =	vmul.f32 v57, v1;
	[tilespmem:s2+$0xA0] =	vst v3  }
0x5e2: {  	s29 =	sadd.s32 $0x1, s29;
	v3 =	vmul.f32 v58, v1;
	[tilespmem:s2+$0xE0] =	vst v63  }
0x5e3: {  	p1 =	sne.s32 s29, $0x19;
	[tilespmem:s2+$0xC0] =	vst v2;
	v2 =	vmul.f32 v60, v1  }
.Ltmp12:
0x5e4: {  	[tilespmem:s2+$0xF0] =	vst v3;
	v3 =	vmul.f32 v61, v1;
	(pc) =	sbr.rel @p1 .LBB2_6-.Ltmp12, $4  }
0x5e5: {  	v1 =	vmul.f32 v62, v1;
	[tilespmem:s2+$0x90] =	vst v2  }
0x5e6: {  	[tilespmem:s2+$0xB0] =	vst v3  }
0x5e7: {  	s23 =	simm.s32 $0x13C20;
	[tilespmem:s2+$0xD0] =	vst v1  }
0x5e8: {  	[spmem:s3] =	stream.indirect.scatter.add.f32 [tilespmem:s4], [sflag:$0xA], $0x80, s23, s16, $0xb8;
	[tilespmem:$0x1A280] =	vst v63  }
0x5e9: {  	s0 =	simm.s32 $0x6  }
0x5ea: {  	_ =	swait.ge [sflag:s0], $0x1400  }
0x5eb: {  	[sflag:s0] =	ssyncset.done $0x0  }
0x5ec: {  	s12 =	simm.s32 $0x7;
	[sflag:s0] =	ssyncadd.s32 $0xFFFFEC00  }
0x5ed: {  	_ =	swait.ge [sflag:s12], $0x1400  }
0x5ee: {  	[sflag:s12] =	ssyncset.done $0x0  }
0x5ef: {  	[sflag:s12] =	ssyncadd.s32 $0xFFFFEC00  }
0x5f0: {  	_ =	swait.ge [sflag:s15], $0x1400  }
0x5f1: {  	[sflag:s15] =	ssyncset.done $0x0  }
0x5f2: {  	[sflag:s15] =	ssyncadd.s32 $0xFFFFEC00  }
0x5f3: {  	_ =	swait.ge [sflag:s17], $0x1400  }
0x5f4: {  	[sflag:s17] =	ssyncset.done $0x0  }
0x5f5: {  	[sflag:s17] =	ssyncadd.s32 $0xFFFFEC00  }
0x5f6: {  	_ =	swait.ge [sflag:s21], $0x1400  }
0x5f7: {  	[sflag:s21] =	ssyncset.done $0x0  }
0x5f8: {  	[sflag:s21] =	ssyncadd.s32 $0xFFFFEC00  }
0x5f9: {  	s0 =	stileid.u32;
	[bflag:$0x0] =	sbarrier.arrive $0xFFFF  }
0x5fa: {  	s0 =	sshll.u32 @!p0 s0, $0x6;
	s2 =	rddreg [dreg:$0xb]  }
0x5fb: {  	s0 =	sor.u32 @!p0 $0x1C0D, s0;
	s5 =	rddreg [dreg:$0xa];
	s2 =	sshrl.u32 @!p0 s2, $0x3  }
0x5fc: {  	[hbm:s5], [sflag:s0] =	dma.local @!p0 [spmem:s2], $0x3E80  }
0x5fd: {  	s0 =	simm.s32 @!p0 $0xD  }
0x5fe: {  	_ =	swait.ge @!p0 [sflag:s0], $0x3E80  }
0x5ff: {  	s23 =	sld [smem:$0x7F8];
	_ =	sdelay $0x2  }
0x600: {  	s29 =	rddreg [dreg:$0xc];
	s5 =	sadd.s32 $0x1, s23  }
0x601: {  	p1 =	sne.s32 s5, s29  }
.Ltmp13:
0x602: {  	_ = 	snop;
	(pc) =	sbr.rel @p1 .LBB2_1-.Ltmp13, $3  }
0x603: {  	_ =	sdelay $0x1  }
0x604: {  	[sflag:s0] =	ssyncset.done @!p0 $0x0  }
0x605: {  	[sflag:s0] =	ssyncadd.s32 @!p0 $0xFFFFC180  }
0x606: {  	_ =	sfence.sel $0x180000  }
0x607: {  	[bflag:$0x0] =	sbarrier.arrive $0xFFFF  }
0x608: {  	_ =	strace $0x90000047  }
0x609: {  	s0 =	stileid.u32;
	[bflag:$0x2] =	sbarrier.arrive $0xFFFF  }
0x60a: {  	p0 =	sne.s32 s0, $0x0;
	s0 =	rddreg [dreg:$0x4]  }
0x60b: {  	s0 =	sadd.s32 @!p0 $0x100000, s0  }
0x60c: {  	[sflag:s0] =	ssyncadd.tile.s32 @!p0 $0x1;
	_ =	shalt  }
.Lfunc_end2:
_tile_overlayer_lowered:
.L_overlay_start_2:
0x60d: {  	(tag) =	ssettag $0x2  }
0x60e: {  	s0 =	rddreg [dreg:$0x0];
	s2 =	stileid.u32  }
0x60f: {  	s1 =	rddreg [dreg:$0x1];
	p0 =	sne.s32 s2, $0x0  }
0x610: {  	s3 =	rddreg [dreg:$0x2];
	[bflag:$0x3] =	sbarrier.arrive $0xFFFF;
	s2 =	simm.s32 @!p0 $0x1C0D  }
0x611: {  	[timem:s3], [sflag:s2] =	dma.local @!p0 [hbm:s0], s1  }
0x612: {  	s0 =	simm.s32 @!p0 $0xD  }
0x613: {  	_ =	swait.ge @!p0 [sflag:s0], s1  }
0x614: {  	s1 =	ssub.s32 @!p0 $0x0, s1;
	[sflag:s0] =	ssyncset.done @!p0 $0x0  }
0x615: {  	[sflag:s0] =	ssyncadd.s32 @!p0 s1  }
0x616: {  	[bflag:$0x3] =	sbarrier.arrive $0xFFFF  }
0x617: {  	_ =	shalt  }

</sc_bundles>
